<compile_context>
chip_gen: v7x
topology: tpu7x:2x2x1
jax: 0.10.2.dev20260603
libtpu: 0.0.44.dev20260713+nightly
codegen_flags: <defaults>
</compile_context>

<pallas_src>
import functools

import jax
import jax.numpy as jnp
from jax import lax
from jax.experimental import pallas as pl
from jax.experimental.pallas import tpu as pltpu
from jax.experimental.pallas import tpu_sc as plsc

N = 10000
E = 320000
N_PAD = 10240
E_PAD = 331776
NC = 2
NS = 16
NW = NC * NS
CHUNK = 128
CPW = E_PAD // (NW * CHUNK)
RPT = N_PAD // NS
NBP = 9
GDP = 4

_mesh = plsc.VectorSubcoreMesh(
    core_axis_name="c", subcore_axis_name="s", num_cores=NC, num_subcores=NS)
_sc_params = pltpu.CompilerParams(use_tc_tiling_on_sc=False)
_sc_params_nolayout = pltpu.CompilerParams(use_tc_tiling_on_sc=False,
                                           needs_layout_passes=False)


@functools.partial(
    pl.kernel,
    out_type=jax.ShapeDtypeStruct((NW, N_PAD), jnp.float32),
    mesh=_mesh,
    scratch_types=[
        pltpu.VMEM((CPW, CHUNK), jnp.int32),
        pltpu.VMEM((N_PAD,), jnp.float32),
        pltpu.SemaphoreType.DMA,
    ],
    compiler_params=_sc_params_nolayout,
)
def _deg_kernel(ei_hbm, out_hbm, idx_v, hist_v, sem):
    c = lax.axis_index("c")
    s = lax.axis_index("s")
    wid = c * NS + s
    pltpu.async_copy(ei_hbm.at[1, pl.ds(wid * CPW, CPW)], idx_v, sem)

    zeros_vec = jnp.zeros((16,), jnp.float32)

    def zbody(i, carry):
        hist_v[pl.ds(i * 16, 16)] = zeros_vec
        return carry

    lax.fori_loop(0, N_PAD // 16, zbody, 0)
    pltpu.make_async_copy(ei_hbm.at[1, pl.ds(wid * CPW, CPW)], idx_v, sem).wait()

    ones_vec = jnp.ones((16,), jnp.float32)

    def body(j, carry):
        for k in range(CHUNK // 16):
            v = idx_v[j, pl.ds(16 * k, 16)]
            plsc.addupdate_scatter(hist_v, [v], ones_vec)
        return carry

    lax.fori_loop(0, CPW, body, 0)
    pltpu.sync_copy(hist_v, out_hbm.at[wid])


def _edge_ring(table_sh, acc_sh, src_v, dst_v, rows, gsem, ssem, nb, gd):
    def gather(jt, b):
        pltpu.async_copy(table_sh.at[src_v.at[jt]], rows[b], gsem[b])

    def gwait(j, b):
        pltpu.make_async_copy(table_sh.at[src_v.at[j]], rows[b], gsem[b]).wait()

    def scatter(j, b):
        pltpu.async_copy(rows[b], acc_sh.at[dst_v.at[j]], ssem[b], add=True)

    def swait(j, b):
        pltpu.make_async_copy(rows[b], acc_sh.at[dst_v.at[j]], ssem[b]).wait()

    for b in range(gd):
        gather(b, b)

    for j in range(nb):
        b = j % nb
        gwait(j, b)
        scatter(j, b)
        jt = j + gd
        bt = jt % nb
        if jt >= nb:
            swait(jt - nb, bt)
        gather(jt, bt)

    def outer(g, carry):
        base = g * nb
        for b in range(nb):
            j = base + b
            gwait(j, b)
            scatter(j, b)
            jt = j + gd
            bt = (b + gd) % nb
            swait(jt - nb, bt)
            gather(jt, bt)
        return carry

    lax.fori_loop(1, CPW // nb - 1, outer, 0)

    for b in range(nb):
        j = CPW - nb + b
        gwait(j, b)
        scatter(j, b)
        jt = j + gd
        if jt < CPW:
            bt = jt % nb
            swait(jt - nb, bt)
            gather(jt, bt)

    for b in range(nb):
        swait(CPW - nb + b, b)


def _prop_scratch(nb):
    return [
        pltpu.VMEM((CPW, CHUNK), jnp.int32),
        pltpu.VMEM((CPW, CHUNK), jnp.int32),
        [pltpu.VMEM((CHUNK, 32), jnp.float32)] * nb,
        [pltpu.SemaphoreType.DMA] * nb,
        [pltpu.SemaphoreType.DMA] * nb,
        pltpu.VMEM_SHARED((N_PAD, 32), jnp.float32),
        pltpu.VMEM_SHARED((N_PAD, 32), jnp.float32),
    ]


@functools.partial(
    pl.kernel,
    out_type=jax.ShapeDtypeStruct((NC, N_PAD, 32), jnp.float32),
    mesh=_mesh,
    scratch_types=_prop_scratch(NBP),
    compiler_params=_sc_params,
)
def _prop_kernel(table_hbm, ei_hbm, zeros32_hbm, out_hbm,
                 src_v, dst_v, rows, gsem, ssem, acc_sh, table_sh):
    c = lax.axis_index("c")
    s = lax.axis_index("s")
    wid = c * NS + s
    rbase = s * RPT
    pltpu.async_copy(zeros32_hbm.at[pl.ds(rbase, RPT)], acc_sh.at[pl.ds(rbase, RPT)], gsem[0])
    pltpu.async_copy(table_hbm.at[pl.ds(rbase, RPT)], table_sh.at[pl.ds(rbase, RPT)], gsem[1])
    pltpu.async_copy(ei_hbm.at[0, pl.ds(wid * CPW, CPW)], src_v, gsem[2])
    pltpu.async_copy(ei_hbm.at[1, pl.ds(wid * CPW, CPW)], dst_v, gsem[3])
    pltpu.make_async_copy(zeros32_hbm.at[pl.ds(rbase, RPT)], acc_sh.at[pl.ds(rbase, RPT)], gsem[0]).wait()
    pltpu.make_async_copy(table_hbm.at[pl.ds(rbase, RPT)], table_sh.at[pl.ds(rbase, RPT)], gsem[1]).wait()
    pltpu.make_async_copy(ei_hbm.at[0, pl.ds(wid * CPW, CPW)], src_v, gsem[2]).wait()
    pltpu.make_async_copy(ei_hbm.at[1, pl.ds(wid * CPW, CPW)], dst_v, gsem[3]).wait()
    plsc.subcore_barrier()
    _edge_ring(table_sh, acc_sh, src_v, dst_v, rows, gsem, ssem, NBP, GDP)
    plsc.subcore_barrier()
    pltpu.sync_copy(acc_sh.at[pl.ds(rbase, RPT)], out_hbm.at[c, pl.ds(rbase, RPT)])



def _elu(a):
    return jnp.where(a > 0, a, jnp.exp(jnp.minimum(a, 0.0)) - 1.0)


def _tc_stage1(degp_hbm, x_ref, w1_ref, table_hbm, dinv_ref,
               degp_v, tbl_v, sem, sem2):
    pltpu.async_copy(degp_hbm, degp_v, sem).wait()
    degs = lax.dot_general(degp_v[...], jnp.ones((NW, 1), jnp.float32),
                           (((0,), (0,)), ((), ())),
                           preferred_element_type=jnp.float32)
    dinv = lax.rsqrt(degs[0:N])
    dinv_ref[...] = dinv
    t1 = jnp.dot(x_ref[...], w1_ref[...], preferred_element_type=jnp.float32)
    tbl_v[...] = t1 * dinv
    pltpu.async_copy(tbl_v, table_hbm.at[pl.ds(0, N)], sem2).wait()


N4 = N // 4
NP4 = N_PAD // 4


def _tc_stage2(pp_hbm, dinvp_ref, b1_ref, table_hbm, pp_v, tbl_v, sem, sem2):
    pltpu.async_copy(pp_hbm, pp_v, sem).wait()
    dinvp = dinvp_ref[...]
    h1 = _elu((pp_v[0, 0:N4] + pp_v[1, 0:N4]) * dinvp + b1_ref[...])
    tbl_v[...] = h1 * dinvp
    pltpu.async_copy(tbl_v, table_hbm.at[pl.ds(0, N4)], sem2).wait()


def _tc_stage3(pp_hbm, dinvp_ref, w2_ref, b2_ref, w4_ref, table_hbm,
               pp_v, tbl_v, sem, sem2):
    pltpu.async_copy(pp_hbm, pp_v, sem).wait()
    dinvp = dinvp_ref[...]
    p = (pp_v[0, 0:N4] + pp_v[1, 0:N4]) * dinvp
    h2 = _elu(jnp.dot(p, w2_ref[...], preferred_element_type=jnp.float32) + b2_ref[...])
    t3 = jnp.dot(h2, w4_ref[...], preferred_element_type=jnp.float32)
    tbl_v[...] = t3 * dinvp
    pltpu.async_copy(tbl_v, table_hbm.at[pl.ds(0, N4)], sem2).wait()


def _tc_stage4(pp_hbm, dinvp_ref, b4_ref, m1_ref, m2_ref, out_ref, pp_v, sem):
    pltpu.async_copy(pp_hbm, pp_v, sem).wait()
    dinvp = dinvp_ref[...]
    logits = (pp_v[0, 0:N4] + pp_v[1, 0:N4]) * dinvp + b4_ref[...]
    col = lax.broadcasted_iota(jnp.int32, logits.shape, 1) % 32
    z = jnp.where(col < 19, logits, -jnp.inf)
    zmax = jnp.max(z, axis=1, keepdims=True)
    e = jnp.exp(z - zmax)
    s4 = jnp.dot(e, m1_ref[...], preferred_element_type=jnp.float32,
                 precision=lax.Precision.HIGHEST)
    rb = jnp.dot(1.0 / s4, m2_ref[...], preferred_element_type=jnp.float32,
                 precision=lax.Precision.HIGHEST)
    out_ref[...] = e * rb


def _sds(shape):
    return jax.ShapeDtypeStruct(shape, jnp.float32)


_HBM_SPEC = pl.BlockSpec(memory_space=pltpu.HBM)
_VMEM_SPEC = pl.BlockSpec(memory_space=pltpu.VMEM)


def kernel(x, edge_index, W1, b1, W2, b2, W4, b4):
    loop = jnp.arange(N_PAD, dtype=jnp.int32)
    dummy = N + jnp.arange(E_PAD - E - N_PAD, dtype=jnp.int32) % (N_PAD - N)
    ei3d = jnp.concatenate(
        [edge_index, jnp.stack([loop, loop]), jnp.stack([dummy, dummy])],
        axis=1).reshape(2, E_PAD // CHUNK, CHUNK)
    zeros32 = jnp.zeros((N_PAD, 32), jnp.float32)
    W4p = jnp.zeros((64, 32), jnp.float32).at[:, :19].set(W4)
    W2_4 = jnp.zeros((128, 256), jnp.float32)
    W4_4 = jnp.zeros((256, 128), jnp.float32)
    for a in range(4):
        W2_4 = W2_4.at[32 * a:32 * a + 32, 64 * a:64 * a + 64].set(W2)
        W4_4 = W4_4.at[64 * a:64 * a + 64, 32 * a:32 * a + 32].set(W4p)
    b1p = jnp.tile(b1, 4).reshape(1, 128)
    b2p = jnp.tile(b2, 4).reshape(1, 256)
    b4p = jnp.tile(jnp.zeros((32,), jnp.float32).at[:19].set(b4), 4).reshape(1, 128)
    blk = jnp.zeros((128, 4), jnp.float32)
    for a in range(4):
        blk = blk.at[32 * a:32 * a + 32, a].set(1.0)
    M1 = blk
    M2 = blk.T

    degp = _deg_kernel(ei3d)

    table1, dinv = pl.pallas_call(
        _tc_stage1,
        out_shape=[_sds((N_PAD, 32)), _sds((N, 1))],
        in_specs=[_HBM_SPEC, _VMEM_SPEC, _VMEM_SPEC],
        out_specs=[_HBM_SPEC, _VMEM_SPEC],
        scratch_shapes=[pltpu.VMEM((NW, N_PAD), jnp.float32),
                        pltpu.VMEM((N, 32), jnp.float32),
                        pltpu.SemaphoreType.DMA, pltpu.SemaphoreType.DMA],
    )(degp, x, W1)

    pp1 = _prop_kernel(table1, ei3d, zeros32)

    dinvp = jnp.broadcast_to(dinv, (N, 32)).reshape(N4, 128)

    table2p = pl.pallas_call(
        _tc_stage2,
        out_shape=_sds((NP4, 128)),
        in_specs=[_HBM_SPEC, _VMEM_SPEC, _VMEM_SPEC],
        out_specs=_HBM_SPEC,
        scratch_shapes=[pltpu.VMEM((NC, NP4, 128), jnp.float32),
                        pltpu.VMEM((N4, 128), jnp.float32),
                        pltpu.SemaphoreType.DMA, pltpu.SemaphoreType.DMA],
    )(pp1.reshape(NC, NP4, 128), dinvp, b1p)

    pp2 = _prop_kernel(table2p.reshape(N_PAD, 32), ei3d, zeros32)

    table3p = pl.pallas_call(
        _tc_stage3,
        out_shape=_sds((NP4, 128)),
        in_specs=[_HBM_SPEC] + [_VMEM_SPEC] * 4,
        out_specs=_HBM_SPEC,
        scratch_shapes=[pltpu.VMEM((NC, NP4, 128), jnp.float32),
                        pltpu.VMEM((N4, 128), jnp.float32),
                        pltpu.SemaphoreType.DMA, pltpu.SemaphoreType.DMA],
    )(pp2.reshape(NC, NP4, 128), dinvp, W2_4, b2p, W4_4)

    pp3 = _prop_kernel(table3p.reshape(N_PAD, 32), ei3d, zeros32)

    probs_p = pl.pallas_call(
        _tc_stage4,
        out_shape=_sds((N4, 128)),
        in_specs=[_HBM_SPEC] + [_VMEM_SPEC] * 4,
        out_specs=_VMEM_SPEC,
        scratch_shapes=[pltpu.VMEM((NC, NP4, 128), jnp.float32),
                        pltpu.SemaphoreType.DMA],
    )(pp3.reshape(NC, NP4, 128), dinvp, b4p, M1, M2)

    return probs_p.reshape(N, 32)[:, :19]

# --- scband reference (transcript-rebuilt; emitter-appended) ---
"""Pipeline reference for scband-net-89945205113615 (READ-ONLY COPY).

The authoritative reference and input builder live on the scoring server;
editing this copy changes nothing except your own understanding.
"""

import jax, jax.numpy as jnp
import numpy as np

N = 10000
E = 320000
D = 128

def setup_inputs(seed: int = 0):
    key = jax.random.key(seed)
    ks = jax.random.split(key, 8)
    x = jax.random.normal(ks[0], (N, D), dtype=jnp.float32)
    edge_index = jax.random.randint(ks[1], (2, E), 0, N, dtype=jnp.int32)
    W1 = jax.random.normal(ks[2], (D, 32), dtype=jnp.float32) * 0.05
    b1 = jnp.zeros((32,), jnp.float32)
    W2 = jax.random.normal(ks[3], (32, 64), dtype=jnp.float32) * 0.05
    b2 = jnp.zeros((64,), jnp.float32)
    W4 = jax.random.normal(ks[4], (64, 19), dtype=jnp.float32) * 0.05
    b4 = jnp.zeros((19,), jnp.float32)
    return {"x": x, "edge_index": edge_index, "W1": W1, "b1": b1, "W2": W2, "b2": b2, "W4": W4, "b4": b4}

def _gcn_norm(edge_index, n):
    # Spektral GCNConv expects sym-normalized adjacency with self loops:
    # A_hat = D^{-1/2} (A + I) D^{-1/2}. We build it from edge_index.
    src = edge_index[0]
    dst = edge_index[1]
    loop = jnp.arange(n, dtype=src.dtype)
    src_f = jnp.concatenate([src, loop])
    dst_f = jnp.concatenate([dst, loop])
    deg = jax.ops.segment_sum(jnp.ones(src_f.shape[0], jnp.float32), dst_f, num_segments=n)
    dinv = jnp.where(deg > 0, 1.0 / jnp.sqrt(deg), 0.0)
    w = dinv[src_f] * dinv[dst_f]
    return src_f, dst_f, w

def reference(x, edge_index, W1, b1, W2, b2, W4, b4):
    n = x.shape[0]
    src_f, dst_f, w = _gcn_norm(edge_index, n)
    def prop(h):
        return jax.ops.segment_sum(w[:, None] * h[src_f], dst_f, num_segments=n)
    h = jax.nn.elu(prop(x @ W1) + b1)
    h = jax.nn.elu(prop(h @ W2) + b2)
    # Dropout(0.2) is inactive at inference
    logits = prop(h @ W4) + b4
    return jax.nn.softmax(logits, axis=-1)

if __name__ == "__main__":
    import jax
    _d = setup_inputs()
    print(jax.jit(kernel)(*tuple(_d.values())))

</pallas_src>

<mosaic_0001>
#map = affine_map<(d0, d1) -> (0, 0)>
#map1 = affine_map<(d0, d1) -> (0, 0, 0)>
module attributes {stable_mosaic.version = 14 : i64} {
  func.func @_prop_kernel(%arg0: i32, %arg1: i32, %arg2: memref<10240x32xf32, #tpu.memory_space<hbm>>, %arg3: memref<2x2592x128xi32, #tpu.memory_space<hbm>>, %arg4: memref<10240x32xf32, #tpu.memory_space<hbm>>, %arg5: memref<2x10240x32xf32, #tpu.memory_space<hbm>>, %arg6: memref<81x128xi32, #tpu.memory_space<vmem>>, %arg7: memref<81x128xi32, #tpu.memory_space<vmem>>, %arg8: memref<128x32xf32, #tpu.memory_space<vmem>>, %arg9: memref<128x32xf32, #tpu.memory_space<vmem>>, %arg10: memref<128x32xf32, #tpu.memory_space<vmem>>, %arg11: memref<128x32xf32, #tpu.memory_space<vmem>>, %arg12: memref<128x32xf32, #tpu.memory_space<vmem>>, %arg13: memref<128x32xf32, #tpu.memory_space<vmem>>, %arg14: memref<128x32xf32, #tpu.memory_space<vmem>>, %arg15: memref<128x32xf32, #tpu.memory_space<vmem>>, %arg16: memref<128x32xf32, #tpu.memory_space<vmem>>, %arg17: memref<!tpu.dma_semaphore, #tpu.memory_space<semaphore_mem>>, %arg18: memref<!tpu.dma_semaphore, #tpu.memory_space<semaphore_mem>>, %arg19: memref<!tpu.dma_semaphore, #tpu.memory_space<semaphore_mem>>, %arg20: memref<!tpu.dma_semaphore, #tpu.memory_space<semaphore_mem>>, %arg21: memref<!tpu.dma_semaphore, #tpu.memory_space<semaphore_mem>>, %arg22: memref<!tpu.dma_semaphore, #tpu.memory_space<semaphore_mem>>, %arg23: memref<!tpu.dma_semaphore, #tpu.memory_space<semaphore_mem>>, %arg24: memref<!tpu.dma_semaphore, #tpu.memory_space<semaphore_mem>>, %arg25: memref<!tpu.dma_semaphore, #tpu.memory_space<semaphore_mem>>, %arg26: memref<!tpu.dma_semaphore, #tpu.memory_space<semaphore_mem>>, %arg27: memref<!tpu.dma_semaphore, #tpu.memory_space<semaphore_mem>>, %arg28: memref<!tpu.dma_semaphore, #tpu.memory_space<semaphore_mem>>, %arg29: memref<!tpu.dma_semaphore, #tpu.memory_space<semaphore_mem>>, %arg30: memref<!tpu.dma_semaphore, #tpu.memory_space<semaphore_mem>>, %arg31: memref<!tpu.dma_semaphore, #tpu.memory_space<semaphore_mem>>, %arg32: memref<!tpu.dma_semaphore, #tpu.memory_space<semaphore_mem>>, %arg33: memref<!tpu.dma_semaphore, #tpu.memory_space<semaphore_mem>>, %arg34: memref<!tpu.dma_semaphore, #tpu.memory_space<semaphore_mem>>, %arg35: memref<10240x32xf32, #tpu.memory_space<vmem_shared>>, %arg36: memref<10240x32xf32, #tpu.memory_space<vmem_shared>>) attributes {dimension_semantics = [#tpu.dimension_semantics<core_parallel>, #tpu.dimension_semantics<subcore_parallel>], iteration_bounds = array<i64: 2, 16>, scalar_prefetch = 0 : i64, scratch_operands = 31 : i64, tpu.core_type = #tpu.core_type<sc_vector_subcore>, window_params = [{transform_indices = #map}, {transform_indices = #map1}, {transform_indices = #map}, {transform_indices = #map1}]} {
    %mul3A = arith.constant 16 : i32
    %mul3A_0 = arith.muli %arg0, %mul3A : i32
    %add3A = arith.addi %mul3A_0, %arg1 : i32
    %mul3A_1 = arith.constant 640 : i32
    %mul3A_2 = arith.muli %arg1, %mul3A_1 : i32
    %dma_start3A = arith.constant 0 : i32
    %dma_start3A_3 = tpu.memref_slice %arg35[%mul3A_2, %dma_start3A] : memref<10240x32xf32, #tpu.memory_space<vmem_shared>> -> memref<640x32xf32, #tpu.memory_space<vmem_shared>>
    %dma_start3A_4 = arith.constant 0 : i32
    %dma_start3A_5 = tpu.memref_slice %arg4[%mul3A_2, %dma_start3A_4] : memref<10240x32xf32, #tpu.memory_space<hbm>> -> memref<640x32xf32, #tpu.memory_space<hbm>>
    tpu.enqueue_dma source(%dma_start3A_5 : memref<640x32xf32, #tpu.memory_space<hbm>>) target(%dma_start3A_3 : memref<640x32xf32, #tpu.memory_space<vmem_shared>>) target_semaphore(%arg17 : memref<!tpu.dma_semaphore, #tpu.memory_space<semaphore_mem>>)
    %dma_start3A_6 = arith.constant 0 : i32
    %dma_start3A_7 = tpu.memref_slice %arg36[%mul3A_2, %dma_start3A_6] : memref<10240x32xf32, #tpu.memory_space<vmem_shared>> -> memref<640x32xf32, #tpu.memory_space<vmem_shared>>
    %dma_start3A_8 = arith.constant 0 : i32
    %dma_start3A_9 = tpu.memref_slice %arg2[%mul3A_2, %dma_start3A_8] : memref<10240x32xf32, #tpu.memory_space<hbm>> -> memref<640x32xf32, #tpu.memory_space<hbm>>
    tpu.enqueue_dma source(%dma_start3A_9 : memref<640x32xf32, #tpu.memory_space<hbm>>) target(%dma_start3A_7 : memref<640x32xf32, #tpu.memory_space<vmem_shared>>) target_semaphore(%arg18 : memref<!tpu.dma_semaphore, #tpu.memory_space<semaphore_mem>>)
    %mul3A_10 = arith.constant 81 : i32
    %mul3A_11 = arith.muli %add3A, %mul3A_10 : i32
    %dma_start3A_12 = arith.constant 0 : i32
    %dma_start3A_13 = arith.constant 0 : i32
    %dma_start3A_14 = tpu.memref_slice %arg3[%dma_start3A_12, %mul3A_11, %dma_start3A_13] : memref<2x2592x128xi32, #tpu.memory_space<hbm>> -> memref<1x81x128xi32, #tpu.memory_space<hbm>>
    %dma_start3A_15 = tpu.memref_squeeze %dma_start3A_14 : memref<1x81x128xi32, #tpu.memory_space<hbm>> -> memref<81x128xi32, #tpu.memory_space<hbm>>
    %dma_start3A_16 = arith.constant 0 : i32
    %dma_start3A_17 = tpu.memref_slice %arg3[%dma_start3A_12, %mul3A_11, %dma_start3A_16] : memref<2x2592x128xi32, #tpu.memory_space<hbm>> -> memref<1x81x128xi32, #tpu.memory_space<hbm>>
    %dma_start3A_18 = tpu.memref_squeeze %dma_start3A_17 : memref<1x81x128xi32, #tpu.memory_space<hbm>> -> memref<81x128xi32, #tpu.memory_space<hbm>>
    tpu.enqueue_dma source(%dma_start3A_18 : memref<81x128xi32, #tpu.memory_space<hbm>>) target(%arg6 : memref<81x128xi32, #tpu.memory_space<vmem>>) target_semaphore(%arg19 : memref<!tpu.dma_semaphore, #tpu.memory_space<semaphore_mem>>)
    %mul3A_19 = arith.constant 81 : i32
    %mul3A_20 = arith.muli %add3A, %mul3A_19 : i32
    %dma_start3A_21 = arith.constant 1 : i32
    %dma_start3A_22 = arith.constant 0 : i32
    %dma_start3A_23 = tpu.memref_slice %arg3[%dma_start3A_21, %mul3A_20, %dma_start3A_22] : memref<2x2592x128xi32, #tpu.memory_space<hbm>> -> memref<1x81x128xi32, #tpu.memory_space<hbm>>
    %dma_start3A_24 = tpu.memref_squeeze %dma_start3A_23 : memref<1x81x128xi32, #tpu.memory_space<hbm>> -> memref<81x128xi32, #tpu.memory_space<hbm>>
    %dma_start3A_25 = arith.constant 0 : i32
    %dma_start3A_26 = tpu.memref_slice %arg3[%dma_start3A_21, %mul3A_20, %dma_start3A_25] : memref<2x2592x128xi32, #tpu.memory_space<hbm>> -> memref<1x81x128xi32, #tpu.memory_space<hbm>>
    %dma_start3A_27 = tpu.memref_squeeze %dma_start3A_26 : memref<1x81x128xi32, #tpu.memory_space<hbm>> -> memref<81x128xi32, #tpu.memory_space<hbm>>
    tpu.enqueue_dma source(%dma_start3A_27 : memref<81x128xi32, #tpu.memory_space<hbm>>) target(%arg7 : memref<81x128xi32, #tpu.memory_space<vmem>>) target_semaphore(%arg20 : memref<!tpu.dma_semaphore, #tpu.memory_space<semaphore_mem>>)
    %dma_wait3A = arith.constant 0 : i32
    %dma_wait3A_28 = tpu.memref_slice %arg35[%mul3A_2, %dma_wait3A] : memref<10240x32xf32, #tpu.memory_space<vmem_shared>> -> memref<640x32xf32, #tpu.memory_space<vmem_shared>>
    %dma_wait3A_29 = arith.constant 0 : i32
    %dma_wait3A_30 = tpu.memref_slice %arg4[%mul3A_2, %dma_wait3A_29] : memref<10240x32xf32, #tpu.memory_space<hbm>> -> memref<640x32xf32, #tpu.memory_space<hbm>>
    tpu.wait_dma2 semaphore(%arg17 : memref<!tpu.dma_semaphore, #tpu.memory_space<semaphore_mem>>) src(%dma_wait3A_30 : memref<640x32xf32, #tpu.memory_space<hbm>>) dst(%dma_wait3A_28 : memref<640x32xf32, #tpu.memory_space<vmem_shared>>)
    %dma_wait3A_31 = arith.constant 0 : i32
    %dma_wait3A_32 = tpu.memref_slice %arg36[%mul3A_2, %dma_wait3A_31] : memref<10240x32xf32, #tpu.memory_space<vmem_shared>> -> memref<640x32xf32, #tpu.memory_space<vmem_shared>>
    %dma_wait3A_33 = arith.constant 0 : i32
    %dma_wait3A_34 = tpu.memref_slice %arg2[%mul3A_2, %dma_wait3A_33] : memref<10240x32xf32, #tpu.memory_space<hbm>> -> memref<640x32xf32, #tpu.memory_space<hbm>>
    tpu.wait_dma2 semaphore(%arg18 : memref<!tpu.dma_semaphore, #tpu.memory_space<semaphore_mem>>) src(%dma_wait3A_34 : memref<640x32xf32, #tpu.memory_space<hbm>>) dst(%dma_wait3A_32 : memref<640x32xf32, #tpu.memory_space<vmem_shared>>)
    %mul3A_35 = arith.constant 81 : i32
    %mul3A_36 = arith.muli %add3A, %mul3A_35 : i32
    %dma_wait3A_37 = arith.constant 0 : i32
    %dma_wait3A_38 = arith.constant 0 : i32
    %dma_wait3A_39 = tpu.memref_slice %arg3[%dma_wait3A_37, %mul3A_36, %dma_wait3A_38] : memref<2x2592x128xi32, #tpu.memory_space<hbm>> -> memref<1x81x128xi32, #tpu.memory_space<hbm>>
    %dma_wait3A_40 = tpu.memref_squeeze %dma_wait3A_39 : memref<1x81x128xi32, #tpu.memory_space<hbm>> -> memref<81x128xi32, #tpu.memory_space<hbm>>
    %dma_wait3A_41 = arith.constant 0 : i32
    %dma_wait3A_42 = tpu.memref_slice %arg3[%dma_wait3A_37, %mul3A_36, %dma_wait3A_41] : memref<2x2592x128xi32, #tpu.memory_space<hbm>> -> memref<1x81x128xi32, #tpu.memory_space<hbm>>
    %dma_wait3A_43 = tpu.memref_squeeze %dma_wait3A_42 : memref<1x81x128xi32, #tpu.memory_space<hbm>> -> memref<81x128xi32, #tpu.memory_space<hbm>>
    tpu.wait_dma2 semaphore(%arg19 : memref<!tpu.dma_semaphore, #tpu.memory_space<semaphore_mem>>) src(%dma_wait3A_43 : memref<81x128xi32, #tpu.memory_space<hbm>>) dst(%arg6 : memref<81x128xi32, #tpu.memory_space<vmem>>)
    %mul3A_44 = arith.constant 81 : i32
    %mul3A_45 = arith.muli %add3A, %mul3A_44 : i32
    %dma_wait3A_46 = arith.constant 1 : i32
    %dma_wait3A_47 = arith.constant 0 : i32
    %dma_wait3A_48 = tpu.memref_slice %arg3[%dma_wait3A_46, %mul3A_45, %dma_wait3A_47] : memref<2x2592x128xi32, #tpu.memory_space<hbm>> -> memref<1x81x128xi32, #tpu.memory_space<hbm>>
    %dma_wait3A_49 = tpu.memref_squeeze %dma_wait3A_48 : memref<1x81x128xi32, #tpu.memory_space<hbm>> -> memref<81x128xi32, #tpu.memory_space<hbm>>
    %dma_wait3A_50 = arith.constant 0 : i32
    %dma_wait3A_51 = tpu.memref_slice %arg3[%dma_wait3A_46, %mul3A_45, %dma_wait3A_50] : memref<2x2592x128xi32, #tpu.memory_space<hbm>> -> memref<1x81x128xi32, #tpu.memory_space<hbm>>
    %dma_wait3A_52 = tpu.memref_squeeze %dma_wait3A_51 : memref<1x81x128xi32, #tpu.memory_space<hbm>> -> memref<81x128xi32, #tpu.memory_space<hbm>>
    tpu.wait_dma2 semaphore(%arg20 : memref<!tpu.dma_semaphore, #tpu.memory_space<semaphore_mem>>) src(%dma_wait3A_52 : memref<81x128xi32, #tpu.memory_space<hbm>>) dst(%arg7 : memref<81x128xi32, #tpu.memory_space<vmem>>)
    %barrier3A = arith.constant 0 : index
    tpu.barrier barrier_id(%barrier3A)
    %dma_start3A_53 = arith.constant 0 : i32
    %dma_start3A_54 = arith.constant 0 : i32
    %dma_start3A_55 = tpu.memref_slice %arg6[%dma_start3A_53, %dma_start3A_54] : memref<81x128xi32, #tpu.memory_space<vmem>> -> memref<1x128xi32, #tpu.memory_space<vmem>>
    %dma_start3A_56 = tpu.memref_squeeze %dma_start3A_55 : memref<1x128xi32, #tpu.memory_space<vmem>> -> memref<128xi32, #tpu.memory_space<vmem>>
    %dma_start3A_57 = arith.constant 0 : i32
    %dma_start3A_58 = arith.constant 0 : i32
    %dma_start3A_59 = tpu.memref_slice %arg36[%dma_start3A_57, %dma_start3A_58] : memref<10240x32xf32, #tpu.memory_space<vmem_shared>> -> memref<10240x32xf32, #tpu.memory_space<vmem_shared>>
    tpu.enqueue_indirect_dma source(%dma_start3A_59 : memref<10240x32xf32, #tpu.memory_space<vmem_shared>>) target(%arg8 : memref<128x32xf32, #tpu.memory_space<vmem>>) offsets(%dma_start3A_56 : memref<128xi32, #tpu.memory_space<vmem>>) semaphore(%arg17 : memref<!tpu.dma_semaphore, #tpu.memory_space<semaphore_mem>>)
    %dma_start3A_60 = arith.constant 1 : i32
    %dma_start3A_61 = arith.constant 0 : i32
    %dma_start3A_62 = tpu.memref_slice %arg6[%dma_start3A_60, %dma_start3A_61] : memref<81x128xi32, #tpu.memory_space<vmem>> -> memref<1x128xi32, #tpu.memory_space<vmem>>
    %dma_start3A_63 = tpu.memref_squeeze %dma_start3A_62 : memref<1x128xi32, #tpu.memory_space<vmem>> -> memref<128xi32, #tpu.memory_space<vmem>>
    %dma_start3A_64 = arith.constant 0 : i32
    %dma_start3A_65 = arith.constant 0 : i32
    %dma_start3A_66 = tpu.memref_slice %arg36[%dma_start3A_64, %dma_start3A_65] : memref<10240x32xf32, #tpu.memory_space<vmem_shared>> -> memref<10240x32xf32, #tpu.memory_space<vmem_shared>>
    tpu.enqueue_indirect_dma source(%dma_start3A_66 : memref<10240x32xf32, #tpu.memory_space<vmem_shared>>) target(%arg9 : memref<128x32xf32, #tpu.memory_space<vmem>>) offsets(%dma_start3A_63 : memref<128xi32, #tpu.memory_space<vmem>>) semaphore(%arg18 : memref<!tpu.dma_semaphore, #tpu.memory_space<semaphore_mem>>)
    %dma_start3A_67 = arith.constant 2 : i32
    %dma_start3A_68 = arith.constant 0 : i32
    %dma_start3A_69 = tpu.memref_slice %arg6[%dma_start3A_67, %dma_start3A_68] : memref<81x128xi32, #tpu.memory_space<vmem>> -> memref<1x128xi32, #tpu.memory_space<vmem>>
    %dma_start3A_70 = tpu.memref_squeeze %dma_start3A_69 : memref<1x128xi32, #tpu.memory_space<vmem>> -> memref<128xi32, #tpu.memory_space<vmem>>
    %dma_start3A_71 = arith.constant 0 : i32
    %dma_start3A_72 = arith.constant 0 : i32
    %dma_start3A_73 = tpu.memref_slice %arg36[%dma_start3A_71, %dma_start3A_72] : memref<10240x32xf32, #tpu.memory_space<vmem_shared>> -> memref<10240x32xf32, #tpu.memory_space<vmem_shared>>
    tpu.enqueue_indirect_dma source(%dma_start3A_73 : memref<10240x32xf32, #tpu.memory_space<vmem_shared>>) target(%arg10 : memref<128x32xf32, #tpu.memory_space<vmem>>) offsets(%dma_start3A_70 : memref<128xi32, #tpu.memory_space<vmem>>) semaphore(%arg19 : memref<!tpu.dma_semaphore, #tpu.memory_space<semaphore_mem>>)
    %dma_start3A_74 = arith.constant 3 : i32
    %dma_start3A_75 = arith.constant 0 : i32
    %dma_start3A_76 = tpu.memref_slice %arg6[%dma_start3A_74, %dma_start3A_75] : memref<81x128xi32, #tpu.memory_space<vmem>> -> memref<1x128xi32, #tpu.memory_space<vmem>>
    %dma_start3A_77 = tpu.memref_squeeze %dma_start3A_76 : memref<1x128xi32, #tpu.memory_space<vmem>> -> memref<128xi32, #tpu.memory_space<vmem>>
    %dma_start3A_78 = arith.constant 0 : i32
    %dma_start3A_79 = arith.constant 0 : i32
    %dma_start3A_80 = tpu.memref_slice %arg36[%dma_start3A_78, %dma_start3A_79] : memref<10240x32xf32, #tpu.memory_space<vmem_shared>> -> memref<10240x32xf32, #tpu.memory_space<vmem_shared>>
    tpu.enqueue_indirect_dma source(%dma_start3A_80 : memref<10240x32xf32, #tpu.memory_space<vmem_shared>>) target(%arg11 : memref<128x32xf32, #tpu.memory_space<vmem>>) offsets(%dma_start3A_77 : memref<128xi32, #tpu.memory_space<vmem>>) semaphore(%arg20 : memref<!tpu.dma_semaphore, #tpu.memory_space<semaphore_mem>>)
    %dma_wait3A_81 = arith.constant 0 : i32
    %dma_wait3A_82 = arith.constant 0 : i32
    %dma_wait3A_83 = tpu.memref_slice %arg6[%dma_wait3A_81, %dma_wait3A_82] : memref<81x128xi32, #tpu.memory_space<vmem>> -> memref<1x128xi32, #tpu.memory_space<vmem>>
    %dma_wait3A_84 = tpu.memref_squeeze %dma_wait3A_83 : memref<1x128xi32, #tpu.memory_space<vmem>> -> memref<128xi32, #tpu.memory_space<vmem>>
    %dma_wait3A_85 = arith.constant 0 : i32
    %dma_wait3A_86 = arith.constant 0 : i32
    %dma_wait3A_87 = tpu.memref_slice %arg36[%dma_wait3A_85, %dma_wait3A_86] : memref<10240x32xf32, #tpu.memory_space<vmem_shared>> -> memref<10240x32xf32, #tpu.memory_space<vmem_shared>>
    tpu.wait_indirect_dma semaphore(%arg17 : memref<!tpu.dma_semaphore, #tpu.memory_space<semaphore_mem>>) src(%dma_wait3A_87 : memref<10240x32xf32, #tpu.memory_space<vmem_shared>>) dst(%arg8 : memref<128x32xf32, #tpu.memory_space<vmem>>)
    %dma_start3A_88 = arith.constant 0 : i32
    %dma_start3A_89 = arith.constant 0 : i32
    %dma_start3A_90 = tpu.memref_slice %arg7[%dma_start3A_88, %dma_start3A_89] : memref<81x128xi32, #tpu.memory_space<vmem>> -> memref<1x128xi32, #tpu.memory_space<vmem>>
    %dma_start3A_91 = tpu.memref_squeeze %dma_start3A_90 : memref<1x128xi32, #tpu.memory_space<vmem>> -> memref<128xi32, #tpu.memory_space<vmem>>
    %dma_start3A_92 = arith.constant 0 : i32
    %dma_start3A_93 = arith.constant 0 : i32
    %dma_start3A_94 = tpu.memref_slice %arg35[%dma_start3A_92, %dma_start3A_93] : memref<10240x32xf32, #tpu.memory_space<vmem_shared>> -> memref<10240x32xf32, #tpu.memory_space<vmem_shared>>
    tpu.enqueue_indirect_dma source(%arg8 : memref<128x32xf32, #tpu.memory_space<vmem>>) target(%dma_start3A_94 : memref<10240x32xf32, #tpu.memory_space<vmem_shared>>) offsets(%dma_start3A_91 : memref<128xi32, #tpu.memory_space<vmem>>) semaphore(%arg26 : memref<!tpu.dma_semaphore, #tpu.memory_space<semaphore_mem>>) {add = true}
    %dma_start3A_95 = arith.constant 4 : i32
    %dma_start3A_96 = arith.constant 0 : i32
    %dma_start3A_97 = tpu.memref_slice %arg6[%dma_start3A_95, %dma_start3A_96] : memref<81x128xi32, #tpu.memory_space<vmem>> -> memref<1x128xi32, #tpu.memory_space<vmem>>
    %dma_start3A_98 = tpu.memref_squeeze %dma_start3A_97 : memref<1x128xi32, #tpu.memory_space<vmem>> -> memref<128xi32, #tpu.memory_space<vmem>>
    %dma_start3A_99 = arith.constant 0 : i32
    %dma_start3A_100 = arith.constant 0 : i32
    %dma_start3A_101 = tpu.memref_slice %arg36[%dma_start3A_99, %dma_start3A_100] : memref<10240x32xf32, #tpu.memory_space<vmem_shared>> -> memref<10240x32xf32, #tpu.memory_space<vmem_shared>>
    tpu.enqueue_indirect_dma source(%dma_start3A_101 : memref<10240x32xf32, #tpu.memory_space<vmem_shared>>) target(%arg12 : memref<128x32xf32, #tpu.memory_space<vmem>>) offsets(%dma_start3A_98 : memref<128xi32, #tpu.memory_space<vmem>>) semaphore(%arg21 : memref<!tpu.dma_semaphore, #tpu.memory_space<semaphore_mem>>)
    %dma_wait3A_102 = arith.constant 1 : i32
    %dma_wait3A_103 = arith.constant 0 : i32
    %dma_wait3A_104 = tpu.memref_slice %arg6[%dma_wait3A_102, %dma_wait3A_103] : memref<81x128xi32, #tpu.memory_space<vmem>> -> memref<1x128xi32, #tpu.memory_space<vmem>>
    %dma_wait3A_105 = tpu.memref_squeeze %dma_wait3A_104 : memref<1x128xi32, #tpu.memory_space<vmem>> -> memref<128xi32, #tpu.memory_space<vmem>>
    %dma_wait3A_106 = arith.constant 0 : i32
    %dma_wait3A_107 = arith.constant 0 : i32
    %dma_wait3A_108 = tpu.memref_slice %arg36[%dma_wait3A_106, %dma_wait3A_107] : memref<10240x32xf32, #tpu.memory_space<vmem_shared>> -> memref<10240x32xf32, #tpu.memory_space<vmem_shared>>
    tpu.wait_indirect_dma semaphore(%arg18 : memref<!tpu.dma_semaphore, #tpu.memory_space<semaphore_mem>>) src(%dma_wait3A_108 : memref<10240x32xf32, #tpu.memory_space<vmem_shared>>) dst(%arg9 : memref<128x32xf32, #tpu.memory_space<vmem>>)
    %dma_start3A_109 = arith.constant 1 : i32
    %dma_start3A_110 = arith.constant 0 : i32
    %dma_start3A_111 = tpu.memref_slice %arg7[%dma_start3A_109, %dma_start3A_110] : memref<81x128xi32, #tpu.memory_space<vmem>> -> memref<1x128xi32, #tpu.memory_space<vmem>>
    %dma_start3A_112 = tpu.memref_squeeze %dma_start3A_111 : memref<1x128xi32, #tpu.memory_space<vmem>> -> memref<128xi32, #tpu.memory_space<vmem>>
    %dma_start3A_113 = arith.constant 0 : i32
    %dma_start3A_114 = arith.constant 0 : i32
    %dma_start3A_115 = tpu.memref_slice %arg35[%dma_start3A_113, %dma_start3A_114] : memref<10240x32xf32, #tpu.memory_space<vmem_shared>> -> memref<10240x32xf32, #tpu.memory_space<vmem_shared>>
    tpu.enqueue_indirect_dma source(%arg9 : memref<128x32xf32, #tpu.memory_space<vmem>>) target(%dma_start3A_115 : memref<10240x32xf32, #tpu.memory_space<vmem_shared>>) offsets(%dma_start3A_112 : memref<128xi32, #tpu.memory_space<vmem>>) semaphore(%arg27 : memref<!tpu.dma_semaphore, #tpu.memory_space<semaphore_mem>>) {add = true}
    %dma_start3A_116 = arith.constant 5 : i32
    %dma_start3A_117 = arith.constant 0 : i32
    %dma_start3A_118 = tpu.memref_slice %arg6[%dma_start3A_116, %dma_start3A_117] : memref<81x128xi32, #tpu.memory_space<vmem>> -> memref<1x128xi32, #tpu.memory_space<vmem>>
    %dma_start3A_119 = tpu.memref_squeeze %dma_start3A_118 : memref<1x128xi32, #tpu.memory_space<vmem>> -> memref<128xi32, #tpu.memory_space<vmem>>
    %dma_start3A_120 = arith.constant 0 : i32
    %dma_start3A_121 = arith.constant 0 : i32
    %dma_start3A_122 = tpu.memref_slice %arg36[%dma_start3A_120, %dma_start3A_121] : memref<10240x32xf32, #tpu.memory_space<vmem_shared>> -> memref<10240x32xf32, #tpu.memory_space<vmem_shared>>
    tpu.enqueue_indirect_dma source(%dma_start3A_122 : memref<10240x32xf32, #tpu.memory_space<vmem_shared>>) target(%arg13 : memref<128x32xf32, #tpu.memory_space<vmem>>) offsets(%dma_start3A_119 : memref<128xi32, #tpu.memory_space<vmem>>) semaphore(%arg22 : memref<!tpu.dma_semaphore, #tpu.memory_space<semaphore_mem>>)
    %dma_wait3A_123 = arith.constant 2 : i32
    %dma_wait3A_124 = arith.constant 0 : i32
    %dma_wait3A_125 = tpu.memref_slice %arg6[%dma_wait3A_123, %dma_wait3A_124] : memref<81x128xi32, #tpu.memory_space<vmem>> -> memref<1x128xi32, #tpu.memory_space<vmem>>
    %dma_wait3A_126 = tpu.memref_squeeze %dma_wait3A_125 : memref<1x128xi32, #tpu.memory_space<vmem>> -> memref<128xi32, #tpu.memory_space<vmem>>
    %dma_wait3A_127 = arith.constant 0 : i32
    %dma_wait3A_128 = arith.constant 0 : i32
    %dma_wait3A_129 = tpu.memref_slice %arg36[%dma_wait3A_127, %dma_wait3A_128] : memref<10240x32xf32, #tpu.memory_space<vmem_shared>> -> memref<10240x32xf32, #tpu.memory_space<vmem_shared>>
    tpu.wait_indirect_dma semaphore(%arg19 : memref<!tpu.dma_semaphore, #tpu.memory_space<semaphore_mem>>) src(%dma_wait3A_129 : memref<10240x32xf32, #tpu.memory_space<vmem_shared>>) dst(%arg10 : memref<128x32xf32, #tpu.memory_space<vmem>>)
    %dma_start3A_130 = arith.constant 2 : i32
    %dma_start3A_131 = arith.constant 0 : i32
    %dma_start3A_132 = tpu.memref_slice %arg7[%dma_start3A_130, %dma_start3A_131] : memref<81x128xi32, #tpu.memory_space<vmem>> -> memref<1x128xi32, #tpu.memory_space<vmem>>
    %dma_start3A_133 = tpu.memref_squeeze %dma_start3A_132 : memref<1x128xi32, #tpu.memory_space<vmem>> -> memref<128xi32, #tpu.memory_space<vmem>>
    %dma_start3A_134 = arith.constant 0 : i32
    %dma_start3A_135 = arith.constant 0 : i32
    %dma_start3A_136 = tpu.memref_slice %arg35[%dma_start3A_134, %dma_start3A_135] : memref<10240x32xf32, #tpu.memory_space<vmem_shared>> -> memref<10240x32xf32, #tpu.memory_space<vmem_shared>>
    tpu.enqueue_indirect_dma source(%arg10 : memref<128x32xf32, #tpu.memory_space<vmem>>) target(%dma_start3A_136 : memref<10240x32xf32, #tpu.memory_space<vmem_shared>>) offsets(%dma_start3A_133 : memref<128xi32, #tpu.memory_space<vmem>>) semaphore(%arg28 : memref<!tpu.dma_semaphore, #tpu.memory_space<semaphore_mem>>) {add = true}
    %dma_start3A_137 = arith.constant 6 : i32
    %dma_start3A_138 = arith.constant 0 : i32
    %dma_start3A_139 = tpu.memref_slice %arg6[%dma_start3A_137, %dma_start3A_138] : memref<81x128xi32, #tpu.memory_space<vmem>> -> memref<1x128xi32, #tpu.memory_space<vmem>>
    %dma_start3A_140 = tpu.memref_squeeze %dma_start3A_139 : memref<1x128xi32, #tpu.memory_space<vmem>> -> memref<128xi32, #tpu.memory_space<vmem>>
    %dma_start3A_141 = arith.constant 0 : i32
    %dma_start3A_142 = arith.constant 0 : i32
    %dma_start3A_143 = tpu.memref_slice %arg36[%dma_start3A_141, %dma_start3A_142] : memref<10240x32xf32, #tpu.memory_space<vmem_shared>> -> memref<10240x32xf32, #tpu.memory_space<vmem_shared>>
    tpu.enqueue_indirect_dma source(%dma_start3A_143 : memref<10240x32xf32, #tpu.memory_space<vmem_shared>>) target(%arg14 : memref<128x32xf32, #tpu.memory_space<vmem>>) offsets(%dma_start3A_140 : memref<128xi32, #tpu.memory_space<vmem>>) semaphore(%arg23 : memref<!tpu.dma_semaphore, #tpu.memory_space<semaphore_mem>>)
    %dma_wait3A_144 = arith.constant 3 : i32
    %dma_wait3A_145 = arith.constant 0 : i32
    %dma_wait3A_146 = tpu.memref_slice %arg6[%dma_wait3A_144, %dma_wait3A_145] : memref<81x128xi32, #tpu.memory_space<vmem>> -> memref<1x128xi32, #tpu.memory_space<vmem>>
    %dma_wait3A_147 = tpu.memref_squeeze %dma_wait3A_146 : memref<1x128xi32, #tpu.memory_space<vmem>> -> memref<128xi32, #tpu.memory_space<vmem>>
    %dma_wait3A_148 = arith.constant 0 : i32
    %dma_wait3A_149 = arith.constant 0 : i32
    %dma_wait3A_150 = tpu.memref_slice %arg36[%dma_wait3A_148, %dma_wait3A_149] : memref<10240x32xf32, #tpu.memory_space<vmem_shared>> -> memref<10240x32xf32, #tpu.memory_space<vmem_shared>>
    tpu.wait_indirect_dma semaphore(%arg20 : memref<!tpu.dma_semaphore, #tpu.memory_space<semaphore_mem>>) src(%dma_wait3A_150 : memref<10240x32xf32, #tpu.memory_space<vmem_shared>>) dst(%arg11 : memref<128x32xf32, #tpu.memory_space<vmem>>)
    %dma_start3A_151 = arith.constant 3 : i32
    %dma_start3A_152 = arith.constant 0 : i32
    %dma_start3A_153 = tpu.memref_slice %arg7[%dma_start3A_151, %dma_start3A_152] : memref<81x128xi32, #tpu.memory_space<vmem>> -> memref<1x128xi32, #tpu.memory_space<vmem>>
    %dma_start3A_154 = tpu.memref_squeeze %dma_start3A_153 : memref<1x128xi32, #tpu.memory_space<vmem>> -> memref<128xi32, #tpu.memory_space<vmem>>
    %dma_start3A_155 = arith.constant 0 : i32
    %dma_start3A_156 = arith.constant 0 : i32
    %dma_start3A_157 = tpu.memref_slice %arg35[%dma_start3A_155, %dma_start3A_156] : memref<10240x32xf32, #tpu.memory_space<vmem_shared>> -> memref<10240x32xf32, #tpu.memory_space<vmem_shared>>
    tpu.enqueue_indirect_dma source(%arg11 : memref<128x32xf32, #tpu.memory_space<vmem>>) target(%dma_start3A_157 : memref<10240x32xf32, #tpu.memory_space<vmem_shared>>) offsets(%dma_start3A_154 : memref<128xi32, #tpu.memory_space<vmem>>) semaphore(%arg29 : memref<!tpu.dma_semaphore, #tpu.memory_space<semaphore_mem>>) {add = true}
    %dma_start3A_158 = arith.constant 7 : i32
    %dma_start3A_159 = arith.constant 0 : i32
    %dma_start3A_160 = tpu.memref_slice %arg6[%dma_start3A_158, %dma_start3A_159] : memref<81x128xi32, #tpu.memory_space<vmem>> -> memref<1x128xi32, #tpu.memory_space<vmem>>
    %dma_start3A_161 = tpu.memref_squeeze %dma_start3A_160 : memref<1x128xi32, #tpu.memory_space<vmem>> -> memref<128xi32, #tpu.memory_space<vmem>>
    %dma_start3A_162 = arith.constant 0 : i32
    %dma_start3A_163 = arith.constant 0 : i32
    %dma_start3A_164 = tpu.memref_slice %arg36[%dma_start3A_162, %dma_start3A_163] : memref<10240x32xf32, #tpu.memory_space<vmem_shared>> -> memref<10240x32xf32, #tpu.memory_space<vmem_shared>>
    tpu.enqueue_indirect_dma source(%dma_start3A_164 : memref<10240x32xf32, #tpu.memory_space<vmem_shared>>) target(%arg15 : memref<128x32xf32, #tpu.memory_space<vmem>>) offsets(%dma_start3A_161 : memref<128xi32, #tpu.memory_space<vmem>>) semaphore(%arg24 : memref<!tpu.dma_semaphore, #tpu.memory_space<semaphore_mem>>)
    %dma_wait3A_165 = arith.constant 4 : i32
    %dma_wait3A_166 = arith.constant 0 : i32
    %dma_wait3A_167 = tpu.memref_slice %arg6[%dma_wait3A_165, %dma_wait3A_166] : memref<81x128xi32, #tpu.memory_space<vmem>> -> memref<1x128xi32, #tpu.memory_space<vmem>>
    %dma_wait3A_168 = tpu.memref_squeeze %dma_wait3A_167 : memref<1x128xi32, #tpu.memory_space<vmem>> -> memref<128xi32, #tpu.memory_space<vmem>>
    %dma_wait3A_169 = arith.constant 0 : i32
    %dma_wait3A_170 = arith.constant 0 : i32
    %dma_wait3A_171 = tpu.memref_slice %arg36[%dma_wait3A_169, %dma_wait3A_170] : memref<10240x32xf32, #tpu.memory_space<vmem_shared>> -> memref<10240x32xf32, #tpu.memory_space<vmem_shared>>
    tpu.wait_indirect_dma semaphore(%arg21 : memref<!tpu.dma_semaphore, #tpu.memory_space<semaphore_mem>>) src(%dma_wait3A_171 : memref<10240x32xf32, #tpu.memory_space<vmem_shared>>) dst(%arg12 : memref<128x32xf32, #tpu.memory_space<vmem>>)
    %dma_start3A_172 = arith.constant 4 : i32
    %dma_start3A_173 = arith.constant 0 : i32
    %dma_start3A_174 = tpu.memref_slice %arg7[%dma_start3A_172, %dma_start3A_173] : memref<81x128xi32, #tpu.memory_space<vmem>> -> memref<1x128xi32, #tpu.memory_space<vmem>>
    %dma_start3A_175 = tpu.memref_squeeze %dma_start3A_174 : memref<1x128xi32, #tpu.memory_space<vmem>> -> memref<128xi32, #tpu.memory_space<vmem>>
    %dma_start3A_176 = arith.constant 0 : i32
    %dma_start3A_177 = arith.constant 0 : i32
    %dma_start3A_178 = tpu.memref_slice %arg35[%dma_start3A_176, %dma_start3A_177] : memref<10240x32xf32, #tpu.memory_space<vmem_shared>> -> memref<10240x32xf32, #tpu.memory_space<vmem_shared>>
    tpu.enqueue_indirect_dma source(%arg12 : memref<128x32xf32, #tpu.memory_space<vmem>>) target(%dma_start3A_178 : memref<10240x32xf32, #tpu.memory_space<vmem_shared>>) offsets(%dma_start3A_175 : memref<128xi32, #tpu.memory_space<vmem>>) semaphore(%arg30 : memref<!tpu.dma_semaphore, #tpu.memory_space<semaphore_mem>>) {add = true}
    %dma_start3A_179 = arith.constant 8 : i32
    %dma_start3A_180 = arith.constant 0 : i32
    %dma_start3A_181 = tpu.memref_slice %arg6[%dma_start3A_179, %dma_start3A_180] : memref<81x128xi32, #tpu.memory_space<vmem>> -> memref<1x128xi32, #tpu.memory_space<vmem>>
    %dma_start3A_182 = tpu.memref_squeeze %dma_start3A_181 : memref<1x128xi32, #tpu.memory_space<vmem>> -> memref<128xi32, #tpu.memory_space<vmem>>
    %dma_start3A_183 = arith.constant 0 : i32
    %dma_start3A_184 = arith.constant 0 : i32
    %dma_start3A_185 = tpu.memref_slice %arg36[%dma_start3A_183, %dma_start3A_184] : memref<10240x32xf32, #tpu.memory_space<vmem_shared>> -> memref<10240x32xf32, #tpu.memory_space<vmem_shared>>
    tpu.enqueue_indirect_dma source(%dma_start3A_185 : memref<10240x32xf32, #tpu.memory_space<vmem_shared>>) target(%arg16 : memref<128x32xf32, #tpu.memory_space<vmem>>) offsets(%dma_start3A_182 : memref<128xi32, #tpu.memory_space<vmem>>) semaphore(%arg25 : memref<!tpu.dma_semaphore, #tpu.memory_space<semaphore_mem>>)
    %dma_wait3A_186 = arith.constant 5 : i32
    %dma_wait3A_187 = arith.constant 0 : i32
    %dma_wait3A_188 = tpu.memref_slice %arg6[%dma_wait3A_186, %dma_wait3A_187] : memref<81x128xi32, #tpu.memory_space<vmem>> -> memref<1x128xi32, #tpu.memory_space<vmem>>
    %dma_wait3A_189 = tpu.memref_squeeze %dma_wait3A_188 : memref<1x128xi32, #tpu.memory_space<vmem>> -> memref<128xi32, #tpu.memory_space<vmem>>
    %dma_wait3A_190 = arith.constant 0 : i32
    %dma_wait3A_191 = arith.constant 0 : i32
    %dma_wait3A_192 = tpu.memref_slice %arg36[%dma_wait3A_190, %dma_wait3A_191] : memref<10240x32xf32, #tpu.memory_space<vmem_shared>> -> memref<10240x32xf32, #tpu.memory_space<vmem_shared>>
    tpu.wait_indirect_dma semaphore(%arg22 : memref<!tpu.dma_semaphore, #tpu.memory_space<semaphore_mem>>) src(%dma_wait3A_192 : memref<10240x32xf32, #tpu.memory_space<vmem_shared>>) dst(%arg13 : memref<128x32xf32, #tpu.memory_space<vmem>>)
    %dma_start3A_193 = arith.constant 5 : i32
    %dma_start3A_194 = arith.constant 0 : i32
    %dma_start3A_195 = tpu.memref_slice %arg7[%dma_start3A_193, %dma_start3A_194] : memref<81x128xi32, #tpu.memory_space<vmem>> -> memref<1x128xi32, #tpu.memory_space<vmem>>
    %dma_start3A_196 = tpu.memref_squeeze %dma_start3A_195 : memref<1x128xi32, #tpu.memory_space<vmem>> -> memref<128xi32, #tpu.memory_space<vmem>>
    %dma_start3A_197 = arith.constant 0 : i32
    %dma_start3A_198 = arith.constant 0 : i32
    %dma_start3A_199 = tpu.memref_slice %arg35[%dma_start3A_197, %dma_start3A_198] : memref<10240x32xf32, #tpu.memory_space<vmem_shared>> -> memref<10240x32xf32, #tpu.memory_space<vmem_shared>>
    tpu.enqueue_indirect_dma source(%arg13 : memref<128x32xf32, #tpu.memory_space<vmem>>) target(%dma_start3A_199 : memref<10240x32xf32, #tpu.memory_space<vmem_shared>>) offsets(%dma_start3A_196 : memref<128xi32, #tpu.memory_space<vmem>>) semaphore(%arg31 : memref<!tpu.dma_semaphore, #tpu.memory_space<semaphore_mem>>) {add = true}
    %dma_wait3A_200 = arith.constant 0 : i32
    %dma_wait3A_201 = arith.constant 0 : i32
    %dma_wait3A_202 = tpu.memref_slice %arg7[%dma_wait3A_200, %dma_wait3A_201] : memref<81x128xi32, #tpu.memory_space<vmem>> -> memref<1x128xi32, #tpu.memory_space<vmem>>
    %dma_wait3A_203 = tpu.memref_squeeze %dma_wait3A_202 : memref<1x128xi32, #tpu.memory_space<vmem>> -> memref<128xi32, #tpu.memory_space<vmem>>
    %dma_wait3A_204 = arith.constant 0 : i32
    %dma_wait3A_205 = arith.constant 0 : i32
    %dma_wait3A_206 = tpu.memref_slice %arg35[%dma_wait3A_204, %dma_wait3A_205] : memref<10240x32xf32, #tpu.memory_space<vmem_shared>> -> memref<10240x32xf32, #tpu.memory_space<vmem_shared>>
    tpu.wait_indirect_dma semaphore(%arg26 : memref<!tpu.dma_semaphore, #tpu.memory_space<semaphore_mem>>) src(%arg8 : memref<128x32xf32, #tpu.memory_space<vmem>>) dst(%dma_wait3A_206 : memref<10240x32xf32, #tpu.memory_space<vmem_shared>>)
    %dma_start3A_207 = arith.constant 9 : i32
    %dma_start3A_208 = arith.constant 0 : i32
    %dma_start3A_209 = tpu.memref_slice %arg6[%dma_start3A_207, %dma_start3A_208] : memref<81x128xi32, #tpu.memory_space<vmem>> -> memref<1x128xi32, #tpu.memory_space<vmem>>
    %dma_start3A_210 = tpu.memref_squeeze %dma_start3A_209 : memref<1x128xi32, #tpu.memory_space<vmem>> -> memref<128xi32, #tpu.memory_space<vmem>>
    %dma_start3A_211 = arith.constant 0 : i32
    %dma_start3A_212 = arith.constant 0 : i32
    %dma_start3A_213 = tpu.memref_slice %arg36[%dma_start3A_211, %dma_start3A_212] : memref<10240x32xf32, #tpu.memory_space<vmem_shared>> -> memref<10240x32xf32, #tpu.memory_space<vmem_shared>>
    tpu.enqueue_indirect_dma source(%dma_start3A_213 : memref<10240x32xf32, #tpu.memory_space<vmem_shared>>) target(%arg8 : memref<128x32xf32, #tpu.memory_space<vmem>>) offsets(%dma_start3A_210 : memref<128xi32, #tpu.memory_space<vmem>>) semaphore(%arg17 : memref<!tpu.dma_semaphore, #tpu.memory_space<semaphore_mem>>)
    %dma_wait3A_214 = arith.constant 6 : i32
    %dma_wait3A_215 = arith.constant 0 : i32
    %dma_wait3A_216 = tpu.memref_slice %arg6[%dma_wait3A_214, %dma_wait3A_215] : memref<81x128xi32, #tpu.memory_space<vmem>> -> memref<1x128xi32, #tpu.memory_space<vmem>>
    %dma_wait3A_217 = tpu.memref_squeeze %dma_wait3A_216 : memref<1x128xi32, #tpu.memory_space<vmem>> -> memref<128xi32, #tpu.memory_space<vmem>>
    %dma_wait3A_218 = arith.constant 0 : i32
    %dma_wait3A_219 = arith.constant 0 : i32
    %dma_wait3A_220 = tpu.memref_slice %arg36[%dma_wait3A_218, %dma_wait3A_219] : memref<10240x32xf32, #tpu.memory_space<vmem_shared>> -> memref<10240x32xf32, #tpu.memory_space<vmem_shared>>
    tpu.wait_indirect_dma semaphore(%arg23 : memref<!tpu.dma_semaphore, #tpu.memory_space<semaphore_mem>>) src(%dma_wait3A_220 : memref<10240x32xf32, #tpu.memory_space<vmem_shared>>) dst(%arg14 : memref<128x32xf32, #tpu.memory_space<vmem>>)
    %dma_start3A_221 = arith.constant 6 : i32
    %dma_start3A_222 = arith.constant 0 : i32
    %dma_start3A_223 = tpu.memref_slice %arg7[%dma_start3A_221, %dma_start3A_222] : memref<81x128xi32, #tpu.memory_space<vmem>> -> memref<1x128xi32, #tpu.memory_space<vmem>>
    %dma_start3A_224 = tpu.memref_squeeze %dma_start3A_223 : memref<1x128xi32, #tpu.memory_space<vmem>> -> memref<128xi32, #tpu.memory_space<vmem>>
    %dma_start3A_225 = arith.constant 0 : i32
    %dma_start3A_226 = arith.constant 0 : i32
    %dma_start3A_227 = tpu.memref_slice %arg35[%dma_start3A_225, %dma_start3A_226] : memref<10240x32xf32, #tpu.memory_space<vmem_shared>> -> memref<10240x32xf32, #tpu.memory_space<vmem_shared>>
    tpu.enqueue_indirect_dma source(%arg14 : memref<128x32xf32, #tpu.memory_space<vmem>>) target(%dma_start3A_227 : memref<10240x32xf32, #tpu.memory_space<vmem_shared>>) offsets(%dma_start3A_224 : memref<128xi32, #tpu.memory_space<vmem>>) semaphore(%arg32 : memref<!tpu.dma_semaphore, #tpu.memory_space<semaphore_mem>>) {add = true}
    %dma_wait3A_228 = arith.constant 1 : i32
    %dma_wait3A_229 = arith.constant 0 : i32
    %dma_wait3A_230 = tpu.memref_slice %arg7[%dma_wait3A_228, %dma_wait3A_229] : memref<81x128xi32, #tpu.memory_space<vmem>> -> memref<1x128xi32, #tpu.memory_space<vmem>>
    %dma_wait3A_231 = tpu.memref_squeeze %dma_wait3A_230 : memref<1x128xi32, #tpu.memory_space<vmem>> -> memref<128xi32, #tpu.memory_space<vmem>>
    %dma_wait3A_232 = arith.constant 0 : i32
    %dma_wait3A_233 = arith.constant 0 : i32
    %dma_wait3A_234 = tpu.memref_slice %arg35[%dma_wait3A_232, %dma_wait3A_233] : memref<10240x32xf32, #tpu.memory_space<vmem_shared>> -> memref<10240x32xf32, #tpu.memory_space<vmem_shared>>
    tpu.wait_indirect_dma semaphore(%arg27 : memref<!tpu.dma_semaphore, #tpu.memory_space<semaphore_mem>>) src(%arg9 : memref<128x32xf32, #tpu.memory_space<vmem>>) dst(%dma_wait3A_234 : memref<10240x32xf32, #tpu.memory_space<vmem_shared>>)
    %dma_start3A_235 = arith.constant 10 : i32
    %dma_start3A_236 = arith.constant 0 : i32
    %dma_start3A_237 = tpu.memref_slice %arg6[%dma_start3A_235, %dma_start3A_236] : memref<81x128xi32, #tpu.memory_space<vmem>> -> memref<1x128xi32, #tpu.memory_space<vmem>>
    %dma_start3A_238 = tpu.memref_squeeze %dma_start3A_237 : memref<1x128xi32, #tpu.memory_space<vmem>> -> memref<128xi32, #tpu.memory_space<vmem>>
    %dma_start3A_239 = arith.constant 0 : i32
    %dma_start3A_240 = arith.constant 0 : i32
    %dma_start3A_241 = tpu.memref_slice %arg36[%dma_start3A_239, %dma_start3A_240] : memref<10240x32xf32, #tpu.memory_space<vmem_shared>> -> memref<10240x32xf32, #tpu.memory_space<vmem_shared>>
    tpu.enqueue_indirect_dma source(%dma_start3A_241 : memref<10240x32xf32, #tpu.memory_space<vmem_shared>>) target(%arg9 : memref<128x32xf32, #tpu.memory_space<vmem>>) offsets(%dma_start3A_238 : memref<128xi32, #tpu.memory_space<vmem>>) semaphore(%arg18 : memref<!tpu.dma_semaphore, #tpu.memory_space<semaphore_mem>>)
    %dma_wait3A_242 = arith.constant 7 : i32
    %dma_wait3A_243 = arith.constant 0 : i32
    %dma_wait3A_244 = tpu.memref_slice %arg6[%dma_wait3A_242, %dma_wait3A_243] : memref<81x128xi32, #tpu.memory_space<vmem>> -> memref<1x128xi32, #tpu.memory_space<vmem>>
    %dma_wait3A_245 = tpu.memref_squeeze %dma_wait3A_244 : memref<1x128xi32, #tpu.memory_space<vmem>> -> memref<128xi32, #tpu.memory_space<vmem>>
    %dma_wait3A_246 = arith.constant 0 : i32
    %dma_wait3A_247 = arith.constant 0 : i32
    %dma_wait3A_248 = tpu.memref_slice %arg36[%dma_wait3A_246, %dma_wait3A_247] : memref<10240x32xf32, #tpu.memory_space<vmem_shared>> -> memref<10240x32xf32, #tpu.memory_space<vmem_shared>>
    tpu.wait_indirect_dma semaphore(%arg24 : memref<!tpu.dma_semaphore, #tpu.memory_space<semaphore_mem>>) src(%dma_wait3A_248 : memref<10240x32xf32, #tpu.memory_space<vmem_shared>>) dst(%arg15 : memref<128x32xf32, #tpu.memory_space<vmem>>)
    %dma_start3A_249 = arith.constant 7 : i32
    %dma_start3A_250 = arith.constant 0 : i32
    %dma_start3A_251 = tpu.memref_slice %arg7[%dma_start3A_249, %dma_start3A_250] : memref<81x128xi32, #tpu.memory_space<vmem>> -> memref<1x128xi32, #tpu.memory_space<vmem>>
    %dma_start3A_252 = tpu.memref_squeeze %dma_start3A_251 : memref<1x128xi32, #tpu.memory_space<vmem>> -> memref<128xi32, #tpu.memory_space<vmem>>
    %dma_start3A_253 = arith.constant 0 : i32
    %dma_start3A_254 = arith.constant 0 : i32
    %dma_start3A_255 = tpu.memref_slice %arg35[%dma_start3A_253, %dma_start3A_254] : memref<10240x32xf32, #tpu.memory_space<vmem_shared>> -> memref<10240x32xf32, #tpu.memory_space<vmem_shared>>
    tpu.enqueue_indirect_dma source(%arg15 : memref<128x32xf32, #tpu.memory_space<vmem>>) target(%dma_start3A_255 : memref<10240x32xf32, #tpu.memory_space<vmem_shared>>) offsets(%dma_start3A_252 : memref<128xi32, #tpu.memory_space<vmem>>) semaphore(%arg33 : memref<!tpu.dma_semaphore, #tpu.memory_space<semaphore_mem>>) {add = true}
    %dma_wait3A_256 = arith.constant 2 : i32
    %dma_wait3A_257 = arith.constant 0 : i32
    %dma_wait3A_258 = tpu.memref_slice %arg7[%dma_wait3A_256, %dma_wait3A_257] : memref<81x128xi32, #tpu.memory_space<vmem>> -> memref<1x128xi32, #tpu.memory_space<vmem>>
    %dma_wait3A_259 = tpu.memref_squeeze %dma_wait3A_258 : memref<1x128xi32, #tpu.memory_space<vmem>> -> memref<128xi32, #tpu.memory_space<vmem>>
    %dma_wait3A_260 = arith.constant 0 : i32
    %dma_wait3A_261 = arith.constant 0 : i32
    %dma_wait3A_262 = tpu.memref_slice %arg35[%dma_wait3A_260, %dma_wait3A_261] : memref<10240x32xf32, #tpu.memory_space<vmem_shared>> -> memref<10240x32xf32, #tpu.memory_space<vmem_shared>>
    tpu.wait_indirect_dma semaphore(%arg28 : memref<!tpu.dma_semaphore, #tpu.memory_space<semaphore_mem>>) src(%arg10 : memref<128x32xf32, #tpu.memory_space<vmem>>) dst(%dma_wait3A_262 : memref<10240x32xf32, #tpu.memory_space<vmem_shared>>)
    %dma_start3A_263 = arith.constant 11 : i32
    %dma_start3A_264 = arith.constant 0 : i32
    %dma_start3A_265 = tpu.memref_slice %arg6[%dma_start3A_263, %dma_start3A_264] : memref<81x128xi32, #tpu.memory_space<vmem>> -> memref<1x128xi32, #tpu.memory_space<vmem>>
    %dma_start3A_266 = tpu.memref_squeeze %dma_start3A_265 : memref<1x128xi32, #tpu.memory_space<vmem>> -> memref<128xi32, #tpu.memory_space<vmem>>
    %dma_start3A_267 = arith.constant 0 : i32
    %dma_start3A_268 = arith.constant 0 : i32
    %dma_start3A_269 = tpu.memref_slice %arg36[%dma_start3A_267, %dma_start3A_268] : memref<10240x32xf32, #tpu.memory_space<vmem_shared>> -> memref<10240x32xf32, #tpu.memory_space<vmem_shared>>
    tpu.enqueue_indirect_dma source(%dma_start3A_269 : memref<10240x32xf32, #tpu.memory_space<vmem_shared>>) target(%arg10 : memref<128x32xf32, #tpu.memory_space<vmem>>) offsets(%dma_start3A_266 : memref<128xi32, #tpu.memory_space<vmem>>) semaphore(%arg19 : memref<!tpu.dma_semaphore, #tpu.memory_space<semaphore_mem>>)
    %dma_wait3A_270 = arith.constant 8 : i32
    %dma_wait3A_271 = arith.constant 0 : i32
    %dma_wait3A_272 = tpu.memref_slice %arg6[%dma_wait3A_270, %dma_wait3A_271] : memref<81x128xi32, #tpu.memory_space<vmem>> -> memref<1x128xi32, #tpu.memory_space<vmem>>
    %dma_wait3A_273 = tpu.memref_squeeze %dma_wait3A_272 : memref<1x128xi32, #tpu.memory_space<vmem>> -> memref<128xi32, #tpu.memory_space<vmem>>
    %dma_wait3A_274 = arith.constant 0 : i32
    %dma_wait3A_275 = arith.constant 0 : i32
    %dma_wait3A_276 = tpu.memref_slice %arg36[%dma_wait3A_274, %dma_wait3A_275] : memref<10240x32xf32, #tpu.memory_space<vmem_shared>> -> memref<10240x32xf32, #tpu.memory_space<vmem_shared>>
    tpu.wait_indirect_dma semaphore(%arg25 : memref<!tpu.dma_semaphore, #tpu.memory_space<semaphore_mem>>) src(%dma_wait3A_276 : memref<10240x32xf32, #tpu.memory_space<vmem_shared>>) dst(%arg16 : memref<128x32xf32, #tpu.memory_space<vmem>>)
    %dma_start3A_277 = arith.constant 8 : i32
    %dma_start3A_278 = arith.constant 0 : i32
    %dma_start3A_279 = tpu.memref_slice %arg7[%dma_start3A_277, %dma_start3A_278] : memref<81x128xi32, #tpu.memory_space<vmem>> -> memref<1x128xi32, #tpu.memory_space<vmem>>
    %dma_start3A_280 = tpu.memref_squeeze %dma_start3A_279 : memref<1x128xi32, #tpu.memory_space<vmem>> -> memref<128xi32, #tpu.memory_space<vmem>>
    %dma_start3A_281 = arith.constant 0 : i32
    %dma_start3A_282 = arith.constant 0 : i32
    %dma_start3A_283 = tpu.memref_slice %arg35[%dma_start3A_281, %dma_start3A_282] : memref<10240x32xf32, #tpu.memory_space<vmem_shared>> -> memref<10240x32xf32, #tpu.memory_space<vmem_shared>>
    tpu.enqueue_indirect_dma source(%arg16 : memref<128x32xf32, #tpu.memory_space<vmem>>) target(%dma_start3A_283 : memref<10240x32xf32, #tpu.memory_space<vmem_shared>>) offsets(%dma_start3A_280 : memref<128xi32, #tpu.memory_space<vmem>>) semaphore(%arg34 : memref<!tpu.dma_semaphore, #tpu.memory_space<semaphore_mem>>) {add = true}
    %dma_wait3A_284 = arith.constant 3 : i32
    %dma_wait3A_285 = arith.constant 0 : i32
    %dma_wait3A_286 = tpu.memref_slice %arg7[%dma_wait3A_284, %dma_wait3A_285] : memref<81x128xi32, #tpu.memory_space<vmem>> -> memref<1x128xi32, #tpu.memory_space<vmem>>
    %dma_wait3A_287 = tpu.memref_squeeze %dma_wait3A_286 : memref<1x128xi32, #tpu.memory_space<vmem>> -> memref<128xi32, #tpu.memory_space<vmem>>
    %dma_wait3A_288 = arith.constant 0 : i32
    %dma_wait3A_289 = arith.constant 0 : i32
    %dma_wait3A_290 = tpu.memref_slice %arg35[%dma_wait3A_288, %dma_wait3A_289] : memref<10240x32xf32, #tpu.memory_space<vmem_shared>> -> memref<10240x32xf32, #tpu.memory_space<vmem_shared>>
    tpu.wait_indirect_dma semaphore(%arg29 : memref<!tpu.dma_semaphore, #tpu.memory_space<semaphore_mem>>) src(%arg11 : memref<128x32xf32, #tpu.memory_space<vmem>>) dst(%dma_wait3A_290 : memref<10240x32xf32, #tpu.memory_space<vmem_shared>>)
    %dma_start3A_291 = arith.constant 12 : i32
    %dma_start3A_292 = arith.constant 0 : i32
    %dma_start3A_293 = tpu.memref_slice %arg6[%dma_start3A_291, %dma_start3A_292] : memref<81x128xi32, #tpu.memory_space<vmem>> -> memref<1x128xi32, #tpu.memory_space<vmem>>
    %dma_start3A_294 = tpu.memref_squeeze %dma_start3A_293 : memref<1x128xi32, #tpu.memory_space<vmem>> -> memref<128xi32, #tpu.memory_space<vmem>>
    %dma_start3A_295 = arith.constant 0 : i32
    %dma_start3A_296 = arith.constant 0 : i32
    %dma_start3A_297 = tpu.memref_slice %arg36[%dma_start3A_295, %dma_start3A_296] : memref<10240x32xf32, #tpu.memory_space<vmem_shared>> -> memref<10240x32xf32, #tpu.memory_space<vmem_shared>>
    tpu.enqueue_indirect_dma source(%dma_start3A_297 : memref<10240x32xf32, #tpu.memory_space<vmem_shared>>) target(%arg11 : memref<128x32xf32, #tpu.memory_space<vmem>>) offsets(%dma_start3A_294 : memref<128xi32, #tpu.memory_space<vmem>>) semaphore(%arg20 : memref<!tpu.dma_semaphore, #tpu.memory_space<semaphore_mem>>)
    %scan3A = arith.constant 0 : i32
    %scan3A_298 = arith.constant 1 : i32
    %scan3A_299 = arith.constant 7 : i32
    %scan3A_300 = arith.addi %scan3A_298, %scan3A_299 : i32
    %scan3A_301 = arith.constant 1 : i32
    scf.for %scan3A_563 = %scan3A_298 to %scan3A_300 step %scan3A_301  : i32 {
      %mul3A_564 = arith.constant 9 : i32
      %mul3A_565 = arith.muli %scan3A_563, %mul3A_564 : i32
      %add3A_566 = arith.constant 0 : i32
      %add3A_567 = arith.addi %mul3A_565, %add3A_566 : i32
      %dma_wait3A_568 = arith.constant 0 : i32
      %dma_wait3A_569 = tpu.memref_slice %arg6[%add3A_567, %dma_wait3A_568] : memref<81x128xi32, #tpu.memory_space<vmem>> -> memref<1x128xi32, #tpu.memory_space<vmem>>
      %dma_wait3A_570 = tpu.memref_squeeze %dma_wait3A_569 : memref<1x128xi32, #tpu.memory_space<vmem>> -> memref<128xi32, #tpu.memory_space<vmem>>
      %dma_wait3A_571 = arith.constant 0 : i32
      %dma_wait3A_572 = arith.constant 0 : i32
      %dma_wait3A_573 = tpu.memref_slice %arg36[%dma_wait3A_571, %dma_wait3A_572] : memref<10240x32xf32, #tpu.memory_space<vmem_shared>> -> memref<10240x32xf32, #tpu.memory_space<vmem_shared>>
      tpu.wait_indirect_dma semaphore(%arg17 : memref<!tpu.dma_semaphore, #tpu.memory_space<semaphore_mem>>) src(%dma_wait3A_573 : memref<10240x32xf32, #tpu.memory_space<vmem_shared>>) dst(%arg8 : memref<128x32xf32, #tpu.memory_space<vmem>>)
      %dma_start3A_574 = arith.constant 0 : i32
      %dma_start3A_575 = tpu.memref_slice %arg7[%add3A_567, %dma_start3A_574] : memref<81x128xi32, #tpu.memory_space<vmem>> -> memref<1x128xi32, #tpu.memory_space<vmem>>
      %dma_start3A_576 = tpu.memref_squeeze %dma_start3A_575 : memref<1x128xi32, #tpu.memory_space<vmem>> -> memref<128xi32, #tpu.memory_space<vmem>>
      %dma_start3A_577 = arith.constant 0 : i32
      %dma_start3A_578 = arith.constant 0 : i32
      %dma_start3A_579 = tpu.memref_slice %arg35[%dma_start3A_577, %dma_start3A_578] : memref<10240x32xf32, #tpu.memory_space<vmem_shared>> -> memref<10240x32xf32, #tpu.memory_space<vmem_shared>>
      tpu.enqueue_indirect_dma source(%arg8 : memref<128x32xf32, #tpu.memory_space<vmem>>) target(%dma_start3A_579 : memref<10240x32xf32, #tpu.memory_space<vmem_shared>>) offsets(%dma_start3A_576 : memref<128xi32, #tpu.memory_space<vmem>>) semaphore(%arg26 : memref<!tpu.dma_semaphore, #tpu.memory_space<semaphore_mem>>) {add = true}
      %add3A_580 = arith.constant 4 : i32
      %add3A_581 = arith.addi %add3A_567, %add3A_580 : i32
      %sub3A = arith.constant 9 : i32
      %sub3A_582 = arith.subi %add3A_581, %sub3A : i32
      %dma_wait3A_583 = arith.constant 0 : i32
      %dma_wait3A_584 = tpu.memref_slice %arg7[%sub3A_582, %dma_wait3A_583] : memref<81x128xi32, #tpu.memory_space<vmem>> -> memref<1x128xi32, #tpu.memory_space<vmem>>
      %dma_wait3A_585 = tpu.memref_squeeze %dma_wait3A_584 : memref<1x128xi32, #tpu.memory_space<vmem>> -> memref<128xi32, #tpu.memory_space<vmem>>
      %dma_wait3A_586 = arith.constant 0 : i32
      %dma_wait3A_587 = arith.constant 0 : i32
      %dma_wait3A_588 = tpu.memref_slice %arg35[%dma_wait3A_586, %dma_wait3A_587] : memref<10240x32xf32, #tpu.memory_space<vmem_shared>> -> memref<10240x32xf32, #tpu.memory_space<vmem_shared>>
      tpu.wait_indirect_dma semaphore(%arg30 : memref<!tpu.dma_semaphore, #tpu.memory_space<semaphore_mem>>) src(%arg12 : memref<128x32xf32, #tpu.memory_space<vmem>>) dst(%dma_wait3A_588 : memref<10240x32xf32, #tpu.memory_space<vmem_shared>>)
      %dma_start3A_589 = arith.constant 0 : i32
      %dma_start3A_590 = tpu.memref_slice %arg6[%add3A_581, %dma_start3A_589] : memref<81x128xi32, #tpu.memory_space<vmem>> -> memref<1x128xi32, #tpu.memory_space<vmem>>
      %dma_start3A_591 = tpu.memref_squeeze %dma_start3A_590 : memref<1x128xi32, #tpu.memory_space<vmem>> -> memref<128xi32, #tpu.memory_space<vmem>>
      %dma_start3A_592 = arith.constant 0 : i32
      %dma_start3A_593 = arith.constant 0 : i32
      %dma_start3A_594 = tpu.memref_slice %arg36[%dma_start3A_592, %dma_start3A_593] : memref<10240x32xf32, #tpu.memory_space<vmem_shared>> -> memref<10240x32xf32, #tpu.memory_space<vmem_shared>>
      tpu.enqueue_indirect_dma source(%dma_start3A_594 : memref<10240x32xf32, #tpu.memory_space<vmem_shared>>) target(%arg12 : memref<128x32xf32, #tpu.memory_space<vmem>>) offsets(%dma_start3A_591 : memref<128xi32, #tpu.memory_space<vmem>>) semaphore(%arg21 : memref<!tpu.dma_semaphore, #tpu.memory_space<semaphore_mem>>)
      %add3A_595 = arith.constant 1 : i32
      %add3A_596 = arith.addi %mul3A_565, %add3A_595 : i32
      %dma_wait3A_597 = arith.constant 0 : i32
      %dma_wait3A_598 = tpu.memref_slice %arg6[%add3A_596, %dma_wait3A_597] : memref<81x128xi32, #tpu.memory_space<vmem>> -> memref<1x128xi32, #tpu.memory_space<vmem>>
      %dma_wait3A_599 = tpu.memref_squeeze %dma_wait3A_598 : memref<1x128xi32, #tpu.memory_space<vmem>> -> memref<128xi32, #tpu.memory_space<vmem>>
      %dma_wait3A_600 = arith.constant 0 : i32
      %dma_wait3A_601 = arith.constant 0 : i32
      %dma_wait3A_602 = tpu.memref_slice %arg36[%dma_wait3A_600, %dma_wait3A_601] : memref<10240x32xf32, #tpu.memory_space<vmem_shared>> -> memref<10240x32xf32, #tpu.memory_space<vmem_shared>>
      tpu.wait_indirect_dma semaphore(%arg18 : memref<!tpu.dma_semaphore, #tpu.memory_space<semaphore_mem>>) src(%dma_wait3A_602 : memref<10240x32xf32, #tpu.memory_space<vmem_shared>>) dst(%arg9 : memref<128x32xf32, #tpu.memory_space<vmem>>)
      %dma_start3A_603 = arith.constant 0 : i32
      %dma_start3A_604 = tpu.memref_slice %arg7[%add3A_596, %dma_start3A_603] : memref<81x128xi32, #tpu.memory_space<vmem>> -> memref<1x128xi32, #tpu.memory_space<vmem>>
      %dma_start3A_605 = tpu.memref_squeeze %dma_start3A_604 : memref<1x128xi32, #tpu.memory_space<vmem>> -> memref<128xi32, #tpu.memory_space<vmem>>
      %dma_start3A_606 = arith.constant 0 : i32
      %dma_start3A_607 = arith.constant 0 : i32
      %dma_start3A_608 = tpu.memref_slice %arg35[%dma_start3A_606, %dma_start3A_607] : memref<10240x32xf32, #tpu.memory_space<vmem_shared>> -> memref<10240x32xf32, #tpu.memory_space<vmem_shared>>
      tpu.enqueue_indirect_dma source(%arg9 : memref<128x32xf32, #tpu.memory_space<vmem>>) target(%dma_start3A_608 : memref<10240x32xf32, #tpu.memory_space<vmem_shared>>) offsets(%dma_start3A_605 : memref<128xi32, #tpu.memory_space<vmem>>) semaphore(%arg27 : memref<!tpu.dma_semaphore, #tpu.memory_space<semaphore_mem>>) {add = true}
      %add3A_609 = arith.constant 4 : i32
      %add3A_610 = arith.addi %add3A_596, %add3A_609 : i32
      %sub3A_611 = arith.constant 9 : i32
      %sub3A_612 = arith.subi %add3A_610, %sub3A_611 : i32
      %dma_wait3A_613 = arith.constant 0 : i32
      %dma_wait3A_614 = tpu.memref_slice %arg7[%sub3A_612, %dma_wait3A_613] : memref<81x128xi32, #tpu.memory_space<vmem>> -> memref<1x128xi32, #tpu.memory_space<vmem>>
      %dma_wait3A_615 = tpu.memref_squeeze %dma_wait3A_614 : memref<1x128xi32, #tpu.memory_space<vmem>> -> memref<128xi32, #tpu.memory_space<vmem>>
      %dma_wait3A_616 = arith.constant 0 : i32
      %dma_wait3A_617 = arith.constant 0 : i32
      %dma_wait3A_618 = tpu.memref_slice %arg35[%dma_wait3A_616, %dma_wait3A_617] : memref<10240x32xf32, #tpu.memory_space<vmem_shared>> -> memref<10240x32xf32, #tpu.memory_space<vmem_shared>>
      tpu.wait_indirect_dma semaphore(%arg31 : memref<!tpu.dma_semaphore, #tpu.memory_space<semaphore_mem>>) src(%arg13 : memref<128x32xf32, #tpu.memory_space<vmem>>) dst(%dma_wait3A_618 : memref<10240x32xf32, #tpu.memory_space<vmem_shared>>)
      %dma_start3A_619 = arith.constant 0 : i32
      %dma_start3A_620 = tpu.memref_slice %arg6[%add3A_610, %dma_start3A_619] : memref<81x128xi32, #tpu.memory_space<vmem>> -> memref<1x128xi32, #tpu.memory_space<vmem>>
      %dma_start3A_621 = tpu.memref_squeeze %dma_start3A_620 : memref<1x128xi32, #tpu.memory_space<vmem>> -> memref<128xi32, #tpu.memory_space<vmem>>
      %dma_start3A_622 = arith.constant 0 : i32
      %dma_start3A_623 = arith.constant 0 : i32
      %dma_start3A_624 = tpu.memref_slice %arg36[%dma_start3A_622, %dma_start3A_623] : memref<10240x32xf32, #tpu.memory_space<vmem_shared>> -> memref<10240x32xf32, #tpu.memory_space<vmem_shared>>
      tpu.enqueue_indirect_dma source(%dma_start3A_624 : memref<10240x32xf32, #tpu.memory_space<vmem_shared>>) target(%arg13 : memref<128x32xf32, #tpu.memory_space<vmem>>) offsets(%dma_start3A_621 : memref<128xi32, #tpu.memory_space<vmem>>) semaphore(%arg22 : memref<!tpu.dma_semaphore, #tpu.memory_space<semaphore_mem>>)
      %add3A_625 = arith.constant 2 : i32
      %add3A_626 = arith.addi %mul3A_565, %add3A_625 : i32
      %dma_wait3A_627 = arith.constant 0 : i32
      %dma_wait3A_628 = tpu.memref_slice %arg6[%add3A_626, %dma_wait3A_627] : memref<81x128xi32, #tpu.memory_space<vmem>> -> memref<1x128xi32, #tpu.memory_space<vmem>>
      %dma_wait3A_629 = tpu.memref_squeeze %dma_wait3A_628 : memref<1x128xi32, #tpu.memory_space<vmem>> -> memref<128xi32, #tpu.memory_space<vmem>>
      %dma_wait3A_630 = arith.constant 0 : i32
      %dma_wait3A_631 = arith.constant 0 : i32
      %dma_wait3A_632 = tpu.memref_slice %arg36[%dma_wait3A_630, %dma_wait3A_631] : memref<10240x32xf32, #tpu.memory_space<vmem_shared>> -> memref<10240x32xf32, #tpu.memory_space<vmem_shared>>
      tpu.wait_indirect_dma semaphore(%arg19 : memref<!tpu.dma_semaphore, #tpu.memory_space<semaphore_mem>>) src(%dma_wait3A_632 : memref<10240x32xf32, #tpu.memory_space<vmem_shared>>) dst(%arg10 : memref<128x32xf32, #tpu.memory_space<vmem>>)
      %dma_start3A_633 = arith.constant 0 : i32
      %dma_start3A_634 = tpu.memref_slice %arg7[%add3A_626, %dma_start3A_633] : memref<81x128xi32, #tpu.memory_space<vmem>> -> memref<1x128xi32, #tpu.memory_space<vmem>>
      %dma_start3A_635 = tpu.memref_squeeze %dma_start3A_634 : memref<1x128xi32, #tpu.memory_space<vmem>> -> memref<128xi32, #tpu.memory_space<vmem>>
      %dma_start3A_636 = arith.constant 0 : i32
      %dma_start3A_637 = arith.constant 0 : i32
      %dma_start3A_638 = tpu.memref_slice %arg35[%dma_start3A_636, %dma_start3A_637] : memref<10240x32xf32, #tpu.memory_space<vmem_shared>> -> memref<10240x32xf32, #tpu.memory_space<vmem_shared>>
      tpu.enqueue_indirect_dma source(%arg10 : memref<128x32xf32, #tpu.memory_space<vmem>>) target(%dma_start3A_638 : memref<10240x32xf32, #tpu.memory_space<vmem_shared>>) offsets(%dma_start3A_635 : memref<128xi32, #tpu.memory_space<vmem>>) semaphore(%arg28 : memref<!tpu.dma_semaphore, #tpu.memory_space<semaphore_mem>>) {add = true}
      %add3A_639 = arith.constant 4 : i32
      %add3A_640 = arith.addi %add3A_626, %add3A_639 : i32
      %sub3A_641 = arith.constant 9 : i32
      %sub3A_642 = arith.subi %add3A_640, %sub3A_641 : i32
      %dma_wait3A_643 = arith.constant 0 : i32
      %dma_wait3A_644 = tpu.memref_slice %arg7[%sub3A_642, %dma_wait3A_643] : memref<81x128xi32, #tpu.memory_space<vmem>> -> memref<1x128xi32, #tpu.memory_space<vmem>>
      %dma_wait3A_645 = tpu.memref_squeeze %dma_wait3A_644 : memref<1x128xi32, #tpu.memory_space<vmem>> -> memref<128xi32, #tpu.memory_space<vmem>>
      %dma_wait3A_646 = arith.constant 0 : i32
      %dma_wait3A_647 = arith.constant 0 : i32
      %dma_wait3A_648 = tpu.memref_slice %arg35[%dma_wait3A_646, %dma_wait3A_647] : memref<10240x32xf32, #tpu.memory_space<vmem_shared>> -> memref<10240x32xf32, #tpu.memory_space<vmem_shared>>
      tpu.wait_indirect_dma semaphore(%arg32 : memref<!tpu.dma_semaphore, #tpu.memory_space<semaphore_mem>>) src(%arg14 : memref<128x32xf32, #tpu.memory_space<vmem>>) dst(%dma_wait3A_648 : memref<10240x32xf32, #tpu.memory_space<vmem_shared>>)
      %dma_start3A_649 = arith.constant 0 : i32
      %dma_start3A_650 = tpu.memref_slice %arg6[%add3A_640, %dma_start3A_649] : memref<81x128xi32, #tpu.memory_space<vmem>> -> memref<1x128xi32, #tpu.memory_space<vmem>>
      %dma_start3A_651 = tpu.memref_squeeze %dma_start3A_650 : memref<1x128xi32, #tpu.memory_space<vmem>> -> memref<128xi32, #tpu.memory_space<vmem>>
      %dma_start3A_652 = arith.constant 0 : i32
      %dma_start3A_653 = arith.constant 0 : i32
      %dma_start3A_654 = tpu.memref_slice %arg36[%dma_start3A_652, %dma_start3A_653] : memref<10240x32xf32, #tpu.memory_space<vmem_shared>> -> memref<10240x32xf32, #tpu.memory_space<vmem_shared>>
      tpu.enqueue_indirect_dma source(%dma_start3A_654 : memref<10240x32xf32, #tpu.memory_space<vmem_shared>>) target(%arg14 : memref<128x32xf32, #tpu.memory_space<vmem>>) offsets(%dma_start3A_651 : memref<128xi32, #tpu.memory_space<vmem>>) semaphore(%arg23 : memref<!tpu.dma_semaphore, #tpu.memory_space<semaphore_mem>>)
      %add3A_655 = arith.constant 3 : i32
      %add3A_656 = arith.addi %mul3A_565, %add3A_655 : i32
      %dma_wait3A_657 = arith.constant 0 : i32
      %dma_wait3A_658 = tpu.memref_slice %arg6[%add3A_656, %dma_wait3A_657] : memref<81x128xi32, #tpu.memory_space<vmem>> -> memref<1x128xi32, #tpu.memory_space<vmem>>
      %dma_wait3A_659 = tpu.memref_squeeze %dma_wait3A_658 : memref<1x128xi32, #tpu.memory_space<vmem>> -> memref<128xi32, #tpu.memory_space<vmem>>
      %dma_wait3A_660 = arith.constant 0 : i32
      %dma_wait3A_661 = arith.constant 0 : i32
      %dma_wait3A_662 = tpu.memref_slice %arg36[%dma_wait3A_660, %dma_wait3A_661] : memref<10240x32xf32, #tpu.memory_space<vmem_shared>> -> memref<10240x32xf32, #tpu.memory_space<vmem_shared>>
      tpu.wait_indirect_dma semaphore(%arg20 : memref<!tpu.dma_semaphore, #tpu.memory_space<semaphore_mem>>) src(%dma_wait3A_662 : memref<10240x32xf32, #tpu.memory_space<vmem_shared>>) dst(%arg11 : memref<128x32xf32, #tpu.memory_space<vmem>>)
      %dma_start3A_663 = arith.constant 0 : i32
      %dma_start3A_664 = tpu.memref_slice %arg7[%add3A_656, %dma_start3A_663] : memref<81x128xi32, #tpu.memory_space<vmem>> -> memref<1x128xi32, #tpu.memory_space<vmem>>
      %dma_start3A_665 = tpu.memref_squeeze %dma_start3A_664 : memref<1x128xi32, #tpu.memory_space<vmem>> -> memref<128xi32, #tpu.memory_space<vmem>>
      %dma_start3A_666 = arith.constant 0 : i32
      %dma_start3A_667 = arith.constant 0 : i32
      %dma_start3A_668 = tpu.memref_slice %arg35[%dma_start3A_666, %dma_start3A_667] : memref<10240x32xf32, #tpu.memory_space<vmem_shared>> -> memref<10240x32xf32, #tpu.memory_space<vmem_shared>>
      tpu.enqueue_indirect_dma source(%arg11 : memref<128x32xf32, #tpu.memory_space<vmem>>) target(%dma_start3A_668 : memref<10240x32xf32, #tpu.memory_space<vmem_shared>>) offsets(%dma_start3A_665 : memref<128xi32, #tpu.memory_space<vmem>>) semaphore(%arg29 : memref<!tpu.dma_semaphore, #tpu.memory_space<semaphore_mem>>) {add = true}
      %add3A_669 = arith.constant 4 : i32
      %add3A_670 = arith.addi %add3A_656, %add3A_669 : i32
      %sub3A_671 = arith.constant 9 : i32
      %sub3A_672 = arith.subi %add3A_670, %sub3A_671 : i32
      %dma_wait3A_673 = arith.constant 0 : i32
      %dma_wait3A_674 = tpu.memref_slice %arg7[%sub3A_672, %dma_wait3A_673] : memref<81x128xi32, #tpu.memory_space<vmem>> -> memref<1x128xi32, #tpu.memory_space<vmem>>
      %dma_wait3A_675 = tpu.memref_squeeze %dma_wait3A_674 : memref<1x128xi32, #tpu.memory_space<vmem>> -> memref<128xi32, #tpu.memory_space<vmem>>
      %dma_wait3A_676 = arith.constant 0 : i32
      %dma_wait3A_677 = arith.constant 0 : i32
      %dma_wait3A_678 = tpu.memref_slice %arg35[%dma_wait3A_676, %dma_wait3A_677] : memref<10240x32xf32, #tpu.memory_space<vmem_shared>> -> memref<10240x32xf32, #tpu.memory_space<vmem_shared>>
      tpu.wait_indirect_dma semaphore(%arg33 : memref<!tpu.dma_semaphore, #tpu.memory_space<semaphore_mem>>) src(%arg15 : memref<128x32xf32, #tpu.memory_space<vmem>>) dst(%dma_wait3A_678 : memref<10240x32xf32, #tpu.memory_space<vmem_shared>>)
      %dma_start3A_679 = arith.constant 0 : i32
      %dma_start3A_680 = tpu.memref_slice %arg6[%add3A_670, %dma_start3A_679] : memref<81x128xi32, #tpu.memory_space<vmem>> -> memref<1x128xi32, #tpu.memory_space<vmem>>
      %dma_start3A_681 = tpu.memref_squeeze %dma_start3A_680 : memref<1x128xi32, #tpu.memory_space<vmem>> -> memref<128xi32, #tpu.memory_space<vmem>>
      %dma_start3A_682 = arith.constant 0 : i32
      %dma_start3A_683 = arith.constant 0 : i32
      %dma_start3A_684 = tpu.memref_slice %arg36[%dma_start3A_682, %dma_start3A_683] : memref<10240x32xf32, #tpu.memory_space<vmem_shared>> -> memref<10240x32xf32, #tpu.memory_space<vmem_shared>>
      tpu.enqueue_indirect_dma source(%dma_start3A_684 : memref<10240x32xf32, #tpu.memory_space<vmem_shared>>) target(%arg15 : memref<128x32xf32, #tpu.memory_space<vmem>>) offsets(%dma_start3A_681 : memref<128xi32, #tpu.memory_space<vmem>>) semaphore(%arg24 : memref<!tpu.dma_semaphore, #tpu.memory_space<semaphore_mem>>)
      %add3A_685 = arith.constant 4 : i32
      %add3A_686 = arith.addi %mul3A_565, %add3A_685 : i32
      %dma_wait3A_687 = arith.constant 0 : i32
      %dma_wait3A_688 = tpu.memref_slice %arg6[%add3A_686, %dma_wait3A_687] : memref<81x128xi32, #tpu.memory_space<vmem>> -> memref<1x128xi32, #tpu.memory_space<vmem>>
      %dma_wait3A_689 = tpu.memref_squeeze %dma_wait3A_688 : memref<1x128xi32, #tpu.memory_space<vmem>> -> memref<128xi32, #tpu.memory_space<vmem>>
      %dma_wait3A_690 = arith.constant 0 : i32
      %dma_wait3A_691 = arith.constant 0 : i32
      %dma_wait3A_692 = tpu.memref_slice %arg36[%dma_wait3A_690, %dma_wait3A_691] : memref<10240x32xf32, #tpu.memory_space<vmem_shared>> -> memref<10240x32xf32, #tpu.memory_space<vmem_shared>>
      tpu.wait_indirect_dma semaphore(%arg21 : memref<!tpu.dma_semaphore, #tpu.memory_space<semaphore_mem>>) src(%dma_wait3A_692 : memref<10240x32xf32, #tpu.memory_space<vmem_shared>>) dst(%arg12 : memref<128x32xf32, #tpu.memory_space<vmem>>)
      %dma_start3A_693 = arith.constant 0 : i32
      %dma_start3A_694 = tpu.memref_slice %arg7[%add3A_686, %dma_start3A_693] : memref<81x128xi32, #tpu.memory_space<vmem>> -> memref<1x128xi32, #tpu.memory_space<vmem>>
      %dma_start3A_695 = tpu.memref_squeeze %dma_start3A_694 : memref<1x128xi32, #tpu.memory_space<vmem>> -> memref<128xi32, #tpu.memory_space<vmem>>
      %dma_start3A_696 = arith.constant 0 : i32
      %dma_start3A_697 = arith.constant 0 : i32
      %dma_start3A_698 = tpu.memref_slice %arg35[%dma_start3A_696, %dma_start3A_697] : memref<10240x32xf32, #tpu.memory_space<vmem_shared>> -> memref<10240x32xf32, #tpu.memory_space<vmem_shared>>
      tpu.enqueue_indirect_dma source(%arg12 : memref<128x32xf32, #tpu.memory_space<vmem>>) target(%dma_start3A_698 : memref<10240x32xf32, #tpu.memory_space<vmem_shared>>) offsets(%dma_start3A_695 : memref<128xi32, #tpu.memory_space<vmem>>) semaphore(%arg30 : memref<!tpu.dma_semaphore, #tpu.memory_space<semaphore_mem>>) {add = true}
      %add3A_699 = arith.constant 4 : i32
      %add3A_700 = arith.addi %add3A_686, %add3A_699 : i32
      %sub3A_701 = arith.constant 9 : i32
      %sub3A_702 = arith.subi %add3A_700, %sub3A_701 : i32
      %dma_wait3A_703 = arith.constant 0 : i32
      %dma_wait3A_704 = tpu.memref_slice %arg7[%sub3A_702, %dma_wait3A_703] : memref<81x128xi32, #tpu.memory_space<vmem>> -> memref<1x128xi32, #tpu.memory_space<vmem>>
      %dma_wait3A_705 = tpu.memref_squeeze %dma_wait3A_704 : memref<1x128xi32, #tpu.memory_space<vmem>> -> memref<128xi32, #tpu.memory_space<vmem>>
      %dma_wait3A_706 = arith.constant 0 : i32
      %dma_wait3A_707 = arith.constant 0 : i32
      %dma_wait3A_708 = tpu.memref_slice %arg35[%dma_wait3A_706, %dma_wait3A_707] : memref<10240x32xf32, #tpu.memory_space<vmem_shared>> -> memref<10240x32xf32, #tpu.memory_space<vmem_shared>>
      tpu.wait_indirect_dma semaphore(%arg34 : memref<!tpu.dma_semaphore, #tpu.memory_space<semaphore_mem>>) src(%arg16 : memref<128x32xf32, #tpu.memory_space<vmem>>) dst(%dma_wait3A_708 : memref<10240x32xf32, #tpu.memory_space<vmem_shared>>)
      %dma_start3A_709 = arith.constant 0 : i32
      %dma_start3A_710 = tpu.memref_slice %arg6[%add3A_700, %dma_start3A_709] : memref<81x128xi32, #tpu.memory_space<vmem>> -> memref<1x128xi32, #tpu.memory_space<vmem>>
      %dma_start3A_711 = tpu.memref_squeeze %dma_start3A_710 : memref<1x128xi32, #tpu.memory_space<vmem>> -> memref<128xi32, #tpu.memory_space<vmem>>
      %dma_start3A_712 = arith.constant 0 : i32
      %dma_start3A_713 = arith.constant 0 : i32
      %dma_start3A_714 = tpu.memref_slice %arg36[%dma_start3A_712, %dma_start3A_713] : memref<10240x32xf32, #tpu.memory_space<vmem_shared>> -> memref<10240x32xf32, #tpu.memory_space<vmem_shared>>
      tpu.enqueue_indirect_dma source(%dma_start3A_714 : memref<10240x32xf32, #tpu.memory_space<vmem_shared>>) target(%arg16 : memref<128x32xf32, #tpu.memory_space<vmem>>) offsets(%dma_start3A_711 : memref<128xi32, #tpu.memory_space<vmem>>) semaphore(%arg25 : memref<!tpu.dma_semaphore, #tpu.memory_space<semaphore_mem>>)
      %add3A_715 = arith.constant 5 : i32
      %add3A_716 = arith.addi %mul3A_565, %add3A_715 : i32
      %dma_wait3A_717 = arith.constant 0 : i32
      %dma_wait3A_718 = tpu.memref_slice %arg6[%add3A_716, %dma_wait3A_717] : memref<81x128xi32, #tpu.memory_space<vmem>> -> memref<1x128xi32, #tpu.memory_space<vmem>>
      %dma_wait3A_719 = tpu.memref_squeeze %dma_wait3A_718 : memref<1x128xi32, #tpu.memory_space<vmem>> -> memref<128xi32, #tpu.memory_space<vmem>>
      %dma_wait3A_720 = arith.constant 0 : i32
      %dma_wait3A_721 = arith.constant 0 : i32
      %dma_wait3A_722 = tpu.memref_slice %arg36[%dma_wait3A_720, %dma_wait3A_721] : memref<10240x32xf32, #tpu.memory_space<vmem_shared>> -> memref<10240x32xf32, #tpu.memory_space<vmem_shared>>
      tpu.wait_indirect_dma semaphore(%arg22 : memref<!tpu.dma_semaphore, #tpu.memory_space<semaphore_mem>>) src(%dma_wait3A_722 : memref<10240x32xf32, #tpu.memory_space<vmem_shared>>) dst(%arg13 : memref<128x32xf32, #tpu.memory_space<vmem>>)
      %dma_start3A_723 = arith.constant 0 : i32
      %dma_start3A_724 = tpu.memref_slice %arg7[%add3A_716, %dma_start3A_723] : memref<81x128xi32, #tpu.memory_space<vmem>> -> memref<1x128xi32, #tpu.memory_space<vmem>>
      %dma_start3A_725 = tpu.memref_squeeze %dma_start3A_724 : memref<1x128xi32, #tpu.memory_space<vmem>> -> memref<128xi32, #tpu.memory_space<vmem>>
      %dma_start3A_726 = arith.constant 0 : i32
      %dma_start3A_727 = arith.constant 0 : i32
      %dma_start3A_728 = tpu.memref_slice %arg35[%dma_start3A_726, %dma_start3A_727] : memref<10240x32xf32, #tpu.memory_space<vmem_shared>> -> memref<10240x32xf32, #tpu.memory_space<vmem_shared>>
      tpu.enqueue_indirect_dma source(%arg13 : memref<128x32xf32, #tpu.memory_space<vmem>>) target(%dma_start3A_728 : memref<10240x32xf32, #tpu.memory_space<vmem_shared>>) offsets(%dma_start3A_725 : memref<128xi32, #tpu.memory_space<vmem>>) semaphore(%arg31 : memref<!tpu.dma_semaphore, #tpu.memory_space<semaphore_mem>>) {add = true}
      %add3A_729 = arith.constant 4 : i32
      %add3A_730 = arith.addi %add3A_716, %add3A_729 : i32
      %sub3A_731 = arith.constant 9 : i32
      %sub3A_732 = arith.subi %add3A_730, %sub3A_731 : i32
      %dma_wait3A_733 = arith.constant 0 : i32
      %dma_wait3A_734 = tpu.memref_slice %arg7[%sub3A_732, %dma_wait3A_733] : memref<81x128xi32, #tpu.memory_space<vmem>> -> memref<1x128xi32, #tpu.memory_space<vmem>>
      %dma_wait3A_735 = tpu.memref_squeeze %dma_wait3A_734 : memref<1x128xi32, #tpu.memory_space<vmem>> -> memref<128xi32, #tpu.memory_space<vmem>>
      %dma_wait3A_736 = arith.constant 0 : i32
      %dma_wait3A_737 = arith.constant 0 : i32
      %dma_wait3A_738 = tpu.memref_slice %arg35[%dma_wait3A_736, %dma_wait3A_737] : memref<10240x32xf32, #tpu.memory_space<vmem_shared>> -> memref<10240x32xf32, #tpu.memory_space<vmem_shared>>
      tpu.wait_indirect_dma semaphore(%arg26 : memref<!tpu.dma_semaphore, #tpu.memory_space<semaphore_mem>>) src(%arg8 : memref<128x32xf32, #tpu.memory_space<vmem>>) dst(%dma_wait3A_738 : memref<10240x32xf32, #tpu.memory_space<vmem_shared>>)
      %dma_start3A_739 = arith.constant 0 : i32
      %dma_start3A_740 = tpu.memref_slice %arg6[%add3A_730, %dma_start3A_739] : memref<81x128xi32, #tpu.memory_space<vmem>> -> memref<1x128xi32, #tpu.memory_space<vmem>>
      %dma_start3A_741 = tpu.memref_squeeze %dma_start3A_740 : memref<1x128xi32, #tpu.memory_space<vmem>> -> memref<128xi32, #tpu.memory_space<vmem>>
      %dma_start3A_742 = arith.constant 0 : i32
      %dma_start3A_743 = arith.constant 0 : i32
      %dma_start3A_744 = tpu.memref_slice %arg36[%dma_start3A_742, %dma_start3A_743] : memref<10240x32xf32, #tpu.memory_space<vmem_shared>> -> memref<10240x32xf32, #tpu.memory_space<vmem_shared>>
      tpu.enqueue_indirect_dma source(%dma_start3A_744 : memref<10240x32xf32, #tpu.memory_space<vmem_shared>>) target(%arg8 : memref<128x32xf32, #tpu.memory_space<vmem>>) offsets(%dma_start3A_741 : memref<128xi32, #tpu.memory_space<vmem>>) semaphore(%arg17 : memref<!tpu.dma_semaphore, #tpu.memory_space<semaphore_mem>>)
      %add3A_745 = arith.constant 6 : i32
      %add3A_746 = arith.addi %mul3A_565, %add3A_745 : i32
      %dma_wait3A_747 = arith.constant 0 : i32
      %dma_wait3A_748 = tpu.memref_slice %arg6[%add3A_746, %dma_wait3A_747] : memref<81x128xi32, #tpu.memory_space<vmem>> -> memref<1x128xi32, #tpu.memory_space<vmem>>
      %dma_wait3A_749 = tpu.memref_squeeze %dma_wait3A_748 : memref<1x128xi32, #tpu.memory_space<vmem>> -> memref<128xi32, #tpu.memory_space<vmem>>
      %dma_wait3A_750 = arith.constant 0 : i32
      %dma_wait3A_751 = arith.constant 0 : i32
      %dma_wait3A_752 = tpu.memref_slice %arg36[%dma_wait3A_750, %dma_wait3A_751] : memref<10240x32xf32, #tpu.memory_space<vmem_shared>> -> memref<10240x32xf32, #tpu.memory_space<vmem_shared>>
      tpu.wait_indirect_dma semaphore(%arg23 : memref<!tpu.dma_semaphore, #tpu.memory_space<semaphore_mem>>) src(%dma_wait3A_752 : memref<10240x32xf32, #tpu.memory_space<vmem_shared>>) dst(%arg14 : memref<128x32xf32, #tpu.memory_space<vmem>>)
      %dma_start3A_753 = arith.constant 0 : i32
      %dma_start3A_754 = tpu.memref_slice %arg7[%add3A_746, %dma_start3A_753] : memref<81x128xi32, #tpu.memory_space<vmem>> -> memref<1x128xi32, #tpu.memory_space<vmem>>
      %dma_start3A_755 = tpu.memref_squeeze %dma_start3A_754 : memref<1x128xi32, #tpu.memory_space<vmem>> -> memref<128xi32, #tpu.memory_space<vmem>>
      %dma_start3A_756 = arith.constant 0 : i32
      %dma_start3A_757 = arith.constant 0 : i32
      %dma_start3A_758 = tpu.memref_slice %arg35[%dma_start3A_756, %dma_start3A_757] : memref<10240x32xf32, #tpu.memory_space<vmem_shared>> -> memref<10240x32xf32, #tpu.memory_space<vmem_shared>>
      tpu.enqueue_indirect_dma source(%arg14 : memref<128x32xf32, #tpu.memory_space<vmem>>) target(%dma_start3A_758 : memref<10240x32xf32, #tpu.memory_space<vmem_shared>>) offsets(%dma_start3A_755 : memref<128xi32, #tpu.memory_space<vmem>>) semaphore(%arg32 : memref<!tpu.dma_semaphore, #tpu.memory_space<semaphore_mem>>) {add = true}
      %add3A_759 = arith.constant 4 : i32
      %add3A_760 = arith.addi %add3A_746, %add3A_759 : i32
      %sub3A_761 = arith.constant 9 : i32
      %sub3A_762 = arith.subi %add3A_760, %sub3A_761 : i32
      %dma_wait3A_763 = arith.constant 0 : i32
      %dma_wait3A_764 = tpu.memref_slice %arg7[%sub3A_762, %dma_wait3A_763] : memref<81x128xi32, #tpu.memory_space<vmem>> -> memref<1x128xi32, #tpu.memory_space<vmem>>
      %dma_wait3A_765 = tpu.memref_squeeze %dma_wait3A_764 : memref<1x128xi32, #tpu.memory_space<vmem>> -> memref<128xi32, #tpu.memory_space<vmem>>
      %dma_wait3A_766 = arith.constant 0 : i32
      %dma_wait3A_767 = arith.constant 0 : i32
      %dma_wait3A_768 = tpu.memref_slice %arg35[%dma_wait3A_766, %dma_wait3A_767] : memref<10240x32xf32, #tpu.memory_space<vmem_shared>> -> memref<10240x32xf32, #tpu.memory_space<vmem_shared>>
      tpu.wait_indirect_dma semaphore(%arg27 : memref<!tpu.dma_semaphore, #tpu.memory_space<semaphore_mem>>) src(%arg9 : memref<128x32xf32, #tpu.memory_space<vmem>>) dst(%dma_wait3A_768 : memref<10240x32xf32, #tpu.memory_space<vmem_shared>>)
      %dma_start3A_769 = arith.constant 0 : i32
      %dma_start3A_770 = tpu.memref_slice %arg6[%add3A_760, %dma_start3A_769] : memref<81x128xi32, #tpu.memory_space<vmem>> -> memref<1x128xi32, #tpu.memory_space<vmem>>
      %dma_start3A_771 = tpu.memref_squeeze %dma_start3A_770 : memref<1x128xi32, #tpu.memory_space<vmem>> -> memref<128xi32, #tpu.memory_space<vmem>>
      %dma_start3A_772 = arith.constant 0 : i32
      %dma_start3A_773 = arith.constant 0 : i32
      %dma_start3A_774 = tpu.memref_slice %arg36[%dma_start3A_772, %dma_start3A_773] : memref<10240x32xf32, #tpu.memory_space<vmem_shared>> -> memref<10240x32xf32, #tpu.memory_space<vmem_shared>>
      tpu.enqueue_indirect_dma source(%dma_start3A_774 : memref<10240x32xf32, #tpu.memory_space<vmem_shared>>) target(%arg9 : memref<128x32xf32, #tpu.memory_space<vmem>>) offsets(%dma_start3A_771 : memref<128xi32, #tpu.memory_space<vmem>>) semaphore(%arg18 : memref<!tpu.dma_semaphore, #tpu.memory_space<semaphore_mem>>)
      %add3A_775 = arith.constant 7 : i32
      %add3A_776 = arith.addi %mul3A_565, %add3A_775 : i32
      %dma_wait3A_777 = arith.constant 0 : i32
      %dma_wait3A_778 = tpu.memref_slice %arg6[%add3A_776, %dma_wait3A_777] : memref<81x128xi32, #tpu.memory_space<vmem>> -> memref<1x128xi32, #tpu.memory_space<vmem>>
      %dma_wait3A_779 = tpu.memref_squeeze %dma_wait3A_778 : memref<1x128xi32, #tpu.memory_space<vmem>> -> memref<128xi32, #tpu.memory_space<vmem>>
      %dma_wait3A_780 = arith.constant 0 : i32
      %dma_wait3A_781 = arith.constant 0 : i32
      %dma_wait3A_782 = tpu.memref_slice %arg36[%dma_wait3A_780, %dma_wait3A_781] : memref<10240x32xf32, #tpu.memory_space<vmem_shared>> -> memref<10240x32xf32, #tpu.memory_space<vmem_shared>>
      tpu.wait_indirect_dma semaphore(%arg24 : memref<!tpu.dma_semaphore, #tpu.memory_space<semaphore_mem>>) src(%dma_wait3A_782 : memref<10240x32xf32, #tpu.memory_space<vmem_shared>>) dst(%arg15 : memref<128x32xf32, #tpu.memory_space<vmem>>)
      %dma_start3A_783 = arith.constant 0 : i32
      %dma_start3A_784 = tpu.memref_slice %arg7[%add3A_776, %dma_start3A_783] : memref<81x128xi32, #tpu.memory_space<vmem>> -> memref<1x128xi32, #tpu.memory_space<vmem>>
      %dma_start3A_785 = tpu.memref_squeeze %dma_start3A_784 : memref<1x128xi32, #tpu.memory_space<vmem>> -> memref<128xi32, #tpu.memory_space<vmem>>
      %dma_start3A_786 = arith.constant 0 : i32
      %dma_start3A_787 = arith.constant 0 : i32
      %dma_start3A_788 = tpu.memref_slice %arg35[%dma_start3A_786, %dma_start3A_787] : memref<10240x32xf32, #tpu.memory_space<vmem_shared>> -> memref<10240x32xf32, #tpu.memory_space<vmem_shared>>
      tpu.enqueue_indirect_dma source(%arg15 : memref<128x32xf32, #tpu.memory_space<vmem>>) target(%dma_start3A_788 : memref<10240x32xf32, #tpu.memory_space<vmem_shared>>) offsets(%dma_start3A_785 : memref<128xi32, #tpu.memory_space<vmem>>) semaphore(%arg33 : memref<!tpu.dma_semaphore, #tpu.memory_space<semaphore_mem>>) {add = true}
      %add3A_789 = arith.constant 4 : i32
      %add3A_790 = arith.addi %add3A_776, %add3A_789 : i32
      %sub3A_791 = arith.constant 9 : i32
      %sub3A_792 = arith.subi %add3A_790, %sub3A_791 : i32
      %dma_wait3A_793 = arith.constant 0 : i32
      %dma_wait3A_794 = tpu.memref_slice %arg7[%sub3A_792, %dma_wait3A_793] : memref<81x128xi32, #tpu.memory_space<vmem>> -> memref<1x128xi32, #tpu.memory_space<vmem>>
      %dma_wait3A_795 = tpu.memref_squeeze %dma_wait3A_794 : memref<1x128xi32, #tpu.memory_space<vmem>> -> memref<128xi32, #tpu.memory_space<vmem>>
      %dma_wait3A_796 = arith.constant 0 : i32
      %dma_wait3A_797 = arith.constant 0 : i32
      %dma_wait3A_798 = tpu.memref_slice %arg35[%dma_wait3A_796, %dma_wait3A_797] : memref<10240x32xf32, #tpu.memory_space<vmem_shared>> -> memref<10240x32xf32, #tpu.memory_space<vmem_shared>>
      tpu.wait_indirect_dma semaphore(%arg28 : memref<!tpu.dma_semaphore, #tpu.memory_space<semaphore_mem>>) src(%arg10 : memref<128x32xf32, #tpu.memory_space<vmem>>) dst(%dma_wait3A_798 : memref<10240x32xf32, #tpu.memory_space<vmem_shared>>)
      %dma_start3A_799 = arith.constant 0 : i32
      %dma_start3A_800 = tpu.memref_slice %arg6[%add3A_790, %dma_start3A_799] : memref<81x128xi32, #tpu.memory_space<vmem>> -> memref<1x128xi32, #tpu.memory_space<vmem>>
      %dma_start3A_801 = tpu.memref_squeeze %dma_start3A_800 : memref<1x128xi32, #tpu.memory_space<vmem>> -> memref<128xi32, #tpu.memory_space<vmem>>
      %dma_start3A_802 = arith.constant 0 : i32
      %dma_start3A_803 = arith.constant 0 : i32
      %dma_start3A_804 = tpu.memref_slice %arg36[%dma_start3A_802, %dma_start3A_803] : memref<10240x32xf32, #tpu.memory_space<vmem_shared>> -> memref<10240x32xf32, #tpu.memory_space<vmem_shared>>
      tpu.enqueue_indirect_dma source(%dma_start3A_804 : memref<10240x32xf32, #tpu.memory_space<vmem_shared>>) target(%arg10 : memref<128x32xf32, #tpu.memory_space<vmem>>) offsets(%dma_start3A_801 : memref<128xi32, #tpu.memory_space<vmem>>) semaphore(%arg19 : memref<!tpu.dma_semaphore, #tpu.memory_space<semaphore_mem>>)
      %add3A_805 = arith.constant 8 : i32
      %add3A_806 = arith.addi %mul3A_565, %add3A_805 : i32
      %dma_wait3A_807 = arith.constant 0 : i32
      %dma_wait3A_808 = tpu.memref_slice %arg6[%add3A_806, %dma_wait3A_807] : memref<81x128xi32, #tpu.memory_space<vmem>> -> memref<1x128xi32, #tpu.memory_space<vmem>>
      %dma_wait3A_809 = tpu.memref_squeeze %dma_wait3A_808 : memref<1x128xi32, #tpu.memory_space<vmem>> -> memref<128xi32, #tpu.memory_space<vmem>>
      %dma_wait3A_810 = arith.constant 0 : i32
      %dma_wait3A_811 = arith.constant 0 : i32
      %dma_wait3A_812 = tpu.memref_slice %arg36[%dma_wait3A_810, %dma_wait3A_811] : memref<10240x32xf32, #tpu.memory_space<vmem_shared>> -> memref<10240x32xf32, #tpu.memory_space<vmem_shared>>
      tpu.wait_indirect_dma semaphore(%arg25 : memref<!tpu.dma_semaphore, #tpu.memory_space<semaphore_mem>>) src(%dma_wait3A_812 : memref<10240x32xf32, #tpu.memory_space<vmem_shared>>) dst(%arg16 : memref<128x32xf32, #tpu.memory_space<vmem>>)
      %dma_start3A_813 = arith.constant 0 : i32
      %dma_start3A_814 = tpu.memref_slice %arg7[%add3A_806, %dma_start3A_813] : memref<81x128xi32, #tpu.memory_space<vmem>> -> memref<1x128xi32, #tpu.memory_space<vmem>>
      %dma_start3A_815 = tpu.memref_squeeze %dma_start3A_814 : memref<1x128xi32, #tpu.memory_space<vmem>> -> memref<128xi32, #tpu.memory_space<vmem>>
      %dma_start3A_816 = arith.constant 0 : i32
      %dma_start3A_817 = arith.constant 0 : i32
      %dma_start3A_818 = tpu.memref_slice %arg35[%dma_start3A_816, %dma_start3A_817] : memref<10240x32xf32, #tpu.memory_space<vmem_shared>> -> memref<10240x32xf32, #tpu.memory_space<vmem_shared>>
      tpu.enqueue_indirect_dma source(%arg16 : memref<128x32xf32, #tpu.memory_space<vmem>>) target(%dma_start3A_818 : memref<10240x32xf32, #tpu.memory_space<vmem_shared>>) offsets(%dma_start3A_815 : memref<128xi32, #tpu.memory_space<vmem>>) semaphore(%arg34 : memref<!tpu.dma_semaphore, #tpu.memory_space<semaphore_mem>>) {add = true}
      %add3A_819 = arith.constant 4 : i32
      %add3A_820 = arith.addi %add3A_806, %add3A_819 : i32
      %sub3A_821 = arith.constant 9 : i32
      %sub3A_822 = arith.subi %add3A_820, %sub3A_821 : i32
      %dma_wait3A_823 = arith.constant 0 : i32
      %dma_wait3A_824 = tpu.memref_slice %arg7[%sub3A_822, %dma_wait3A_823] : memref<81x128xi32, #tpu.memory_space<vmem>> -> memref<1x128xi32, #tpu.memory_space<vmem>>
      %dma_wait3A_825 = tpu.memref_squeeze %dma_wait3A_824 : memref<1x128xi32, #tpu.memory_space<vmem>> -> memref<128xi32, #tpu.memory_space<vmem>>
      %dma_wait3A_826 = arith.constant 0 : i32
      %dma_wait3A_827 = arith.constant 0 : i32
      %dma_wait3A_828 = tpu.memref_slice %arg35[%dma_wait3A_826, %dma_wait3A_827] : memref<10240x32xf32, #tpu.memory_space<vmem_shared>> -> memref<10240x32xf32, #tpu.memory_space<vmem_shared>>
      tpu.wait_indirect_dma semaphore(%arg29 : memref<!tpu.dma_semaphore, #tpu.memory_space<semaphore_mem>>) src(%arg11 : memref<128x32xf32, #tpu.memory_space<vmem>>) dst(%dma_wait3A_828 : memref<10240x32xf32, #tpu.memory_space<vmem_shared>>)
      %dma_start3A_829 = arith.constant 0 : i32
      %dma_start3A_830 = tpu.memref_slice %arg6[%add3A_820, %dma_start3A_829] : memref<81x128xi32, #tpu.memory_space<vmem>> -> memref<1x128xi32, #tpu.memory_space<vmem>>
      %dma_start3A_831 = tpu.memref_squeeze %dma_start3A_830 : memref<1x128xi32, #tpu.memory_space<vmem>> -> memref<128xi32, #tpu.memory_space<vmem>>
      %dma_start3A_832 = arith.constant 0 : i32
      %dma_start3A_833 = arith.constant 0 : i32
      %dma_start3A_834 = tpu.memref_slice %arg36[%dma_start3A_832, %dma_start3A_833] : memref<10240x32xf32, #tpu.memory_space<vmem_shared>> -> memref<10240x32xf32, #tpu.memory_space<vmem_shared>>
      tpu.enqueue_indirect_dma source(%dma_start3A_834 : memref<10240x32xf32, #tpu.memory_space<vmem_shared>>) target(%arg11 : memref<128x32xf32, #tpu.memory_space<vmem>>) offsets(%dma_start3A_831 : memref<128xi32, #tpu.memory_space<vmem>>) semaphore(%arg20 : memref<!tpu.dma_semaphore, #tpu.memory_space<semaphore_mem>>)
    }
    %scan3A_302 = arith.constant 7 : i32
    %dma_wait3A_303 = arith.constant 72 : i32
    %dma_wait3A_304 = arith.constant 0 : i32
    %dma_wait3A_305 = tpu.memref_slice %arg6[%dma_wait3A_303, %dma_wait3A_304] : memref<81x128xi32, #tpu.memory_space<vmem>> -> memref<1x128xi32, #tpu.memory_space<vmem>>
    %dma_wait3A_306 = tpu.memref_squeeze %dma_wait3A_305 : memref<1x128xi32, #tpu.memory_space<vmem>> -> memref<128xi32, #tpu.memory_space<vmem>>
    %dma_wait3A_307 = arith.constant 0 : i32
    %dma_wait3A_308 = arith.constant 0 : i32
    %dma_wait3A_309 = tpu.memref_slice %arg36[%dma_wait3A_307, %dma_wait3A_308] : memref<10240x32xf32, #tpu.memory_space<vmem_shared>> -> memref<10240x32xf32, #tpu.memory_space<vmem_shared>>
    tpu.wait_indirect_dma semaphore(%arg17 : memref<!tpu.dma_semaphore, #tpu.memory_space<semaphore_mem>>) src(%dma_wait3A_309 : memref<10240x32xf32, #tpu.memory_space<vmem_shared>>) dst(%arg8 : memref<128x32xf32, #tpu.memory_space<vmem>>)
    %dma_start3A_310 = arith.constant 72 : i32
    %dma_start3A_311 = arith.constant 0 : i32
    %dma_start3A_312 = tpu.memref_slice %arg7[%dma_start3A_310, %dma_start3A_311] : memref<81x128xi32, #tpu.memory_space<vmem>> -> memref<1x128xi32, #tpu.memory_space<vmem>>
    %dma_start3A_313 = tpu.memref_squeeze %dma_start3A_312 : memref<1x128xi32, #tpu.memory_space<vmem>> -> memref<128xi32, #tpu.memory_space<vmem>>
    %dma_start3A_314 = arith.constant 0 : i32
    %dma_start3A_315 = arith.constant 0 : i32
    %dma_start3A_316 = tpu.memref_slice %arg35[%dma_start3A_314, %dma_start3A_315] : memref<10240x32xf32, #tpu.memory_space<vmem_shared>> -> memref<10240x32xf32, #tpu.memory_space<vmem_shared>>
    tpu.enqueue_indirect_dma source(%arg8 : memref<128x32xf32, #tpu.memory_space<vmem>>) target(%dma_start3A_316 : memref<10240x32xf32, #tpu.memory_space<vmem_shared>>) offsets(%dma_start3A_313 : memref<128xi32, #tpu.memory_space<vmem>>) semaphore(%arg26 : memref<!tpu.dma_semaphore, #tpu.memory_space<semaphore_mem>>) {add = true}
    %dma_wait3A_317 = arith.constant 67 : i32
    %dma_wait3A_318 = arith.constant 0 : i32
    %dma_wait3A_319 = tpu.memref_slice %arg7[%dma_wait3A_317, %dma_wait3A_318] : memref<81x128xi32, #tpu.memory_space<vmem>> -> memref<1x128xi32, #tpu.memory_space<vmem>>
    %dma_wait3A_320 = tpu.memref_squeeze %dma_wait3A_319 : memref<1x128xi32, #tpu.memory_space<vmem>> -> memref<128xi32, #tpu.memory_space<vmem>>
    %dma_wait3A_321 = arith.constant 0 : i32
    %dma_wait3A_322 = arith.constant 0 : i32
    %dma_wait3A_323 = tpu.memref_slice %arg35[%dma_wait3A_321, %dma_wait3A_322] : memref<10240x32xf32, #tpu.memory_space<vmem_shared>> -> memref<10240x32xf32, #tpu.memory_space<vmem_shared>>
    tpu.wait_indirect_dma semaphore(%arg30 : memref<!tpu.dma_semaphore, #tpu.memory_space<semaphore_mem>>) src(%arg12 : memref<128x32xf32, #tpu.memory_space<vmem>>) dst(%dma_wait3A_323 : memref<10240x32xf32, #tpu.memory_space<vmem_shared>>)
    %dma_start3A_324 = arith.constant 76 : i32
    %dma_start3A_325 = arith.constant 0 : i32
    %dma_start3A_326 = tpu.memref_slice %arg6[%dma_start3A_324, %dma_start3A_325] : memref<81x128xi32, #tpu.memory_space<vmem>> -> memref<1x128xi32, #tpu.memory_space<vmem>>
    %dma_start3A_327 = tpu.memref_squeeze %dma_start3A_326 : memref<1x128xi32, #tpu.memory_space<vmem>> -> memref<128xi32, #tpu.memory_space<vmem>>
    %dma_start3A_328 = arith.constant 0 : i32
    %dma_start3A_329 = arith.constant 0 : i32
    %dma_start3A_330 = tpu.memref_slice %arg36[%dma_start3A_328, %dma_start3A_329] : memref<10240x32xf32, #tpu.memory_space<vmem_shared>> -> memref<10240x32xf32, #tpu.memory_space<vmem_shared>>
    tpu.enqueue_indirect_dma source(%dma_start3A_330 : memref<10240x32xf32, #tpu.memory_space<vmem_shared>>) target(%arg12 : memref<128x32xf32, #tpu.memory_space<vmem>>) offsets(%dma_start3A_327 : memref<128xi32, #tpu.memory_space<vmem>>) semaphore(%arg21 : memref<!tpu.dma_semaphore, #tpu.memory_space<semaphore_mem>>)
    %dma_wait3A_331 = arith.constant 73 : i32
    %dma_wait3A_332 = arith.constant 0 : i32
    %dma_wait3A_333 = tpu.memref_slice %arg6[%dma_wait3A_331, %dma_wait3A_332] : memref<81x128xi32, #tpu.memory_space<vmem>> -> memref<1x128xi32, #tpu.memory_space<vmem>>
    %dma_wait3A_334 = tpu.memref_squeeze %dma_wait3A_333 : memref<1x128xi32, #tpu.memory_space<vmem>> -> memref<128xi32, #tpu.memory_space<vmem>>
    %dma_wait3A_335 = arith.constant 0 : i32
    %dma_wait3A_336 = arith.constant 0 : i32
    %dma_wait3A_337 = tpu.memref_slice %arg36[%dma_wait3A_335, %dma_wait3A_336] : memref<10240x32xf32, #tpu.memory_space<vmem_shared>> -> memref<10240x32xf32, #tpu.memory_space<vmem_shared>>
    tpu.wait_indirect_dma semaphore(%arg18 : memref<!tpu.dma_semaphore, #tpu.memory_space<semaphore_mem>>) src(%dma_wait3A_337 : memref<10240x32xf32, #tpu.memory_space<vmem_shared>>) dst(%arg9 : memref<128x32xf32, #tpu.memory_space<vmem>>)
    %dma_start3A_338 = arith.constant 73 : i32
    %dma_start3A_339 = arith.constant 0 : i32
    %dma_start3A_340 = tpu.memref_slice %arg7[%dma_start3A_338, %dma_start3A_339] : memref<81x128xi32, #tpu.memory_space<vmem>> -> memref<1x128xi32, #tpu.memory_space<vmem>>
    %dma_start3A_341 = tpu.memref_squeeze %dma_start3A_340 : memref<1x128xi32, #tpu.memory_space<vmem>> -> memref<128xi32, #tpu.memory_space<vmem>>
    %dma_start3A_342 = arith.constant 0 : i32
    %dma_start3A_343 = arith.constant 0 : i32
    %dma_start3A_344 = tpu.memref_slice %arg35[%dma_start3A_342, %dma_start3A_343] : memref<10240x32xf32, #tpu.memory_space<vmem_shared>> -> memref<10240x32xf32, #tpu.memory_space<vmem_shared>>
    tpu.enqueue_indirect_dma source(%arg9 : memref<128x32xf32, #tpu.memory_space<vmem>>) target(%dma_start3A_344 : memref<10240x32xf32, #tpu.memory_space<vmem_shared>>) offsets(%dma_start3A_341 : memref<128xi32, #tpu.memory_space<vmem>>) semaphore(%arg27 : memref<!tpu.dma_semaphore, #tpu.memory_space<semaphore_mem>>) {add = true}
    %dma_wait3A_345 = arith.constant 68 : i32
    %dma_wait3A_346 = arith.constant 0 : i32
    %dma_wait3A_347 = tpu.memref_slice %arg7[%dma_wait3A_345, %dma_wait3A_346] : memref<81x128xi32, #tpu.memory_space<vmem>> -> memref<1x128xi32, #tpu.memory_space<vmem>>
    %dma_wait3A_348 = tpu.memref_squeeze %dma_wait3A_347 : memref<1x128xi32, #tpu.memory_space<vmem>> -> memref<128xi32, #tpu.memory_space<vmem>>
    %dma_wait3A_349 = arith.constant 0 : i32
    %dma_wait3A_350 = arith.constant 0 : i32
    %dma_wait3A_351 = tpu.memref_slice %arg35[%dma_wait3A_349, %dma_wait3A_350] : memref<10240x32xf32, #tpu.memory_space<vmem_shared>> -> memref<10240x32xf32, #tpu.memory_space<vmem_shared>>
    tpu.wait_indirect_dma semaphore(%arg31 : memref<!tpu.dma_semaphore, #tpu.memory_space<semaphore_mem>>) src(%arg13 : memref<128x32xf32, #tpu.memory_space<vmem>>) dst(%dma_wait3A_351 : memref<10240x32xf32, #tpu.memory_space<vmem_shared>>)
    %dma_start3A_352 = arith.constant 77 : i32
    %dma_start3A_353 = arith.constant 0 : i32
    %dma_start3A_354 = tpu.memref_slice %arg6[%dma_start3A_352, %dma_start3A_353] : memref<81x128xi32, #tpu.memory_space<vmem>> -> memref<1x128xi32, #tpu.memory_space<vmem>>
    %dma_start3A_355 = tpu.memref_squeeze %dma_start3A_354 : memref<1x128xi32, #tpu.memory_space<vmem>> -> memref<128xi32, #tpu.memory_space<vmem>>
    %dma_start3A_356 = arith.constant 0 : i32
    %dma_start3A_357 = arith.constant 0 : i32
    %dma_start3A_358 = tpu.memref_slice %arg36[%dma_start3A_356, %dma_start3A_357] : memref<10240x32xf32, #tpu.memory_space<vmem_shared>> -> memref<10240x32xf32, #tpu.memory_space<vmem_shared>>
    tpu.enqueue_indirect_dma source(%dma_start3A_358 : memref<10240x32xf32, #tpu.memory_space<vmem_shared>>) target(%arg13 : memref<128x32xf32, #tpu.memory_space<vmem>>) offsets(%dma_start3A_355 : memref<128xi32, #tpu.memory_space<vmem>>) semaphore(%arg22 : memref<!tpu.dma_semaphore, #tpu.memory_space<semaphore_mem>>)
    %dma_wait3A_359 = arith.constant 74 : i32
    %dma_wait3A_360 = arith.constant 0 : i32
    %dma_wait3A_361 = tpu.memref_slice %arg6[%dma_wait3A_359, %dma_wait3A_360] : memref<81x128xi32, #tpu.memory_space<vmem>> -> memref<1x128xi32, #tpu.memory_space<vmem>>
    %dma_wait3A_362 = tpu.memref_squeeze %dma_wait3A_361 : memref<1x128xi32, #tpu.memory_space<vmem>> -> memref<128xi32, #tpu.memory_space<vmem>>
    %dma_wait3A_363 = arith.constant 0 : i32
    %dma_wait3A_364 = arith.constant 0 : i32
    %dma_wait3A_365 = tpu.memref_slice %arg36[%dma_wait3A_363, %dma_wait3A_364] : memref<10240x32xf32, #tpu.memory_space<vmem_shared>> -> memref<10240x32xf32, #tpu.memory_space<vmem_shared>>
    tpu.wait_indirect_dma semaphore(%arg19 : memref<!tpu.dma_semaphore, #tpu.memory_space<semaphore_mem>>) src(%dma_wait3A_365 : memref<10240x32xf32, #tpu.memory_space<vmem_shared>>) dst(%arg10 : memref<128x32xf32, #tpu.memory_space<vmem>>)
    %dma_start3A_366 = arith.constant 74 : i32
    %dma_start3A_367 = arith.constant 0 : i32
    %dma_start3A_368 = tpu.memref_slice %arg7[%dma_start3A_366, %dma_start3A_367] : memref<81x128xi32, #tpu.memory_space<vmem>> -> memref<1x128xi32, #tpu.memory_space<vmem>>
    %dma_start3A_369 = tpu.memref_squeeze %dma_start3A_368 : memref<1x128xi32, #tpu.memory_space<vmem>> -> memref<128xi32, #tpu.memory_space<vmem>>
    %dma_start3A_370 = arith.constant 0 : i32
    %dma_start3A_371 = arith.constant 0 : i32
    %dma_start3A_372 = tpu.memref_slice %arg35[%dma_start3A_370, %dma_start3A_371] : memref<10240x32xf32, #tpu.memory_space<vmem_shared>> -> memref<10240x32xf32, #tpu.memory_space<vmem_shared>>
    tpu.enqueue_indirect_dma source(%arg10 : memref<128x32xf32, #tpu.memory_space<vmem>>) target(%dma_start3A_372 : memref<10240x32xf32, #tpu.memory_space<vmem_shared>>) offsets(%dma_start3A_369 : memref<128xi32, #tpu.memory_space<vmem>>) semaphore(%arg28 : memref<!tpu.dma_semaphore, #tpu.memory_space<semaphore_mem>>) {add = true}
    %dma_wait3A_373 = arith.constant 69 : i32
    %dma_wait3A_374 = arith.constant 0 : i32
    %dma_wait3A_375 = tpu.memref_slice %arg7[%dma_wait3A_373, %dma_wait3A_374] : memref<81x128xi32, #tpu.memory_space<vmem>> -> memref<1x128xi32, #tpu.memory_space<vmem>>
    %dma_wait3A_376 = tpu.memref_squeeze %dma_wait3A_375 : memref<1x128xi32, #tpu.memory_space<vmem>> -> memref<128xi32, #tpu.memory_space<vmem>>
    %dma_wait3A_377 = arith.constant 0 : i32
    %dma_wait3A_378 = arith.constant 0 : i32
    %dma_wait3A_379 = tpu.memref_slice %arg35[%dma_wait3A_377, %dma_wait3A_378] : memref<10240x32xf32, #tpu.memory_space<vmem_shared>> -> memref<10240x32xf32, #tpu.memory_space<vmem_shared>>
    tpu.wait_indirect_dma semaphore(%arg32 : memref<!tpu.dma_semaphore, #tpu.memory_space<semaphore_mem>>) src(%arg14 : memref<128x32xf32, #tpu.memory_space<vmem>>) dst(%dma_wait3A_379 : memref<10240x32xf32, #tpu.memory_space<vmem_shared>>)
    %dma_start3A_380 = arith.constant 78 : i32
    %dma_start3A_381 = arith.constant 0 : i32
    %dma_start3A_382 = tpu.memref_slice %arg6[%dma_start3A_380, %dma_start3A_381] : memref<81x128xi32, #tpu.memory_space<vmem>> -> memref<1x128xi32, #tpu.memory_space<vmem>>
    %dma_start3A_383 = tpu.memref_squeeze %dma_start3A_382 : memref<1x128xi32, #tpu.memory_space<vmem>> -> memref<128xi32, #tpu.memory_space<vmem>>
    %dma_start3A_384 = arith.constant 0 : i32
    %dma_start3A_385 = arith.constant 0 : i32
    %dma_start3A_386 = tpu.memref_slice %arg36[%dma_start3A_384, %dma_start3A_385] : memref<10240x32xf32, #tpu.memory_space<vmem_shared>> -> memref<10240x32xf32, #tpu.memory_space<vmem_shared>>
    tpu.enqueue_indirect_dma source(%dma_start3A_386 : memref<10240x32xf32, #tpu.memory_space<vmem_shared>>) target(%arg14 : memref<128x32xf32, #tpu.memory_space<vmem>>) offsets(%dma_start3A_383 : memref<128xi32, #tpu.memory_space<vmem>>) semaphore(%arg23 : memref<!tpu.dma_semaphore, #tpu.memory_space<semaphore_mem>>)
    %dma_wait3A_387 = arith.constant 75 : i32
    %dma_wait3A_388 = arith.constant 0 : i32
    %dma_wait3A_389 = tpu.memref_slice %arg6[%dma_wait3A_387, %dma_wait3A_388] : memref<81x128xi32, #tpu.memory_space<vmem>> -> memref<1x128xi32, #tpu.memory_space<vmem>>
    %dma_wait3A_390 = tpu.memref_squeeze %dma_wait3A_389 : memref<1x128xi32, #tpu.memory_space<vmem>> -> memref<128xi32, #tpu.memory_space<vmem>>
    %dma_wait3A_391 = arith.constant 0 : i32
    %dma_wait3A_392 = arith.constant 0 : i32
    %dma_wait3A_393 = tpu.memref_slice %arg36[%dma_wait3A_391, %dma_wait3A_392] : memref<10240x32xf32, #tpu.memory_space<vmem_shared>> -> memref<10240x32xf32, #tpu.memory_space<vmem_shared>>
    tpu.wait_indirect_dma semaphore(%arg20 : memref<!tpu.dma_semaphore, #tpu.memory_space<semaphore_mem>>) src(%dma_wait3A_393 : memref<10240x32xf32, #tpu.memory_space<vmem_shared>>) dst(%arg11 : memref<128x32xf32, #tpu.memory_space<vmem>>)
    %dma_start3A_394 = arith.constant 75 : i32
    %dma_start3A_395 = arith.constant 0 : i32
    %dma_start3A_396 = tpu.memref_slice %arg7[%dma_start3A_394, %dma_start3A_395] : memref<81x128xi32, #tpu.memory_space<vmem>> -> memref<1x128xi32, #tpu.memory_space<vmem>>
    %dma_start3A_397 = tpu.memref_squeeze %dma_start3A_396 : memref<1x128xi32, #tpu.memory_space<vmem>> -> memref<128xi32, #tpu.memory_space<vmem>>
    %dma_start3A_398 = arith.constant 0 : i32
    %dma_start3A_399 = arith.constant 0 : i32
    %dma_start3A_400 = tpu.memref_slice %arg35[%dma_start3A_398, %dma_start3A_399] : memref<10240x32xf32, #tpu.memory_space<vmem_shared>> -> memref<10240x32xf32, #tpu.memory_space<vmem_shared>>
    tpu.enqueue_indirect_dma source(%arg11 : memref<128x32xf32, #tpu.memory_space<vmem>>) target(%dma_start3A_400 : memref<10240x32xf32, #tpu.memory_space<vmem_shared>>) offsets(%dma_start3A_397 : memref<128xi32, #tpu.memory_space<vmem>>) semaphore(%arg29 : memref<!tpu.dma_semaphore, #tpu.memory_space<semaphore_mem>>) {add = true}
    %dma_wait3A_401 = arith.constant 70 : i32
    %dma_wait3A_402 = arith.constant 0 : i32
    %dma_wait3A_403 = tpu.memref_slice %arg7[%dma_wait3A_401, %dma_wait3A_402] : memref<81x128xi32, #tpu.memory_space<vmem>> -> memref<1x128xi32, #tpu.memory_space<vmem>>
    %dma_wait3A_404 = tpu.memref_squeeze %dma_wait3A_403 : memref<1x128xi32, #tpu.memory_space<vmem>> -> memref<128xi32, #tpu.memory_space<vmem>>
    %dma_wait3A_405 = arith.constant 0 : i32
    %dma_wait3A_406 = arith.constant 0 : i32
    %dma_wait3A_407 = tpu.memref_slice %arg35[%dma_wait3A_405, %dma_wait3A_406] : memref<10240x32xf32, #tpu.memory_space<vmem_shared>> -> memref<10240x32xf32, #tpu.memory_space<vmem_shared>>
    tpu.wait_indirect_dma semaphore(%arg33 : memref<!tpu.dma_semaphore, #tpu.memory_space<semaphore_mem>>) src(%arg15 : memref<128x32xf32, #tpu.memory_space<vmem>>) dst(%dma_wait3A_407 : memref<10240x32xf32, #tpu.memory_space<vmem_shared>>)
    %dma_start3A_408 = arith.constant 79 : i32
    %dma_start3A_409 = arith.constant 0 : i32
    %dma_start3A_410 = tpu.memref_slice %arg6[%dma_start3A_408, %dma_start3A_409] : memref<81x128xi32, #tpu.memory_space<vmem>> -> memref<1x128xi32, #tpu.memory_space<vmem>>
    %dma_start3A_411 = tpu.memref_squeeze %dma_start3A_410 : memref<1x128xi32, #tpu.memory_space<vmem>> -> memref<128xi32, #tpu.memory_space<vmem>>
    %dma_start3A_412 = arith.constant 0 : i32
    %dma_start3A_413 = arith.constant 0 : i32
    %dma_start3A_414 = tpu.memref_slice %arg36[%dma_start3A_412, %dma_start3A_413] : memref<10240x32xf32, #tpu.memory_space<vmem_shared>> -> memref<10240x32xf32, #tpu.memory_space<vmem_shared>>
    tpu.enqueue_indirect_dma source(%dma_start3A_414 : memref<10240x32xf32, #tpu.memory_space<vmem_shared>>) target(%arg15 : memref<128x32xf32, #tpu.memory_space<vmem>>) offsets(%dma_start3A_411 : memref<128xi32, #tpu.memory_space<vmem>>) semaphore(%arg24 : memref<!tpu.dma_semaphore, #tpu.memory_space<semaphore_mem>>)
    %dma_wait3A_415 = arith.constant 76 : i32
    %dma_wait3A_416 = arith.constant 0 : i32
    %dma_wait3A_417 = tpu.memref_slice %arg6[%dma_wait3A_415, %dma_wait3A_416] : memref<81x128xi32, #tpu.memory_space<vmem>> -> memref<1x128xi32, #tpu.memory_space<vmem>>
    %dma_wait3A_418 = tpu.memref_squeeze %dma_wait3A_417 : memref<1x128xi32, #tpu.memory_space<vmem>> -> memref<128xi32, #tpu.memory_space<vmem>>
    %dma_wait3A_419 = arith.constant 0 : i32
    %dma_wait3A_420 = arith.constant 0 : i32
    %dma_wait3A_421 = tpu.memref_slice %arg36[%dma_wait3A_419, %dma_wait3A_420] : memref<10240x32xf32, #tpu.memory_space<vmem_shared>> -> memref<10240x32xf32, #tpu.memory_space<vmem_shared>>
    tpu.wait_indirect_dma semaphore(%arg21 : memref<!tpu.dma_semaphore, #tpu.memory_space<semaphore_mem>>) src(%dma_wait3A_421 : memref<10240x32xf32, #tpu.memory_space<vmem_shared>>) dst(%arg12 : memref<128x32xf32, #tpu.memory_space<vmem>>)
    %dma_start3A_422 = arith.constant 76 : i32
    %dma_start3A_423 = arith.constant 0 : i32
    %dma_start3A_424 = tpu.memref_slice %arg7[%dma_start3A_422, %dma_start3A_423] : memref<81x128xi32, #tpu.memory_space<vmem>> -> memref<1x128xi32, #tpu.memory_space<vmem>>
    %dma_start3A_425 = tpu.memref_squeeze %dma_start3A_424 : memref<1x128xi32, #tpu.memory_space<vmem>> -> memref<128xi32, #tpu.memory_space<vmem>>
    %dma_start3A_426 = arith.constant 0 : i32
    %dma_start3A_427 = arith.constant 0 : i32
    %dma_start3A_428 = tpu.memref_slice %arg35[%dma_start3A_426, %dma_start3A_427] : memref<10240x32xf32, #tpu.memory_space<vmem_shared>> -> memref<10240x32xf32, #tpu.memory_space<vmem_shared>>
    tpu.enqueue_indirect_dma source(%arg12 : memref<128x32xf32, #tpu.memory_space<vmem>>) target(%dma_start3A_428 : memref<10240x32xf32, #tpu.memory_space<vmem_shared>>) offsets(%dma_start3A_425 : memref<128xi32, #tpu.memory_space<vmem>>) semaphore(%arg30 : memref<!tpu.dma_semaphore, #tpu.memory_space<semaphore_mem>>) {add = true}
    %dma_wait3A_429 = arith.constant 71 : i32
    %dma_wait3A_430 = arith.constant 0 : i32
    %dma_wait3A_431 = tpu.memref_slice %arg7[%dma_wait3A_429, %dma_wait3A_430] : memref<81x128xi32, #tpu.memory_space<vmem>> -> memref<1x128xi32, #tpu.memory_space<vmem>>
    %dma_wait3A_432 = tpu.memref_squeeze %dma_wait3A_431 : memref<1x128xi32, #tpu.memory_space<vmem>> -> memref<128xi32, #tpu.memory_space<vmem>>
    %dma_wait3A_433 = arith.constant 0 : i32
    %dma_wait3A_434 = arith.constant 0 : i32
    %dma_wait3A_435 = tpu.memref_slice %arg35[%dma_wait3A_433, %dma_wait3A_434] : memref<10240x32xf32, #tpu.memory_space<vmem_shared>> -> memref<10240x32xf32, #tpu.memory_space<vmem_shared>>
    tpu.wait_indirect_dma semaphore(%arg34 : memref<!tpu.dma_semaphore, #tpu.memory_space<semaphore_mem>>) src(%arg16 : memref<128x32xf32, #tpu.memory_space<vmem>>) dst(%dma_wait3A_435 : memref<10240x32xf32, #tpu.memory_space<vmem_shared>>)
    %dma_start3A_436 = arith.constant 80 : i32
    %dma_start3A_437 = arith.constant 0 : i32
    %dma_start3A_438 = tpu.memref_slice %arg6[%dma_start3A_436, %dma_start3A_437] : memref<81x128xi32, #tpu.memory_space<vmem>> -> memref<1x128xi32, #tpu.memory_space<vmem>>
    %dma_start3A_439 = tpu.memref_squeeze %dma_start3A_438 : memref<1x128xi32, #tpu.memory_space<vmem>> -> memref<128xi32, #tpu.memory_space<vmem>>
    %dma_start3A_440 = arith.constant 0 : i32
    %dma_start3A_441 = arith.constant 0 : i32
    %dma_start3A_442 = tpu.memref_slice %arg36[%dma_start3A_440, %dma_start3A_441] : memref<10240x32xf32, #tpu.memory_space<vmem_shared>> -> memref<10240x32xf32, #tpu.memory_space<vmem_shared>>
    tpu.enqueue_indirect_dma source(%dma_start3A_442 : memref<10240x32xf32, #tpu.memory_space<vmem_shared>>) target(%arg16 : memref<128x32xf32, #tpu.memory_space<vmem>>) offsets(%dma_start3A_439 : memref<128xi32, #tpu.memory_space<vmem>>) semaphore(%arg25 : memref<!tpu.dma_semaphore, #tpu.memory_space<semaphore_mem>>)
    %dma_wait3A_443 = arith.constant 77 : i32
    %dma_wait3A_444 = arith.constant 0 : i32
    %dma_wait3A_445 = tpu.memref_slice %arg6[%dma_wait3A_443, %dma_wait3A_444] : memref<81x128xi32, #tpu.memory_space<vmem>> -> memref<1x128xi32, #tpu.memory_space<vmem>>
    %dma_wait3A_446 = tpu.memref_squeeze %dma_wait3A_445 : memref<1x128xi32, #tpu.memory_space<vmem>> -> memref<128xi32, #tpu.memory_space<vmem>>
    %dma_wait3A_447 = arith.constant 0 : i32
    %dma_wait3A_448 = arith.constant 0 : i32
    %dma_wait3A_449 = tpu.memref_slice %arg36[%dma_wait3A_447, %dma_wait3A_448] : memref<10240x32xf32, #tpu.memory_space<vmem_shared>> -> memref<10240x32xf32, #tpu.memory_space<vmem_shared>>
    tpu.wait_indirect_dma semaphore(%arg22 : memref<!tpu.dma_semaphore, #tpu.memory_space<semaphore_mem>>) src(%dma_wait3A_449 : memref<10240x32xf32, #tpu.memory_space<vmem_shared>>) dst(%arg13 : memref<128x32xf32, #tpu.memory_space<vmem>>)
    %dma_start3A_450 = arith.constant 77 : i32
    %dma_start3A_451 = arith.constant 0 : i32
    %dma_start3A_452 = tpu.memref_slice %arg7[%dma_start3A_450, %dma_start3A_451] : memref<81x128xi32, #tpu.memory_space<vmem>> -> memref<1x128xi32, #tpu.memory_space<vmem>>
    %dma_start3A_453 = tpu.memref_squeeze %dma_start3A_452 : memref<1x128xi32, #tpu.memory_space<vmem>> -> memref<128xi32, #tpu.memory_space<vmem>>
    %dma_start3A_454 = arith.constant 0 : i32
    %dma_start3A_455 = arith.constant 0 : i32
    %dma_start3A_456 = tpu.memref_slice %arg35[%dma_start3A_454, %dma_start3A_455] : memref<10240x32xf32, #tpu.memory_space<vmem_shared>> -> memref<10240x32xf32, #tpu.memory_space<vmem_shared>>
    tpu.enqueue_indirect_dma source(%arg13 : memref<128x32xf32, #tpu.memory_space<vmem>>) target(%dma_start3A_456 : memref<10240x32xf32, #tpu.memory_space<vmem_shared>>) offsets(%dma_start3A_453 : memref<128xi32, #tpu.memory_space<vmem>>) semaphore(%arg31 : memref<!tpu.dma_semaphore, #tpu.memory_space<semaphore_mem>>) {add = true}
    %dma_wait3A_457 = arith.constant 78 : i32
    %dma_wait3A_458 = arith.constant 0 : i32
    %dma_wait3A_459 = tpu.memref_slice %arg6[%dma_wait3A_457, %dma_wait3A_458] : memref<81x128xi32, #tpu.memory_space<vmem>> -> memref<1x128xi32, #tpu.memory_space<vmem>>
    %dma_wait3A_460 = tpu.memref_squeeze %dma_wait3A_459 : memref<1x128xi32, #tpu.memory_space<vmem>> -> memref<128xi32, #tpu.memory_space<vmem>>
    %dma_wait3A_461 = arith.constant 0 : i32
    %dma_wait3A_462 = arith.constant 0 : i32
    %dma_wait3A_463 = tpu.memref_slice %arg36[%dma_wait3A_461, %dma_wait3A_462] : memref<10240x32xf32, #tpu.memory_space<vmem_shared>> -> memref<10240x32xf32, #tpu.memory_space<vmem_shared>>
    tpu.wait_indirect_dma semaphore(%arg23 : memref<!tpu.dma_semaphore, #tpu.memory_space<semaphore_mem>>) src(%dma_wait3A_463 : memref<10240x32xf32, #tpu.memory_space<vmem_shared>>) dst(%arg14 : memref<128x32xf32, #tpu.memory_space<vmem>>)
    %dma_start3A_464 = arith.constant 78 : i32
    %dma_start3A_465 = arith.constant 0 : i32
    %dma_start3A_466 = tpu.memref_slice %arg7[%dma_start3A_464, %dma_start3A_465] : memref<81x128xi32, #tpu.memory_space<vmem>> -> memref<1x128xi32, #tpu.memory_space<vmem>>
    %dma_start3A_467 = tpu.memref_squeeze %dma_start3A_466 : memref<1x128xi32, #tpu.memory_space<vmem>> -> memref<128xi32, #tpu.memory_space<vmem>>
    %dma_start3A_468 = arith.constant 0 : i32
    %dma_start3A_469 = arith.constant 0 : i32
    %dma_start3A_470 = tpu.memref_slice %arg35[%dma_start3A_468, %dma_start3A_469] : memref<10240x32xf32, #tpu.memory_space<vmem_shared>> -> memref<10240x32xf32, #tpu.memory_space<vmem_shared>>
    tpu.enqueue_indirect_dma source(%arg14 : memref<128x32xf32, #tpu.memory_space<vmem>>) target(%dma_start3A_470 : memref<10240x32xf32, #tpu.memory_space<vmem_shared>>) offsets(%dma_start3A_467 : memref<128xi32, #tpu.memory_space<vmem>>) semaphore(%arg32 : memref<!tpu.dma_semaphore, #tpu.memory_space<semaphore_mem>>) {add = true}
    %dma_wait3A_471 = arith.constant 79 : i32
    %dma_wait3A_472 = arith.constant 0 : i32
    %dma_wait3A_473 = tpu.memref_slice %arg6[%dma_wait3A_471, %dma_wait3A_472] : memref<81x128xi32, #tpu.memory_space<vmem>> -> memref<1x128xi32, #tpu.memory_space<vmem>>
    %dma_wait3A_474 = tpu.memref_squeeze %dma_wait3A_473 : memref<1x128xi32, #tpu.memory_space<vmem>> -> memref<128xi32, #tpu.memory_space<vmem>>
    %dma_wait3A_475 = arith.constant 0 : i32
    %dma_wait3A_476 = arith.constant 0 : i32
    %dma_wait3A_477 = tpu.memref_slice %arg36[%dma_wait3A_475, %dma_wait3A_476] : memref<10240x32xf32, #tpu.memory_space<vmem_shared>> -> memref<10240x32xf32, #tpu.memory_space<vmem_shared>>
    tpu.wait_indirect_dma semaphore(%arg24 : memref<!tpu.dma_semaphore, #tpu.memory_space<semaphore_mem>>) src(%dma_wait3A_477 : memref<10240x32xf32, #tpu.memory_space<vmem_shared>>) dst(%arg15 : memref<128x32xf32, #tpu.memory_space<vmem>>)
    %dma_start3A_478 = arith.constant 79 : i32
    %dma_start3A_479 = arith.constant 0 : i32
    %dma_start3A_480 = tpu.memref_slice %arg7[%dma_start3A_478, %dma_start3A_479] : memref<81x128xi32, #tpu.memory_space<vmem>> -> memref<1x128xi32, #tpu.memory_space<vmem>>
    %dma_start3A_481 = tpu.memref_squeeze %dma_start3A_480 : memref<1x128xi32, #tpu.memory_space<vmem>> -> memref<128xi32, #tpu.memory_space<vmem>>
    %dma_start3A_482 = arith.constant 0 : i32
    %dma_start3A_483 = arith.constant 0 : i32
    %dma_start3A_484 = tpu.memref_slice %arg35[%dma_start3A_482, %dma_start3A_483] : memref<10240x32xf32, #tpu.memory_space<vmem_shared>> -> memref<10240x32xf32, #tpu.memory_space<vmem_shared>>
    tpu.enqueue_indirect_dma source(%arg15 : memref<128x32xf32, #tpu.memory_space<vmem>>) target(%dma_start3A_484 : memref<10240x32xf32, #tpu.memory_space<vmem_shared>>) offsets(%dma_start3A_481 : memref<128xi32, #tpu.memory_space<vmem>>) semaphore(%arg33 : memref<!tpu.dma_semaphore, #tpu.memory_space<semaphore_mem>>) {add = true}
    %dma_wait3A_485 = arith.constant 80 : i32
    %dma_wait3A_486 = arith.constant 0 : i32
    %dma_wait3A_487 = tpu.memref_slice %arg6[%dma_wait3A_485, %dma_wait3A_486] : memref<81x128xi32, #tpu.memory_space<vmem>> -> memref<1x128xi32, #tpu.memory_space<vmem>>
    %dma_wait3A_488 = tpu.memref_squeeze %dma_wait3A_487 : memref<1x128xi32, #tpu.memory_space<vmem>> -> memref<128xi32, #tpu.memory_space<vmem>>
    %dma_wait3A_489 = arith.constant 0 : i32
    %dma_wait3A_490 = arith.constant 0 : i32
    %dma_wait3A_491 = tpu.memref_slice %arg36[%dma_wait3A_489, %dma_wait3A_490] : memref<10240x32xf32, #tpu.memory_space<vmem_shared>> -> memref<10240x32xf32, #tpu.memory_space<vmem_shared>>
    tpu.wait_indirect_dma semaphore(%arg25 : memref<!tpu.dma_semaphore, #tpu.memory_space<semaphore_mem>>) src(%dma_wait3A_491 : memref<10240x32xf32, #tpu.memory_space<vmem_shared>>) dst(%arg16 : memref<128x32xf32, #tpu.memory_space<vmem>>)
    %dma_start3A_492 = arith.constant 80 : i32
    %dma_start3A_493 = arith.constant 0 : i32
    %dma_start3A_494 = tpu.memref_slice %arg7[%dma_start3A_492, %dma_start3A_493] : memref<81x128xi32, #tpu.memory_space<vmem>> -> memref<1x128xi32, #tpu.memory_space<vmem>>
    %dma_start3A_495 = tpu.memref_squeeze %dma_start3A_494 : memref<1x128xi32, #tpu.memory_space<vmem>> -> memref<128xi32, #tpu.memory_space<vmem>>
    %dma_start3A_496 = arith.constant 0 : i32
    %dma_start3A_497 = arith.constant 0 : i32
    %dma_start3A_498 = tpu.memref_slice %arg35[%dma_start3A_496, %dma_start3A_497] : memref<10240x32xf32, #tpu.memory_space<vmem_shared>> -> memref<10240x32xf32, #tpu.memory_space<vmem_shared>>
    tpu.enqueue_indirect_dma source(%arg16 : memref<128x32xf32, #tpu.memory_space<vmem>>) target(%dma_start3A_498 : memref<10240x32xf32, #tpu.memory_space<vmem_shared>>) offsets(%dma_start3A_495 : memref<128xi32, #tpu.memory_space<vmem>>) semaphore(%arg34 : memref<!tpu.dma_semaphore, #tpu.memory_space<semaphore_mem>>) {add = true}
    %dma_wait3A_499 = arith.constant 72 : i32
    %dma_wait3A_500 = arith.constant 0 : i32
    %dma_wait3A_501 = tpu.memref_slice %arg7[%dma_wait3A_499, %dma_wait3A_500] : memref<81x128xi32, #tpu.memory_space<vmem>> -> memref<1x128xi32, #tpu.memory_space<vmem>>
    %dma_wait3A_502 = tpu.memref_squeeze %dma_wait3A_501 : memref<1x128xi32, #tpu.memory_space<vmem>> -> memref<128xi32, #tpu.memory_space<vmem>>
    %dma_wait3A_503 = arith.constant 0 : i32
    %dma_wait3A_504 = arith.constant 0 : i32
    %dma_wait3A_505 = tpu.memref_slice %arg35[%dma_wait3A_503, %dma_wait3A_504] : memref<10240x32xf32, #tpu.memory_space<vmem_shared>> -> memref<10240x32xf32, #tpu.memory_space<vmem_shared>>
    tpu.wait_indirect_dma semaphore(%arg26 : memref<!tpu.dma_semaphore, #tpu.memory_space<semaphore_mem>>) src(%arg8 : memref<128x32xf32, #tpu.memory_space<vmem>>) dst(%dma_wait3A_505 : memref<10240x32xf32, #tpu.memory_space<vmem_shared>>)
    %dma_wait3A_506 = arith.constant 73 : i32
    %dma_wait3A_507 = arith.constant 0 : i32
    %dma_wait3A_508 = tpu.memref_slice %arg7[%dma_wait3A_506, %dma_wait3A_507] : memref<81x128xi32, #tpu.memory_space<vmem>> -> memref<1x128xi32, #tpu.memory_space<vmem>>
    %dma_wait3A_509 = tpu.memref_squeeze %dma_wait3A_508 : memref<1x128xi32, #tpu.memory_space<vmem>> -> memref<128xi32, #tpu.memory_space<vmem>>
    %dma_wait3A_510 = arith.constant 0 : i32
    %dma_wait3A_511 = arith.constant 0 : i32
    %dma_wait3A_512 = tpu.memref_slice %arg35[%dma_wait3A_510, %dma_wait3A_511] : memref<10240x32xf32, #tpu.memory_space<vmem_shared>> -> memref<10240x32xf32, #tpu.memory_space<vmem_shared>>
    tpu.wait_indirect_dma semaphore(%arg27 : memref<!tpu.dma_semaphore, #tpu.memory_space<semaphore_mem>>) src(%arg9 : memref<128x32xf32, #tpu.memory_space<vmem>>) dst(%dma_wait3A_512 : memref<10240x32xf32, #tpu.memory_space<vmem_shared>>)
    %dma_wait3A_513 = arith.constant 74 : i32
    %dma_wait3A_514 = arith.constant 0 : i32
    %dma_wait3A_515 = tpu.memref_slice %arg7[%dma_wait3A_513, %dma_wait3A_514] : memref<81x128xi32, #tpu.memory_space<vmem>> -> memref<1x128xi32, #tpu.memory_space<vmem>>
    %dma_wait3A_516 = tpu.memref_squeeze %dma_wait3A_515 : memref<1x128xi32, #tpu.memory_space<vmem>> -> memref<128xi32, #tpu.memory_space<vmem>>
    %dma_wait3A_517 = arith.constant 0 : i32
    %dma_wait3A_518 = arith.constant 0 : i32
    %dma_wait3A_519 = tpu.memref_slice %arg35[%dma_wait3A_517, %dma_wait3A_518] : memref<10240x32xf32, #tpu.memory_space<vmem_shared>> -> memref<10240x32xf32, #tpu.memory_space<vmem_shared>>
    tpu.wait_indirect_dma semaphore(%arg28 : memref<!tpu.dma_semaphore, #tpu.memory_space<semaphore_mem>>) src(%arg10 : memref<128x32xf32, #tpu.memory_space<vmem>>) dst(%dma_wait3A_519 : memref<10240x32xf32, #tpu.memory_space<vmem_shared>>)
    %dma_wait3A_520 = arith.constant 75 : i32
    %dma_wait3A_521 = arith.constant 0 : i32
    %dma_wait3A_522 = tpu.memref_slice %arg7[%dma_wait3A_520, %dma_wait3A_521] : memref<81x128xi32, #tpu.memory_space<vmem>> -> memref<1x128xi32, #tpu.memory_space<vmem>>
    %dma_wait3A_523 = tpu.memref_squeeze %dma_wait3A_522 : memref<1x128xi32, #tpu.memory_space<vmem>> -> memref<128xi32, #tpu.memory_space<vmem>>
    %dma_wait3A_524 = arith.constant 0 : i32
    %dma_wait3A_525 = arith.constant 0 : i32
    %dma_wait3A_526 = tpu.memref_slice %arg35[%dma_wait3A_524, %dma_wait3A_525] : memref<10240x32xf32, #tpu.memory_space<vmem_shared>> -> memref<10240x32xf32, #tpu.memory_space<vmem_shared>>
    tpu.wait_indirect_dma semaphore(%arg29 : memref<!tpu.dma_semaphore, #tpu.memory_space<semaphore_mem>>) src(%arg11 : memref<128x32xf32, #tpu.memory_space<vmem>>) dst(%dma_wait3A_526 : memref<10240x32xf32, #tpu.memory_space<vmem_shared>>)
    %dma_wait3A_527 = arith.constant 76 : i32
    %dma_wait3A_528 = arith.constant 0 : i32
    %dma_wait3A_529 = tpu.memref_slice %arg7[%dma_wait3A_527, %dma_wait3A_528] : memref<81x128xi32, #tpu.memory_space<vmem>> -> memref<1x128xi32, #tpu.memory_space<vmem>>
    %dma_wait3A_530 = tpu.memref_squeeze %dma_wait3A_529 : memref<1x128xi32, #tpu.memory_space<vmem>> -> memref<128xi32, #tpu.memory_space<vmem>>
    %dma_wait3A_531 = arith.constant 0 : i32
    %dma_wait3A_532 = arith.constant 0 : i32
    %dma_wait3A_533 = tpu.memref_slice %arg35[%dma_wait3A_531, %dma_wait3A_532] : memref<10240x32xf32, #tpu.memory_space<vmem_shared>> -> memref<10240x32xf32, #tpu.memory_space<vmem_shared>>
    tpu.wait_indirect_dma semaphore(%arg30 : memref<!tpu.dma_semaphore, #tpu.memory_space<semaphore_mem>>) src(%arg12 : memref<128x32xf32, #tpu.memory_space<vmem>>) dst(%dma_wait3A_533 : memref<10240x32xf32, #tpu.memory_space<vmem_shared>>)
    %dma_wait3A_534 = arith.constant 77 : i32
    %dma_wait3A_535 = arith.constant 0 : i32
    %dma_wait3A_536 = tpu.memref_slice %arg7[%dma_wait3A_534, %dma_wait3A_535] : memref<81x128xi32, #tpu.memory_space<vmem>> -> memref<1x128xi32, #tpu.memory_space<vmem>>
    %dma_wait3A_537 = tpu.memref_squeeze %dma_wait3A_536 : memref<1x128xi32, #tpu.memory_space<vmem>> -> memref<128xi32, #tpu.memory_space<vmem>>
    %dma_wait3A_538 = arith.constant 0 : i32
    %dma_wait3A_539 = arith.constant 0 : i32
    %dma_wait3A_540 = tpu.memref_slice %arg35[%dma_wait3A_538, %dma_wait3A_539] : memref<10240x32xf32, #tpu.memory_space<vmem_shared>> -> memref<10240x32xf32, #tpu.memory_space<vmem_shared>>
    tpu.wait_indirect_dma semaphore(%arg31 : memref<!tpu.dma_semaphore, #tpu.memory_space<semaphore_mem>>) src(%arg13 : memref<128x32xf32, #tpu.memory_space<vmem>>) dst(%dma_wait3A_540 : memref<10240x32xf32, #tpu.memory_space<vmem_shared>>)
    %dma_wait3A_541 = arith.constant 78 : i32
    %dma_wait3A_542 = arith.constant 0 : i32
    %dma_wait3A_543 = tpu.memref_slice %arg7[%dma_wait3A_541, %dma_wait3A_542] : memref<81x128xi32, #tpu.memory_space<vmem>> -> memref<1x128xi32, #tpu.memory_space<vmem>>
    %dma_wait3A_544 = tpu.memref_squeeze %dma_wait3A_543 : memref<1x128xi32, #tpu.memory_space<vmem>> -> memref<128xi32, #tpu.memory_space<vmem>>
    %dma_wait3A_545 = arith.constant 0 : i32
    %dma_wait3A_546 = arith.constant 0 : i32
    %dma_wait3A_547 = tpu.memref_slice %arg35[%dma_wait3A_545, %dma_wait3A_546] : memref<10240x32xf32, #tpu.memory_space<vmem_shared>> -> memref<10240x32xf32, #tpu.memory_space<vmem_shared>>
    tpu.wait_indirect_dma semaphore(%arg32 : memref<!tpu.dma_semaphore, #tpu.memory_space<semaphore_mem>>) src(%arg14 : memref<128x32xf32, #tpu.memory_space<vmem>>) dst(%dma_wait3A_547 : memref<10240x32xf32, #tpu.memory_space<vmem_shared>>)
    %dma_wait3A_548 = arith.constant 79 : i32
    %dma_wait3A_549 = arith.constant 0 : i32
    %dma_wait3A_550 = tpu.memref_slice %arg7[%dma_wait3A_548, %dma_wait3A_549] : memref<81x128xi32, #tpu.memory_space<vmem>> -> memref<1x128xi32, #tpu.memory_space<vmem>>
    %dma_wait3A_551 = tpu.memref_squeeze %dma_wait3A_550 : memref<1x128xi32, #tpu.memory_space<vmem>> -> memref<128xi32, #tpu.memory_space<vmem>>
    %dma_wait3A_552 = arith.constant 0 : i32
    %dma_wait3A_553 = arith.constant 0 : i32
    %dma_wait3A_554 = tpu.memref_slice %arg35[%dma_wait3A_552, %dma_wait3A_553] : memref<10240x32xf32, #tpu.memory_space<vmem_shared>> -> memref<10240x32xf32, #tpu.memory_space<vmem_shared>>
    tpu.wait_indirect_dma semaphore(%arg33 : memref<!tpu.dma_semaphore, #tpu.memory_space<semaphore_mem>>) src(%arg15 : memref<128x32xf32, #tpu.memory_space<vmem>>) dst(%dma_wait3A_554 : memref<10240x32xf32, #tpu.memory_space<vmem_shared>>)
    %dma_wait3A_555 = arith.constant 80 : i32
    %dma_wait3A_556 = arith.constant 0 : i32
    %dma_wait3A_557 = tpu.memref_slice %arg7[%dma_wait3A_555, %dma_wait3A_556] : memref<81x128xi32, #tpu.memory_space<vmem>> -> memref<1x128xi32, #tpu.memory_space<vmem>>
    %dma_wait3A_558 = tpu.memref_squeeze %dma_wait3A_557 : memref<1x128xi32, #tpu.memory_space<vmem>> -> memref<128xi32, #tpu.memory_space<vmem>>
    %dma_wait3A_559 = arith.constant 0 : i32
    %dma_wait3A_560 = arith.constant 0 : i32
    %dma_wait3A_561 = tpu.memref_slice %arg35[%dma_wait3A_559, %dma_wait3A_560] : memref<10240x32xf32, #tpu.memory_space<vmem_shared>> -> memref<10240x32xf32, #tpu.memory_space<vmem_shared>>
    tpu.wait_indirect_dma semaphore(%arg34 : memref<!tpu.dma_semaphore, #tpu.memory_space<semaphore_mem>>) src(%arg16 : memref<128x32xf32, #tpu.memory_space<vmem>>) dst(%dma_wait3A_561 : memref<10240x32xf32, #tpu.memory_space<vmem_shared>>)
    %barrier3A_562 = arith.constant 0 : index
    tpu.barrier barrier_id(%barrier3A_562)
    "tpu.region"() ({
      %run_scoped3A = tpu.sem_alloc : memref<!tpu.dma_semaphore, #tpu.memory_space<semaphore_mem>>
      %dma_start3A_563 = arith.constant 0 : i32
      %dma_start3A_564 = tpu.memref_slice %arg5[%arg0, %mul3A_2, %dma_start3A_563] : memref<2x10240x32xf32, #tpu.memory_space<hbm>> -> memref<1x640x32xf32, #tpu.memory_space<hbm>>
      %dma_start3A_565 = tpu.memref_squeeze %dma_start3A_564 : memref<1x640x32xf32, #tpu.memory_space<hbm>> -> memref<640x32xf32, #tpu.memory_space<hbm>>
      %dma_start3A_566 = arith.constant 0 : i32
      %dma_start3A_567 = tpu.memref_slice %arg35[%mul3A_2, %dma_start3A_566] : memref<10240x32xf32, #tpu.memory_space<vmem_shared>> -> memref<640x32xf32, #tpu.memory_space<vmem_shared>>
      tpu.enqueue_dma source(%dma_start3A_567 : memref<640x32xf32, #tpu.memory_space<vmem_shared>>) target(%dma_start3A_565 : memref<640x32xf32, #tpu.memory_space<hbm>>) target_semaphore(%run_scoped3A : memref<!tpu.dma_semaphore, #tpu.memory_space<semaphore_mem>>)
      %dma_wait3A_568 = arith.constant 0 : i32
      %dma_wait3A_569 = tpu.memref_slice %arg5[%arg0, %mul3A_2, %dma_wait3A_568] : memref<2x10240x32xf32, #tpu.memory_space<hbm>> -> memref<1x640x32xf32, #tpu.memory_space<hbm>>
      %dma_wait3A_570 = tpu.memref_squeeze %dma_wait3A_569 : memref<1x640x32xf32, #tpu.memory_space<hbm>> -> memref<640x32xf32, #tpu.memory_space<hbm>>
      %dma_wait3A_571 = arith.constant 0 : i32
      %dma_wait3A_572 = tpu.memref_slice %arg35[%mul3A_2, %dma_wait3A_571] : memref<10240x32xf32, #tpu.memory_space<vmem_shared>> -> memref<640x32xf32, #tpu.memory_space<vmem_shared>>
      tpu.wait_dma2 semaphore(%run_scoped3A : memref<!tpu.dma_semaphore, #tpu.memory_space<semaphore_mem>>) src(%dma_wait3A_572 : memref<640x32xf32, #tpu.memory_space<vmem_shared>>) dst(%dma_wait3A_570 : memref<640x32xf32, #tpu.memory_space<hbm>>)
      tpu.yield
    }) : () -> ()
    return
  }
}

#map = affine_map<(d0, d1) -> (0, 0, 0)>
#map1 = affine_map<(d0, d1) -> (0, 0)>
module attributes {stable_mosaic.version = 14 : i64} {
  func.func @_deg_kernel(%arg0: i32, %arg1: i32, %arg2: memref<2x2592x128xi32, #tpu.memory_space<hbm>>, %arg3: memref<32x10240xf32, #tpu.memory_space<hbm>>, %arg4: memref<81x128xi32, #tpu.memory_space<vmem>>, %arg5: memref<10240xf32, #tpu.memory_space<vmem>>, %arg6: memref<!tpu.dma_semaphore, #tpu.memory_space<semaphore_mem>>) attributes {dimension_semantics = [#tpu.dimension_semantics<core_parallel>, #tpu.dimension_semantics<subcore_parallel>], iteration_bounds = array<i64: 2, 16>, scalar_prefetch = 0 : i64, scratch_operands = 3 : i64, tpu.core_type = #tpu.core_type<sc_vector_subcore>, window_params = [{transform_indices = #map}, {transform_indices = #map1}]} {
    %mul3A = arith.constant 16 : i32
    %mul3A_0 = arith.muli %arg0, %mul3A : i32
    %add3A = arith.addi %mul3A_0, %arg1 : i32
    %mul3A_1 = arith.constant 81 : i32
    %mul3A_2 = arith.muli %add3A, %mul3A_1 : i32
    %dma_start3A = arith.constant 1 : i32
    %dma_start3A_3 = arith.constant 0 : i32
    %dma_start3A_4 = tpu.memref_slice %arg2[%dma_start3A, %mul3A_2, %dma_start3A_3] : memref<2x2592x128xi32, #tpu.memory_space<hbm>> -> memref<1x81x128xi32, #tpu.memory_space<hbm>>
    %dma_start3A_5 = tpu.memref_squeeze %dma_start3A_4 : memref<1x81x128xi32, #tpu.memory_space<hbm>> -> memref<81x128xi32, #tpu.memory_space<hbm>>
    %dma_start3A_6 = arith.constant 0 : i32
    %dma_start3A_7 = tpu.memref_slice %arg2[%dma_start3A, %mul3A_2, %dma_start3A_6] : memref<2x2592x128xi32, #tpu.memory_space<hbm>> -> memref<1x81x128xi32, #tpu.memory_space<hbm>>
    %dma_start3A_8 = tpu.memref_squeeze %dma_start3A_7 : memref<1x81x128xi32, #tpu.memory_space<hbm>> -> memref<81x128xi32, #tpu.memory_space<hbm>>
    tpu.enqueue_dma source(%dma_start3A_8 : memref<81x128xi32, #tpu.memory_space<hbm>>) target(%arg4 : memref<81x128xi32, #tpu.memory_space<vmem>>) target_semaphore(%arg6 : memref<!tpu.dma_semaphore, #tpu.memory_space<semaphore_mem>>)
    %broadcast_in_dim3A = arith.constant 0.000000e+00 : f32
    %broadcast_in_dim3A_9 = vector.broadcast %broadcast_in_dim3A : f32 to vector<16xf32>
    %scan3A = arith.constant 0 : i32
    %scan3A_10 = arith.constant 0 : i32
    %scan3A_11 = arith.constant 640 : i32
    %scan3A_12 = arith.addi %scan3A_10, %scan3A_11 : i32
    %scan3A_13 = arith.constant 1 : i32
    scf.for %scan3A_31 = %scan3A_10 to %scan3A_12 step %scan3A_13  : i32 {
      %mul3A_32 = arith.constant 16 : i32
      %mul3A_33 = arith.muli %scan3A_31, %mul3A_32 : i32
      %swap3A = arith.index_cast %mul3A_33 : i32 to index
      %swap3A_34 = tpu.vector_load %arg5[%swap3A] {strides = array<i32>} : memref<10240xf32, #tpu.memory_space<vmem>>, vector<16xf32>,
      tpu.vector_store %arg5[%swap3A], %broadcast_in_dim3A_9 {strides = array<i32>} : memref<10240xf32, #tpu.memory_space<vmem>>, vector<16xf32>,
    }
    %scan3A_14 = arith.constant 640 : i32
    %mul3A_15 = arith.constant 81 : i32
    %mul3A_16 = arith.muli %add3A, %mul3A_15 : i32
    %dma_wait3A = arith.constant 1 : i32
    %dma_wait3A_17 = arith.constant 0 : i32
    %dma_wait3A_18 = tpu.memref_slice %arg2[%dma_wait3A, %mul3A_16, %dma_wait3A_17] : memref<2x2592x128xi32, #tpu.memory_space<hbm>> -> memref<1x81x128xi32, #tpu.memory_space<hbm>>
    %dma_wait3A_19 = tpu.memref_squeeze %dma_wait3A_18 : memref<1x81x128xi32, #tpu.memory_space<hbm>> -> memref<81x128xi32, #tpu.memory_space<hbm>>
    %dma_wait3A_20 = arith.constant 0 : i32
    %dma_wait3A_21 = tpu.memref_slice %arg2[%dma_wait3A, %mul3A_16, %dma_wait3A_20] : memref<2x2592x128xi32, #tpu.memory_space<hbm>> -> memref<1x81x128xi32, #tpu.memory_space<hbm>>
    %dma_wait3A_22 = tpu.memref_squeeze %dma_wait3A_21 : memref<1x81x128xi32, #tpu.memory_space<hbm>> -> memref<81x128xi32, #tpu.memory_space<hbm>>
    tpu.wait_dma2 semaphore(%arg6 : memref<!tpu.dma_semaphore, #tpu.memory_space<semaphore_mem>>) src(%dma_wait3A_22 : memref<81x128xi32, #tpu.memory_space<hbm>>) dst(%arg4 : memref<81x128xi32, #tpu.memory_space<vmem>>)
    %broadcast_in_dim3A_23 = arith.constant 1.000000e+00 : f32
    %broadcast_in_dim3A_24 = vector.broadcast %broadcast_in_dim3A_23 : f32 to vector<16xf32>
    %scan3A_25 = arith.constant 0 : i32
    %scan3A_26 = arith.constant 0 : i32
    %scan3A_27 = arith.constant 81 : i32
    %scan3A_28 = arith.addi %scan3A_26, %scan3A_27 : i32
    %scan3A_29 = arith.constant 1 : i32
    scf.for %scan3A_31 = %scan3A_26 to %scan3A_28 step %scan3A_29  : i32 {
      %get3A = arith.index_cast %scan3A_31 : i32 to index
      %get3A_32 = arith.constant 0 : index
      %get3A_33 = tpu.vector_load %arg4[%get3A, %get3A_32] {strides = array<i32>} : memref<81x128xi32, #tpu.memory_space<vmem>>, vector<16xi32>,
      tpu.vector_store_idx %arg5[%get3A_33], %broadcast_in_dim3A_24 {add = true} : memref<10240xf32, #tpu.memory_space<vmem>>[vector<16xi32>], vector<16xf32>,
      %get3A_34 = arith.index_cast %scan3A_31 : i32 to index
      %get3A_35 = arith.constant 16 : index
      %get3A_36 = tpu.vector_load %arg4[%get3A_34, %get3A_35] {strides = array<i32>} : memref<81x128xi32, #tpu.memory_space<vmem>>, vector<16xi32>,
      tpu.vector_store_idx %arg5[%get3A_36], %broadcast_in_dim3A_24 {add = true} : memref<10240xf32, #tpu.memory_space<vmem>>[vector<16xi32>], vector<16xf32>,
      %get3A_37 = arith.index_cast %scan3A_31 : i32 to index
      %get3A_38 = arith.constant 32 : index
      %get3A_39 = tpu.vector_load %arg4[%get3A_37, %get3A_38] {strides = array<i32>} : memref<81x128xi32, #tpu.memory_space<vmem>>, vector<16xi32>,
      tpu.vector_store_idx %arg5[%get3A_39], %broadcast_in_dim3A_24 {add = true} : memref<10240xf32, #tpu.memory_space<vmem>>[vector<16xi32>], vector<16xf32>,
      %get3A_40 = arith.index_cast %scan3A_31 : i32 to index
      %get3A_41 = arith.constant 48 : index
      %get3A_42 = tpu.vector_load %arg4[%get3A_40, %get3A_41] {strides = array<i32>} : memref<81x128xi32, #tpu.memory_space<vmem>>, vector<16xi32>,
      tpu.vector_store_idx %arg5[%get3A_42], %broadcast_in_dim3A_24 {add = true} : memref<10240xf32, #tpu.memory_space<vmem>>[vector<16xi32>], vector<16xf32>,
      %get3A_43 = arith.index_cast %scan3A_31 : i32 to index
      %get3A_44 = arith.constant 64 : index
      %get3A_45 = tpu.vector_load %arg4[%get3A_43, %get3A_44] {strides = array<i32>} : memref<81x128xi32, #tpu.memory_space<vmem>>, vector<16xi32>,
      tpu.vector_store_idx %arg5[%get3A_45], %broadcast_in_dim3A_24 {add = true} : memref<10240xf32, #tpu.memory_space<vmem>>[vector<16xi32>], vector<16xf32>,
      %get3A_46 = arith.index_cast %scan3A_31 : i32 to index
      %get3A_47 = arith.constant 80 : index
      %get3A_48 = tpu.vector_load %arg4[%get3A_46, %get3A_47] {strides = array<i32>} : memref<81x128xi32, #tpu.memory_space<vmem>>, vector<16xi32>,
      tpu.vector_store_idx %arg5[%get3A_48], %broadcast_in_dim3A_24 {add = true} : memref<10240xf32, #tpu.memory_space<vmem>>[vector<16xi32>], vector<16xf32>,
      %get3A_49 = arith.index_cast %scan3A_31 : i32 to index
      %get3A_50 = arith.constant 96 : index
      %get3A_51 = tpu.vector_load %arg4[%get3A_49, %get3A_50] {strides = array<i32>} : memref<81x128xi32, #tpu.memory_space<vmem>>, vector<16xi32>,
      tpu.vector_store_idx %arg5[%get3A_51], %broadcast_in_dim3A_24 {add = true} : memref<10240xf32, #tpu.memory_space<vmem>>[vector<16xi32>], vector<16xf32>,
      %get3A_52 = arith.index_cast %scan3A_31 : i32 to index
      %get3A_53 = arith.constant 112 : index
      %get3A_54 = tpu.vector_load %arg4[%get3A_52, %get3A_53] {strides = array<i32>} : memref<81x128xi32, #tpu.memory_space<vmem>>, vector<16xi32>,
      tpu.vector_store_idx %arg5[%get3A_54], %broadcast_in_dim3A_24 {add = true} : memref<10240xf32, #tpu.memory_space<vmem>>[vector<16xi32>], vector<16xf32>,
    }
    %scan3A_30 = arith.constant 81 : i32
    "tpu.region"() ({
      %run_scoped3A = tpu.sem_alloc : memref<!tpu.dma_semaphore, #tpu.memory_space<semaphore_mem>>
      %dma_start3A_31 = arith.constant 0 : i32
      %dma_start3A_32 = tpu.memref_slice %arg3[%add3A, %dma_start3A_31] : memref<32x10240xf32, #tpu.memory_space<hbm>> -> memref<1x10240xf32, #tpu.memory_space<hbm>>
      %dma_start3A_33 = tpu.memref_squeeze %dma_start3A_32 : memref<1x10240xf32, #tpu.memory_space<hbm>> -> memref<10240xf32, #tpu.memory_space<hbm>>
      %dma_start3A_34 = arith.constant 0 : i32
      %dma_start3A_35 = tpu.memref_slice %arg3[%add3A, %dma_start3A_34] : memref<32x10240xf32, #tpu.memory_space<hbm>> -> memref<1x10240xf32, #tpu.memory_space<hbm>>
      %dma_start3A_36 = tpu.memref_squeeze %dma_start3A_35 : memref<1x10240xf32, #tpu.memory_space<hbm>> -> memref<10240xf32, #tpu.memory_space<hbm>>
      tpu.enqueue_dma source(%arg5 : memref<10240xf32, #tpu.memory_space<vmem>>) target(%dma_start3A_36 : memref<10240xf32, #tpu.memory_space<hbm>>) target_semaphore(%run_scoped3A : memref<!tpu.dma_semaphore, #tpu.memory_space<semaphore_mem>>)
      %dma_wait3A_37 = arith.constant 0 : i32
      %dma_wait3A_38 = tpu.memref_slice %arg3[%add3A, %dma_wait3A_37] : memref<32x10240xf32, #tpu.memory_space<hbm>> -> memref<1x10240xf32, #tpu.memory_space<hbm>>
      %dma_wait3A_39 = tpu.memref_squeeze %dma_wait3A_38 : memref<1x10240xf32, #tpu.memory_space<hbm>> -> memref<10240xf32, #tpu.memory_space<hbm>>
      %dma_wait3A_40 = arith.constant 0 : i32
      %dma_wait3A_41 = tpu.memref_slice %arg3[%add3A, %dma_wait3A_40] : memref<32x10240xf32, #tpu.memory_space<hbm>> -> memref<1x10240xf32, #tpu.memory_space<hbm>>
      %dma_wait3A_42 = tpu.memref_squeeze %dma_wait3A_41 : memref<1x10240xf32, #tpu.memory_space<hbm>> -> memref<10240xf32, #tpu.memory_space<hbm>>
      tpu.wait_dma2 semaphore(%run_scoped3A : memref<!tpu.dma_semaphore, #tpu.memory_space<semaphore_mem>>) src(%arg5 : memref<10240xf32, #tpu.memory_space<vmem>>) dst(%dma_wait3A_42 : memref<10240xf32, #tpu.memory_space<hbm>>)
      tpu.yield
    }) : () -> ()
    return
  }
}

#map = affine_map<(d0, d1) -> (0, 0)>
#map1 = affine_map<(d0, d1) -> (0, 0, 0)>
module attributes {stable_mosaic.version = 14 : i64} {
  func.func @_prop_kernel(%arg0: i32, %arg1: i32, %arg2: memref<10240x32xf32, #tpu.memory_space<hbm>>, %arg3: memref<2x2592x128xi32, #tpu.memory_space<hbm>>, %arg4: memref<10240x32xf32, #tpu.memory_space<hbm>>, %arg5: memref<2x10240x32xf32, #tpu.memory_space<hbm>>, %arg6: memref<81x128xi32, #tpu.memory_space<vmem>>, %arg7: memref<81x128xi32, #tpu.memory_space<vmem>>, %arg8: memref<128x32xf32, #tpu.memory_space<vmem>>, %arg9: memref<128x32xf32, #tpu.memory_space<vmem>>, %arg10: memref<128x32xf32, #tpu.memory_space<vmem>>, %arg11: memref<128x32xf32, #tpu.memory_space<vmem>>, %arg12: memref<128x32xf32, #tpu.memory_space<vmem>>, %arg13: memref<128x32xf32, #tpu.memory_space<vmem>>, %arg14: memref<128x32xf32, #tpu.memory_space<vmem>>, %arg15: memref<128x32xf32, #tpu.memory_space<vmem>>, %arg16: memref<128x32xf32, #tpu.memory_space<vmem>>, %arg17: memref<!tpu.dma_semaphore, #tpu.memory_space<semaphore_mem>>, %arg18: memref<!tpu.dma_semaphore, #tpu.memory_space<semaphore_mem>>, %arg19: memref<!tpu.dma_semaphore, #tpu.memory_space<semaphore_mem>>, %arg20: memref<!tpu.dma_semaphore, #tpu.memory_space<semaphore_mem>>, %arg21: memref<!tpu.dma_semaphore, #tpu.memory_space<semaphore_mem>>, %arg22: memref<!tpu.dma_semaphore, #tpu.memory_space<semaphore_mem>>, %arg23: memref<!tpu.dma_semaphore, #tpu.memory_space<semaphore_mem>>, %arg24: memref<!tpu.dma_semaphore, #tpu.memory_space<semaphore_mem>>, %arg25: memref<!tpu.dma_semaphore, #tpu.memory_space<semaphore_mem>>, %arg26: memref<!tpu.dma_semaphore, #tpu.memory_space<semaphore_mem>>, %arg27: memref<!tpu.dma_semaphore, #tpu.memory_space<semaphore_mem>>, %arg28: memref<!tpu.dma_semaphore, #tpu.memory_space<semaphore_mem>>, %arg29: memref<!tpu.dma_semaphore, #tpu.memory_space<semaphore_mem>>, %arg30: memref<!tpu.dma_semaphore, #tpu.memory_space<semaphore_mem>>, %arg31: memref<!tpu.dma_semaphore, #tpu.memory_space<semaphore_mem>>, %arg32: memref<!tpu.dma_semaphore, #tpu.memory_space<semaphore_mem>>, %arg33: memref<!tpu.dma_semaphore, #tpu.memory_space<semaphore_mem>>, %arg34: memref<!tpu.dma_semaphore, #tpu.memory_space<semaphore_mem>>, %arg35: memref<10240x32xf32, #tpu.memory_space<vmem_shared>>, %arg36: memref<10240x32xf32, #tpu.memory_space<vmem_shared>>) attributes {dimension_semantics = [#tpu.dimension_semantics<core_parallel>, #tpu.dimension_semantics<subcore_parallel>], iteration_bounds = array<i64: 2, 16>, scalar_prefetch = 0 : i64, scratch_operands = 31 : i64, tpu.core_type = #tpu.core_type<sc_vector_subcore>, window_params = [{transform_indices = #map}, {transform_indices = #map1}, {transform_indices = #map}, {transform_indices = #map1}]} {
    %mul3A = arith.constant 16 : i32
    %mul3A_0 = arith.muli %arg0, %mul3A : i32
    %add3A = arith.addi %mul3A_0, %arg1 : i32
    %mul3A_1 = arith.constant 640 : i32
    %mul3A_2 = arith.muli %arg1, %mul3A_1 : i32
    %dma_start3A = arith.constant 0 : i32
    %dma_start3A_3 = tpu.memref_slice %arg35[%mul3A_2, %dma_start3A] : memref<10240x32xf32, #tpu.memory_space<vmem_shared>> -> memref<640x32xf32, #tpu.memory_space<vmem_shared>>
    %dma_start3A_4 = arith.constant 0 : i32
    %dma_start3A_5 = tpu.memref_slice %arg4[%mul3A_2, %dma_start3A_4] : memref<10240x32xf32, #tpu.memory_space<hbm>> -> memref<640x32xf32, #tpu.memory_space<hbm>>
    tpu.enqueue_dma source(%dma_start3A_5 : memref<640x32xf32, #tpu.memory_space<hbm>>) target(%dma_start3A_3 : memref<640x32xf32, #tpu.memory_space<vmem_shared>>) target_semaphore(%arg17 : memref<!tpu.dma_semaphore, #tpu.memory_space<semaphore_mem>>)
    %dma_start3A_6 = arith.constant 0 : i32
    %dma_start3A_7 = tpu.memref_slice %arg36[%mul3A_2, %dma_start3A_6] : memref<10240x32xf32, #tpu.memory_space<vmem_shared>> -> memref<640x32xf32, #tpu.memory_space<vmem_shared>>
    %dma_start3A_8 = arith.constant 0 : i32
    %dma_start3A_9 = tpu.memref_slice %arg2[%mul3A_2, %dma_start3A_8] : memref<10240x32xf32, #tpu.memory_space<hbm>> -> memref<640x32xf32, #tpu.memory_space<hbm>>
    tpu.enqueue_dma source(%dma_start3A_9 : memref<640x32xf32, #tpu.memory_space<hbm>>) target(%dma_start3A_7 : memref<640x32xf32, #tpu.memory_space<vmem_shared>>) target_semaphore(%arg18 : memref<!tpu.dma_semaphore, #tpu.memory_space<semaphore_mem>>)
    %mul3A_10 = arith.constant 81 : i32
    %mul3A_11 = arith.muli %add3A, %mul3A_10 : i32
    %dma_start3A_12 = arith.constant 0 : i32
    %dma_start3A_13 = arith.constant 0 : i32
    %dma_start3A_14 = tpu.memref_slice %arg3[%dma_start3A_12, %mul3A_11, %dma_start3A_13] : memref<2x2592x128xi32, #tpu.memory_space<hbm>> -> memref<1x81x128xi32, #tpu.memory_space<hbm>>
    %dma_start3A_15 = tpu.memref_squeeze %dma_start3A_14 : memref<1x81x128xi32, #tpu.memory_space<hbm>> -> memref<81x128xi32, #tpu.memory_space<hbm>>
    %dma_start3A_16 = arith.constant 0 : i32
    %dma_start3A_17 = tpu.memref_slice %arg3[%dma_start3A_12, %mul3A_11, %dma_start3A_16] : memref<2x2592x128xi32, #tpu.memory_space<hbm>> -> memref<1x81x128xi32, #tpu.memory_space<hbm>>
    %dma_start3A_18 = tpu.memref_squeeze %dma_start3A_17 : memref<1x81x128xi32, #tpu.memory_space<hbm>> -> memref<81x128xi32, #tpu.memory_space<hbm>>
    tpu.enqueue_dma source(%dma_start3A_18 : memref<81x128xi32, #tpu.memory_space<hbm>>) target(%arg6 : memref<81x128xi32, #tpu.memory_space<vmem>>) target_semaphore(%arg19 : memref<!tpu.dma_semaphore, #tpu.memory_space<semaphore_mem>>)
    %mul3A_19 = arith.constant 81 : i32
    %mul3A_20 = arith.muli %add3A, %mul3A_19 : i32
    %dma_start3A_21 = arith.constant 1 : i32
    %dma_start3A_22 = arith.constant 0 : i32
    %dma_start3A_23 = tpu.memref_slice %arg3[%dma_start3A_21, %mul3A_20, %dma_start3A_22] : memref<2x2592x128xi32, #tpu.memory_space<hbm>> -> memref<1x81x128xi32, #tpu.memory_space<hbm>>
    %dma_start3A_24 = tpu.memref_squeeze %dma_start3A_23 : memref<1x81x128xi32, #tpu.memory_space<hbm>> -> memref<81x128xi32, #tpu.memory_space<hbm>>
    %dma_start3A_25 = arith.constant 0 : i32
    %dma_start3A_26 = tpu.memref_slice %arg3[%dma_start3A_21, %mul3A_20, %dma_start3A_25] : memref<2x2592x128xi32, #tpu.memory_space<hbm>> -> memref<1x81x128xi32, #tpu.memory_space<hbm>>
    %dma_start3A_27 = tpu.memref_squeeze %dma_start3A_26 : memref<1x81x128xi32, #tpu.memory_space<hbm>> -> memref<81x128xi32, #tpu.memory_space<hbm>>
    tpu.enqueue_dma source(%dma_start3A_27 : memref<81x128xi32, #tpu.memory_space<hbm>>) target(%arg7 : memref<81x128xi32, #tpu.memory_space<vmem>>) target_semaphore(%arg20 : memref<!tpu.dma_semaphore, #tpu.memory_space<semaphore_mem>>)
    %dma_wait3A = arith.constant 0 : i32
    %dma_wait3A_28 = tpu.memref_slice %arg35[%mul3A_2, %dma_wait3A] : memref<10240x32xf32, #tpu.memory_space<vmem_shared>> -> memref<640x32xf32, #tpu.memory_space<vmem_shared>>
    %dma_wait3A_29 = arith.constant 0 : i32
    %dma_wait3A_30 = tpu.memref_slice %arg4[%mul3A_2, %dma_wait3A_29] : memref<10240x32xf32, #tpu.memory_space<hbm>> -> memref<640x32xf32, #tpu.memory_space<hbm>>
    tpu.wait_dma2 semaphore(%arg17 : memref<!tpu.dma_semaphore, #tpu.memory_space<semaphore_mem>>) src(%dma_wait3A_30 : memref<640x32xf32, #tpu.memory_space<hbm>>) dst(%dma_wait3A_28 : memref<640x32xf32, #tpu.memory_space<vmem_shared>>)
    %dma_wait3A_31 = arith.constant 0 : i32
    %dma_wait3A_32 = tpu.memref_slice %arg36[%mul3A_2, %dma_wait3A_31] : memref<10240x32xf32, #tpu.memory_space<vmem_shared>> -> memref<640x32xf32, #tpu.memory_space<vmem_shared>>
    %dma_wait3A_33 = arith.constant 0 : i32
    %dma_wait3A_34 = tpu.memref_slice %arg2[%mul3A_2, %dma_wait3A_33] : memref<10240x32xf32, #tpu.memory_space<hbm>> -> memref<640x32xf32, #tpu.memory_space<hbm>>
    tpu.wait_dma2 semaphore(%arg18 : memref<!tpu.dma_semaphore, #tpu.memory_space<semaphore_mem>>) src(%dma_wait3A_34 : memref<640x32xf32, #tpu.memory_space<hbm>>) dst(%dma_wait3A_32 : memref<640x32xf32, #tpu.memory_space<vmem_shared>>)
    %mul3A_35 = arith.constant 81 : i32
    %mul3A_36 = arith.muli %add3A, %mul3A_35 : i32
    %dma_wait3A_37 = arith.constant 0 : i32
    %dma_wait3A_38 = arith.constant 0 : i32
    %dma_wait3A_39 = tpu.memref_slice %arg3[%dma_wait3A_37, %mul3A_36, %dma_wait3A_38] : memref<2x2592x128xi32, #tpu.memory_space<hbm>> -> memref<1x81x128xi32, #tpu.memory_space<hbm>>
    %dma_wait3A_40 = tpu.memref_squeeze %dma_wait3A_39 : memref<1x81x128xi32, #tpu.memory_space<hbm>> -> memref<81x128xi32, #tpu.memory_space<hbm>>
    %dma_wait3A_41 = arith.constant 0 : i32
    %dma_wait3A_42 = tpu.memref_slice %arg3[%dma_wait3A_37, %mul3A_36, %dma_wait3A_41] : memref<2x2592x128xi32, #tpu.memory_space<hbm>> -> memref<1x81x128xi32, #tpu.memory_space<hbm>>
    %dma_wait3A_43 = tpu.memref_squeeze %dma_wait3A_42 : memref<1x81x128xi32, #tpu.memory_space<hbm>> -> memref<81x128xi32, #tpu.memory_space<hbm>>
    tpu.wait_dma2 semaphore(%arg19 : memref<!tpu.dma_semaphore, #tpu.memory_space<semaphore_mem>>) src(%dma_wait3A_43 : memref<81x128xi32, #tpu.memory_space<hbm>>) dst(%arg6 : memref<81x128xi32, #tpu.memory_space<vmem>>)
    %mul3A_44 = arith.constant 81 : i32
    %mul3A_45 = arith.muli %add3A, %mul3A_44 : i32
    %dma_wait3A_46 = arith.constant 1 : i32
    %dma_wait3A_47 = arith.constant 0 : i32
    %dma_wait3A_48 = tpu.memref_slice %arg3[%dma_wait3A_46, %mul3A_45, %dma_wait3A_47] : memref<2x2592x128xi32, #tpu.memory_space<hbm>> -> memref<1x81x128xi32, #tpu.memory_space<hbm>>
    %dma_wait3A_49 = tpu.memref_squeeze %dma_wait3A_48 : memref<1x81x128xi32, #tpu.memory_space<hbm>> -> memref<81x128xi32, #tpu.memory_space<hbm>>
    %dma_wait3A_50 = arith.constant 0 : i32
    %dma_wait3A_51 = tpu.memref_slice %arg3[%dma_wait3A_46, %mul3A_45, %dma_wait3A_50] : memref<2x2592x128xi32, #tpu.memory_space<hbm>> -> memref<1x81x128xi32, #tpu.memory_space<hbm>>
    %dma_wait3A_52 = tpu.memref_squeeze %dma_wait3A_51 : memref<1x81x128xi32, #tpu.memory_space<hbm>> -> memref<81x128xi32, #tpu.memory_space<hbm>>
    tpu.wait_dma2 semaphore(%arg20 : memref<!tpu.dma_semaphore, #tpu.memory_space<semaphore_mem>>) src(%dma_wait3A_52 : memref<81x128xi32, #tpu.memory_space<hbm>>) dst(%arg7 : memref<81x128xi32, #tpu.memory_space<vmem>>)
    %barrier3A = arith.constant 0 : index
    tpu.barrier barrier_id(%barrier3A)
    %dma_start3A_53 = arith.constant 0 : i32
    %dma_start3A_54 = arith.constant 0 : i32
    %dma_start3A_55 = tpu.memref_slice %arg6[%dma_start3A_53, %dma_start3A_54] : memref<81x128xi32, #tpu.memory_space<vmem>> -> memref<1x128xi32, #tpu.memory_space<vmem>>
    %dma_start3A_56 = tpu.memref_squeeze %dma_start3A_55 : memref<1x128xi32, #tpu.memory_space<vmem>> -> memref<128xi32, #tpu.memory_space<vmem>>
    %dma_start3A_57 = arith.constant 0 : i32
    %dma_start3A_58 = arith.constant 0 : i32
    %dma_start3A_59 = tpu.memref_slice %arg36[%dma_start3A_57, %dma_start3A_58] : memref<10240x32xf32, #tpu.memory_space<vmem_shared>> -> memref<10240x32xf32, #tpu.memory_space<vmem_shared>>
    tpu.enqueue_indirect_dma source(%dma_start3A_59 : memref<10240x32xf32, #tpu.memory_space<vmem_shared>>) target(%arg8 : memref<128x32xf32, #tpu.memory_space<vmem>>) offsets(%dma_start3A_56 : memref<128xi32, #tpu.memory_space<vmem>>) semaphore(%arg17 : memref<!tpu.dma_semaphore, #tpu.memory_space<semaphore_mem>>)
    %dma_start3A_60 = arith.constant 1 : i32
    %dma_start3A_61 = arith.constant 0 : i32
    %dma_start3A_62 = tpu.memref_slice %arg6[%dma_start3A_60, %dma_start3A_61] : memref<81x128xi32, #tpu.memory_space<vmem>> -> memref<1x128xi32, #tpu.memory_space<vmem>>
    %dma_start3A_63 = tpu.memref_squeeze %dma_start3A_62 : memref<1x128xi32, #tpu.memory_space<vmem>> -> memref<128xi32, #tpu.memory_space<vmem>>
    %dma_start3A_64 = arith.constant 0 : i32
    %dma_start3A_65 = arith.constant 0 : i32
    %dma_start3A_66 = tpu.memref_slice %arg36[%dma_start3A_64, %dma_start3A_65] : memref<10240x32xf32, #tpu.memory_space<vmem_shared>> -> memref<10240x32xf32, #tpu.memory_space<vmem_shared>>
    tpu.enqueue_indirect_dma source(%dma_start3A_66 : memref<10240x32xf32, #tpu.memory_space<vmem_shared>>) target(%arg9 : memref<128x32xf32, #tpu.memory_space<vmem>>) offsets(%dma_start3A_63 : memref<128xi32, #tpu.memory_space<vmem>>) semaphore(%arg18 : memref<!tpu.dma_semaphore, #tpu.memory_space<semaphore_mem>>)
    %dma_start3A_67 = arith.constant 2 : i32
    %dma_start3A_68 = arith.constant 0 : i32
    %dma_start3A_69 = tpu.memref_slice %arg6[%dma_start3A_67, %dma_start3A_68] : memref<81x128xi32, #tpu.memory_space<vmem>> -> memref<1x128xi32, #tpu.memory_space<vmem>>
    %dma_start3A_70 = tpu.memref_squeeze %dma_start3A_69 : memref<1x128xi32, #tpu.memory_space<vmem>> -> memref<128xi32, #tpu.memory_space<vmem>>
    %dma_start3A_71 = arith.constant 0 : i32
    %dma_start3A_72 = arith.constant 0 : i32
    %dma_start3A_73 = tpu.memref_slice %arg36[%dma_start3A_71, %dma_start3A_72] : memref<10240x32xf32, #tpu.memory_space<vmem_shared>> -> memref<10240x32xf32, #tpu.memory_space<vmem_shared>>
    tpu.enqueue_indirect_dma source(%dma_start3A_73 : memref<10240x32xf32, #tpu.memory_space<vmem_shared>>) target(%arg10 : memref<128x32xf32, #tpu.memory_space<vmem>>) offsets(%dma_start3A_70 : memref<128xi32, #tpu.memory_space<vmem>>) semaphore(%arg19 : memref<!tpu.dma_semaphore, #tpu.memory_space<semaphore_mem>>)
    %dma_start3A_74 = arith.constant 3 : i32
    %dma_start3A_75 = arith.constant 0 : i32
    %dma_start3A_76 = tpu.memref_slice %arg6[%dma_start3A_74, %dma_start3A_75] : memref<81x128xi32, #tpu.memory_space<vmem>> -> memref<1x128xi32, #tpu.memory_space<vmem>>
    %dma_start3A_77 = tpu.memref_squeeze %dma_start3A_76 : memref<1x128xi32, #tpu.memory_space<vmem>> -> memref<128xi32, #tpu.memory_space<vmem>>
    %dma_start3A_78 = arith.constant 0 : i32
    %dma_start3A_79 = arith.constant 0 : i32
    %dma_start3A_80 = tpu.memref_slice %arg36[%dma_start3A_78, %dma_start3A_79] : memref<10240x32xf32, #tpu.memory_space<vmem_shared>> -> memref<10240x32xf32, #tpu.memory_space<vmem_shared>>
    tpu.enqueue_indirect_dma source(%dma_start3A_80 : memref<10240x32xf32, #tpu.memory_space<vmem_shared>>) target(%arg11 : memref<128x32xf32, #tpu.memory_space<vmem>>) offsets(%dma_start3A_77 : memref<128xi32, #tpu.memory_space<vmem>>) semaphore(%arg20 : memref<!tpu.dma_semaphore, #tpu.memory_space<semaphore_mem>>)
    %dma_wait3A_81 = arith.constant 0 : i32
    %dma_wait3A_82 = arith.constant 0 : i32
    %dma_wait3A_83 = tpu.memref_slice %arg6[%dma_wait3A_81, %dma_wait3A_82] : memref<81x128xi32, #tpu.memory_space<vmem>> -> memref<1x128xi32, #tpu.memory_space<vmem>>
    %dma_wait3A_84 = tpu.memref_squeeze %dma_wait3A_83 : memref<1x128xi32, #tpu.memory_space<vmem>> -> memref<128xi32, #tpu.memory_space<vmem>>
    %dma_wait3A_85 = arith.constant 0 : i32
    %dma_wait3A_86 = arith.constant 0 : i32
    %dma_wait3A_87 = tpu.memref_slice %arg36[%dma_wait3A_85, %dma_wait3A_86] : memref<10240x32xf32, #tpu.memory_space<vmem_shared>> -> memref<10240x32xf32, #tpu.memory_space<vmem_shared>>
    tpu.wait_indirect_dma semaphore(%arg17 : memref<!tpu.dma_semaphore, #tpu.memory_space<semaphore_mem>>) src(%dma_wait3A_87 : memref<10240x32xf32, #tpu.memory_space<vmem_shared>>) dst(%arg8 : memref<128x32xf32, #tpu.memory_space<vmem>>)
    %dma_start3A_88 = arith.constant 0 : i32
    %dma_start3A_89 = arith.constant 0 : i32
    %dma_start3A_90 = tpu.memref_slice %arg7[%dma_start3A_88, %dma_start3A_89] : memref<81x128xi32, #tpu.memory_space<vmem>> -> memref<1x128xi32, #tpu.memory_space<vmem>>
    %dma_start3A_91 = tpu.memref_squeeze %dma_start3A_90 : memref<1x128xi32, #tpu.memory_space<vmem>> -> memref<128xi32, #tpu.memory_space<vmem>>
    %dma_start3A_92 = arith.constant 0 : i32
    %dma_start3A_93 = arith.constant 0 : i32
    %dma_start3A_94 = tpu.memref_slice %arg35[%dma_start3A_92, %dma_start3A_93] : memref<10240x32xf32, #tpu.memory_space<vmem_shared>> -> memref<10240x32xf32, #tpu.memory_space<vmem_shared>>
    tpu.enqueue_indirect_dma source(%arg8 : memref<128x32xf32, #tpu.memory_space<vmem>>) target(%dma_start3A_94 : memref<10240x32xf32, #tpu.memory_space<vmem_shared>>) offsets(%dma_start3A_91 : memref<128xi32, #tpu.memory_space<vmem>>) semaphore(%arg26 : memref<!tpu.dma_semaphore, #tpu.memory_space<semaphore_mem>>) {add = true}
    %dma_start3A_95 = arith.constant 4 : i32
    %dma_start3A_96 = arith.constant 0 : i32
    %dma_start3A_97 = tpu.memref_slice %arg6[%dma_start3A_95, %dma_start3A_96] : memref<81x128xi32, #tpu.memory_space<vmem>> -> memref<1x128xi32, #tpu.memory_space<vmem>>
    %dma_start3A_98 = tpu.memref_squeeze %dma_start3A_97 : memref<1x128xi32, #tpu.memory_space<vmem>> -> memref<128xi32, #tpu.memory_space<vmem>>
    %dma_start3A_99 = arith.constant 0 : i32
    %dma_start3A_100 = arith.constant 0 : i32
    %dma_start3A_101 = tpu.memref_slice %arg36[%dma_start3A_99, %dma_start3A_100] : memref<10240x32xf32, #tpu.memory_space<vmem_shared>> -> memref<10240x32xf32, #tpu.memory_space<vmem_shared>>
    tpu.enqueue_indirect_dma source(%dma_start3A_101 : memref<10240x32xf32, #tpu.memory_space<vmem_shared>>) target(%arg12 : memref<128x32xf32, #tpu.memory_space<vmem>>) offsets(%dma_start3A_98 : memref<128xi32, #tpu.memory_space<vmem>>) semaphore(%arg21 : memref<!tpu.dma_semaphore, #tpu.memory_space<semaphore_mem>>)
    %dma_wait3A_102 = arith.constant 1 : i32
    %dma_wait3A_103 = arith.constant 0 : i32
    %dma_wait3A_104 = tpu.memref_slice %arg6[%dma_wait3A_102, %dma_wait3A_103] : memref<81x128xi32, #tpu.memory_space<vmem>> -> memref<1x128xi32, #tpu.memory_space<vmem>>
    %dma_wait3A_105 = tpu.memref_squeeze %dma_wait3A_104 : memref<1x128xi32, #tpu.memory_space<vmem>> -> memref<128xi32, #tpu.memory_space<vmem>>
    %dma_wait3A_106 = arith.constant 0 : i32
    %dma_wait3A_107 = arith.constant 0 : i32
    %dma_wait3A_108 = tpu.memref_slice %arg36[%dma_wait3A_106, %dma_wait3A_107] : memref<10240x32xf32, #tpu.memory_space<vmem_shared>> -> memref<10240x32xf32, #tpu.memory_space<vmem_shared>>
    tpu.wait_indirect_dma semaphore(%arg18 : memref<!tpu.dma_semaphore, #tpu.memory_space<semaphore_mem>>) src(%dma_wait3A_108 : memref<10240x32xf32, #tpu.memory_space<vmem_shared>>) dst(%arg9 : memref<128x32xf32, #tpu.memory_space<vmem>>)
    %dma_start3A_109 = arith.constant 1 : i32
    %dma_start3A_110 = arith.constant 0 : i32
    %dma_start3A_111 = tpu.memref_slice %arg7[%dma_start3A_109, %dma_start3A_110] : memref<81x128xi32, #tpu.memory_space<vmem>> -> memref<1x128xi32, #tpu.memory_space<vmem>>
    %dma_start3A_112 = tpu.memref_squeeze %dma_start3A_111 : memref<1x128xi32, #tpu.memory_space<vmem>> -> memref<128xi32, #tpu.memory_space<vmem>>
    %dma_start3A_113 = arith.constant 0 : i32
    %dma_start3A_114 = arith.constant 0 : i32
    %dma_start3A_115 = tpu.memref_slice %arg35[%dma_start3A_113, %dma_start3A_114] : memref<10240x32xf32, #tpu.memory_space<vmem_shared>> -> memref<10240x32xf32, #tpu.memory_space<vmem_shared>>
    tpu.enqueue_indirect_dma source(%arg9 : memref<128x32xf32, #tpu.memory_space<vmem>>) target(%dma_start3A_115 : memref<10240x32xf32, #tpu.memory_space<vmem_shared>>) offsets(%dma_start3A_112 : memref<128xi32, #tpu.memory_space<vmem>>) semaphore(%arg27 : memref<!tpu.dma_semaphore, #tpu.memory_space<semaphore_mem>>) {add = true}
    %dma_start3A_116 = arith.constant 5 : i32
    %dma_start3A_117 = arith.constant 0 : i32
    %dma_start3A_118 = tpu.memref_slice %arg6[%dma_start3A_116, %dma_start3A_117] : memref<81x128xi32, #tpu.memory_space<vmem>> -> memref<1x128xi32, #tpu.memory_space<vmem>>
    %dma_start3A_119 = tpu.memref_squeeze %dma_start3A_118 : memref<1x128xi32, #tpu.memory_space<vmem>> -> memref<128xi32, #tpu.memory_space<vmem>>
    %dma_start3A_120 = arith.constant 0 : i32
    %dma_start3A_121 = arith.constant 0 : i32
    %dma_start3A_122 = tpu.memref_slice %arg36[%dma_start3A_120, %dma_start3A_121] : memref<10240x32xf32, #tpu.memory_space<vmem_shared>> -> memref<10240x32xf32, #tpu.memory_space<vmem_shared>>
    tpu.enqueue_indirect_dma source(%dma_start3A_122 : memref<10240x32xf32, #tpu.memory_space<vmem_shared>>) target(%arg13 : memref<128x32xf32, #tpu.memory_space<vmem>>) offsets(%dma_start3A_119 : memref<128xi32, #tpu.memory_space<vmem>>) semaphore(%arg22 : memref<!tpu.dma_semaphore, #tpu.memory_space<semaphore_mem>>)
    %dma_wait3A_123 = arith.constant 2 : i32
    %dma_wait3A_124 = arith.constant 0 : i32
    %dma_wait3A_125 = tpu.memref_slice %arg6[%dma_wait3A_123, %dma_wait3A_124] : memref<81x128xi32, #tpu.memory_space<vmem>> -> memref<1x128xi32, #tpu.memory_space<vmem>>
    %dma_wait3A_126 = tpu.memref_squeeze %dma_wait3A_125 : memref<1x128xi32, #tpu.memory_space<vmem>> -> memref<128xi32, #tpu.memory_space<vmem>>
    %dma_wait3A_127 = arith.constant 0 : i32
    %dma_wait3A_128 = arith.constant 0 : i32
    %dma_wait3A_129 = tpu.memref_slice %arg36[%dma_wait3A_127, %dma_wait3A_128] : memref<10240x32xf32, #tpu.memory_space<vmem_shared>> -> memref<10240x32xf32, #tpu.memory_space<vmem_shared>>
    tpu.wait_indirect_dma semaphore(%arg19 : memref<!tpu.dma_semaphore, #tpu.memory_space<semaphore_mem>>) src(%dma_wait3A_129 : memref<10240x32xf32, #tpu.memory_space<vmem_shared>>) dst(%arg10 : memref<128x32xf32, #tpu.memory_space<vmem>>)
    %dma_start3A_130 = arith.constant 2 : i32
    %dma_start3A_131 = arith.constant 0 : i32
    %dma_start3A_132 = tpu.memref_slice %arg7[%dma_start3A_130, %dma_start3A_131] : memref<81x128xi32, #tpu.memory_space<vmem>> -> memref<1x128xi32, #tpu.memory_space<vmem>>
    %dma_start3A_133 = tpu.memref_squeeze %dma_start3A_132 : memref<1x128xi32, #tpu.memory_space<vmem>> -> memref<128xi32, #tpu.memory_space<vmem>>
    %dma_start3A_134 = arith.constant 0 : i32
    %dma_start3A_135 = arith.constant 0 : i32
    %dma_start3A_136 = tpu.memref_slice %arg35[%dma_start3A_134, %dma_start3A_135] : memref<10240x32xf32, #tpu.memory_space<vmem_shared>> -> memref<10240x32xf32, #tpu.memory_space<vmem_shared>>
    tpu.enqueue_indirect_dma source(%arg10 : memref<128x32xf32, #tpu.memory_space<vmem>>) target(%dma_start3A_136 : memref<10240x32xf32, #tpu.memory_space<vmem_shared>>) offsets(%dma_start3A_133 : memref<128xi32, #tpu.memory_space<vmem>>) semaphore(%arg28 : memref<!tpu.dma_semaphore, #tpu.memory_space<semaphore_mem>>) {add = true}
    %dma_start3A_137 = arith.constant 6 : i32
    %dma_start3A_138 = arith.constant 0 : i32
    %dma_start3A_139 = tpu.memref_slice %arg6[%dma_start3A_137, %dma_start3A_138] : memref<81x128xi32, #tpu.memory_space<vmem>> -> memref<1x128xi32, #tpu.memory_space<vmem>>
    %dma_start3A_140 = tpu.memref_squeeze %dma_start3A_139 : memref<1x128xi32, #tpu.memory_space<vmem>> -> memref<128xi32, #tpu.memory_space<vmem>>
    %dma_start3A_141 = arith.constant 0 : i32
    %dma_start3A_142 = arith.constant 0 : i32
    %dma_start3A_143 = tpu.memref_slice %arg36[%dma_start3A_141, %dma_start3A_142] : memref<10240x32xf32, #tpu.memory_space<vmem_shared>> -> memref<10240x32xf32, #tpu.memory_space<vmem_shared>>
    tpu.enqueue_indirect_dma source(%dma_start3A_143 : memref<10240x32xf32, #tpu.memory_space<vmem_shared>>) target(%arg14 : memref<128x32xf32, #tpu.memory_space<vmem>>) offsets(%dma_start3A_140 : memref<128xi32, #tpu.memory_space<vmem>>) semaphore(%arg23 : memref<!tpu.dma_semaphore, #tpu.memory_space<semaphore_mem>>)
    %dma_wait3A_144 = arith.constant 3 : i32
    %dma_wait3A_145 = arith.constant 0 : i32
    %dma_wait3A_146 = tpu.memref_slice %arg6[%dma_wait3A_144, %dma_wait3A_145] : memref<81x128xi32, #tpu.memory_space<vmem>> -> memref<1x128xi32, #tpu.memory_space<vmem>>
    %dma_wait3A_147 = tpu.memref_squeeze %dma_wait3A_146 : memref<1x128xi32, #tpu.memory_space<vmem>> -> memref<128xi32, #tpu.memory_space<vmem>>
    %dma_wait3A_148 = arith.constant 0 : i32
    %dma_wait3A_149 = arith.constant 0 : i32
    %dma_wait3A_150 = tpu.memref_slice %arg36[%dma_wait3A_148, %dma_wait3A_149] : memref<10240x32xf32, #tpu.memory_space<vmem_shared>> -> memref<10240x32xf32, #tpu.memory_space<vmem_shared>>
    tpu.wait_indirect_dma semaphore(%arg20 : memref<!tpu.dma_semaphore, #tpu.memory_space<semaphore_mem>>) src(%dma_wait3A_150 : memref<10240x32xf32, #tpu.memory_space<vmem_shared>>) dst(%arg11 : memref<128x32xf32, #tpu.memory_space<vmem>>)
    %dma_start3A_151 = arith.constant 3 : i32
    %dma_start3A_152 = arith.constant 0 : i32
    %dma_start3A_153 = tpu.memref_slice %arg7[%dma_start3A_151, %dma_start3A_152] : memref<81x128xi32, #tpu.memory_space<vmem>> -> memref<1x128xi32, #tpu.memory_space<vmem>>
    %dma_start3A_154 = tpu.memref_squeeze %dma_start3A_153 : memref<1x128xi32, #tpu.memory_space<vmem>> -> memref<128xi32, #tpu.memory_space<vmem>>
    %dma_start3A_155 = arith.constant 0 : i32
    %dma_start3A_156 = arith.constant 0 : i32
    %dma_start3A_157 = tpu.memref_slice %arg35[%dma_start3A_155, %dma_start3A_156] : memref<10240x32xf32, #tpu.memory_space<vmem_shared>> -> memref<10240x32xf32, #tpu.memory_space<vmem_shared>>
    tpu.enqueue_indirect_dma source(%arg11 : memref<128x32xf32, #tpu.memory_space<vmem>>) target(%dma_start3A_157 : memref<10240x32xf32, #tpu.memory_space<vmem_shared>>) offsets(%dma_start3A_154 : memref<128xi32, #tpu.memory_space<vmem>>) semaphore(%arg29 : memref<!tpu.dma_semaphore, #tpu.memory_space<semaphore_mem>>) {add = true}
    %dma_start3A_158 = arith.constant 7 : i32
    %dma_start3A_159 = arith.constant 0 : i32
    %dma_start3A_160 = tpu.memref_slice %arg6[%dma_start3A_158, %dma_start3A_159] : memref<81x128xi32, #tpu.memory_space<vmem>> -> memref<1x128xi32, #tpu.memory_space<vmem>>
    %dma_start3A_161 = tpu.memref_squeeze %dma_start3A_160 : memref<1x128xi32, #tpu.memory_space<vmem>> -> memref<128xi32, #tpu.memory_space<vmem>>
    %dma_start3A_162 = arith.constant 0 : i32
    %dma_start3A_163 = arith.constant 0 : i32
    %dma_start3A_164 = tpu.memref_slice %arg36[%dma_start3A_162, %dma_start3A_163] : memref<10240x32xf32, #tpu.memory_space<vmem_shared>> -> memref<10240x32xf32, #tpu.memory_space<vmem_shared>>
    tpu.enqueue_indirect_dma source(%dma_start3A_164 : memref<10240x32xf32, #tpu.memory_space<vmem_shared>>) target(%arg15 : memref<128x32xf32, #tpu.memory_space<vmem>>) offsets(%dma_start3A_161 : memref<128xi32, #tpu.memory_space<vmem>>) semaphore(%arg24 : memref<!tpu.dma_semaphore, #tpu.memory_space<semaphore_mem>>)
    %dma_wait3A_165 = arith.constant 4 : i32
    %dma_wait3A_166 = arith.constant 0 : i32
    %dma_wait3A_167 = tpu.memref_slice %arg6[%dma_wait3A_165, %dma_wait3A_166] : memref<81x128xi32, #tpu.memory_space<vmem>> -> memref<1x128xi32, #tpu.memory_space<vmem>>
    %dma_wait3A_168 = tpu.memref_squeeze %dma_wait3A_167 : memref<1x128xi32, #tpu.memory_space<vmem>> -> memref<128xi32, #tpu.memory_space<vmem>>
    %dma_wait3A_169 = arith.constant 0 : i32
    %dma_wait3A_170 = arith.constant 0 : i32
    %dma_wait3A_171 = tpu.memref_slice %arg36[%dma_wait3A_169, %dma_wait3A_170] : memref<10240x32xf32, #tpu.memory_space<vmem_shared>> -> memref<10240x32xf32, #tpu.memory_space<vmem_shared>>
    tpu.wait_indirect_dma semaphore(%arg21 : memref<!tpu.dma_semaphore, #tpu.memory_space<semaphore_mem>>) src(%dma_wait3A_171 : memref<10240x32xf32, #tpu.memory_space<vmem_shared>>) dst(%arg12 : memref<128x32xf32, #tpu.memory_space<vmem>>)
    %dma_start3A_172 = arith.constant 4 : i32
    %dma_start3A_173 = arith.constant 0 : i32
    %dma_start3A_174 = tpu.memref_slice %arg7[%dma_start3A_172, %dma_start3A_173] : memref<81x128xi32, #tpu.memory_space<vmem>> -> memref<1x128xi32, #tpu.memory_space<vmem>>
    %dma_start3A_175 = tpu.memref_squeeze %dma_start3A_174 : memref<1x128xi32, #tpu.memory_space<vmem>> -> memref<128xi32, #tpu.memory_space<vmem>>
    %dma_start3A_176 = arith.constant 0 : i32
    %dma_start3A_177 = arith.constant 0 : i32
    %dma_start3A_178 = tpu.memref_slice %arg35[%dma_start3A_176, %dma_start3A_177] : memref<10240x32xf32, #tpu.memory_space<vmem_shared>> -> memref<10240x32xf32, #tpu.memory_space<vmem_shared>>
    tpu.enqueue_indirect_dma source(%arg12 : memref<128x32xf32, #tpu.memory_space<vmem>>) target(%dma_start3A_178 : memref<10240x32xf32, #tpu.memory_space<vmem_shared>>) offsets(%dma_start3A_175 : memref<128xi32, #tpu.memory_space<vmem>>) semaphore(%arg30 : memref<!tpu.dma_semaphore, #tpu.memory_space<semaphore_mem>>) {add = true}
    %dma_start3A_179 = arith.constant 8 : i32
    %dma_start3A_180 = arith.constant 0 : i32
    %dma_start3A_181 = tpu.memref_slice %arg6[%dma_start3A_179, %dma_start3A_180] : memref<81x128xi32, #tpu.memory_space<vmem>> -> memref<1x128xi32, #tpu.memory_space<vmem>>
    %dma_start3A_182 = tpu.memref_squeeze %dma_start3A_181 : memref<1x128xi32, #tpu.memory_space<vmem>> -> memref<128xi32, #tpu.memory_space<vmem>>
    %dma_start3A_183 = arith.constant 0 : i32
    %dma_start3A_184 = arith.constant 0 : i32
    %dma_start3A_185 = tpu.memref_slice %arg36[%dma_start3A_183, %dma_start3A_184] : memref<10240x32xf32, #tpu.memory_space<vmem_shared>> -> memref<10240x32xf32, #tpu.memory_space<vmem_shared>>
    tpu.enqueue_indirect_dma source(%dma_start3A_185 : memref<10240x32xf32, #tpu.memory_space<vmem_shared>>) target(%arg16 : memref<128x32xf32, #tpu.memory_space<vmem>>) offsets(%dma_start3A_182 : memref<128xi32, #tpu.memory_space<vmem>>) semaphore(%arg25 : memref<!tpu.dma_semaphore, #tpu.memory_space<semaphore_mem>>)
    %dma_wait3A_186 = arith.constant 5 : i32
    %dma_wait3A_187 = arith.constant 0 : i32
    %dma_wait3A_188 = tpu.memref_slice %arg6[%dma_wait3A_186, %dma_wait3A_187] : memref<81x128xi32, #tpu.memory_space<vmem>> -> memref<1x128xi32, #tpu.memory_space<vmem>>
    %dma_wait3A_189 = tpu.memref_squeeze %dma_wait3A_188 : memref<1x128xi32, #tpu.memory_space<vmem>> -> memref<128xi32, #tpu.memory_space<vmem>>
    %dma_wait3A_190 = arith.constant 0 : i32
    %dma_wait3A_191 = arith.constant 0 : i32
    %dma_wait3A_192 = tpu.memref_slice %arg36[%dma_wait3A_190, %dma_wait3A_191] : memref<10240x32xf32, #tpu.memory_space<vmem_shared>> -> memref<10240x32xf32, #tpu.memory_space<vmem_shared>>
    tpu.wait_indirect_dma semaphore(%arg22 : memref<!tpu.dma_semaphore, #tpu.memory_space<semaphore_mem>>) src(%dma_wait3A_192 : memref<10240x32xf32, #tpu.memory_space<vmem_shared>>) dst(%arg13 : memref<128x32xf32, #tpu.memory_space<vmem>>)
    %dma_start3A_193 = arith.constant 5 : i32
    %dma_start3A_194 = arith.constant 0 : i32
    %dma_start3A_195 = tpu.memref_slice %arg7[%dma_start3A_193, %dma_start3A_194] : memref<81x128xi32, #tpu.memory_space<vmem>> -> memref<1x128xi32, #tpu.memory_space<vmem>>
    %dma_start3A_196 = tpu.memref_squeeze %dma_start3A_195 : memref<1x128xi32, #tpu.memory_space<vmem>> -> memref<128xi32, #tpu.memory_space<vmem>>
    %dma_start3A_197 = arith.constant 0 : i32
    %dma_start3A_198 = arith.constant 0 : i32
    %dma_start3A_199 = tpu.memref_slice %arg35[%dma_start3A_197, %dma_start3A_198] : memref<10240x32xf32, #tpu.memory_space<vmem_shared>> -> memref<10240x32xf32, #tpu.memory_space<vmem_shared>>
    tpu.enqueue_indirect_dma source(%arg13 : memref<128x32xf32, #tpu.memory_space<vmem>>) target(%dma_start3A_199 : memref<10240x32xf32, #tpu.memory_space<vmem_shared>>) offsets(%dma_start3A_196 : memref<128xi32, #tpu.memory_space<vmem>>) semaphore(%arg31 : memref<!tpu.dma_semaphore, #tpu.memory_space<semaphore_mem>>) {add = true}
    %dma_wait3A_200 = arith.constant 0 : i32
    %dma_wait3A_201 = arith.constant 0 : i32
    %dma_wait3A_202 = tpu.memref_slice %arg7[%dma_wait3A_200, %dma_wait3A_201] : memref<81x128xi32, #tpu.memory_space<vmem>> -> memref<1x128xi32, #tpu.memory_space<vmem>>
    %dma_wait3A_203 = tpu.memref_squeeze %dma_wait3A_202 : memref<1x128xi32, #tpu.memory_space<vmem>> -> memref<128xi32, #tpu.memory_space<vmem>>
    %dma_wait3A_204 = arith.constant 0 : i32
    %dma_wait3A_205 = arith.constant 0 : i32
    %dma_wait3A_206 = tpu.memref_slice %arg35[%dma_wait3A_204, %dma_wait3A_205] : memref<10240x32xf32, #tpu.memory_space<vmem_shared>> -> memref<10240x32xf32, #tpu.memory_space<vmem_shared>>
    tpu.wait_indirect_dma semaphore(%arg26 : memref<!tpu.dma_semaphore, #tpu.memory_space<semaphore_mem>>) src(%arg8 : memref<128x32xf32, #tpu.memory_space<vmem>>) dst(%dma_wait3A_206 : memref<10240x32xf32, #tpu.memory_space<vmem_shared>>)
    %dma_start3A_207 = arith.constant 9 : i32
    %dma_start3A_208 = arith.constant 0 : i32
    %dma_start3A_209 = tpu.memref_slice %arg6[%dma_start3A_207, %dma_start3A_208] : memref<81x128xi32, #tpu.memory_space<vmem>> -> memref<1x128xi32, #tpu.memory_space<vmem>>
    %dma_start3A_210 = tpu.memref_squeeze %dma_start3A_209 : memref<1x128xi32, #tpu.memory_space<vmem>> -> memref<128xi32, #tpu.memory_space<vmem>>
    %dma_start3A_211 = arith.constant 0 : i32
    %dma_start3A_212 = arith.constant 0 : i32
    %dma_start3A_213 = tpu.memref_slice %arg36[%dma_start3A_211, %dma_start3A_212] : memref<10240x32xf32, #tpu.memory_space<vmem_shared>> -> memref<10240x32xf32, #tpu.memory_space<vmem_shared>>
    tpu.enqueue_indirect_dma source(%dma_start3A_213 : memref<10240x32xf32, #tpu.memory_space<vmem_shared>>) target(%arg8 : memref<128x32xf32, #tpu.memory_space<vmem>>) offsets(%dma_start3A_210 : memref<128xi32, #tpu.memory_space<vmem>>) semaphore(%arg17 : memref<!tpu.dma_semaphore, #tpu.memory_space<semaphore_mem>>)
    %dma_wait3A_214 = arith.constant 6 : i32
    %dma_wait3A_215 = arith.constant 0 : i32
    %dma_wait3A_216 = tpu.memref_slice %arg6[%dma_wait3A_214, %dma_wait3A_215] : memref<81x128xi32, #tpu.memory_space<vmem>> -> memref<1x128xi32, #tpu.memory_space<vmem>>
    %dma_wait3A_217 = tpu.memref_squeeze %dma_wait3A_216 : memref<1x128xi32, #tpu.memory_space<vmem>> -> memref<128xi32, #tpu.memory_space<vmem>>
    %dma_wait3A_218 = arith.constant 0 : i32
    %dma_wait3A_219 = arith.constant 0 : i32
    %dma_wait3A_220 = tpu.memref_slice %arg36[%dma_wait3A_218, %dma_wait3A_219] : memref<10240x32xf32, #tpu.memory_space<vmem_shared>> -> memref<10240x32xf32, #tpu.memory_space<vmem_shared>>
    tpu.wait_indirect_dma semaphore(%arg23 : memref<!tpu.dma_semaphore, #tpu.memory_space<semaphore_mem>>) src(%dma_wait3A_220 : memref<10240x32xf32, #tpu.memory_space<vmem_shared>>) dst(%arg14 : memref<128x32xf32, #tpu.memory_space<vmem>>)
    %dma_start3A_221 = arith.constant 6 : i32
    %dma_start3A_222 = arith.constant 0 : i32
    %dma_start3A_223 = tpu.memref_slice %arg7[%dma_start3A_221, %dma_start3A_222] : memref<81x128xi32, #tpu.memory_space<vmem>> -> memref<1x128xi32, #tpu.memory_space<vmem>>
    %dma_start3A_224 = tpu.memref_squeeze %dma_start3A_223 : memref<1x128xi32, #tpu.memory_space<vmem>> -> memref<128xi32, #tpu.memory_space<vmem>>
    %dma_start3A_225 = arith.constant 0 : i32
    %dma_start3A_226 = arith.constant 0 : i32
    %dma_start3A_227 = tpu.memref_slice %arg35[%dma_start3A_225, %dma_start3A_226] : memref<10240x32xf32, #tpu.memory_space<vmem_shared>> -> memref<10240x32xf32, #tpu.memory_space<vmem_shared>>
    tpu.enqueue_indirect_dma source(%arg14 : memref<128x32xf32, #tpu.memory_space<vmem>>) target(%dma_start3A_227 : memref<10240x32xf32, #tpu.memory_space<vmem_shared>>) offsets(%dma_start3A_224 : memref<128xi32, #tpu.memory_space<vmem>>) semaphore(%arg32 : memref<!tpu.dma_semaphore, #tpu.memory_space<semaphore_mem>>) {add = true}
    %dma_wait3A_228 = arith.constant 1 : i32
    %dma_wait3A_229 = arith.constant 0 : i32
    %dma_wait3A_230 = tpu.memref_slice %arg7[%dma_wait3A_228, %dma_wait3A_229] : memref<81x128xi32, #tpu.memory_space<vmem>> -> memref<1x128xi32, #tpu.memory_space<vmem>>
    %dma_wait3A_231 = tpu.memref_squeeze %dma_wait3A_230 : memref<1x128xi32, #tpu.memory_space<vmem>> -> memref<128xi32, #tpu.memory_space<vmem>>
    %dma_wait3A_232 = arith.constant 0 : i32
    %dma_wait3A_233 = arith.constant 0 : i32
    %dma_wait3A_234 = tpu.memref_slice %arg35[%dma_wait3A_232, %dma_wait3A_233] : memref<10240x32xf32, #tpu.memory_space<vmem_shared>> -> memref<10240x32xf32, #tpu.memory_space<vmem_shared>>
    tpu.wait_indirect_dma semaphore(%arg27 : memref<!tpu.dma_semaphore, #tpu.memory_space<semaphore_mem>>) src(%arg9 : memref<128x32xf32, #tpu.memory_space<vmem>>) dst(%dma_wait3A_234 : memref<10240x32xf32, #tpu.memory_space<vmem_shared>>)
    %dma_start3A_235 = arith.constant 10 : i32
    %dma_start3A_236 = arith.constant 0 : i32
    %dma_start3A_237 = tpu.memref_slice %arg6[%dma_start3A_235, %dma_start3A_236] : memref<81x128xi32, #tpu.memory_space<vmem>> -> memref<1x128xi32, #tpu.memory_space<vmem>>
    %dma_start3A_238 = tpu.memref_squeeze %dma_start3A_237 : memref<1x128xi32, #tpu.memory_space<vmem>> -> memref<128xi32, #tpu.memory_space<vmem>>
    %dma_start3A_239 = arith.constant 0 : i32
    %dma_start3A_240 = arith.constant 0 : i32
    %dma_start3A_241 = tpu.memref_slice %arg36[%dma_start3A_239, %dma_start3A_240] : memref<10240x32xf32, #tpu.memory_space<vmem_shared>> -> memref<10240x32xf32, #tpu.memory_space<vmem_shared>>
    tpu.enqueue_indirect_dma source(%dma_start3A_241 : memref<10240x32xf32, #tpu.memory_space<vmem_shared>>) target(%arg9 : memref<128x32xf32, #tpu.memory_space<vmem>>) offsets(%dma_start3A_238 : memref<128xi32, #tpu.memory_space<vmem>>) semaphore(%arg18 : memref<!tpu.dma_semaphore, #tpu.memory_space<semaphore_mem>>)
    %dma_wait3A_242 = arith.constant 7 : i32
    %dma_wait3A_243 = arith.constant 0 : i32
    %dma_wait3A_244 = tpu.memref_slice %arg6[%dma_wait3A_242, %dma_wait3A_243] : memref<81x128xi32, #tpu.memory_space<vmem>> -> memref<1x128xi32, #tpu.memory_space<vmem>>
    %dma_wait3A_245 = tpu.memref_squeeze %dma_wait3A_244 : memref<1x128xi32, #tpu.memory_space<vmem>> -> memref<128xi32, #tpu.memory_space<vmem>>
    %dma_wait3A_246 = arith.constant 0 : i32
    %dma_wait3A_247 = arith.constant 0 : i32
    %dma_wait3A_248 = tpu.memref_slice %arg36[%dma_wait3A_246, %dma_wait3A_247] : memref<10240x32xf32, #tpu.memory_space<vmem_shared>> -> memref<10240x32xf32, #tpu.memory_space<vmem_shared>>
    tpu.wait_indirect_dma semaphore(%arg24 : memref<!tpu.dma_semaphore, #tpu.memory_space<semaphore_mem>>) src(%dma_wait3A_248 : memref<10240x32xf32, #tpu.memory_space<vmem_shared>>) dst(%arg15 : memref<128x32xf32, #tpu.memory_space<vmem>>)
    %dma_start3A_249 = arith.constant 7 : i32
    %dma_start3A_250 = arith.constant 0 : i32
    %dma_start3A_251 = tpu.memref_slice %arg7[%dma_start3A_249, %dma_start3A_250] : memref<81x128xi32, #tpu.memory_space<vmem>> -> memref<1x128xi32, #tpu.memory_space<vmem>>
    %dma_start3A_252 = tpu.memref_squeeze %dma_start3A_251 : memref<1x128xi32, #tpu.memory_space<vmem>> -> memref<128xi32, #tpu.memory_space<vmem>>
    %dma_start3A_253 = arith.constant 0 : i32
    %dma_start3A_254 = arith.constant 0 : i32
    %dma_start3A_255 = tpu.memref_slice %arg35[%dma_start3A_253, %dma_start3A_254] : memref<10240x32xf32, #tpu.memory_space<vmem_shared>> -> memref<10240x32xf32, #tpu.memory_space<vmem_shared>>
    tpu.enqueue_indirect_dma source(%arg15 : memref<128x32xf32, #tpu.memory_space<vmem>>) target(%dma_start3A_255 : memref<10240x32xf32, #tpu.memory_space<vmem_shared>>) offsets(%dma_start3A_252 : memref<128xi32, #tpu.memory_space<vmem>>) semaphore(%arg33 : memref<!tpu.dma_semaphore, #tpu.memory_space<semaphore_mem>>) {add = true}
    %dma_wait3A_256 = arith.constant 2 : i32
    %dma_wait3A_257 = arith.constant 0 : i32
    %dma_wait3A_258 = tpu.memref_slice %arg7[%dma_wait3A_256, %dma_wait3A_257] : memref<81x128xi32, #tpu.memory_space<vmem>> -> memref<1x128xi32, #tpu.memory_space<vmem>>
    %dma_wait3A_259 = tpu.memref_squeeze %dma_wait3A_258 : memref<1x128xi32, #tpu.memory_space<vmem>> -> memref<128xi32, #tpu.memory_space<vmem>>
    %dma_wait3A_260 = arith.constant 0 : i32
    %dma_wait3A_261 = arith.constant 0 : i32
    %dma_wait3A_262 = tpu.memref_slice %arg35[%dma_wait3A_260, %dma_wait3A_261] : memref<10240x32xf32, #tpu.memory_space<vmem_shared>> -> memref<10240x32xf32, #tpu.memory_space<vmem_shared>>
    tpu.wait_indirect_dma semaphore(%arg28 : memref<!tpu.dma_semaphore, #tpu.memory_space<semaphore_mem>>) src(%arg10 : memref<128x32xf32, #tpu.memory_space<vmem>>) dst(%dma_wait3A_262 : memref<10240x32xf32, #tpu.memory_space<vmem_shared>>)
    %dma_start3A_263 = arith.constant 11 : i32
    %dma_start3A_264 = arith.constant 0 : i32
    %dma_start3A_265 = tpu.memref_slice %arg6[%dma_start3A_263, %dma_start3A_264] : memref<81x128xi32, #tpu.memory_space<vmem>> -> memref<1x128xi32, #tpu.memory_space<vmem>>
    %dma_start3A_266 = tpu.memref_squeeze %dma_start3A_265 : memref<1x128xi32, #tpu.memory_space<vmem>> -> memref<128xi32, #tpu.memory_space<vmem>>
    %dma_start3A_267 = arith.constant 0 : i32
    %dma_start3A_268 = arith.constant 0 : i32
    %dma_start3A_269 = tpu.memref_slice %arg36[%dma_start3A_267, %dma_start3A_268] : memref<10240x32xf32, #tpu.memory_space<vmem_shared>> -> memref<10240x32xf32, #tpu.memory_space<vmem_shared>>
    tpu.enqueue_indirect_dma source(%dma_start3A_269 : memref<10240x32xf32, #tpu.memory_space<vmem_shared>>) target(%arg10 : memref<128x32xf32, #tpu.memory_space<vmem>>) offsets(%dma_start3A_266 : memref<128xi32, #tpu.memory_space<vmem>>) semaphore(%arg19 : memref<!tpu.dma_semaphore, #tpu.memory_space<semaphore_mem>>)
    %dma_wait3A_270 = arith.constant 8 : i32
    %dma_wait3A_271 = arith.constant 0 : i32
    %dma_wait3A_272 = tpu.memref_slice %arg6[%dma_wait3A_270, %dma_wait3A_271] : memref<81x128xi32, #tpu.memory_space<vmem>> -> memref<1x128xi32, #tpu.memory_space<vmem>>
    %dma_wait3A_273 = tpu.memref_squeeze %dma_wait3A_272 : memref<1x128xi32, #tpu.memory_space<vmem>> -> memref<128xi32, #tpu.memory_space<vmem>>
    %dma_wait3A_274 = arith.constant 0 : i32
    %dma_wait3A_275 = arith.constant 0 : i32
    %dma_wait3A_276 = tpu.memref_slice %arg36[%dma_wait3A_274, %dma_wait3A_275] : memref<10240x32xf32, #tpu.memory_space<vmem_shared>> -> memref<10240x32xf32, #tpu.memory_space<vmem_shared>>
    tpu.wait_indirect_dma semaphore(%arg25 : memref<!tpu.dma_semaphore, #tpu.memory_space<semaphore_mem>>) src(%dma_wait3A_276 : memref<10240x32xf32, #tpu.memory_space<vmem_shared>>) dst(%arg16 : memref<128x32xf32, #tpu.memory_space<vmem>>)
    %dma_start3A_277 = arith.constant 8 : i32
    %dma_start3A_278 = arith.constant 0 : i32
    %dma_start3A_279 = tpu.memref_slice %arg7[%dma_start3A_277, %dma_start3A_278] : memref<81x128xi32, #tpu.memory_space<vmem>> -> memref<1x128xi32, #tpu.memory_space<vmem>>
    %dma_start3A_280 = tpu.memref_squeeze %dma_start3A_279 : memref<1x128xi32, #tpu.memory_space<vmem>> -> memref<128xi32, #tpu.memory_space<vmem>>
    %dma_start3A_281 = arith.constant 0 : i32
    %dma_start3A_282 = arith.constant 0 : i32
    %dma_start3A_283 = tpu.memref_slice %arg35[%dma_start3A_281, %dma_start3A_282] : memref<10240x32xf32, #tpu.memory_space<vmem_shared>> -> memref<10240x32xf32, #tpu.memory_space<vmem_shared>>
    tpu.enqueue_indirect_dma source(%arg16 : memref<128x32xf32, #tpu.memory_space<vmem>>) target(%dma_start3A_283 : memref<10240x32xf32, #tpu.memory_space<vmem_shared>>) offsets(%dma_start3A_280 : memref<128xi32, #tpu.memory_space<vmem>>) semaphore(%arg34 : memref<!tpu.dma_semaphore, #tpu.memory_space<semaphore_mem>>) {add = true}
    %dma_wait3A_284 = arith.constant 3 : i32
    %dma_wait3A_285 = arith.constant 0 : i32
    %dma_wait3A_286 = tpu.memref_slice %arg7[%dma_wait3A_284, %dma_wait3A_285] : memref<81x128xi32, #tpu.memory_space<vmem>> -> memref<1x128xi32, #tpu.memory_space<vmem>>
    %dma_wait3A_287 = tpu.memref_squeeze %dma_wait3A_286 : memref<1x128xi32, #tpu.memory_space<vmem>> -> memref<128xi32, #tpu.memory_space<vmem>>
    %dma_wait3A_288 = arith.constant 0 : i32
    %dma_wait3A_289 = arith.constant 0 : i32
    %dma_wait3A_290 = tpu.memref_slice %arg35[%dma_wait3A_288, %dma_wait3A_289] : memref<10240x32xf32, #tpu.memory_space<vmem_shared>> -> memref<10240x32xf32, #tpu.memory_space<vmem_shared>>
    tpu.wait_indirect_dma semaphore(%arg29 : memref<!tpu.dma_semaphore, #tpu.memory_space<semaphore_mem>>) src(%arg11 : memref<128x32xf32, #tpu.memory_space<vmem>>) dst(%dma_wait3A_290 : memref<10240x32xf32, #tpu.memory_space<vmem_shared>>)
    %dma_start3A_291 = arith.constant 12 : i32
    %dma_start3A_292 = arith.constant 0 : i32
    %dma_start3A_293 = tpu.memref_slice %arg6[%dma_start3A_291, %dma_start3A_292] : memref<81x128xi32, #tpu.memory_space<vmem>> -> memref<1x128xi32, #tpu.memory_space<vmem>>
    %dma_start3A_294 = tpu.memref_squeeze %dma_start3A_293 : memref<1x128xi32, #tpu.memory_space<vmem>> -> memref<128xi32, #tpu.memory_space<vmem>>
    %dma_start3A_295 = arith.constant 0 : i32
    %dma_start3A_296 = arith.constant 0 : i32
    %dma_start3A_297 = tpu.memref_slice %arg36[%dma_start3A_295, %dma_start3A_296] : memref<10240x32xf32, #tpu.memory_space<vmem_shared>> -> memref<10240x32xf32, #tpu.memory_space<vmem_shared>>
    tpu.enqueue_indirect_dma source(%dma_start3A_297 : memref<10240x32xf32, #tpu.memory_space<vmem_shared>>) target(%arg11 : memref<128x32xf32, #tpu.memory_space<vmem>>) offsets(%dma_start3A_294 : memref<128xi32, #tpu.memory_space<vmem>>) semaphore(%arg20 : memref<!tpu.dma_semaphore, #tpu.memory_space<semaphore_mem>>)
    %scan3A = arith.constant 0 : i32
    %scan3A_298 = arith.constant 1 : i32
    %scan3A_299 = arith.constant 7 : i32
    %scan3A_300 = arith.addi %scan3A_298, %scan3A_299 : i32
    %scan3A_301 = arith.constant 1 : i32
    scf.for %scan3A_563 = %scan3A_298 to %scan3A_300 step %scan3A_301  : i32 {
      %mul3A_564 = arith.constant 9 : i32
      %mul3A_565 = arith.muli %scan3A_563, %mul3A_564 : i32
      %add3A_566 = arith.constant 0 : i32
      %add3A_567 = arith.addi %mul3A_565, %add3A_566 : i32
      %dma_wait3A_568 = arith.constant 0 : i32
      %dma_wait3A_569 = tpu.memref_slice %arg6[%add3A_567, %dma_wait3A_568] : memref<81x128xi32, #tpu.memory_space<vmem>> -> memref<1x128xi32, #tpu.memory_space<vmem>>
      %dma_wait3A_570 = tpu.memref_squeeze %dma_wait3A_569 : memref<1x128xi32, #tpu.memory_space<vmem>> -> memref<128xi32, #tpu.memory_space<vmem>>
      %dma_wait3A_571 = arith.constant 0 : i32
      %dma_wait3A_572 = arith.constant 0 : i32
      %dma_wait3A_573 = tpu.memref_slice %arg36[%dma_wait3A_571, %dma_wait3A_572] : memref<10240x32xf32, #tpu.memory_space<vmem_shared>> -> memref<10240x32xf32, #tpu.memory_space<vmem_shared>>
      tpu.wait_indirect_dma semaphore(%arg17 : memref<!tpu.dma_semaphore, #tpu.memory_space<semaphore_mem>>) src(%dma_wait3A_573 : memref<10240x32xf32, #tpu.memory_space<vmem_shared>>) dst(%arg8 : memref<128x32xf32, #tpu.memory_space<vmem>>)
      %dma_start3A_574 = arith.constant 0 : i32
      %dma_start3A_575 = tpu.memref_slice %arg7[%add3A_567, %dma_start3A_574] : memref<81x128xi32, #tpu.memory_space<vmem>> -> memref<1x128xi32, #tpu.memory_space<vmem>>
      %dma_start3A_576 = tpu.memref_squeeze %dma_start3A_575 : memref<1x128xi32, #tpu.memory_space<vmem>> -> memref<128xi32, #tpu.memory_space<vmem>>
      %dma_start3A_577 = arith.constant 0 : i32
      %dma_start3A_578 = arith.constant 0 : i32
      %dma_start3A_579 = tpu.memref_slice %arg35[%dma_start3A_577, %dma_start3A_578] : memref<10240x32xf32, #tpu.memory_space<vmem_shared>> -> memref<10240x32xf32, #tpu.memory_space<vmem_shared>>
      tpu.enqueue_indirect_dma source(%arg8 : memref<128x32xf32, #tpu.memory_space<vmem>>) target(%dma_start3A_579 : memref<10240x32xf32, #tpu.memory_space<vmem_shared>>) offsets(%dma_start3A_576 : memref<128xi32, #tpu.memory_space<vmem>>) semaphore(%arg26 : memref<!tpu.dma_semaphore, #tpu.memory_space<semaphore_mem>>) {add = true}
      %add3A_580 = arith.constant 4 : i32
      %add3A_581 = arith.addi %add3A_567, %add3A_580 : i32
      %sub3A = arith.constant 9 : i32
      %sub3A_582 = arith.subi %add3A_581, %sub3A : i32
      %dma_wait3A_583 = arith.constant 0 : i32
      %dma_wait3A_584 = tpu.memref_slice %arg7[%sub3A_582, %dma_wait3A_583] : memref<81x128xi32, #tpu.memory_space<vmem>> -> memref<1x128xi32, #tpu.memory_space<vmem>>
      %dma_wait3A_585 = tpu.memref_squeeze %dma_wait3A_584 : memref<1x128xi32, #tpu.memory_space<vmem>> -> memref<128xi32, #tpu.memory_space<vmem>>
      %dma_wait3A_586 = arith.constant 0 : i32
      %dma_wait3A_587 = arith.constant 0 : i32
      %dma_wait3A_588 = tpu.memref_slice %arg35[%dma_wait3A_586, %dma_wait3A_587] : memref<10240x32xf32, #tpu.memory_space<vmem_shared>> -> memref<10240x32xf32, #tpu.memory_space<vmem_shared>>
      tpu.wait_indirect_dma semaphore(%arg30 : memref<!tpu.dma_semaphore, #tpu.memory_space<semaphore_mem>>) src(%arg12 : memref<128x32xf32, #tpu.memory_space<vmem>>) dst(%dma_wait3A_588 : memref<10240x32xf32, #tpu.memory_space<vmem_shared>>)
      %dma_start3A_589 = arith.constant 0 : i32
      %dma_start3A_590 = tpu.memref_slice %arg6[%add3A_581, %dma_start3A_589] : memref<81x128xi32, #tpu.memory_space<vmem>> -> memref<1x128xi32, #tpu.memory_space<vmem>>
      %dma_start3A_591 = tpu.memref_squeeze %dma_start3A_590 : memref<1x128xi32, #tpu.memory_space<vmem>> -> memref<128xi32, #tpu.memory_space<vmem>>
      %dma_start3A_592 = arith.constant 0 : i32
      %dma_start3A_593 = arith.constant 0 : i32
      %dma_start3A_594 = tpu.memref_slice %arg36[%dma_start3A_592, %dma_start3A_593] : memref<10240x32xf32, #tpu.memory_space<vmem_shared>> -> memref<10240x32xf32, #tpu.memory_space<vmem_shared>>
      tpu.enqueue_indirect_dma source(%dma_start3A_594 : memref<10240x32xf32, #tpu.memory_space<vmem_shared>>) target(%arg12 : memref<128x32xf32, #tpu.memory_space<vmem>>) offsets(%dma_start3A_591 : memref<128xi32, #tpu.memory_space<vmem>>) semaphore(%arg21 : memref<!tpu.dma_semaphore, #tpu.memory_space<semaphore_mem>>)
      %add3A_595 = arith.constant 1 : i32
      %add3A_596 = arith.addi %mul3A_565, %add3A_595 : i32
      %dma_wait3A_597 = arith.constant 0 : i32
      %dma_wait3A_598 = tpu.memref_slice %arg6[%add3A_596, %dma_wait3A_597] : memref<81x128xi32, #tpu.memory_space<vmem>> -> memref<1x128xi32, #tpu.memory_space<vmem>>
      %dma_wait3A_599 = tpu.memref_squeeze %dma_wait3A_598 : memref<1x128xi32, #tpu.memory_space<vmem>> -> memref<128xi32, #tpu.memory_space<vmem>>
      %dma_wait3A_600 = arith.constant 0 : i32
      %dma_wait3A_601 = arith.constant 0 : i32
      %dma_wait3A_602 = tpu.memref_slice %arg36[%dma_wait3A_600, %dma_wait3A_601] : memref<10240x32xf32, #tpu.memory_space<vmem_shared>> -> memref<10240x32xf32, #tpu.memory_space<vmem_shared>>
      tpu.wait_indirect_dma semaphore(%arg18 : memref<!tpu.dma_semaphore, #tpu.memory_space<semaphore_mem>>) src(%dma_wait3A_602 : memref<10240x32xf32, #tpu.memory_space<vmem_shared>>) dst(%arg9 : memref<128x32xf32, #tpu.memory_space<vmem>>)
      %dma_start3A_603 = arith.constant 0 : i32
      %dma_start3A_604 = tpu.memref_slice %arg7[%add3A_596, %dma_start3A_603] : memref<81x128xi32, #tpu.memory_space<vmem>> -> memref<1x128xi32, #tpu.memory_space<vmem>>
      %dma_start3A_605 = tpu.memref_squeeze %dma_start3A_604 : memref<1x128xi32, #tpu.memory_space<vmem>> -> memref<128xi32, #tpu.memory_space<vmem>>
      %dma_start3A_606 = arith.constant 0 : i32
      %dma_start3A_607 = arith.constant 0 : i32
      %dma_start3A_608 = tpu.memref_slice %arg35[%dma_start3A_606, %dma_start3A_607] : memref<10240x32xf32, #tpu.memory_space<vmem_shared>> -> memref<10240x32xf32, #tpu.memory_space<vmem_shared>>
      tpu.enqueue_indirect_dma source(%arg9 : memref<128x32xf32, #tpu.memory_space<vmem>>) target(%dma_start3A_608 : memref<10240x32xf32, #tpu.memory_space<vmem_shared>>) offsets(%dma_start3A_605 : memref<128xi32, #tpu.memory_space<vmem>>) semaphore(%arg27 : memref<!tpu.dma_semaphore, #tpu.memory_space<semaphore_mem>>) {add = true}
      %add3A_609 = arith.constant 4 : i32
      %add3A_610 = arith.addi %add3A_596, %add3A_609 : i32
      %sub3A_611 = arith.constant 9 : i32
      %sub3A_612 = arith.subi %add3A_610, %sub3A_611 : i32
      %dma_wait3A_613 = arith.constant 0 : i32
      %dma_wait3A_614 = tpu.memref_slice %arg7[%sub3A_612, %dma_wait3A_613] : memref<81x128xi32, #tpu.memory_space<vmem>> -> memref<1x128xi32, #tpu.memory_space<vmem>>
      %dma_wait3A_615 = tpu.memref_squeeze %dma_wait3A_614 : memref<1x128xi32, #tpu.memory_space<vmem>> -> memref<128xi32, #tpu.memory_space<vmem>>
      %dma_wait3A_616 = arith.constant 0 : i32
      %dma_wait3A_617 = arith.constant 0 : i32
      %dma_wait3A_618 = tpu.memref_slice %arg35[%dma_wait3A_616, %dma_wait3A_617] : memref<10240x32xf32, #tpu.memory_space<vmem_shared>> -> memref<10240x32xf32, #tpu.memory_space<vmem_shared>>
      tpu.wait_indirect_dma semaphore(%arg31 : memref<!tpu.dma_semaphore, #tpu.memory_space<semaphore_mem>>) src(%arg13 : memref<128x32xf32, #tpu.memory_space<vmem>>) dst(%dma_wait3A_618 : memref<10240x32xf32, #tpu.memory_space<vmem_shared>>)
      %dma_start3A_619 = arith.constant 0 : i32
      %dma_start3A_620 = tpu.memref_slice %arg6[%add3A_610, %dma_start3A_619] : memref<81x128xi32, #tpu.memory_space<vmem>> -> memref<1x128xi32, #tpu.memory_space<vmem>>
      %dma_start3A_621 = tpu.memref_squeeze %dma_start3A_620 : memref<1x128xi32, #tpu.memory_space<vmem>> -> memref<128xi32, #tpu.memory_space<vmem>>
      %dma_start3A_622 = arith.constant 0 : i32
      %dma_start3A_623 = arith.constant 0 : i32
      %dma_start3A_624 = tpu.memref_slice %arg36[%dma_start3A_622, %dma_start3A_623] : memref<10240x32xf32, #tpu.memory_space<vmem_shared>> -> memref<10240x32xf32, #tpu.memory_space<vmem_shared>>
      tpu.enqueue_indirect_dma source(%dma_start3A_624 : memref<10240x32xf32, #tpu.memory_space<vmem_shared>>) target(%arg13 : memref<128x32xf32, #tpu.memory_space<vmem>>) offsets(%dma_start3A_621 : memref<128xi32, #tpu.memory_space<vmem>>) semaphore(%arg22 : memref<!tpu.dma_semaphore, #tpu.memory_space<semaphore_mem>>)
      %add3A_625 = arith.constant 2 : i32
      %add3A_626 = arith.addi %mul3A_565, %add3A_625 : i32
      %dma_wait3A_627 = arith.constant 0 : i32
      %dma_wait3A_628 = tpu.memref_slice %arg6[%add3A_626, %dma_wait3A_627] : memref<81x128xi32, #tpu.memory_space<vmem>> -> memref<1x128xi32, #tpu.memory_space<vmem>>
      %dma_wait3A_629 = tpu.memref_squeeze %dma_wait3A_628 : memref<1x128xi32, #tpu.memory_space<vmem>> -> memref<128xi32, #tpu.memory_space<vmem>>
      %dma_wait3A_630 = arith.constant 0 : i32
      %dma_wait3A_631 = arith.constant 0 : i32
      %dma_wait3A_632 = tpu.memref_slice %arg36[%dma_wait3A_630, %dma_wait3A_631] : memref<10240x32xf32, #tpu.memory_space<vmem_shared>> -> memref<10240x32xf32, #tpu.memory_space<vmem_shared>>
      tpu.wait_indirect_dma semaphore(%arg19 : memref<!tpu.dma_semaphore, #tpu.memory_space<semaphore_mem>>) src(%dma_wait3A_632 : memref<10240x32xf32, #tpu.memory_space<vmem_shared>>) dst(%arg10 : memref<128x32xf32, #tpu.memory_space<vmem>>)
      %dma_start3A_633 = arith.constant 0 : i32
      %dma_start3A_634 = tpu.memref_slice %arg7[%add3A_626, %dma_start3A_633] : memref<81x128xi32, #tpu.memory_space<vmem>> -> memref<1x128xi32, #tpu.memory_space<vmem>>
      %dma_start3A_635 = tpu.memref_squeeze %dma_start3A_634 : memref<1x128xi32, #tpu.memory_space<vmem>> -> memref<128xi32, #tpu.memory_space<vmem>>
      %dma_start3A_636 = arith.constant 0 : i32
      %dma_start3A_637 = arith.constant 0 : i32
      %dma_start3A_638 = tpu.memref_slice %arg35[%dma_start3A_636, %dma_start3A_637] : memref<10240x32xf32, #tpu.memory_space<vmem_shared>> -> memref<10240x32xf32, #tpu.memory_space<vmem_shared>>
      tpu.enqueue_indirect_dma source(%arg10 : memref<128x32xf32, #tpu.memory_space<vmem>>) target(%dma_start3A_638 : memref<10240x32xf32, #tpu.memory_space<vmem_shared>>) offsets(%dma_start3A_635 : memref<128xi32, #tpu.memory_space<vmem>>) semaphore(%arg28 : memref<!tpu.dma_semaphore, #tpu.memory_space<semaphore_mem>>) {add = true}
      %add3A_639 = arith.constant 4 : i32
      %add3A_640 = arith.addi %add3A_626, %add3A_639 : i32
      %sub3A_641 = arith.constant 9 : i32
      %sub3A_642 = arith.subi %add3A_640, %sub3A_641 : i32
      %dma_wait3A_643 = arith.constant 0 : i32
      %dma_wait3A_644 = tpu.memref_slice %arg7[%sub3A_642, %dma_wait3A_643] : memref<81x128xi32, #tpu.memory_space<vmem>> -> memref<1x128xi32, #tpu.memory_space<vmem>>
      %dma_wait3A_645 = tpu.memref_squeeze %dma_wait3A_644 : memref<1x128xi32, #tpu.memory_space<vmem>> -> memref<128xi32, #tpu.memory_space<vmem>>
      %dma_wait3A_646 = arith.constant 0 : i32
      %dma_wait3A_647 = arith.constant 0 : i32
      %dma_wait3A_648 = tpu.memref_slice %arg35[%dma_wait3A_646, %dma_wait3A_647] : memref<10240x32xf32, #tpu.memory_space<vmem_shared>> -> memref<10240x32xf32, #tpu.memory_space<vmem_shared>>
      tpu.wait_indirect_dma semaphore(%arg32 : memref<!tpu.dma_semaphore, #tpu.memory_space<semaphore_mem>>) src(%arg14 : memref<128x32xf32, #tpu.memory_space<vmem>>) dst(%dma_wait3A_648 : memref<10240x32xf32, #tpu.memory_space<vmem_shared>>)
      %dma_start3A_649 = arith.constant 0 : i32
      %dma_start3A_650 = tpu.memref_slice %arg6[%add3A_640, %dma_start3A_649] : memref<81x128xi32, #tpu.memory_space<vmem>> -> memref<1x128xi32, #tpu.memory_space<vmem>>
      %dma_start3A_651 = tpu.memref_squeeze %dma_start3A_650 : memref<1x128xi32, #tpu.memory_space<vmem>> -> memref<128xi32, #tpu.memory_space<vmem>>
      %dma_start3A_652 = arith.constant 0 : i32
      %dma_start3A_653 = arith.constant 0 : i32
      %dma_start3A_654 = tpu.memref_slice %arg36[%dma_start3A_652, %dma_start3A_653] : memref<10240x32xf32, #tpu.memory_space<vmem_shared>> -> memref<10240x32xf32, #tpu.memory_space<vmem_shared>>
      tpu.enqueue_indirect_dma source(%dma_start3A_654 : memref<10240x32xf32, #tpu.memory_space<vmem_shared>>) target(%arg14 : memref<128x32xf32, #tpu.memory_space<vmem>>) offsets(%dma_start3A_651 : memref<128xi32, #tpu.memory_space<vmem>>) semaphore(%arg23 : memref<!tpu.dma_semaphore, #tpu.memory_space<semaphore_mem>>)
      %add3A_655 = arith.constant 3 : i32
      %add3A_656 = arith.addi %mul3A_565, %add3A_655 : i32
      %dma_wait3A_657 = arith.constant 0 : i32
      %dma_wait3A_658 = tpu.memref_slice %arg6[%add3A_656, %dma_wait3A_657] : memref<81x128xi32, #tpu.memory_space<vmem>> -> memref<1x128xi32, #tpu.memory_space<vmem>>
      %dma_wait3A_659 = tpu.memref_squeeze %dma_wait3A_658 : memref<1x128xi32, #tpu.memory_space<vmem>> -> memref<128xi32, #tpu.memory_space<vmem>>
      %dma_wait3A_660 = arith.constant 0 : i32
      %dma_wait3A_661 = arith.constant 0 : i32
      %dma_wait3A_662 = tpu.memref_slice %arg36[%dma_wait3A_660, %dma_wait3A_661] : memref<10240x32xf32, #tpu.memory_space<vmem_shared>> -> memref<10240x32xf32, #tpu.memory_space<vmem_shared>>
      tpu.wait_indirect_dma semaphore(%arg20 : memref<!tpu.dma_semaphore, #tpu.memory_space<semaphore_mem>>) src(%dma_wait3A_662 : memref<10240x32xf32, #tpu.memory_space<vmem_shared>>) dst(%arg11 : memref<128x32xf32, #tpu.memory_space<vmem>>)
      %dma_start3A_663 = arith.constant 0 : i32
      %dma_start3A_664 = tpu.memref_slice %arg7[%add3A_656, %dma_start3A_663] : memref<81x128xi32, #tpu.memory_space<vmem>> -> memref<1x128xi32, #tpu.memory_space<vmem>>
      %dma_start3A_665 = tpu.memref_squeeze %dma_start3A_664 : memref<1x128xi32, #tpu.memory_space<vmem>> -> memref<128xi32, #tpu.memory_space<vmem>>
      %dma_start3A_666 = arith.constant 0 : i32
      %dma_start3A_667 = arith.constant 0 : i32
      %dma_start3A_668 = tpu.memref_slice %arg35[%dma_start3A_666, %dma_start3A_667] : memref<10240x32xf32, #tpu.memory_space<vmem_shared>> -> memref<10240x32xf32, #tpu.memory_space<vmem_shared>>
      tpu.enqueue_indirect_dma source(%arg11 : memref<128x32xf32, #tpu.memory_space<vmem>>) target(%dma_start3A_668 : memref<10240x32xf32, #tpu.memory_space<vmem_shared>>) offsets(%dma_start3A_665 : memref<128xi32, #tpu.memory_space<vmem>>) semaphore(%arg29 : memref<!tpu.dma_semaphore, #tpu.memory_space<semaphore_mem>>) {add = true}
      %add3A_669 = arith.constant 4 : i32
      %add3A_670 = arith.addi %add3A_656, %add3A_669 : i32
      %sub3A_671 = arith.constant 9 : i32
      %sub3A_672 = arith.subi %add3A_670, %sub3A_671 : i32
      %dma_wait3A_673 = arith.constant 0 : i32
      %dma_wait3A_674 = tpu.memref_slice %arg7[%sub3A_672, %dma_wait3A_673] : memref<81x128xi32, #tpu.memory_space<vmem>> -> memref<1x128xi32, #tpu.memory_space<vmem>>
      %dma_wait3A_675 = tpu.memref_squeeze %dma_wait3A_674 : memref<1x128xi32, #tpu.memory_space<vmem>> -> memref<128xi32, #tpu.memory_space<vmem>>
      %dma_wait3A_676 = arith.constant 0 : i32
      %dma_wait3A_677 = arith.constant 0 : i32
      %dma_wait3A_678 = tpu.memref_slice %arg35[%dma_wait3A_676, %dma_wait3A_677] : memref<10240x32xf32, #tpu.memory_space<vmem_shared>> -> memref<10240x32xf32, #tpu.memory_space<vmem_shared>>
      tpu.wait_indirect_dma semaphore(%arg33 : memref<!tpu.dma_semaphore, #tpu.memory_space<semaphore_mem>>) src(%arg15 : memref<128x32xf32, #tpu.memory_space<vmem>>) dst(%dma_wait3A_678 : memref<10240x32xf32, #tpu.memory_space<vmem_shared>>)
      %dma_start3A_679 = arith.constant 0 : i32
      %dma_start3A_680 = tpu.memref_slice %arg6[%add3A_670, %dma_start3A_679] : memref<81x128xi32, #tpu.memory_space<vmem>> -> memref<1x128xi32, #tpu.memory_space<vmem>>
      %dma_start3A_681 = tpu.memref_squeeze %dma_start3A_680 : memref<1x128xi32, #tpu.memory_space<vmem>> -> memref<128xi32, #tpu.memory_space<vmem>>
      %dma_start3A_682 = arith.constant 0 : i32
      %dma_start3A_683 = arith.constant 0 : i32
      %dma_start3A_684 = tpu.memref_slice %arg36[%dma_start3A_682, %dma_start3A_683] : memref<10240x32xf32, #tpu.memory_space<vmem_shared>> -> memref<10240x32xf32, #tpu.memory_space<vmem_shared>>
      tpu.enqueue_indirect_dma source(%dma_start3A_684 : memref<10240x32xf32, #tpu.memory_space<vmem_shared>>) target(%arg15 : memref<128x32xf32, #tpu.memory_space<vmem>>) offsets(%dma_start3A_681 : memref<128xi32, #tpu.memory_space<vmem>>) semaphore(%arg24 : memref<!tpu.dma_semaphore, #tpu.memory_space<semaphore_mem>>)
      %add3A_685 = arith.constant 4 : i32
      %add3A_686 = arith.addi %mul3A_565, %add3A_685 : i32
      %dma_wait3A_687 = arith.constant 0 : i32
      %dma_wait3A_688 = tpu.memref_slice %arg6[%add3A_686, %dma_wait3A_687] : memref<81x128xi32, #tpu.memory_space<vmem>> -> memref<1x128xi32, #tpu.memory_space<vmem>>
      %dma_wait3A_689 = tpu.memref_squeeze %dma_wait3A_688 : memref<1x128xi32, #tpu.memory_space<vmem>> -> memref<128xi32, #tpu.memory_space<vmem>>
      %dma_wait3A_690 = arith.constant 0 : i32
      %dma_wait3A_691 = arith.constant 0 : i32
      %dma_wait3A_692 = tpu.memref_slice %arg36[%dma_wait3A_690, %dma_wait3A_691] : memref<10240x32xf32, #tpu.memory_space<vmem_shared>> -> memref<10240x32xf32, #tpu.memory_space<vmem_shared>>
      tpu.wait_indirect_dma semaphore(%arg21 : memref<!tpu.dma_semaphore, #tpu.memory_space<semaphore_mem>>) src(%dma_wait3A_692 : memref<10240x32xf32, #tpu.memory_space<vmem_shared>>) dst(%arg12 : memref<128x32xf32, #tpu.memory_space<vmem>>)
      %dma_start3A_693 = arith.constant 0 : i32
      %dma_start3A_694 = tpu.memref_slice %arg7[%add3A_686, %dma_start3A_693] : memref<81x128xi32, #tpu.memory_space<vmem>> -> memref<1x128xi32, #tpu.memory_space<vmem>>
      %dma_start3A_695 = tpu.memref_squeeze %dma_start3A_694 : memref<1x128xi32, #tpu.memory_space<vmem>> -> memref<128xi32, #tpu.memory_space<vmem>>
      %dma_start3A_696 = arith.constant 0 : i32
      %dma_start3A_697 = arith.constant 0 : i32
      %dma_start3A_698 = tpu.memref_slice %arg35[%dma_start3A_696, %dma_start3A_697] : memref<10240x32xf32, #tpu.memory_space<vmem_shared>> -> memref<10240x32xf32, #tpu.memory_space<vmem_shared>>
      tpu.enqueue_indirect_dma source(%arg12 : memref<128x32xf32, #tpu.memory_space<vmem>>) target(%dma_start3A_698 : memref<10240x32xf32, #tpu.memory_space<vmem_shared>>) offsets(%dma_start3A_695 : memref<128xi32, #tpu.memory_space<vmem>>) semaphore(%arg30 : memref<!tpu.dma_semaphore, #tpu.memory_space<semaphore_mem>>) {add = true}
      %add3A_699 = arith.constant 4 : i32
      %add3A_700 = arith.addi %add3A_686, %add3A_699 : i32
      %sub3A_701 = arith.constant 9 : i32
      %sub3A_702 = arith.subi %add3A_700, %sub3A_701 : i32
      %dma_wait3A_703 = arith.constant 0 : i32
      %dma_wait3A_704 = tpu.memref_slice %arg7[%sub3A_702, %dma_wait3A_703] : memref<81x128xi32, #tpu.memory_space<vmem>> -> memref<1x128xi32, #tpu.memory_space<vmem>>
      %dma_wait3A_705 = tpu.memref_squeeze %dma_wait3A_704 : memref<1x128xi32, #tpu.memory_space<vmem>> -> memref<128xi32, #tpu.memory_space<vmem>>
      %dma_wait3A_706 = arith.constant 0 : i32
      %dma_wait3A_707 = arith.constant 0 : i32
      %dma_wait3A_708 = tpu.memref_slice %arg35[%dma_wait3A_706, %dma_wait3A_707] : memref<10240x32xf32, #tpu.memory_space<vmem_shared>> -> memref<10240x32xf32, #tpu.memory_space<vmem_shared>>
      tpu.wait_indirect_dma semaphore(%arg34 : memref<!tpu.dma_semaphore, #tpu.memory_space<semaphore_mem>>) src(%arg16 : memref<128x32xf32, #tpu.memory_space<vmem>>) dst(%dma_wait3A_708 : memref<10240x32xf32, #tpu.memory_space<vmem_shared>>)
      %dma_start3A_709 = arith.constant 0 : i32
      %dma_start3A_710 = tpu.memref_slice %arg6[%add3A_700, %dma_start3A_709] : memref<81x128xi32, #tpu.memory_space<vmem>> -> memref<1x128xi32, #tpu.memory_space<vmem>>
      %dma_start3A_711 = tpu.memref_squeeze %dma_start3A_710 : memref<1x128xi32, #tpu.memory_space<vmem>> -> memref<128xi32, #tpu.memory_space<vmem>>
      %dma_start3A_712 = arith.constant 0 : i32
      %dma_start3A_713 = arith.constant 0 : i32
      %dma_start3A_714 = tpu.memref_slice %arg36[%dma_start3A_712, %dma_start3A_713] : memref<10240x32xf32, #tpu.memory_space<vmem_shared>> -> memref<10240x32xf32, #tpu.memory_space<vmem_shared>>
      tpu.enqueue_indirect_dma source(%dma_start3A_714 : memref<10240x32xf32, #tpu.memory_space<vmem_shared>>) target(%arg16 : memref<128x32xf32, #tpu.memory_space<vmem>>) offsets(%dma_start3A_711 : memref<128xi32, #tpu.memory_space<vmem>>) semaphore(%arg25 : memref<!tpu.dma_semaphore, #tpu.memory_space<semaphore_mem>>)
      %add3A_715 = arith.constant 5 : i32
      %add3A_716 = arith.addi %mul3A_565, %add3A_715 : i32
      %dma_wait3A_717 = arith.constant 0 : i32
      %dma_wait3A_718 = tpu.memref_slice %arg6[%add3A_716, %dma_wait3A_717] : memref<81x128xi32, #tpu.memory_space<vmem>> -> memref<1x128xi32, #tpu.memory_space<vmem>>
      %dma_wait3A_719 = tpu.memref_squeeze %dma_wait3A_718 : memref<1x128xi32, #tpu.memory_space<vmem>> -> memref<128xi32, #tpu.memory_space<vmem>>
      %dma_wait3A_720 = arith.constant 0 : i32
      %dma_wait3A_721 = arith.constant 0 : i32
      %dma_wait3A_722 = tpu.memref_slice %arg36[%dma_wait3A_720, %dma_wait3A_721] : memref<10240x32xf32, #tpu.memory_space<vmem_shared>> -> memref<10240x32xf32, #tpu.memory_space<vmem_shared>>
      tpu.wait_indirect_dma semaphore(%arg22 : memref<!tpu.dma_semaphore, #tpu.memory_space<semaphore_mem>>) src(%dma_wait3A_722 : memref<10240x32xf32, #tpu.memory_space<vmem_shared>>) dst(%arg13 : memref<128x32xf32, #tpu.memory_space<vmem>>)
      %dma_start3A_723 = arith.constant 0 : i32
      %dma_start3A_724 = tpu.memref_slice %arg7[%add3A_716, %dma_start3A_723] : memref<81x128xi32, #tpu.memory_space<vmem>> -> memref<1x128xi32, #tpu.memory_space<vmem>>
      %dma_start3A_725 = tpu.memref_squeeze %dma_start3A_724 : memref<1x128xi32, #tpu.memory_space<vmem>> -> memref<128xi32, #tpu.memory_space<vmem>>
      %dma_start3A_726 = arith.constant 0 : i32
      %dma_start3A_727 = arith.constant 0 : i32
      %dma_start3A_728 = tpu.memref_slice %arg35[%dma_start3A_726, %dma_start3A_727] : memref<10240x32xf32, #tpu.memory_space<vmem_shared>> -> memref<10240x32xf32, #tpu.memory_space<vmem_shared>>
      tpu.enqueue_indirect_dma source(%arg13 : memref<128x32xf32, #tpu.memory_space<vmem>>) target(%dma_start3A_728 : memref<10240x32xf32, #tpu.memory_space<vmem_shared>>) offsets(%dma_start3A_725 : memref<128xi32, #tpu.memory_space<vmem>>) semaphore(%arg31 : memref<!tpu.dma_semaphore, #tpu.memory_space<semaphore_mem>>) {add = true}
      %add3A_729 = arith.constant 4 : i32
      %add3A_730 = arith.addi %add3A_716, %add3A_729 : i32
      %sub3A_731 = arith.constant 9 : i32
      %sub3A_732 = arith.subi %add3A_730, %sub3A_731 : i32
      %dma_wait3A_733 = arith.constant 0 : i32
      %dma_wait3A_734 = tpu.memref_slice %arg7[%sub3A_732, %dma_wait3A_733] : memref<81x128xi32, #tpu.memory_space<vmem>> -> memref<1x128xi32, #tpu.memory_space<vmem>>
      %dma_wait3A_735 = tpu.memref_squeeze %dma_wait3A_734 : memref<1x128xi32, #tpu.memory_space<vmem>> -> memref<128xi32, #tpu.memory_space<vmem>>
      %dma_wait3A_736 = arith.constant 0 : i32
      %dma_wait3A_737 = arith.constant 0 : i32
      %dma_wait3A_738 = tpu.memref_slice %arg35[%dma_wait3A_736, %dma_wait3A_737] : memref<10240x32xf32, #tpu.memory_space<vmem_shared>> -> memref<10240x32xf32, #tpu.memory_space<vmem_shared>>
      tpu.wait_indirect_dma semaphore(%arg26 : memref<!tpu.dma_semaphore, #tpu.memory_space<semaphore_mem>>) src(%arg8 : memref<128x32xf32, #tpu.memory_space<vmem>>) dst(%dma_wait3A_738 : memref<10240x32xf32, #tpu.memory_space<vmem_shared>>)
      %dma_start3A_739 = arith.constant 0 : i32
      %dma_start3A_740 = tpu.memref_slice %arg6[%add3A_730, %dma_start3A_739] : memref<81x128xi32, #tpu.memory_space<vmem>> -> memref<1x128xi32, #tpu.memory_space<vmem>>
      %dma_start3A_741 = tpu.memref_squeeze %dma_start3A_740 : memref<1x128xi32, #tpu.memory_space<vmem>> -> memref<128xi32, #tpu.memory_space<vmem>>
      %dma_start3A_742 = arith.constant 0 : i32
      %dma_start3A_743 = arith.constant 0 : i32
      %dma_start3A_744 = tpu.memref_slice %arg36[%dma_start3A_742, %dma_start3A_743] : memref<10240x32xf32, #tpu.memory_space<vmem_shared>> -> memref<10240x32xf32, #tpu.memory_space<vmem_shared>>
      tpu.enqueue_indirect_dma source(%dma_start3A_744 : memref<10240x32xf32, #tpu.memory_space<vmem_shared>>) target(%arg8 : memref<128x32xf32, #tpu.memory_space<vmem>>) offsets(%dma_start3A_741 : memref<128xi32, #tpu.memory_space<vmem>>) semaphore(%arg17 : memref<!tpu.dma_semaphore, #tpu.memory_space<semaphore_mem>>)
      %add3A_745 = arith.constant 6 : i32
      %add3A_746 = arith.addi %mul3A_565, %add3A_745 : i32
      %dma_wait3A_747 = arith.constant 0 : i32
      %dma_wait3A_748 = tpu.memref_slice %arg6[%add3A_746, %dma_wait3A_747] : memref<81x128xi32, #tpu.memory_space<vmem>> -> memref<1x128xi32, #tpu.memory_space<vmem>>
      %dma_wait3A_749 = tpu.memref_squeeze %dma_wait3A_748 : memref<1x128xi32, #tpu.memory_space<vmem>> -> memref<128xi32, #tpu.memory_space<vmem>>
      %dma_wait3A_750 = arith.constant 0 : i32
      %dma_wait3A_751 = arith.constant 0 : i32
      %dma_wait3A_752 = tpu.memref_slice %arg36[%dma_wait3A_750, %dma_wait3A_751] : memref<10240x32xf32, #tpu.memory_space<vmem_shared>> -> memref<10240x32xf32, #tpu.memory_space<vmem_shared>>
      tpu.wait_indirect_dma semaphore(%arg23 : memref<!tpu.dma_semaphore, #tpu.memory_space<semaphore_mem>>) src(%dma_wait3A_752 : memref<10240x32xf32, #tpu.memory_space<vmem_shared>>) dst(%arg14 : memref<128x32xf32, #tpu.memory_space<vmem>>)
      %dma_start3A_753 = arith.constant 0 : i32
      %dma_start3A_754 = tpu.memref_slice %arg7[%add3A_746, %dma_start3A_753] : memref<81x128xi32, #tpu.memory_space<vmem>> -> memref<1x128xi32, #tpu.memory_space<vmem>>
      %dma_start3A_755 = tpu.memref_squeeze %dma_start3A_754 : memref<1x128xi32, #tpu.memory_space<vmem>> -> memref<128xi32, #tpu.memory_space<vmem>>
      %dma_start3A_756 = arith.constant 0 : i32
      %dma_start3A_757 = arith.constant 0 : i32
      %dma_start3A_758 = tpu.memref_slice %arg35[%dma_start3A_756, %dma_start3A_757] : memref<10240x32xf32, #tpu.memory_space<vmem_shared>> -> memref<10240x32xf32, #tpu.memory_space<vmem_shared>>
      tpu.enqueue_indirect_dma source(%arg14 : memref<128x32xf32, #tpu.memory_space<vmem>>) target(%dma_start3A_758 : memref<10240x32xf32, #tpu.memory_space<vmem_shared>>) offsets(%dma_start3A_755 : memref<128xi32, #tpu.memory_space<vmem>>) semaphore(%arg32 : memref<!tpu.dma_semaphore, #tpu.memory_space<semaphore_mem>>) {add = true}
      %add3A_759 = arith.constant 4 : i32
      %add3A_760 = arith.addi %add3A_746, %add3A_759 : i32
      %sub3A_761 = arith.constant 9 : i32
      %sub3A_762 = arith.subi %add3A_760, %sub3A_761 : i32
      %dma_wait3A_763 = arith.constant 0 : i32
      %dma_wait3A_764 = tpu.memref_slice %arg7[%sub3A_762, %dma_wait3A_763] : memref<81x128xi32, #tpu.memory_space<vmem>> -> memref<1x128xi32, #tpu.memory_space<vmem>>
      %dma_wait3A_765 = tpu.memref_squeeze %dma_wait3A_764 : memref<1x128xi32, #tpu.memory_space<vmem>> -> memref<128xi32, #tpu.memory_space<vmem>>
      %dma_wait3A_766 = arith.constant 0 : i32
      %dma_wait3A_767 = arith.constant 0 : i32
      %dma_wait3A_768 = tpu.memref_slice %arg35[%dma_wait3A_766, %dma_wait3A_767] : memref<10240x32xf32, #tpu.memory_space<vmem_shared>> -> memref<10240x32xf32, #tpu.memory_space<vmem_shared>>
      tpu.wait_indirect_dma semaphore(%arg27 : memref<!tpu.dma_semaphore, #tpu.memory_space<semaphore_mem>>) src(%arg9 : memref<128x32xf32, #tpu.memory_space<vmem>>) dst(%dma_wait3A_768 : memref<10240x32xf32, #tpu.memory_space<vmem_shared>>)
      %dma_start3A_769 = arith.constant 0 : i32
      %dma_start3A_770 = tpu.memref_slice %arg6[%add3A_760, %dma_start3A_769] : memref<81x128xi32, #tpu.memory_space<vmem>> -> memref<1x128xi32, #tpu.memory_space<vmem>>
      %dma_start3A_771 = tpu.memref_squeeze %dma_start3A_770 : memref<1x128xi32, #tpu.memory_space<vmem>> -> memref<128xi32, #tpu.memory_space<vmem>>
      %dma_start3A_772 = arith.constant 0 : i32
      %dma_start3A_773 = arith.constant 0 : i32
      %dma_start3A_774 = tpu.memref_slice %arg36[%dma_start3A_772, %dma_start3A_773] : memref<10240x32xf32, #tpu.memory_space<vmem_shared>> -> memref<10240x32xf32, #tpu.memory_space<vmem_shared>>
      tpu.enqueue_indirect_dma source(%dma_start3A_774 : memref<10240x32xf32, #tpu.memory_space<vmem_shared>>) target(%arg9 : memref<128x32xf32, #tpu.memory_space<vmem>>) offsets(%dma_start3A_771 : memref<128xi32, #tpu.memory_space<vmem>>) semaphore(%arg18 : memref<!tpu.dma_semaphore, #tpu.memory_space<semaphore_mem>>)
      %add3A_775 = arith.constant 7 : i32
      %add3A_776 = arith.addi %mul3A_565, %add3A_775 : i32
      %dma_wait3A_777 = arith.constant 0 : i32
      %dma_wait3A_778 = tpu.memref_slice %arg6[%add3A_776, %dma_wait3A_777] : memref<81x128xi32, #tpu.memory_space<vmem>> -> memref<1x128xi32, #tpu.memory_space<vmem>>
      %dma_wait3A_779 = tpu.memref_squeeze %dma_wait3A_778 : memref<1x128xi32, #tpu.memory_space<vmem>> -> memref<128xi32, #tpu.memory_space<vmem>>
      %dma_wait3A_780 = arith.constant 0 : i32
      %dma_wait3A_781 = arith.constant 0 : i32
      %dma_wait3A_782 = tpu.memref_slice %arg36[%dma_wait3A_780, %dma_wait3A_781] : memref<10240x32xf32, #tpu.memory_space<vmem_shared>> -> memref<10240x32xf32, #tpu.memory_space<vmem_shared>>
      tpu.wait_indirect_dma semaphore(%arg24 : memref<!tpu.dma_semaphore, #tpu.memory_space<semaphore_mem>>) src(%dma_wait3A_782 : memref<10240x32xf32, #tpu.memory_space<vmem_shared>>) dst(%arg15 : memref<128x32xf32, #tpu.memory_space<vmem>>)
      %dma_start3A_783 = arith.constant 0 : i32
      %dma_start3A_784 = tpu.memref_slice %arg7[%add3A_776, %dma_start3A_783] : memref<81x128xi32, #tpu.memory_space<vmem>> -> memref<1x128xi32, #tpu.memory_space<vmem>>
      %dma_start3A_785 = tpu.memref_squeeze %dma_start3A_784 : memref<1x128xi32, #tpu.memory_space<vmem>> -> memref<128xi32, #tpu.memory_space<vmem>>
      %dma_start3A_786 = arith.constant 0 : i32
      %dma_start3A_787 = arith.constant 0 : i32
      %dma_start3A_788 = tpu.memref_slice %arg35[%dma_start3A_786, %dma_start3A_787] : memref<10240x32xf32, #tpu.memory_space<vmem_shared>> -> memref<10240x32xf32, #tpu.memory_space<vmem_shared>>
      tpu.enqueue_indirect_dma source(%arg15 : memref<128x32xf32, #tpu.memory_space<vmem>>) target(%dma_start3A_788 : memref<10240x32xf32, #tpu.memory_space<vmem_shared>>) offsets(%dma_start3A_785 : memref<128xi32, #tpu.memory_space<vmem>>) semaphore(%arg33 : memref<!tpu.dma_semaphore, #tpu.memory_space<semaphore_mem>>) {add = true}
      %add3A_789 = arith.constant 4 : i32
      %add3A_790 = arith.addi %add3A_776, %add3A_789 : i32
      %sub3A_791 = arith.constant 9 : i32
      %sub3A_792 = arith.subi %add3A_790, %sub3A_791 : i32
      %dma_wait3A_793 = arith.constant 0 : i32
      %dma_wait3A_794 = tpu.memref_slice %arg7[%sub3A_792, %dma_wait3A_793] : memref<81x128xi32, #tpu.memory_space<vmem>> -> memref<1x128xi32, #tpu.memory_space<vmem>>
      %dma_wait3A_795 = tpu.memref_squeeze %dma_wait3A_794 : memref<1x128xi32, #tpu.memory_space<vmem>> -> memref<128xi32, #tpu.memory_space<vmem>>
      %dma_wait3A_796 = arith.constant 0 : i32
      %dma_wait3A_797 = arith.constant 0 : i32
      %dma_wait3A_798 = tpu.memref_slice %arg35[%dma_wait3A_796, %dma_wait3A_797] : memref<10240x32xf32, #tpu.memory_space<vmem_shared>> -> memref<10240x32xf32, #tpu.memory_space<vmem_shared>>
      tpu.wait_indirect_dma semaphore(%arg28 : memref<!tpu.dma_semaphore, #tpu.memory_space<semaphore_mem>>) src(%arg10 : memref<128x32xf32, #tpu.memory_space<vmem>>) dst(%dma_wait3A_798 : memref<10240x32xf32, #tpu.memory_space<vmem_shared>>)
      %dma_start3A_799 = arith.constant 0 : i32
      %dma_start3A_800 = tpu.memref_slice %arg6[%add3A_790, %dma_start3A_799] : memref<81x128xi32, #tpu.memory_space<vmem>> -> memref<1x128xi32, #tpu.memory_space<vmem>>
      %dma_start3A_801 = tpu.memref_squeeze %dma_start3A_800 : memref<1x128xi32, #tpu.memory_space<vmem>> -> memref<128xi32, #tpu.memory_space<vmem>>
      %dma_start3A_802 = arith.constant 0 : i32
      %dma_start3A_803 = arith.constant 0 : i32
      %dma_start3A_804 = tpu.memref_slice %arg36[%dma_start3A_802, %dma_start3A_803] : memref<10240x32xf32, #tpu.memory_space<vmem_shared>> -> memref<10240x32xf32, #tpu.memory_space<vmem_shared>>
      tpu.enqueue_indirect_dma source(%dma_start3A_804 : memref<10240x32xf32, #tpu.memory_space<vmem_shared>>) target(%arg10 : memref<128x32xf32, #tpu.memory_space<vmem>>) offsets(%dma_start3A_801 : memref<128xi32, #tpu.memory_space<vmem>>) semaphore(%arg19 : memref<!tpu.dma_semaphore, #tpu.memory_space<semaphore_mem>>)
      %add3A_805 = arith.constant 8 : i32
      %add3A_806 = arith.addi %mul3A_565, %add3A_805 : i32
      %dma_wait3A_807 = arith.constant 0 : i32
      %dma_wait3A_808 = tpu.memref_slice %arg6[%add3A_806, %dma_wait3A_807] : memref<81x128xi32, #tpu.memory_space<vmem>> -> memref<1x128xi32, #tpu.memory_space<vmem>>
      %dma_wait3A_809 = tpu.memref_squeeze %dma_wait3A_808 : memref<1x128xi32, #tpu.memory_space<vmem>> -> memref<128xi32, #tpu.memory_space<vmem>>
      %dma_wait3A_810 = arith.constant 0 : i32
      %dma_wait3A_811 = arith.constant 0 : i32
      %dma_wait3A_812 = tpu.memref_slice %arg36[%dma_wait3A_810, %dma_wait3A_811] : memref<10240x32xf32, #tpu.memory_space<vmem_shared>> -> memref<10240x32xf32, #tpu.memory_space<vmem_shared>>
      tpu.wait_indirect_dma semaphore(%arg25 : memref<!tpu.dma_semaphore, #tpu.memory_space<semaphore_mem>>) src(%dma_wait3A_812 : memref<10240x32xf32, #tpu.memory_space<vmem_shared>>) dst(%arg16 : memref<128x32xf32, #tpu.memory_space<vmem>>)
      %dma_start3A_813 = arith.constant 0 : i32
      %dma_start3A_814 = tpu.memref_slice %arg7[%add3A_806, %dma_start3A_813] : memref<81x128xi32, #tpu.memory_space<vmem>> -> memref<1x128xi32, #tpu.memory_space<vmem>>
      %dma_start3A_815 = tpu.memref_squeeze %dma_start3A_814 : memref<1x128xi32, #tpu.memory_space<vmem>> -> memref<128xi32, #tpu.memory_space<vmem>>
      %dma_start3A_816 = arith.constant 0 : i32
      %dma_start3A_817 = arith.constant 0 : i32
      %dma_start3A_818 = tpu.memref_slice %arg35[%dma_start3A_816, %dma_start3A_817] : memref<10240x32xf32, #tpu.memory_space<vmem_shared>> -> memref<10240x32xf32, #tpu.memory_space<vmem_shared>>
      tpu.enqueue_indirect_dma source(%arg16 : memref<128x32xf32, #tpu.memory_space<vmem>>) target(%dma_start3A_818 : memref<10240x32xf32, #tpu.memory_space<vmem_shared>>) offsets(%dma_start3A_815 : memref<128xi32, #tpu.memory_space<vmem>>) semaphore(%arg34 : memref<!tpu.dma_semaphore, #tpu.memory_space<semaphore_mem>>) {add = true}
      %add3A_819 = arith.constant 4 : i32
      %add3A_820 = arith.addi %add3A_806, %add3A_819 : i32
      %sub3A_821 = arith.constant 9 : i32
      %sub3A_822 = arith.subi %add3A_820, %sub3A_821 : i32
      %dma_wait3A_823 = arith.constant 0 : i32
      %dma_wait3A_824 = tpu.memref_slice %arg7[%sub3A_822, %dma_wait3A_823] : memref<81x128xi32, #tpu.memory_space<vmem>> -> memref<1x128xi32, #tpu.memory_space<vmem>>
      %dma_wait3A_825 = tpu.memref_squeeze %dma_wait3A_824 : memref<1x128xi32, #tpu.memory_space<vmem>> -> memref<128xi32, #tpu.memory_space<vmem>>
      %dma_wait3A_826 = arith.constant 0 : i32
      %dma_wait3A_827 = arith.constant 0 : i32
      %dma_wait3A_828 = tpu.memref_slice %arg35[%dma_wait3A_826, %dma_wait3A_827] : memref<10240x32xf32, #tpu.memory_space<vmem_shared>> -> memref<10240x32xf32, #tpu.memory_space<vmem_shared>>
      tpu.wait_indirect_dma semaphore(%arg29 : memref<!tpu.dma_semaphore, #tpu.memory_space<semaphore_mem>>) src(%arg11 : memref<128x32xf32, #tpu.memory_space<vmem>>) dst(%dma_wait3A_828 : memref<10240x32xf32, #tpu.memory_space<vmem_shared>>)
      %dma_start3A_829 = arith.constant 0 : i32
      %dma_start3A_830 = tpu.memref_slice %arg6[%add3A_820, %dma_start3A_829] : memref<81x128xi32, #tpu.memory_space<vmem>> -> memref<1x128xi32, #tpu.memory_space<vmem>>
      %dma_start3A_831 = tpu.memref_squeeze %dma_start3A_830 : memref<1x128xi32, #tpu.memory_space<vmem>> -> memref<128xi32, #tpu.memory_space<vmem>>
      %dma_start3A_832 = arith.constant 0 : i32
      %dma_start3A_833 = arith.constant 0 : i32
      %dma_start3A_834 = tpu.memref_slice %arg36[%dma_start3A_832, %dma_start3A_833] : memref<10240x32xf32, #tpu.memory_space<vmem_shared>> -> memref<10240x32xf32, #tpu.memory_space<vmem_shared>>
      tpu.enqueue_indirect_dma source(%dma_start3A_834 : memref<10240x32xf32, #tpu.memory_space<vmem_shared>>) target(%arg11 : memref<128x32xf32, #tpu.memory_space<vmem>>) offsets(%dma_start3A_831 : memref<128xi32, #tpu.memory_space<vmem>>) semaphore(%arg20 : memref<!tpu.dma_semaphore, #tpu.memory_space<semaphore_mem>>)
    }
    %scan3A_302 = arith.constant 7 : i32
    %dma_wait3A_303 = arith.constant 72 : i32
    %dma_wait3A_304 = arith.constant 0 : i32
    %dma_wait3A_305 = tpu.memref_slice %arg6[%dma_wait3A_303, %dma_wait3A_304] : memref<81x128xi32, #tpu.memory_space<vmem>> -> memref<1x128xi32, #tpu.memory_space<vmem>>
    %dma_wait3A_306 = tpu.memref_squeeze %dma_wait3A_305 : memref<1x128xi32, #tpu.memory_space<vmem>> -> memref<128xi32, #tpu.memory_space<vmem>>
    %dma_wait3A_307 = arith.constant 0 : i32
    %dma_wait3A_308 = arith.constant 0 : i32
    %dma_wait3A_309 = tpu.memref_slice %arg36[%dma_wait3A_307, %dma_wait3A_308] : memref<10240x32xf32, #tpu.memory_space<vmem_shared>> -> memref<10240x32xf32, #tpu.memory_space<vmem_shared>>
    tpu.wait_indirect_dma semaphore(%arg17 : memref<!tpu.dma_semaphore, #tpu.memory_space<semaphore_mem>>) src(%dma_wait3A_309 : memref<10240x32xf32, #tpu.memory_space<vmem_shared>>) dst(%arg8 : memref<128x32xf32, #tpu.memory_space<vmem>>)
    %dma_start3A_310 = arith.constant 72 : i32
    %dma_start3A_311 = arith.constant 0 : i32
    %dma_start3A_312 = tpu.memref_slice %arg7[%dma_start3A_310, %dma_start3A_311] : memref<81x128xi32, #tpu.memory_space<vmem>> -> memref<1x128xi32, #tpu.memory_space<vmem>>
    %dma_start3A_313 = tpu.memref_squeeze %dma_start3A_312 : memref<1x128xi32, #tpu.memory_space<vmem>> -> memref<128xi32, #tpu.memory_space<vmem>>
    %dma_start3A_314 = arith.constant 0 : i32
    %dma_start3A_315 = arith.constant 0 : i32
    %dma_start3A_316 = tpu.memref_slice %arg35[%dma_start3A_314, %dma_start3A_315] : memref<10240x32xf32, #tpu.memory_space<vmem_shared>> -> memref<10240x32xf32, #tpu.memory_space<vmem_shared>>
    tpu.enqueue_indirect_dma source(%arg8 : memref<128x32xf32, #tpu.memory_space<vmem>>) target(%dma_start3A_316 : memref<10240x32xf32, #tpu.memory_space<vmem_shared>>) offsets(%dma_start3A_313 : memref<128xi32, #tpu.memory_space<vmem>>) semaphore(%arg26 : memref<!tpu.dma_semaphore, #tpu.memory_space<semaphore_mem>>) {add = true}
    %dma_wait3A_317 = arith.constant 67 : i32
    %dma_wait3A_318 = arith.constant 0 : i32
    %dma_wait3A_319 = tpu.memref_slice %arg7[%dma_wait3A_317, %dma_wait3A_318] : memref<81x128xi32, #tpu.memory_space<vmem>> -> memref<1x128xi32, #tpu.memory_space<vmem>>
    %dma_wait3A_320 = tpu.memref_squeeze %dma_wait3A_319 : memref<1x128xi32, #tpu.memory_space<vmem>> -> memref<128xi32, #tpu.memory_space<vmem>>
    %dma_wait3A_321 = arith.constant 0 : i32
    %dma_wait3A_322 = arith.constant 0 : i32
    %dma_wait3A_323 = tpu.memref_slice %arg35[%dma_wait3A_321, %dma_wait3A_322] : memref<10240x32xf32, #tpu.memory_space<vmem_shared>> -> memref<10240x32xf32, #tpu.memory_space<vmem_shared>>
    tpu.wait_indirect_dma semaphore(%arg30 : memref<!tpu.dma_semaphore, #tpu.memory_space<semaphore_mem>>) src(%arg12 : memref<128x32xf32, #tpu.memory_space<vmem>>) dst(%dma_wait3A_323 : memref<10240x32xf32, #tpu.memory_space<vmem_shared>>)
    %dma_start3A_324 = arith.constant 76 : i32
    %dma_start3A_325 = arith.constant 0 : i32
    %dma_start3A_326 = tpu.memref_slice %arg6[%dma_start3A_324, %dma_start3A_325] : memref<81x128xi32, #tpu.memory_space<vmem>> -> memref<1x128xi32, #tpu.memory_space<vmem>>
    %dma_start3A_327 = tpu.memref_squeeze %dma_start3A_326 : memref<1x128xi32, #tpu.memory_space<vmem>> -> memref<128xi32, #tpu.memory_space<vmem>>
    %dma_start3A_328 = arith.constant 0 : i32
    %dma_start3A_329 = arith.constant 0 : i32
    %dma_start3A_330 = tpu.memref_slice %arg36[%dma_start3A_328, %dma_start3A_329] : memref<10240x32xf32, #tpu.memory_space<vmem_shared>> -> memref<10240x32xf32, #tpu.memory_space<vmem_shared>>
    tpu.enqueue_indirect_dma source(%dma_start3A_330 : memref<10240x32xf32, #tpu.memory_space<vmem_shared>>) target(%arg12 : memref<128x32xf32, #tpu.memory_space<vmem>>) offsets(%dma_start3A_327 : memref<128xi32, #tpu.memory_space<vmem>>) semaphore(%arg21 : memref<!tpu.dma_semaphore, #tpu.memory_space<semaphore_mem>>)
    %dma_wait3A_331 = arith.constant 73 : i32
    %dma_wait3A_332 = arith.constant 0 : i32
    %dma_wait3A_333 = tpu.memref_slice %arg6[%dma_wait3A_331, %dma_wait3A_332] : memref<81x128xi32, #tpu.memory_space<vmem>> -> memref<1x128xi32, #tpu.memory_space<vmem>>
    %dma_wait3A_334 = tpu.memref_squeeze %dma_wait3A_333 : memref<1x128xi32, #tpu.memory_space<vmem>> -> memref<128xi32, #tpu.memory_space<vmem>>
    %dma_wait3A_335 = arith.constant 0 : i32
    %dma_wait3A_336 = arith.constant 0 : i32
    %dma_wait3A_337 = tpu.memref_slice %arg36[%dma_wait3A_335, %dma_wait3A_336] : memref<10240x32xf32, #tpu.memory_space<vmem_shared>> -> memref<10240x32xf32, #tpu.memory_space<vmem_shared>>
    tpu.wait_indirect_dma semaphore(%arg18 : memref<!tpu.dma_semaphore, #tpu.memory_space<semaphore_mem>>) src(%dma_wait3A_337 : memref<10240x32xf32, #tpu.memory_space<vmem_shared>>) dst(%arg9 : memref<128x32xf32, #tpu.memory_space<vmem>>)
    %dma_start3A_338 = arith.constant 73 : i32
    %dma_start3A_339 = arith.constant 0 : i32
    %dma_start3A_340 = tpu.memref_slice %arg7[%dma_start3A_338, %dma_start3A_339] : memref<81x128xi32, #tpu.memory_space<vmem>> -> memref<1x128xi32, #tpu.memory_space<vmem>>
    %dma_start3A_341 = tpu.memref_squeeze %dma_start3A_340 : memref<1x128xi32, #tpu.memory_space<vmem>> -> memref<128xi32, #tpu.memory_space<vmem>>
    %dma_start3A_342 = arith.constant 0 : i32
    %dma_start3A_343 = arith.constant 0 : i32
    %dma_start3A_344 = tpu.memref_slice %arg35[%dma_start3A_342, %dma_start3A_343] : memref<10240x32xf32, #tpu.memory_space<vmem_shared>> -> memref<10240x32xf32, #tpu.memory_space<vmem_shared>>
    tpu.enqueue_indirect_dma source(%arg9 : memref<128x32xf32, #tpu.memory_space<vmem>>) target(%dma_start3A_344 : memref<10240x32xf32, #tpu.memory_space<vmem_shared>>) offsets(%dma_start3A_341 : memref<128xi32, #tpu.memory_space<vmem>>) semaphore(%arg27 : memref<!tpu.dma_semaphore, #tpu.memory_space<semaphore_mem>>) {add = true}
    %dma_wait3A_345 = arith.constant 68 : i32
    %dma_wait3A_346 = arith.constant 0 : i32
    %dma_wait3A_347 = tpu.memref_slice %arg7[%dma_wait3A_345, %dma_wait3A_346] : memref<81x128xi32, #tpu.memory_space<vmem>> -> memref<1x128xi32, #tpu.memory_space<vmem>>
    %dma_wait3A_348 = tpu.memref_squeeze %dma_wait3A_347 : memref<1x128xi32, #tpu.memory_space<vmem>> -> memref<128xi32, #tpu.memory_space<vmem>>
    %dma_wait3A_349 = arith.constant 0 : i32
    %dma_wait3A_350 = arith.constant 0 : i32
    %dma_wait3A_351 = tpu.memref_slice %arg35[%dma_wait3A_349, %dma_wait3A_350] : memref<10240x32xf32, #tpu.memory_space<vmem_shared>> -> memref<10240x32xf32, #tpu.memory_space<vmem_shared>>
    tpu.wait_indirect_dma semaphore(%arg31 : memref<!tpu.dma_semaphore, #tpu.memory_space<semaphore_mem>>) src(%arg13 : memref<128x32xf32, #tpu.memory_space<vmem>>) dst(%dma_wait3A_351 : memref<10240x32xf32, #tpu.memory_space<vmem_shared>>)
    %dma_start3A_352 = arith.constant 77 : i32
    %dma_start3A_353 = arith.constant 0 : i32
    %dma_start3A_354 = tpu.memref_slice %arg6[%dma_start3A_352, %dma_start3A_353] : memref<81x128xi32, #tpu.memory_space<vmem>> -> memref<1x128xi32, #tpu.memory_space<vmem>>
    %dma_start3A_355 = tpu.memref_squeeze %dma_start3A_354 : memref<1x128xi32, #tpu.memory_space<vmem>> -> memref<128xi32, #tpu.memory_space<vmem>>
    %dma_start3A_356 = arith.constant 0 : i32
    %dma_start3A_357 = arith.constant 0 : i32
    %dma_start3A_358 = tpu.memref_slice %arg36[%dma_start3A_356, %dma_start3A_357] : memref<10240x32xf32, #tpu.memory_space<vmem_shared>> -> memref<10240x32xf32, #tpu.memory_space<vmem_shared>>
    tpu.enqueue_indirect_dma source(%dma_start3A_358 : memref<10240x32xf32, #tpu.memory_space<vmem_shared>>) target(%arg13 : memref<128x32xf32, #tpu.memory_space<vmem>>) offsets(%dma_start3A_355 : memref<128xi32, #tpu.memory_space<vmem>>) semaphore(%arg22 : memref<!tpu.dma_semaphore, #tpu.memory_space<semaphore_mem>>)
    %dma_wait3A_359 = arith.constant 74 : i32
    %dma_wait3A_360 = arith.constant 0 : i32
    %dma_wait3A_361 = tpu.memref_slice %arg6[%dma_wait3A_359, %dma_wait3A_360] : memref<81x128xi32, #tpu.memory_space<vmem>> -> memref<1x128xi32, #tpu.memory_space<vmem>>
    %dma_wait3A_362 = tpu.memref_squeeze %dma_wait3A_361 : memref<1x128xi32, #tpu.memory_space<vmem>> -> memref<128xi32, #tpu.memory_space<vmem>>
    %dma_wait3A_363 = arith.constant 0 : i32
    %dma_wait3A_364 = arith.constant 0 : i32
    %dma_wait3A_365 = tpu.memref_slice %arg36[%dma_wait3A_363, %dma_wait3A_364] : memref<10240x32xf32, #tpu.memory_space<vmem_shared>> -> memref<10240x32xf32, #tpu.memory_space<vmem_shared>>
    tpu.wait_indirect_dma semaphore(%arg19 : memref<!tpu.dma_semaphore, #tpu.memory_space<semaphore_mem>>) src(%dma_wait3A_365 : memref<10240x32xf32, #tpu.memory_space<vmem_shared>>) dst(%arg10 : memref<128x32xf32, #tpu.memory_space<vmem>>)
    %dma_start3A_366 = arith.constant 74 : i32
    %dma_start3A_367 = arith.constant 0 : i32
    %dma_start3A_368 = tpu.memref_slice %arg7[%dma_start3A_366, %dma_start3A_367] : memref<81x128xi32, #tpu.memory_space<vmem>> -> memref<1x128xi32, #tpu.memory_space<vmem>>
    %dma_start3A_369 = tpu.memref_squeeze %dma_start3A_368 : memref<1x128xi32, #tpu.memory_space<vmem>> -> memref<128xi32, #tpu.memory_space<vmem>>
    %dma_start3A_370 = arith.constant 0 : i32
    %dma_start3A_371 = arith.constant 0 : i32
    %dma_start3A_372 = tpu.memref_slice %arg35[%dma_start3A_370, %dma_start3A_371] : memref<10240x32xf32, #tpu.memory_space<vmem_shared>> -> memref<10240x32xf32, #tpu.memory_space<vmem_shared>>
    tpu.enqueue_indirect_dma source(%arg10 : memref<128x32xf32, #tpu.memory_space<vmem>>) target(%dma_start3A_372 : memref<10240x32xf32, #tpu.memory_space<vmem_shared>>) offsets(%dma_start3A_369 : memref<128xi32, #tpu.memory_space<vmem>>) semaphore(%arg28 : memref<!tpu.dma_semaphore, #tpu.memory_space<semaphore_mem>>) {add = true}
    %dma_wait3A_373 = arith.constant 69 : i32
    %dma_wait3A_374 = arith.constant 0 : i32
    %dma_wait3A_375 = tpu.memref_slice %arg7[%dma_wait3A_373, %dma_wait3A_374] : memref<81x128xi32, #tpu.memory_space<vmem>> -> memref<1x128xi32, #tpu.memory_space<vmem>>
    %dma_wait3A_376 = tpu.memref_squeeze %dma_wait3A_375 : memref<1x128xi32, #tpu.memory_space<vmem>> -> memref<128xi32, #tpu.memory_space<vmem>>
    %dma_wait3A_377 = arith.constant 0 : i32
    %dma_wait3A_378 = arith.constant 0 : i32
    %dma_wait3A_379 = tpu.memref_slice %arg35[%dma_wait3A_377, %dma_wait3A_378] : memref<10240x32xf32, #tpu.memory_space<vmem_shared>> -> memref<10240x32xf32, #tpu.memory_space<vmem_shared>>
    tpu.wait_indirect_dma semaphore(%arg32 : memref<!tpu.dma_semaphore, #tpu.memory_space<semaphore_mem>>) src(%arg14 : memref<128x32xf32, #tpu.memory_space<vmem>>) dst(%dma_wait3A_379 : memref<10240x32xf32, #tpu.memory_space<vmem_shared>>)
    %dma_start3A_380 = arith.constant 78 : i32
    %dma_start3A_381 = arith.constant 0 : i32
    %dma_start3A_382 = tpu.memref_slice %arg6[%dma_start3A_380, %dma_start3A_381] : memref<81x128xi32, #tpu.memory_space<vmem>> -> memref<1x128xi32, #tpu.memory_space<vmem>>
    %dma_start3A_383 = tpu.memref_squeeze %dma_start3A_382 : memref<1x128xi32, #tpu.memory_space<vmem>> -> memref<128xi32, #tpu.memory_space<vmem>>
    %dma_start3A_384 = arith.constant 0 : i32
    %dma_start3A_385 = arith.constant 0 : i32
    %dma_start3A_386 = tpu.memref_slice %arg36[%dma_start3A_384, %dma_start3A_385] : memref<10240x32xf32, #tpu.memory_space<vmem_shared>> -> memref<10240x32xf32, #tpu.memory_space<vmem_shared>>
    tpu.enqueue_indirect_dma source(%dma_start3A_386 : memref<10240x32xf32, #tpu.memory_space<vmem_shared>>) target(%arg14 : memref<128x32xf32, #tpu.memory_space<vmem>>) offsets(%dma_start3A_383 : memref<128xi32, #tpu.memory_space<vmem>>) semaphore(%arg23 : memref<!tpu.dma_semaphore, #tpu.memory_space<semaphore_mem>>)
    %dma_wait3A_387 = arith.constant 75 : i32
    %dma_wait3A_388 = arith.constant 0 : i32
    %dma_wait3A_389 = tpu.memref_slice %arg6[%dma_wait3A_387, %dma_wait3A_388] : memref<81x128xi32, #tpu.memory_space<vmem>> -> memref<1x128xi32, #tpu.memory_space<vmem>>
    %dma_wait3A_390 = tpu.memref_squeeze %dma_wait3A_389 : memref<1x128xi32, #tpu.memory_space<vmem>> -> memref<128xi32, #tpu.memory_space<vmem>>
    %dma_wait3A_391 = arith.constant 0 : i32
    %dma_wait3A_392 = arith.constant 0 : i32
    %dma_wait3A_393 = tpu.memref_slice %arg36[%dma_wait3A_391, %dma_wait3A_392] : memref<10240x32xf32, #tpu.memory_space<vmem_shared>> -> memref<10240x32xf32, #tpu.memory_space<vmem_shared>>
    tpu.wait_indirect_dma semaphore(%arg20 : memref<!tpu.dma_semaphore, #tpu.memory_space<semaphore_mem>>) src(%dma_wait3A_393 : memref<10240x32xf32, #tpu.memory_space<vmem_shared>>) dst(%arg11 : memref<128x32xf32, #tpu.memory_space<vmem>>)
    %dma_start3A_394 = arith.constant 75 : i32
    %dma_start3A_395 = arith.constant 0 : i32
    %dma_start3A_396 = tpu.memref_slice %arg7[%dma_start3A_394, %dma_start3A_395] : memref<81x128xi32, #tpu.memory_space<vmem>> -> memref<1x128xi32, #tpu.memory_space<vmem>>
    %dma_start3A_397 = tpu.memref_squeeze %dma_start3A_396 : memref<1x128xi32, #tpu.memory_space<vmem>> -> memref<128xi32, #tpu.memory_space<vmem>>
    %dma_start3A_398 = arith.constant 0 : i32
    %dma_start3A_399 = arith.constant 0 : i32
    %dma_start3A_400 = tpu.memref_slice %arg35[%dma_start3A_398, %dma_start3A_399] : memref<10240x32xf32, #tpu.memory_space<vmem_shared>> -> memref<10240x32xf32, #tpu.memory_space<vmem_shared>>
    tpu.enqueue_indirect_dma source(%arg11 : memref<128x32xf32, #tpu.memory_space<vmem>>) target(%dma_start3A_400 : memref<10240x32xf32, #tpu.memory_space<vmem_shared>>) offsets(%dma_start3A_397 : memref<128xi32, #tpu.memory_space<vmem>>) semaphore(%arg29 : memref<!tpu.dma_semaphore, #tpu.memory_space<semaphore_mem>>) {add = true}
    %dma_wait3A_401 = arith.constant 70 : i32
    %dma_wait3A_402 = arith.constant 0 : i32
    %dma_wait3A_403 = tpu.memref_slice %arg7[%dma_wait3A_401, %dma_wait3A_402] : memref<81x128xi32, #tpu.memory_space<vmem>> -> memref<1x128xi32, #tpu.memory_space<vmem>>
    %dma_wait3A_404 = tpu.memref_squeeze %dma_wait3A_403 : memref<1x128xi32, #tpu.memory_space<vmem>> -> memref<128xi32, #tpu.memory_space<vmem>>
    %dma_wait3A_405 = arith.constant 0 : i32
    %dma_wait3A_406 = arith.constant 0 : i32
    %dma_wait3A_407 = tpu.memref_slice %arg35[%dma_wait3A_405, %dma_wait3A_406] : memref<10240x32xf32, #tpu.memory_space<vmem_shared>> -> memref<10240x32xf32, #tpu.memory_space<vmem_shared>>
    tpu.wait_indirect_dma semaphore(%arg33 : memref<!tpu.dma_semaphore, #tpu.memory_space<semaphore_mem>>) src(%arg15 : memref<128x32xf32, #tpu.memory_space<vmem>>) dst(%dma_wait3A_407 : memref<10240x32xf32, #tpu.memory_space<vmem_shared>>)
    %dma_start3A_408 = arith.constant 79 : i32
    %dma_start3A_409 = arith.constant 0 : i32
    %dma_start3A_410 = tpu.memref_slice %arg6[%dma_start3A_408, %dma_start3A_409] : memref<81x128xi32, #tpu.memory_space<vmem>> -> memref<1x128xi32, #tpu.memory_space<vmem>>
    %dma_start3A_411 = tpu.memref_squeeze %dma_start3A_410 : memref<1x128xi32, #tpu.memory_space<vmem>> -> memref<128xi32, #tpu.memory_space<vmem>>
    %dma_start3A_412 = arith.constant 0 : i32
    %dma_start3A_413 = arith.constant 0 : i32
    %dma_start3A_414 = tpu.memref_slice %arg36[%dma_start3A_412, %dma_start3A_413] : memref<10240x32xf32, #tpu.memory_space<vmem_shared>> -> memref<10240x32xf32, #tpu.memory_space<vmem_shared>>
    tpu.enqueue_indirect_dma source(%dma_start3A_414 : memref<10240x32xf32, #tpu.memory_space<vmem_shared>>) target(%arg15 : memref<128x32xf32, #tpu.memory_space<vmem>>) offsets(%dma_start3A_411 : memref<128xi32, #tpu.memory_space<vmem>>) semaphore(%arg24 : memref<!tpu.dma_semaphore, #tpu.memory_space<semaphore_mem>>)
    %dma_wait3A_415 = arith.constant 76 : i32
    %dma_wait3A_416 = arith.constant 0 : i32
    %dma_wait3A_417 = tpu.memref_slice %arg6[%dma_wait3A_415, %dma_wait3A_416] : memref<81x128xi32, #tpu.memory_space<vmem>> -> memref<1x128xi32, #tpu.memory_space<vmem>>
    %dma_wait3A_418 = tpu.memref_squeeze %dma_wait3A_417 : memref<1x128xi32, #tpu.memory_space<vmem>> -> memref<128xi32, #tpu.memory_space<vmem>>
    %dma_wait3A_419 = arith.constant 0 : i32
    %dma_wait3A_420 = arith.constant 0 : i32
    %dma_wait3A_421 = tpu.memref_slice %arg36[%dma_wait3A_419, %dma_wait3A_420] : memref<10240x32xf32, #tpu.memory_space<vmem_shared>> -> memref<10240x32xf32, #tpu.memory_space<vmem_shared>>
    tpu.wait_indirect_dma semaphore(%arg21 : memref<!tpu.dma_semaphore, #tpu.memory_space<semaphore_mem>>) src(%dma_wait3A_421 : memref<10240x32xf32, #tpu.memory_space<vmem_shared>>) dst(%arg12 : memref<128x32xf32, #tpu.memory_space<vmem>>)
    %dma_start3A_422 = arith.constant 76 : i32
    %dma_start3A_423 = arith.constant 0 : i32
    %dma_start3A_424 = tpu.memref_slice %arg7[%dma_start3A_422, %dma_start3A_423] : memref<81x128xi32, #tpu.memory_space<vmem>> -> memref<1x128xi32, #tpu.memory_space<vmem>>
    %dma_start3A_425 = tpu.memref_squeeze %dma_start3A_424 : memref<1x128xi32, #tpu.memory_space<vmem>> -> memref<128xi32, #tpu.memory_space<vmem>>
    %dma_start3A_426 = arith.constant 0 : i32
    %dma_start3A_427 = arith.constant 0 : i32
    %dma_start3A_428 = tpu.memref_slice %arg35[%dma_start3A_426, %dma_start3A_427] : memref<10240x32xf32, #tpu.memory_space<vmem_shared>> -> memref<10240x32xf32, #tpu.memory_space<vmem_shared>>
    tpu.enqueue_indirect_dma source(%arg12 : memref<128x32xf32, #tpu.memory_space<vmem>>) target(%dma_start3A_428 : memref<10240x32xf32, #tpu.memory_space<vmem_shared>>) offsets(%dma_start3A_425 : memref<128xi32, #tpu.memory_space<vmem>>) semaphore(%arg30 : memref<!tpu.dma_semaphore, #tpu.memory_space<semaphore_mem>>) {add = true}
    %dma_wait3A_429 = arith.constant 71 : i32
    %dma_wait3A_430 = arith.constant 0 : i32
    %dma_wait3A_431 = tpu.memref_slice %arg7[%dma_wait3A_429, %dma_wait3A_430] : memref<81x128xi32, #tpu.memory_space<vmem>> -> memref<1x128xi32, #tpu.memory_space<vmem>>
    %dma_wait3A_432 = tpu.memref_squeeze %dma_wait3A_431 : memref<1x128xi32, #tpu.memory_space<vmem>> -> memref<128xi32, #tpu.memory_space<vmem>>
    %dma_wait3A_433 = arith.constant 0 : i32
    %dma_wait3A_434 = arith.constant 0 : i32
    %dma_wait3A_435 = tpu.memref_slice %arg35[%dma_wait3A_433, %dma_wait3A_434] : memref<10240x32xf32, #tpu.memory_space<vmem_shared>> -> memref<10240x32xf32, #tpu.memory_space<vmem_shared>>
    tpu.wait_indirect_dma semaphore(%arg34 : memref<!tpu.dma_semaphore, #tpu.memory_space<semaphore_mem>>) src(%arg16 : memref<128x32xf32, #tpu.memory_space<vmem>>) dst(%dma_wait3A_435 : memref<10240x32xf32, #tpu.memory_space<vmem_shared>>)
    %dma_start3A_436 = arith.constant 80 : i32
    %dma_start3A_437 = arith.constant 0 : i32
    %dma_start3A_438 = tpu.memref_slice %arg6[%dma_start3A_436, %dma_start3A_437] : memref<81x128xi32, #tpu.memory_space<vmem>> -> memref<1x128xi32, #tpu.memory_space<vmem>>
    %dma_start3A_439 = tpu.memref_squeeze %dma_start3A_438 : memref<1x128xi32, #tpu.memory_space<vmem>> -> memref<128xi32, #tpu.memory_space<vmem>>
    %dma_start3A_440 = arith.constant 0 : i32
    %dma_start3A_441 = arith.constant 0 : i32
    %dma_start3A_442 = tpu.memref_slice %arg36[%dma_start3A_440, %dma_start3A_441] : memref<10240x32xf32, #tpu.memory_space<vmem_shared>> -> memref<10240x32xf32, #tpu.memory_space<vmem_shared>>
    tpu.enqueue_indirect_dma source(%dma_start3A_442 : memref<10240x32xf32, #tpu.memory_space<vmem_shared>>) target(%arg16 : memref<128x32xf32, #tpu.memory_space<vmem>>) offsets(%dma_start3A_439 : memref<128xi32, #tpu.memory_space<vmem>>) semaphore(%arg25 : memref<!tpu.dma_semaphore, #tpu.memory_space<semaphore_mem>>)
    %dma_wait3A_443 = arith.constant 77 : i32
    %dma_wait3A_444 = arith.constant 0 : i32
    %dma_wait3A_445 = tpu.memref_slice %arg6[%dma_wait3A_443, %dma_wait3A_444] : memref<81x128xi32, #tpu.memory_space<vmem>> -> memref<1x128xi32, #tpu.memory_space<vmem>>
    %dma_wait3A_446 = tpu.memref_squeeze %dma_wait3A_445 : memref<1x128xi32, #tpu.memory_space<vmem>> -> memref<128xi32, #tpu.memory_space<vmem>>
    %dma_wait3A_447 = arith.constant 0 : i32
    %dma_wait3A_448 = arith.constant 0 : i32
    %dma_wait3A_449 = tpu.memref_slice %arg36[%dma_wait3A_447, %dma_wait3A_448] : memref<10240x32xf32, #tpu.memory_space<vmem_shared>> -> memref<10240x32xf32, #tpu.memory_space<vmem_shared>>
    tpu.wait_indirect_dma semaphore(%arg22 : memref<!tpu.dma_semaphore, #tpu.memory_space<semaphore_mem>>) src(%dma_wait3A_449 : memref<10240x32xf32, #tpu.memory_space<vmem_shared>>) dst(%arg13 : memref<128x32xf32, #tpu.memory_space<vmem>>)
    %dma_start3A_450 = arith.constant 77 : i32
    %dma_start3A_451 = arith.constant 0 : i32
    %dma_start3A_452 = tpu.memref_slice %arg7[%dma_start3A_450, %dma_start3A_451] : memref<81x128xi32, #tpu.memory_space<vmem>> -> memref<1x128xi32, #tpu.memory_space<vmem>>
    %dma_start3A_453 = tpu.memref_squeeze %dma_start3A_452 : memref<1x128xi32, #tpu.memory_space<vmem>> -> memref<128xi32, #tpu.memory_space<vmem>>
    %dma_start3A_454 = arith.constant 0 : i32
    %dma_start3A_455 = arith.constant 0 : i32
    %dma_start3A_456 = tpu.memref_slice %arg35[%dma_start3A_454, %dma_start3A_455] : memref<10240x32xf32, #tpu.memory_space<vmem_shared>> -> memref<10240x32xf32, #tpu.memory_space<vmem_shared>>
    tpu.enqueue_indirect_dma source(%arg13 : memref<128x32xf32, #tpu.memory_space<vmem>>) target(%dma_start3A_456 : memref<10240x32xf32, #tpu.memory_space<vmem_shared>>) offsets(%dma_start3A_453 : memref<128xi32, #tpu.memory_space<vmem>>) semaphore(%arg31 : memref<!tpu.dma_semaphore, #tpu.memory_space<semaphore_mem>>) {add = true}
    %dma_wait3A_457 = arith.constant 78 : i32
    %dma_wait3A_458 = arith.constant 0 : i32
    %dma_wait3A_459 = tpu.memref_slice %arg6[%dma_wait3A_457, %dma_wait3A_458] : memref<81x128xi32, #tpu.memory_space<vmem>> -> memref<1x128xi32, #tpu.memory_space<vmem>>
    %dma_wait3A_460 = tpu.memref_squeeze %dma_wait3A_459 : memref<1x128xi32, #tpu.memory_space<vmem>> -> memref<128xi32, #tpu.memory_space<vmem>>
    %dma_wait3A_461 = arith.constant 0 : i32
    %dma_wait3A_462 = arith.constant 0 : i32
    %dma_wait3A_463 = tpu.memref_slice %arg36[%dma_wait3A_461, %dma_wait3A_462] : memref<10240x32xf32, #tpu.memory_space<vmem_shared>> -> memref<10240x32xf32, #tpu.memory_space<vmem_shared>>
    tpu.wait_indirect_dma semaphore(%arg23 : memref<!tpu.dma_semaphore, #tpu.memory_space<semaphore_mem>>) src(%dma_wait3A_463 : memref<10240x32xf32, #tpu.memory_space<vmem_shared>>) dst(%arg14 : memref<128x32xf32, #tpu.memory_space<vmem>>)
    %dma_start3A_464 = arith.constant 78 : i32
    %dma_start3A_465 = arith.constant 0 : i32
    %dma_start3A_466 = tpu.memref_slice %arg7[%dma_start3A_464, %dma_start3A_465] : memref<81x128xi32, #tpu.memory_space<vmem>> -> memref<1x128xi32, #tpu.memory_space<vmem>>
    %dma_start3A_467 = tpu.memref_squeeze %dma_start3A_466 : memref<1x128xi32, #tpu.memory_space<vmem>> -> memref<128xi32, #tpu.memory_space<vmem>>
    %dma_start3A_468 = arith.constant 0 : i32
    %dma_start3A_469 = arith.constant 0 : i32
    %dma_start3A_470 = tpu.memref_slice %arg35[%dma_start3A_468, %dma_start3A_469] : memref<10240x32xf32, #tpu.memory_space<vmem_shared>> -> memref<10240x32xf32, #tpu.memory_space<vmem_shared>>
    tpu.enqueue_indirect_dma source(%arg14 : memref<128x32xf32, #tpu.memory_space<vmem>>) target(%dma_start3A_470 : memref<10240x32xf32, #tpu.memory_space<vmem_shared>>) offsets(%dma_start3A_467 : memref<128xi32, #tpu.memory_space<vmem>>) semaphore(%arg32 : memref<!tpu.dma_semaphore, #tpu.memory_space<semaphore_mem>>) {add = true}
    %dma_wait3A_471 = arith.constant 79 : i32
    %dma_wait3A_472 = arith.constant 0 : i32
    %dma_wait3A_473 = tpu.memref_slice %arg6[%dma_wait3A_471, %dma_wait3A_472] : memref<81x128xi32, #tpu.memory_space<vmem>> -> memref<1x128xi32, #tpu.memory_space<vmem>>
    %dma_wait3A_474 = tpu.memref_squeeze %dma_wait3A_473 : memref<1x128xi32, #tpu.memory_space<vmem>> -> memref<128xi32, #tpu.memory_space<vmem>>
    %dma_wait3A_475 = arith.constant 0 : i32
    %dma_wait3A_476 = arith.constant 0 : i32
    %dma_wait3A_477 = tpu.memref_slice %arg36[%dma_wait3A_475, %dma_wait3A_476] : memref<10240x32xf32, #tpu.memory_space<vmem_shared>> -> memref<10240x32xf32, #tpu.memory_space<vmem_shared>>
    tpu.wait_indirect_dma semaphore(%arg24 : memref<!tpu.dma_semaphore, #tpu.memory_space<semaphore_mem>>) src(%dma_wait3A_477 : memref<10240x32xf32, #tpu.memory_space<vmem_shared>>) dst(%arg15 : memref<128x32xf32, #tpu.memory_space<vmem>>)
    %dma_start3A_478 = arith.constant 79 : i32
    %dma_start3A_479 = arith.constant 0 : i32
    %dma_start3A_480 = tpu.memref_slice %arg7[%dma_start3A_478, %dma_start3A_479] : memref<81x128xi32, #tpu.memory_space<vmem>> -> memref<1x128xi32, #tpu.memory_space<vmem>>
    %dma_start3A_481 = tpu.memref_squeeze %dma_start3A_480 : memref<1x128xi32, #tpu.memory_space<vmem>> -> memref<128xi32, #tpu.memory_space<vmem>>
    %dma_start3A_482 = arith.constant 0 : i32
    %dma_start3A_483 = arith.constant 0 : i32
    %dma_start3A_484 = tpu.memref_slice %arg35[%dma_start3A_482, %dma_start3A_483] : memref<10240x32xf32, #tpu.memory_space<vmem_shared>> -> memref<10240x32xf32, #tpu.memory_space<vmem_shared>>
    tpu.enqueue_indirect_dma source(%arg15 : memref<128x32xf32, #tpu.memory_space<vmem>>) target(%dma_start3A_484 : memref<10240x32xf32, #tpu.memory_space<vmem_shared>>) offsets(%dma_start3A_481 : memref<128xi32, #tpu.memory_space<vmem>>) semaphore(%arg33 : memref<!tpu.dma_semaphore, #tpu.memory_space<semaphore_mem>>) {add = true}
    %dma_wait3A_485 = arith.constant 80 : i32
    %dma_wait3A_486 = arith.constant 0 : i32
    %dma_wait3A_487 = tpu.memref_slice %arg6[%dma_wait3A_485, %dma_wait3A_486] : memref<81x128xi32, #tpu.memory_space<vmem>> -> memref<1x128xi32, #tpu.memory_space<vmem>>
    %dma_wait3A_488 = tpu.memref_squeeze %dma_wait3A_487 : memref<1x128xi32, #tpu.memory_space<vmem>> -> memref<128xi32, #tpu.memory_space<vmem>>
    %dma_wait3A_489 = arith.constant 0 : i32
    %dma_wait3A_490 = arith.constant 0 : i32
    %dma_wait3A_491 = tpu.memref_slice %arg36[%dma_wait3A_489, %dma_wait3A_490] : memref<10240x32xf32, #tpu.memory_space<vmem_shared>> -> memref<10240x32xf32, #tpu.memory_space<vmem_shared>>
    tpu.wait_indirect_dma semaphore(%arg25 : memref<!tpu.dma_semaphore, #tpu.memory_space<semaphore_mem>>) src(%dma_wait3A_491 : memref<10240x32xf32, #tpu.memory_space<vmem_shared>>) dst(%arg16 : memref<128x32xf32, #tpu.memory_space<vmem>>)
    %dma_start3A_492 = arith.constant 80 : i32
    %dma_start3A_493 = arith.constant 0 : i32
    %dma_start3A_494 = tpu.memref_slice %arg7[%dma_start3A_492, %dma_start3A_493] : memref<81x128xi32, #tpu.memory_space<vmem>> -> memref<1x128xi32, #tpu.memory_space<vmem>>
    %dma_start3A_495 = tpu.memref_squeeze %dma_start3A_494 : memref<1x128xi32, #tpu.memory_space<vmem>> -> memref<128xi32, #tpu.memory_space<vmem>>
    %dma_start3A_496 = arith.constant 0 : i32
    %dma_start3A_497 = arith.constant 0 : i32
    %dma_start3A_498 = tpu.memref_slice %arg35[%dma_start3A_496, %dma_start3A_497] : memref<10240x32xf32, #tpu.memory_space<vmem_shared>> -> memref<10240x32xf32, #tpu.memory_space<vmem_shared>>
    tpu.enqueue_indirect_dma source(%arg16 : memref<128x32xf32, #tpu.memory_space<vmem>>) target(%dma_start3A_498 : memref<10240x32xf32, #tpu.memory_space<vmem_shared>>) offsets(%dma_start3A_495 : memref<128xi32, #tpu.memory_space<vmem>>) semaphore(%arg34 : memref<!tpu.dma_semaphore, #tpu.memory_space<semaphore_mem>>) {add = true}
    %dma_wait3A_499 = arith.constant 72 : i32
    %dma_wait3A_500 = arith.constant 0 : i32
    %dma_wait3A_501 = tpu.memref_slice %arg7[%dma_wait3A_499, %dma_wait3A_500] : memref<81x128xi32, #tpu.memory_space<vmem>> -> memref<1x128xi32, #tpu.memory_space<vmem>>
    %dma_wait3A_502 = tpu.memref_squeeze %dma_wait3A_501 : memref<1x128xi32, #tpu.memory_space<vmem>> -> memref<128xi32, #tpu.memory_space<vmem>>
    %dma_wait3A_503 = arith.constant 0 : i32
    %dma_wait3A_504 = arith.constant 0 : i32
    %dma_wait3A_505 = tpu.memref_slice %arg35[%dma_wait3A_503, %dma_wait3A_504] : memref<10240x32xf32, #tpu.memory_space<vmem_shared>> -> memref<10240x32xf32, #tpu.memory_space<vmem_shared>>
    tpu.wait_indirect_dma semaphore(%arg26 : memref<!tpu.dma_semaphore, #tpu.memory_space<semaphore_mem>>) src(%arg8 : memref<128x32xf32, #tpu.memory_space<vmem>>) dst(%dma_wait3A_505 : memref<10240x32xf32, #tpu.memory_space<vmem_shared>>)
    %dma_wait3A_506 = arith.constant 73 : i32
    %dma_wait3A_507 = arith.constant 0 : i32
    %dma_wait3A_508 = tpu.memref_slice %arg7[%dma_wait3A_506, %dma_wait3A_507] : memref<81x128xi32, #tpu.memory_space<vmem>> -> memref<1x128xi32, #tpu.memory_space<vmem>>
    %dma_wait3A_509 = tpu.memref_squeeze %dma_wait3A_508 : memref<1x128xi32, #tpu.memory_space<vmem>> -> memref<128xi32, #tpu.memory_space<vmem>>
    %dma_wait3A_510 = arith.constant 0 : i32
    %dma_wait3A_511 = arith.constant 0 : i32
    %dma_wait3A_512 = tpu.memref_slice %arg35[%dma_wait3A_510, %dma_wait3A_511] : memref<10240x32xf32, #tpu.memory_space<vmem_shared>> -> memref<10240x32xf32, #tpu.memory_space<vmem_shared>>
    tpu.wait_indirect_dma semaphore(%arg27 : memref<!tpu.dma_semaphore, #tpu.memory_space<semaphore_mem>>) src(%arg9 : memref<128x32xf32, #tpu.memory_space<vmem>>) dst(%dma_wait3A_512 : memref<10240x32xf32, #tpu.memory_space<vmem_shared>>)
    %dma_wait3A_513 = arith.constant 74 : i32
    %dma_wait3A_514 = arith.constant 0 : i32
    %dma_wait3A_515 = tpu.memref_slice %arg7[%dma_wait3A_513, %dma_wait3A_514] : memref<81x128xi32, #tpu.memory_space<vmem>> -> memref<1x128xi32, #tpu.memory_space<vmem>>
    %dma_wait3A_516 = tpu.memref_squeeze %dma_wait3A_515 : memref<1x128xi32, #tpu.memory_space<vmem>> -> memref<128xi32, #tpu.memory_space<vmem>>
    %dma_wait3A_517 = arith.constant 0 : i32
    %dma_wait3A_518 = arith.constant 0 : i32
    %dma_wait3A_519 = tpu.memref_slice %arg35[%dma_wait3A_517, %dma_wait3A_518] : memref<10240x32xf32, #tpu.memory_space<vmem_shared>> -> memref<10240x32xf32, #tpu.memory_space<vmem_shared>>
    tpu.wait_indirect_dma semaphore(%arg28 : memref<!tpu.dma_semaphore, #tpu.memory_space<semaphore_mem>>) src(%arg10 : memref<128x32xf32, #tpu.memory_space<vmem>>) dst(%dma_wait3A_519 : memref<10240x32xf32, #tpu.memory_space<vmem_shared>>)
    %dma_wait3A_520 = arith.constant 75 : i32
    %dma_wait3A_521 = arith.constant 0 : i32
    %dma_wait3A_522 = tpu.memref_slice %arg7[%dma_wait3A_520, %dma_wait3A_521] : memref<81x128xi32, #tpu.memory_space<vmem>> -> memref<1x128xi32, #tpu.memory_space<vmem>>
    %dma_wait3A_523 = tpu.memref_squeeze %dma_wait3A_522 : memref<1x128xi32, #tpu.memory_space<vmem>> -> memref<128xi32, #tpu.memory_space<vmem>>
    %dma_wait3A_524 = arith.constant 0 : i32
    %dma_wait3A_525 = arith.constant 0 : i32
    %dma_wait3A_526 = tpu.memref_slice %arg35[%dma_wait3A_524, %dma_wait3A_525] : memref<10240x32xf32, #tpu.memory_space<vmem_shared>> -> memref<10240x32xf32, #tpu.memory_space<vmem_shared>>
    tpu.wait_indirect_dma semaphore(%arg29 : memref<!tpu.dma_semaphore, #tpu.memory_space<semaphore_mem>>) src(%arg11 : memref<128x32xf32, #tpu.memory_space<vmem>>) dst(%dma_wait3A_526 : memref<10240x32xf32, #tpu.memory_space<vmem_shared>>)
    %dma_wait3A_527 = arith.constant 76 : i32
    %dma_wait3A_528 = arith.constant 0 : i32
    %dma_wait3A_529 = tpu.memref_slice %arg7[%dma_wait3A_527, %dma_wait3A_528] : memref<81x128xi32, #tpu.memory_space<vmem>> -> memref<1x128xi32, #tpu.memory_space<vmem>>
    %dma_wait3A_530 = tpu.memref_squeeze %dma_wait3A_529 : memref<1x128xi32, #tpu.memory_space<vmem>> -> memref<128xi32, #tpu.memory_space<vmem>>
    %dma_wait3A_531 = arith.constant 0 : i32
    %dma_wait3A_532 = arith.constant 0 : i32
    %dma_wait3A_533 = tpu.memref_slice %arg35[%dma_wait3A_531, %dma_wait3A_532] : memref<10240x32xf32, #tpu.memory_space<vmem_shared>> -> memref<10240x32xf32, #tpu.memory_space<vmem_shared>>
    tpu.wait_indirect_dma semaphore(%arg30 : memref<!tpu.dma_semaphore, #tpu.memory_space<semaphore_mem>>) src(%arg12 : memref<128x32xf32, #tpu.memory_space<vmem>>) dst(%dma_wait3A_533 : memref<10240x32xf32, #tpu.memory_space<vmem_shared>>)
    %dma_wait3A_534 = arith.constant 77 : i32
    %dma_wait3A_535 = arith.constant 0 : i32
    %dma_wait3A_536 = tpu.memref_slice %arg7[%dma_wait3A_534, %dma_wait3A_535] : memref<81x128xi32, #tpu.memory_space<vmem>> -> memref<1x128xi32, #tpu.memory_space<vmem>>
    %dma_wait3A_537 = tpu.memref_squeeze %dma_wait3A_536 : memref<1x128xi32, #tpu.memory_space<vmem>> -> memref<128xi32, #tpu.memory_space<vmem>>
    %dma_wait3A_538 = arith.constant 0 : i32
    %dma_wait3A_539 = arith.constant 0 : i32
    %dma_wait3A_540 = tpu.memref_slice %arg35[%dma_wait3A_538, %dma_wait3A_539] : memref<10240x32xf32, #tpu.memory_space<vmem_shared>> -> memref<10240x32xf32, #tpu.memory_space<vmem_shared>>
    tpu.wait_indirect_dma semaphore(%arg31 : memref<!tpu.dma_semaphore, #tpu.memory_space<semaphore_mem>>) src(%arg13 : memref<128x32xf32, #tpu.memory_space<vmem>>) dst(%dma_wait3A_540 : memref<10240x32xf32, #tpu.memory_space<vmem_shared>>)
    %dma_wait3A_541 = arith.constant 78 : i32
    %dma_wait3A_542 = arith.constant 0 : i32
    %dma_wait3A_543 = tpu.memref_slice %arg7[%dma_wait3A_541, %dma_wait3A_542] : memref<81x128xi32, #tpu.memory_space<vmem>> -> memref<1x128xi32, #tpu.memory_space<vmem>>
    %dma_wait3A_544 = tpu.memref_squeeze %dma_wait3A_543 : memref<1x128xi32, #tpu.memory_space<vmem>> -> memref<128xi32, #tpu.memory_space<vmem>>
    %dma_wait3A_545 = arith.constant 0 : i32
    %dma_wait3A_546 = arith.constant 0 : i32
    %dma_wait3A_547 = tpu.memref_slice %arg35[%dma_wait3A_545, %dma_wait3A_546] : memref<10240x32xf32, #tpu.memory_space<vmem_shared>> -> memref<10240x32xf32, #tpu.memory_space<vmem_shared>>
    tpu.wait_indirect_dma semaphore(%arg32 : memref<!tpu.dma_semaphore, #tpu.memory_space<semaphore_mem>>) src(%arg14 : memref<128x32xf32, #tpu.memory_space<vmem>>) dst(%dma_wait3A_547 : memref<10240x32xf32, #tpu.memory_space<vmem_shared>>)
    %dma_wait3A_548 = arith.constant 79 : i32
    %dma_wait3A_549 = arith.constant 0 : i32
    %dma_wait3A_550 = tpu.memref_slice %arg7[%dma_wait3A_548, %dma_wait3A_549] : memref<81x128xi32, #tpu.memory_space<vmem>> -> memref<1x128xi32, #tpu.memory_space<vmem>>
    %dma_wait3A_551 = tpu.memref_squeeze %dma_wait3A_550 : memref<1x128xi32, #tpu.memory_space<vmem>> -> memref<128xi32, #tpu.memory_space<vmem>>
    %dma_wait3A_552 = arith.constant 0 : i32
    %dma_wait3A_553 = arith.constant 0 : i32
    %dma_wait3A_554 = tpu.memref_slice %arg35[%dma_wait3A_552, %dma_wait3A_553] : memref<10240x32xf32, #tpu.memory_space<vmem_shared>> -> memref<10240x32xf32, #tpu.memory_space<vmem_shared>>
    tpu.wait_indirect_dma semaphore(%arg33 : memref<!tpu.dma_semaphore, #tpu.memory_space<semaphore_mem>>) src(%arg15 : memref<128x32xf32, #tpu.memory_space<vmem>>) dst(%dma_wait3A_554 : memref<10240x32xf32, #tpu.memory_space<vmem_shared>>)
    %dma_wait3A_555 = arith.constant 80 : i32
    %dma_wait3A_556 = arith.constant 0 : i32
    %dma_wait3A_557 = tpu.memref_slice %arg7[%dma_wait3A_555, %dma_wait3A_556] : memref<81x128xi32, #tpu.memory_space<vmem>> -> memref<1x128xi32, #tpu.memory_space<vmem>>
    %dma_wait3A_558 = tpu.memref_squeeze %dma_wait3A_557 : memref<1x128xi32, #tpu.memory_space<vmem>> -> memref<128xi32, #tpu.memory_space<vmem>>
    %dma_wait3A_559 = arith.constant 0 : i32
    %dma_wait3A_560 = arith.constant 0 : i32
    %dma_wait3A_561 = tpu.memref_slice %arg35[%dma_wait3A_559, %dma_wait3A_560] : memref<10240x32xf32, #tpu.memory_space<vmem_shared>> -> memref<10240x32xf32, #tpu.memory_space<vmem_shared>>
    tpu.wait_indirect_dma semaphore(%arg34 : memref<!tpu.dma_semaphore, #tpu.memory_space<semaphore_mem>>) src(%arg16 : memref<128x32xf32, #tpu.memory_space<vmem>>) dst(%dma_wait3A_561 : memref<10240x32xf32, #tpu.memory_space<vmem_shared>>)
    %barrier3A_562 = arith.constant 0 : index
    tpu.barrier barrier_id(%barrier3A_562)
    "tpu.region"() ({
      %run_scoped3A = tpu.sem_alloc : memref<!tpu.dma_semaphore, #tpu.memory_space<semaphore_mem>>
      %dma_start3A_563 = arith.constant 0 : i32
      %dma_start3A_564 = tpu.memref_slice %arg5[%arg0, %mul3A_2, %dma_start3A_563] : memref<2x10240x32xf32, #tpu.memory_space<hbm>> -> memref<1x640x32xf32, #tpu.memory_space<hbm>>
      %dma_start3A_565 = tpu.memref_squeeze %dma_start3A_564 : memref<1x640x32xf32, #tpu.memory_space<hbm>> -> memref<640x32xf32, #tpu.memory_space<hbm>>
      %dma_start3A_566 = arith.constant 0 : i32
      %dma_start3A_567 = tpu.memref_slice %arg35[%mul3A_2, %dma_start3A_566] : memref<10240x32xf32, #tpu.memory_space<vmem_shared>> -> memref<640x32xf32, #tpu.memory_space<vmem_shared>>
      tpu.enqueue_dma source(%dma_start3A_567 : memref<640x32xf32, #tpu.memory_space<vmem_shared>>) target(%dma_start3A_565 : memref<640x32xf32, #tpu.memory_space<hbm>>) target_semaphore(%run_scoped3A : memref<!tpu.dma_semaphore, #tpu.memory_space<semaphore_mem>>)
      %dma_wait3A_568 = arith.constant 0 : i32
      %dma_wait3A_569 = tpu.memref_slice %arg5[%arg0, %mul3A_2, %dma_wait3A_568] : memref<2x10240x32xf32, #tpu.memory_space<hbm>> -> memref<1x640x32xf32, #tpu.memory_space<hbm>>
      %dma_wait3A_570 = tpu.memref_squeeze %dma_wait3A_569 : memref<1x640x32xf32, #tpu.memory_space<hbm>> -> memref<640x32xf32, #tpu.memory_space<hbm>>
      %dma_wait3A_571 = arith.constant 0 : i32
      %dma_wait3A_572 = tpu.memref_slice %arg35[%mul3A_2, %dma_wait3A_571] : memref<10240x32xf32, #tpu.memory_space<vmem_shared>> -> memref<640x32xf32, #tpu.memory_space<vmem_shared>>
      tpu.wait_dma2 semaphore(%run_scoped3A : memref<!tpu.dma_semaphore, #tpu.memory_space<semaphore_mem>>) src(%dma_wait3A_572 : memref<640x32xf32, #tpu.memory_space<vmem_shared>>) dst(%dma_wait3A_570 : memref<640x32xf32, #tpu.memory_space<hbm>>)
      tpu.yield
    }) : () -> ()
    return
  }
}

#map = affine_map<(d0, d1) -> (0, 0)>
#map1 = affine_map<(d0, d1) -> (0, 0, 0)>
module attributes {stable_mosaic.version = 14 : i64} {
  func.func @_prop_kernel(%arg0: i32, %arg1: i32, %arg2: memref<10240x32xf32, #tpu.memory_space<hbm>>, %arg3: memref<2x2592x128xi32, #tpu.memory_space<hbm>>, %arg4: memref<10240x32xf32, #tpu.memory_space<hbm>>, %arg5: memref<2x10240x32xf32, #tpu.memory_space<hbm>>, %arg6: memref<81x128xi32, #tpu.memory_space<vmem>>, %arg7: memref<81x128xi32, #tpu.memory_space<vmem>>, %arg8: memref<128x32xf32, #tpu.memory_space<vmem>>, %arg9: memref<128x32xf32, #tpu.memory_space<vmem>>, %arg10: memref<128x32xf32, #tpu.memory_space<vmem>>, %arg11: memref<128x32xf32, #tpu.memory_space<vmem>>, %arg12: memref<128x32xf32, #tpu.memory_space<vmem>>, %arg13: memref<128x32xf32, #tpu.memory_space<vmem>>, %arg14: memref<128x32xf32, #tpu.memory_space<vmem>>, %arg15: memref<128x32xf32, #tpu.memory_space<vmem>>, %arg16: memref<128x32xf32, #tpu.memory_space<vmem>>, %arg17: memref<!tpu.dma_semaphore, #tpu.memory_space<semaphore_mem>>, %arg18: memref<!tpu.dma_semaphore, #tpu.memory_space<semaphore_mem>>, %arg19: memref<!tpu.dma_semaphore, #tpu.memory_space<semaphore_mem>>, %arg20: memref<!tpu.dma_semaphore, #tpu.memory_space<semaphore_mem>>, %arg21: memref<!tpu.dma_semaphore, #tpu.memory_space<semaphore_mem>>, %arg22: memref<!tpu.dma_semaphore, #tpu.memory_space<semaphore_mem>>, %arg23: memref<!tpu.dma_semaphore, #tpu.memory_space<semaphore_mem>>, %arg24: memref<!tpu.dma_semaphore, #tpu.memory_space<semaphore_mem>>, %arg25: memref<!tpu.dma_semaphore, #tpu.memory_space<semaphore_mem>>, %arg26: memref<!tpu.dma_semaphore, #tpu.memory_space<semaphore_mem>>, %arg27: memref<!tpu.dma_semaphore, #tpu.memory_space<semaphore_mem>>, %arg28: memref<!tpu.dma_semaphore, #tpu.memory_space<semaphore_mem>>, %arg29: memref<!tpu.dma_semaphore, #tpu.memory_space<semaphore_mem>>, %arg30: memref<!tpu.dma_semaphore, #tpu.memory_space<semaphore_mem>>, %arg31: memref<!tpu.dma_semaphore, #tpu.memory_space<semaphore_mem>>, %arg32: memref<!tpu.dma_semaphore, #tpu.memory_space<semaphore_mem>>, %arg33: memref<!tpu.dma_semaphore, #tpu.memory_space<semaphore_mem>>, %arg34: memref<!tpu.dma_semaphore, #tpu.memory_space<semaphore_mem>>, %arg35: memref<10240x32xf32, #tpu.memory_space<vmem_shared>>, %arg36: memref<10240x32xf32, #tpu.memory_space<vmem_shared>>) attributes {dimension_semantics = [#tpu.dimension_semantics<core_parallel>, #tpu.dimension_semantics<subcore_parallel>], iteration_bounds = array<i64: 2, 16>, scalar_prefetch = 0 : i64, scratch_operands = 31 : i64, tpu.core_type = #tpu.core_type<sc_vector_subcore>, window_params = [{transform_indices = #map}, {transform_indices = #map1}, {transform_indices = #map}, {transform_indices = #map1}]} {
    %mul3A = arith.constant 16 : i32
    %mul3A_0 = arith.muli %arg0, %mul3A : i32
    %add3A = arith.addi %mul3A_0, %arg1 : i32
    %mul3A_1 = arith.constant 640 : i32
    %mul3A_2 = arith.muli %arg1, %mul3A_1 : i32
    %dma_start3A = arith.constant 0 : i32
    %dma_start3A_3 = tpu.memref_slice %arg35[%mul3A_2, %dma_start3A] : memref<10240x32xf32, #tpu.memory_space<vmem_shared>> -> memref<640x32xf32, #tpu.memory_space<vmem_shared>>
    %dma_start3A_4 = arith.constant 0 : i32
    %dma_start3A_5 = tpu.memref_slice %arg4[%mul3A_2, %dma_start3A_4] : memref<10240x32xf32, #tpu.memory_space<hbm>> -> memref<640x32xf32, #tpu.memory_space<hbm>>
    tpu.enqueue_dma source(%dma_start3A_5 : memref<640x32xf32, #tpu.memory_space<hbm>>) target(%dma_start3A_3 : memref<640x32xf32, #tpu.memory_space<vmem_shared>>) target_semaphore(%arg17 : memref<!tpu.dma_semaphore, #tpu.memory_space<semaphore_mem>>)
    %dma_start3A_6 = arith.constant 0 : i32
    %dma_start3A_7 = tpu.memref_slice %arg36[%mul3A_2, %dma_start3A_6] : memref<10240x32xf32, #tpu.memory_space<vmem_shared>> -> memref<640x32xf32, #tpu.memory_space<vmem_shared>>
    %dma_start3A_8 = arith.constant 0 : i32
    %dma_start3A_9 = tpu.memref_slice %arg2[%mul3A_2, %dma_start3A_8] : memref<10240x32xf32, #tpu.memory_space<hbm>> -> memref<640x32xf32, #tpu.memory_space<hbm>>
    tpu.enqueue_dma source(%dma_start3A_9 : memref<640x32xf32, #tpu.memory_space<hbm>>) target(%dma_start3A_7 : memref<640x32xf32, #tpu.memory_space<vmem_shared>>) target_semaphore(%arg18 : memref<!tpu.dma_semaphore, #tpu.memory_space<semaphore_mem>>)
    %mul3A_10 = arith.constant 81 : i32
    %mul3A_11 = arith.muli %add3A, %mul3A_10 : i32
    %dma_start3A_12 = arith.constant 0 : i32
    %dma_start3A_13 = arith.constant 0 : i32
    %dma_start3A_14 = tpu.memref_slice %arg3[%dma_start3A_12, %mul3A_11, %dma_start3A_13] : memref<2x2592x128xi32, #tpu.memory_space<hbm>> -> memref<1x81x128xi32, #tpu.memory_space<hbm>>
    %dma_start3A_15 = tpu.memref_squeeze %dma_start3A_14 : memref<1x81x128xi32, #tpu.memory_space<hbm>> -> memref<81x128xi32, #tpu.memory_space<hbm>>
    %dma_start3A_16 = arith.constant 0 : i32
    %dma_start3A_17 = tpu.memref_slice %arg3[%dma_start3A_12, %mul3A_11, %dma_start3A_16] : memref<2x2592x128xi32, #tpu.memory_space<hbm>> -> memref<1x81x128xi32, #tpu.memory_space<hbm>>
    %dma_start3A_18 = tpu.memref_squeeze %dma_start3A_17 : memref<1x81x128xi32, #tpu.memory_space<hbm>> -> memref<81x128xi32, #tpu.memory_space<hbm>>
    tpu.enqueue_dma source(%dma_start3A_18 : memref<81x128xi32, #tpu.memory_space<hbm>>) target(%arg6 : memref<81x128xi32, #tpu.memory_space<vmem>>) target_semaphore(%arg19 : memref<!tpu.dma_semaphore, #tpu.memory_space<semaphore_mem>>)
    %mul3A_19 = arith.constant 81 : i32
    %mul3A_20 = arith.muli %add3A, %mul3A_19 : i32
    %dma_start3A_21 = arith.constant 1 : i32
    %dma_start3A_22 = arith.constant 0 : i32
    %dma_start3A_23 = tpu.memref_slice %arg3[%dma_start3A_21, %mul3A_20, %dma_start3A_22] : memref<2x2592x128xi32, #tpu.memory_space<hbm>> -> memref<1x81x128xi32, #tpu.memory_space<hbm>>
    %dma_start3A_24 = tpu.memref_squeeze %dma_start3A_23 : memref<1x81x128xi32, #tpu.memory_space<hbm>> -> memref<81x128xi32, #tpu.memory_space<hbm>>
    %dma_start3A_25 = arith.constant 0 : i32
    %dma_start3A_26 = tpu.memref_slice %arg3[%dma_start3A_21, %mul3A_20, %dma_start3A_25] : memref<2x2592x128xi32, #tpu.memory_space<hbm>> -> memref<1x81x128xi32, #tpu.memory_space<hbm>>
    %dma_start3A_27 = tpu.memref_squeeze %dma_start3A_26 : memref<1x81x128xi32, #tpu.memory_space<hbm>> -> memref<81x128xi32, #tpu.memory_space<hbm>>
    tpu.enqueue_dma source(%dma_start3A_27 : memref<81x128xi32, #tpu.memory_space<hbm>>) target(%arg7 : memref<81x128xi32, #tpu.memory_space<vmem>>) target_semaphore(%arg20 : memref<!tpu.dma_semaphore, #tpu.memory_space<semaphore_mem>>)
    %dma_wait3A = arith.constant 0 : i32
    %dma_wait3A_28 = tpu.memref_slice %arg35[%mul3A_2, %dma_wait3A] : memref<10240x32xf32, #tpu.memory_space<vmem_shared>> -> memref<640x32xf32, #tpu.memory_space<vmem_shared>>
    %dma_wait3A_29 = arith.constant 0 : i32
    %dma_wait3A_30 = tpu.memref_slice %arg4[%mul3A_2, %dma_wait3A_29] : memref<10240x32xf32, #tpu.memory_space<hbm>> -> memref<640x32xf32, #tpu.memory_space<hbm>>
    tpu.wait_dma2 semaphore(%arg17 : memref<!tpu.dma_semaphore, #tpu.memory_space<semaphore_mem>>) src(%dma_wait3A_30 : memref<640x32xf32, #tpu.memory_space<hbm>>) dst(%dma_wait3A_28 : memref<640x32xf32, #tpu.memory_space<vmem_shared>>)
    %dma_wait3A_31 = arith.constant 0 : i32
    %dma_wait3A_32 = tpu.memref_slice %arg36[%mul3A_2, %dma_wait3A_31] : memref<10240x32xf32, #tpu.memory_space<vmem_shared>> -> memref<640x32xf32, #tpu.memory_space<vmem_shared>>
    %dma_wait3A_33 = arith.constant 0 : i32
    %dma_wait3A_34 = tpu.memref_slice %arg2[%mul3A_2, %dma_wait3A_33] : memref<10240x32xf32, #tpu.memory_space<hbm>> -> memref<640x32xf32, #tpu.memory_space<hbm>>
    tpu.wait_dma2 semaphore(%arg18 : memref<!tpu.dma_semaphore, #tpu.memory_space<semaphore_mem>>) src(%dma_wait3A_34 : memref<640x32xf32, #tpu.memory_space<hbm>>) dst(%dma_wait3A_32 : memref<640x32xf32, #tpu.memory_space<vmem_shared>>)
    %mul3A_35 = arith.constant 81 : i32
    %mul3A_36 = arith.muli %add3A, %mul3A_35 : i32
    %dma_wait3A_37 = arith.constant 0 : i32
    %dma_wait3A_38 = arith.constant 0 : i32
    %dma_wait3A_39 = tpu.memref_slice %arg3[%dma_wait3A_37, %mul3A_36, %dma_wait3A_38] : memref<2x2592x128xi32, #tpu.memory_space<hbm>> -> memref<1x81x128xi32, #tpu.memory_space<hbm>>
    %dma_wait3A_40 = tpu.memref_squeeze %dma_wait3A_39 : memref<1x81x128xi32, #tpu.memory_space<hbm>> -> memref<81x128xi32, #tpu.memory_space<hbm>>
    %dma_wait3A_41 = arith.constant 0 : i32
    %dma_wait3A_42 = tpu.memref_slice %arg3[%dma_wait3A_37, %mul3A_36, %dma_wait3A_41] : memref<2x2592x128xi32, #tpu.memory_space<hbm>> -> memref<1x81x128xi32, #tpu.memory_space<hbm>>
    %dma_wait3A_43 = tpu.memref_squeeze %dma_wait3A_42 : memref<1x81x128xi32, #tpu.memory_space<hbm>> -> memref<81x128xi32, #tpu.memory_space<hbm>>
    tpu.wait_dma2 semaphore(%arg19 : memref<!tpu.dma_semaphore, #tpu.memory_space<semaphore_mem>>) src(%dma_wait3A_43 : memref<81x128xi32, #tpu.memory_space<hbm>>) dst(%arg6 : memref<81x128xi32, #tpu.memory_space<vmem>>)
    %mul3A_44 = arith.constant 81 : i32
    %mul3A_45 = arith.muli %add3A, %mul3A_44 : i32
    %dma_wait3A_46 = arith.constant 1 : i32
    %dma_wait3A_47 = arith.constant 0 : i32
    %dma_wait3A_48 = tpu.memref_slice %arg3[%dma_wait3A_46, %mul3A_45, %dma_wait3A_47] : memref<2x2592x128xi32, #tpu.memory_space<hbm>> -> memref<1x81x128xi32, #tpu.memory_space<hbm>>
    %dma_wait3A_49 = tpu.memref_squeeze %dma_wait3A_48 : memref<1x81x128xi32, #tpu.memory_space<hbm>> -> memref<81x128xi32, #tpu.memory_space<hbm>>
    %dma_wait3A_50 = arith.constant 0 : i32
    %dma_wait3A_51 = tpu.memref_slice %arg3[%dma_wait3A_46, %mul3A_45, %dma_wait3A_50] : memref<2x2592x128xi32, #tpu.memory_space<hbm>> -> memref<1x81x128xi32, #tpu.memory_space<hbm>>
    %dma_wait3A_52 = tpu.memref_squeeze %dma_wait3A_51 : memref<1x81x128xi32, #tpu.memory_space<hbm>> -> memref<81x128xi32, #tpu.memory_space<hbm>>
    tpu.wait_dma2 semaphore(%arg20 : memref<!tpu.dma_semaphore, #tpu.memory_space<semaphore_mem>>) src(%dma_wait3A_52 : memref<81x128xi32, #tpu.memory_space<hbm>>) dst(%arg7 : memref<81x128xi32, #tpu.memory_space<vmem>>)
    %barrier3A = arith.constant 0 : index
    tpu.barrier barrier_id(%barrier3A)
    %dma_start3A_53 = arith.constant 0 : i32
    %dma_start3A_54 = arith.constant 0 : i32
    %dma_start3A_55 = tpu.memref_slice %arg6[%dma_start3A_53, %dma_start3A_54] : memref<81x128xi32, #tpu.memory_space<vmem>> -> memref<1x128xi32, #tpu.memory_space<vmem>>
    %dma_start3A_56 = tpu.memref_squeeze %dma_start3A_55 : memref<1x128xi32, #tpu.memory_space<vmem>> -> memref<128xi32, #tpu.memory_space<vmem>>
    %dma_start3A_57 = arith.constant 0 : i32
    %dma_start3A_58 = arith.constant 0 : i32
    %dma_start3A_59 = tpu.memref_slice %arg36[%dma_start3A_57, %dma_start3A_58] : memref<10240x32xf32, #tpu.memory_space<vmem_shared>> -> memref<10240x32xf32, #tpu.memory_space<vmem_shared>>
    tpu.enqueue_indirect_dma source(%dma_start3A_59 : memref<10240x32xf32, #tpu.memory_space<vmem_shared>>) target(%arg8 : memref<128x32xf32, #tpu.memory_space<vmem>>) offsets(%dma_start3A_56 : memref<128xi32, #tpu.memory_space<vmem>>) semaphore(%arg17 : memref<!tpu.dma_semaphore, #tpu.memory_space<semaphore_mem>>)
    %dma_start3A_60 = arith.constant 1 : i32
    %dma_start3A_61 = arith.constant 0 : i32
    %dma_start3A_62 = tpu.memref_slice %arg6[%dma_start3A_60, %dma_start3A_61] : memref<81x128xi32, #tpu.memory_space<vmem>> -> memref<1x128xi32, #tpu.memory_space<vmem>>
    %dma_start3A_63 = tpu.memref_squeeze %dma_start3A_62 : memref<1x128xi32, #tpu.memory_space<vmem>> -> memref<128xi32, #tpu.memory_space<vmem>>
    %dma_start3A_64 = arith.constant 0 : i32
    %dma_start3A_65 = arith.constant 0 : i32
    %dma_start3A_66 = tpu.memref_slice %arg36[%dma_start3A_64, %dma_start3A_65] : memref<10240x32xf32, #tpu.memory_space<vmem_shared>> -> memref<10240x32xf32, #tpu.memory_space<vmem_shared>>
    tpu.enqueue_indirect_dma source(%dma_start3A_66 : memref<10240x32xf32, #tpu.memory_space<vmem_shared>>) target(%arg9 : memref<128x32xf32, #tpu.memory_space<vmem>>) offsets(%dma_start3A_63 : memref<128xi32, #tpu.memory_space<vmem>>) semaphore(%arg18 : memref<!tpu.dma_semaphore, #tpu.memory_space<semaphore_mem>>)
    %dma_start3A_67 = arith.constant 2 : i32
    %dma_start3A_68 = arith.constant 0 : i32
    %dma_start3A_69 = tpu.memref_slice %arg6[%dma_start3A_67, %dma_start3A_68] : memref<81x128xi32, #tpu.memory_space<vmem>> -> memref<1x128xi32, #tpu.memory_space<vmem>>
    %dma_start3A_70 = tpu.memref_squeeze %dma_start3A_69 : memref<1x128xi32, #tpu.memory_space<vmem>> -> memref<128xi32, #tpu.memory_space<vmem>>
    %dma_start3A_71 = arith.constant 0 : i32
    %dma_start3A_72 = arith.constant 0 : i32
    %dma_start3A_73 = tpu.memref_slice %arg36[%dma_start3A_71, %dma_start3A_72] : memref<10240x32xf32, #tpu.memory_space<vmem_shared>> -> memref<10240x32xf32, #tpu.memory_space<vmem_shared>>
    tpu.enqueue_indirect_dma source(%dma_start3A_73 : memref<10240x32xf32, #tpu.memory_space<vmem_shared>>) target(%arg10 : memref<128x32xf32, #tpu.memory_space<vmem>>) offsets(%dma_start3A_70 : memref<128xi32, #tpu.memory_space<vmem>>) semaphore(%arg19 : memref<!tpu.dma_semaphore, #tpu.memory_space<semaphore_mem>>)
    %dma_start3A_74 = arith.constant 3 : i32
    %dma_start3A_75 = arith.constant 0 : i32
    %dma_start3A_76 = tpu.memref_slice %arg6[%dma_start3A_74, %dma_start3A_75] : memref<81x128xi32, #tpu.memory_space<vmem>> -> memref<1x128xi32, #tpu.memory_space<vmem>>
    %dma_start3A_77 = tpu.memref_squeeze %dma_start3A_76 : memref<1x128xi32, #tpu.memory_space<vmem>> -> memref<128xi32, #tpu.memory_space<vmem>>
    %dma_start3A_78 = arith.constant 0 : i32
    %dma_start3A_79 = arith.constant 0 : i32
    %dma_start3A_80 = tpu.memref_slice %arg36[%dma_start3A_78, %dma_start3A_79] : memref<10240x32xf32, #tpu.memory_space<vmem_shared>> -> memref<10240x32xf32, #tpu.memory_space<vmem_shared>>
    tpu.enqueue_indirect_dma source(%dma_start3A_80 : memref<10240x32xf32, #tpu.memory_space<vmem_shared>>) target(%arg11 : memref<128x32xf32, #tpu.memory_space<vmem>>) offsets(%dma_start3A_77 : memref<128xi32, #tpu.memory_space<vmem>>) semaphore(%arg20 : memref<!tpu.dma_semaphore, #tpu.memory_space<semaphore_mem>>)
    %dma_wait3A_81 = arith.constant 0 : i32
    %dma_wait3A_82 = arith.constant 0 : i32
    %dma_wait3A_83 = tpu.memref_slice %arg6[%dma_wait3A_81, %dma_wait3A_82] : memref<81x128xi32, #tpu.memory_space<vmem>> -> memref<1x128xi32, #tpu.memory_space<vmem>>
    %dma_wait3A_84 = tpu.memref_squeeze %dma_wait3A_83 : memref<1x128xi32, #tpu.memory_space<vmem>> -> memref<128xi32, #tpu.memory_space<vmem>>
    %dma_wait3A_85 = arith.constant 0 : i32
    %dma_wait3A_86 = arith.constant 0 : i32
    %dma_wait3A_87 = tpu.memref_slice %arg36[%dma_wait3A_85, %dma_wait3A_86] : memref<10240x32xf32, #tpu.memory_space<vmem_shared>> -> memref<10240x32xf32, #tpu.memory_space<vmem_shared>>
    tpu.wait_indirect_dma semaphore(%arg17 : memref<!tpu.dma_semaphore, #tpu.memory_space<semaphore_mem>>) src(%dma_wait3A_87 : memref<10240x32xf32, #tpu.memory_space<vmem_shared>>) dst(%arg8 : memref<128x32xf32, #tpu.memory_space<vmem>>)
    %dma_start3A_88 = arith.constant 0 : i32
    %dma_start3A_89 = arith.constant 0 : i32
    %dma_start3A_90 = tpu.memref_slice %arg7[%dma_start3A_88, %dma_start3A_89] : memref<81x128xi32, #tpu.memory_space<vmem>> -> memref<1x128xi32, #tpu.memory_space<vmem>>
    %dma_start3A_91 = tpu.memref_squeeze %dma_start3A_90 : memref<1x128xi32, #tpu.memory_space<vmem>> -> memref<128xi32, #tpu.memory_space<vmem>>
    %dma_start3A_92 = arith.constant 0 : i32
    %dma_start3A_93 = arith.constant 0 : i32
    %dma_start3A_94 = tpu.memref_slice %arg35[%dma_start3A_92, %dma_start3A_93] : memref<10240x32xf32, #tpu.memory_space<vmem_shared>> -> memref<10240x32xf32, #tpu.memory_space<vmem_shared>>
    tpu.enqueue_indirect_dma source(%arg8 : memref<128x32xf32, #tpu.memory_space<vmem>>) target(%dma_start3A_94 : memref<10240x32xf32, #tpu.memory_space<vmem_shared>>) offsets(%dma_start3A_91 : memref<128xi32, #tpu.memory_space<vmem>>) semaphore(%arg26 : memref<!tpu.dma_semaphore, #tpu.memory_space<semaphore_mem>>) {add = true}
    %dma_start3A_95 = arith.constant 4 : i32
    %dma_start3A_96 = arith.constant 0 : i32
    %dma_start3A_97 = tpu.memref_slice %arg6[%dma_start3A_95, %dma_start3A_96] : memref<81x128xi32, #tpu.memory_space<vmem>> -> memref<1x128xi32, #tpu.memory_space<vmem>>
    %dma_start3A_98 = tpu.memref_squeeze %dma_start3A_97 : memref<1x128xi32, #tpu.memory_space<vmem>> -> memref<128xi32, #tpu.memory_space<vmem>>
    %dma_start3A_99 = arith.constant 0 : i32
    %dma_start3A_100 = arith.constant 0 : i32
    %dma_start3A_101 = tpu.memref_slice %arg36[%dma_start3A_99, %dma_start3A_100] : memref<10240x32xf32, #tpu.memory_space<vmem_shared>> -> memref<10240x32xf32, #tpu.memory_space<vmem_shared>>
    tpu.enqueue_indirect_dma source(%dma_start3A_101 : memref<10240x32xf32, #tpu.memory_space<vmem_shared>>) target(%arg12 : memref<128x32xf32, #tpu.memory_space<vmem>>) offsets(%dma_start3A_98 : memref<128xi32, #tpu.memory_space<vmem>>) semaphore(%arg21 : memref<!tpu.dma_semaphore, #tpu.memory_space<semaphore_mem>>)
    %dma_wait3A_102 = arith.constant 1 : i32
    %dma_wait3A_103 = arith.constant 0 : i32
    %dma_wait3A_104 = tpu.memref_slice %arg6[%dma_wait3A_102, %dma_wait3A_103] : memref<81x128xi32, #tpu.memory_space<vmem>> -> memref<1x128xi32, #tpu.memory_space<vmem>>
    %dma_wait3A_105 = tpu.memref_squeeze %dma_wait3A_104 : memref<1x128xi32, #tpu.memory_space<vmem>> -> memref<128xi32, #tpu.memory_space<vmem>>
    %dma_wait3A_106 = arith.constant 0 : i32
    %dma_wait3A_107 = arith.constant 0 : i32
    %dma_wait3A_108 = tpu.memref_slice %arg36[%dma_wait3A_106, %dma_wait3A_107] : memref<10240x32xf32, #tpu.memory_space<vmem_shared>> -> memref<10240x32xf32, #tpu.memory_space<vmem_shared>>
    tpu.wait_indirect_dma semaphore(%arg18 : memref<!tpu.dma_semaphore, #tpu.memory_space<semaphore_mem>>) src(%dma_wait3A_108 : memref<10240x32xf32, #tpu.memory_space<vmem_shared>>) dst(%arg9 : memref<128x32xf32, #tpu.memory_space<vmem>>)
    %dma_start3A_109 = arith.constant 1 : i32
    %dma_start3A_110 = arith.constant 0 : i32
    %dma_start3A_111 = tpu.memref_slice %arg7[%dma_start3A_109, %dma_start3A_110] : memref<81x128xi32, #tpu.memory_space<vmem>> -> memref<1x128xi32, #tpu.memory_space<vmem>>
    %dma_start3A_112 = tpu.memref_squeeze %dma_start3A_111 : memref<1x128xi32, #tpu.memory_space<vmem>> -> memref<128xi32, #tpu.memory_space<vmem>>
    %dma_start3A_113 = arith.constant 0 : i32
    %dma_start3A_114 = arith.constant 0 : i32
    %dma_start3A_115 = tpu.memref_slice %arg35[%dma_start3A_113, %dma_start3A_114] : memref<10240x32xf32, #tpu.memory_space<vmem_shared>> -> memref<10240x32xf32, #tpu.memory_space<vmem_shared>>
    tpu.enqueue_indirect_dma source(%arg9 : memref<128x32xf32, #tpu.memory_space<vmem>>) target(%dma_start3A_115 : memref<10240x32xf32, #tpu.memory_space<vmem_shared>>) offsets(%dma_start3A_112 : memref<128xi32, #tpu.memory_space<vmem>>) semaphore(%arg27 : memref<!tpu.dma_semaphore, #tpu.memory_space<semaphore_mem>>) {add = true}
    %dma_start3A_116 = arith.constant 5 : i32
    %dma_start3A_117 = arith.constant 0 : i32
    %dma_start3A_118 = tpu.memref_slice %arg6[%dma_start3A_116, %dma_start3A_117] : memref<81x128xi32, #tpu.memory_space<vmem>> -> memref<1x128xi32, #tpu.memory_space<vmem>>
    %dma_start3A_119 = tpu.memref_squeeze %dma_start3A_118 : memref<1x128xi32, #tpu.memory_space<vmem>> -> memref<128xi32, #tpu.memory_space<vmem>>
    %dma_start3A_120 = arith.constant 0 : i32
    %dma_start3A_121 = arith.constant 0 : i32
    %dma_start3A_122 = tpu.memref_slice %arg36[%dma_start3A_120, %dma_start3A_121] : memref<10240x32xf32, #tpu.memory_space<vmem_shared>> -> memref<10240x32xf32, #tpu.memory_space<vmem_shared>>
    tpu.enqueue_indirect_dma source(%dma_start3A_122 : memref<10240x32xf32, #tpu.memory_space<vmem_shared>>) target(%arg13 : memref<128x32xf32, #tpu.memory_space<vmem>>) offsets(%dma_start3A_119 : memref<128xi32, #tpu.memory_space<vmem>>) semaphore(%arg22 : memref<!tpu.dma_semaphore, #tpu.memory_space<semaphore_mem>>)
    %dma_wait3A_123 = arith.constant 2 : i32
    %dma_wait3A_124 = arith.constant 0 : i32
    %dma_wait3A_125 = tpu.memref_slice %arg6[%dma_wait3A_123, %dma_wait3A_124] : memref<81x128xi32, #tpu.memory_space<vmem>> -> memref<1x128xi32, #tpu.memory_space<vmem>>
    %dma_wait3A_126 = tpu.memref_squeeze %dma_wait3A_125 : memref<1x128xi32, #tpu.memory_space<vmem>> -> memref<128xi32, #tpu.memory_space<vmem>>
    %dma_wait3A_127 = arith.constant 0 : i32
    %dma_wait3A_128 = arith.constant 0 : i32
    %dma_wait3A_129 = tpu.memref_slice %arg36[%dma_wait3A_127, %dma_wait3A_128] : memref<10240x32xf32, #tpu.memory_space<vmem_shared>> -> memref<10240x32xf32, #tpu.memory_space<vmem_shared>>
    tpu.wait_indirect_dma semaphore(%arg19 : memref<!tpu.dma_semaphore, #tpu.memory_space<semaphore_mem>>) src(%dma_wait3A_129 : memref<10240x32xf32, #tpu.memory_space<vmem_shared>>) dst(%arg10 : memref<128x32xf32, #tpu.memory_space<vmem>>)
    %dma_start3A_130 = arith.constant 2 : i32
    %dma_start3A_131 = arith.constant 0 : i32
    %dma_start3A_132 = tpu.memref_slice %arg7[%dma_start3A_130, %dma_start3A_131] : memref<81x128xi32, #tpu.memory_space<vmem>> -> memref<1x128xi32, #tpu.memory_space<vmem>>
    %dma_start3A_133 = tpu.memref_squeeze %dma_start3A_132 : memref<1x128xi32, #tpu.memory_space<vmem>> -> memref<128xi32, #tpu.memory_space<vmem>>
    %dma_start3A_134 = arith.constant 0 : i32
    %dma_start3A_135 = arith.constant 0 : i32
    %dma_start3A_136 = tpu.memref_slice %arg35[%dma_start3A_134, %dma_start3A_135] : memref<10240x32xf32, #tpu.memory_space<vmem_shared>> -> memref<10240x32xf32, #tpu.memory_space<vmem_shared>>
    tpu.enqueue_indirect_dma source(%arg10 : memref<128x32xf32, #tpu.memory_space<vmem>>) target(%dma_start3A_136 : memref<10240x32xf32, #tpu.memory_space<vmem_shared>>) offsets(%dma_start3A_133 : memref<128xi32, #tpu.memory_space<vmem>>) semaphore(%arg28 : memref<!tpu.dma_semaphore, #tpu.memory_space<semaphore_mem>>) {add = true}
    %dma_start3A_137 = arith.constant 6 : i32
    %dma_start3A_138 = arith.constant 0 : i32
    %dma_start3A_139 = tpu.memref_slice %arg6[%dma_start3A_137, %dma_start3A_138] : memref<81x128xi32, #tpu.memory_space<vmem>> -> memref<1x128xi32, #tpu.memory_space<vmem>>
    %dma_start3A_140 = tpu.memref_squeeze %dma_start3A_139 : memref<1x128xi32, #tpu.memory_space<vmem>> -> memref<128xi32, #tpu.memory_space<vmem>>
    %dma_start3A_141 = arith.constant 0 : i32
    %dma_start3A_142 = arith.constant 0 : i32
    %dma_start3A_143 = tpu.memref_slice %arg36[%dma_start3A_141, %dma_start3A_142] : memref<10240x32xf32, #tpu.memory_space<vmem_shared>> -> memref<10240x32xf32, #tpu.memory_space<vmem_shared>>
    tpu.enqueue_indirect_dma source(%dma_start3A_143 : memref<10240x32xf32, #tpu.memory_space<vmem_shared>>) target(%arg14 : memref<128x32xf32, #tpu.memory_space<vmem>>) offsets(%dma_start3A_140 : memref<128xi32, #tpu.memory_space<vmem>>) semaphore(%arg23 : memref<!tpu.dma_semaphore, #tpu.memory_space<semaphore_mem>>)
    %dma_wait3A_144 = arith.constant 3 : i32
    %dma_wait3A_145 = arith.constant 0 : i32
    %dma_wait3A_146 = tpu.memref_slice %arg6[%dma_wait3A_144, %dma_wait3A_145] : memref<81x128xi32, #tpu.memory_space<vmem>> -> memref<1x128xi32, #tpu.memory_space<vmem>>
    %dma_wait3A_147 = tpu.memref_squeeze %dma_wait3A_146 : memref<1x128xi32, #tpu.memory_space<vmem>> -> memref<128xi32, #tpu.memory_space<vmem>>
    %dma_wait3A_148 = arith.constant 0 : i32
    %dma_wait3A_149 = arith.constant 0 : i32
    %dma_wait3A_150 = tpu.memref_slice %arg36[%dma_wait3A_148, %dma_wait3A_149] : memref<10240x32xf32, #tpu.memory_space<vmem_shared>> -> memref<10240x32xf32, #tpu.memory_space<vmem_shared>>
    tpu.wait_indirect_dma semaphore(%arg20 : memref<!tpu.dma_semaphore, #tpu.memory_space<semaphore_mem>>) src(%dma_wait3A_150 : memref<10240x32xf32, #tpu.memory_space<vmem_shared>>) dst(%arg11 : memref<128x32xf32, #tpu.memory_space<vmem>>)
    %dma_start3A_151 = arith.constant 3 : i32
    %dma_start3A_152 = arith.constant 0 : i32
    %dma_start3A_153 = tpu.memref_slice %arg7[%dma_start3A_151, %dma_start3A_152] : memref<81x128xi32, #tpu.memory_space<vmem>> -> memref<1x128xi32, #tpu.memory_space<vmem>>
    %dma_start3A_154 = tpu.memref_squeeze %dma_start3A_153 : memref<1x128xi32, #tpu.memory_space<vmem>> -> memref<128xi32, #tpu.memory_space<vmem>>
    %dma_start3A_155 = arith.constant 0 : i32
    %dma_start3A_156 = arith.constant 0 : i32
    %dma_start3A_157 = tpu.memref_slice %arg35[%dma_start3A_155, %dma_start3A_156] : memref<10240x32xf32, #tpu.memory_space<vmem_shared>> -> memref<10240x32xf32, #tpu.memory_space<vmem_shared>>
    tpu.enqueue_indirect_dma source(%arg11 : memref<128x32xf32, #tpu.memory_space<vmem>>) target(%dma_start3A_157 : memref<10240x32xf32, #tpu.memory_space<vmem_shared>>) offsets(%dma_start3A_154 : memref<128xi32, #tpu.memory_space<vmem>>) semaphore(%arg29 : memref<!tpu.dma_semaphore, #tpu.memory_space<semaphore_mem>>) {add = true}
    %dma_start3A_158 = arith.constant 7 : i32
    %dma_start3A_159 = arith.constant 0 : i32
    %dma_start3A_160 = tpu.memref_slice %arg6[%dma_start3A_158, %dma_start3A_159] : memref<81x128xi32, #tpu.memory_space<vmem>> -> memref<1x128xi32, #tpu.memory_space<vmem>>
    %dma_start3A_161 = tpu.memref_squeeze %dma_start3A_160 : memref<1x128xi32, #tpu.memory_space<vmem>> -> memref<128xi32, #tpu.memory_space<vmem>>
    %dma_start3A_162 = arith.constant 0 : i32
    %dma_start3A_163 = arith.constant 0 : i32
    %dma_start3A_164 = tpu.memref_slice %arg36[%dma_start3A_162, %dma_start3A_163] : memref<10240x32xf32, #tpu.memory_space<vmem_shared>> -> memref<10240x32xf32, #tpu.memory_space<vmem_shared>>
    tpu.enqueue_indirect_dma source(%dma_start3A_164 : memref<10240x32xf32, #tpu.memory_space<vmem_shared>>) target(%arg15 : memref<128x32xf32, #tpu.memory_space<vmem>>) offsets(%dma_start3A_161 : memref<128xi32, #tpu.memory_space<vmem>>) semaphore(%arg24 : memref<!tpu.dma_semaphore, #tpu.memory_space<semaphore_mem>>)
    %dma_wait3A_165 = arith.constant 4 : i32
    %dma_wait3A_166 = arith.constant 0 : i32
    %dma_wait3A_167 = tpu.memref_slice %arg6[%dma_wait3A_165, %dma_wait3A_166] : memref<81x128xi32, #tpu.memory_space<vmem>> -> memref<1x128xi32, #tpu.memory_space<vmem>>
    %dma_wait3A_168 = tpu.memref_squeeze %dma_wait3A_167 : memref<1x128xi32, #tpu.memory_space<vmem>> -> memref<128xi32, #tpu.memory_space<vmem>>
    %dma_wait3A_169 = arith.constant 0 : i32
    %dma_wait3A_170 = arith.constant 0 : i32
    %dma_wait3A_171 = tpu.memref_slice %arg36[%dma_wait3A_169, %dma_wait3A_170] : memref<10240x32xf32, #tpu.memory_space<vmem_shared>> -> memref<10240x32xf32, #tpu.memory_space<vmem_shared>>
    tpu.wait_indirect_dma semaphore(%arg21 : memref<!tpu.dma_semaphore, #tpu.memory_space<semaphore_mem>>) src(%dma_wait3A_171 : memref<10240x32xf32, #tpu.memory_space<vmem_shared>>) dst(%arg12 : memref<128x32xf32, #tpu.memory_space<vmem>>)
    %dma_start3A_172 = arith.constant 4 : i32
    %dma_start3A_173 = arith.constant 0 : i32
    %dma_start3A_174 = tpu.memref_slice %arg7[%dma_start3A_172, %dma_start3A_173] : memref<81x128xi32, #tpu.memory_space<vmem>> -> memref<1x128xi32, #tpu.memory_space<vmem>>
    %dma_start3A_175 = tpu.memref_squeeze %dma_start3A_174 : memref<1x128xi32, #tpu.memory_space<vmem>> -> memref<128xi32, #tpu.memory_space<vmem>>
    %dma_start3A_176 = arith.constant 0 : i32
    %dma_start3A_177 = arith.constant 0 : i32
    %dma_start3A_178 = tpu.memref_slice %arg35[%dma_start3A_176, %dma_start3A_177] : memref<10240x32xf32, #tpu.memory_space<vmem_shared>> -> memref<10240x32xf32, #tpu.memory_space<vmem_shared>>
    tpu.enqueue_indirect_dma source(%arg12 : memref<128x32xf32, #tpu.memory_space<vmem>>) target(%dma_start3A_178 : memref<10240x32xf32, #tpu.memory_space<vmem_shared>>) offsets(%dma_start3A_175 : memref<128xi32, #tpu.memory_space<vmem>>) semaphore(%arg30 : memref<!tpu.dma_semaphore, #tpu.memory_space<semaphore_mem>>) {add = true}
    %dma_start3A_179 = arith.constant 8 : i32
    %dma_start3A_180 = arith.constant 0 : i32
    %dma_start3A_181 = tpu.memref_slice %arg6[%dma_start3A_179, %dma_start3A_180] : memref<81x128xi32, #tpu.memory_space<vmem>> -> memref<1x128xi32, #tpu.memory_space<vmem>>
    %dma_start3A_182 = tpu.memref_squeeze %dma_start3A_181 : memref<1x128xi32, #tpu.memory_space<vmem>> -> memref<128xi32, #tpu.memory_space<vmem>>
    %dma_start3A_183 = arith.constant 0 : i32
    %dma_start3A_184 = arith.constant 0 : i32
    %dma_start3A_185 = tpu.memref_slice %arg36[%dma_start3A_183, %dma_start3A_184] : memref<10240x32xf32, #tpu.memory_space<vmem_shared>> -> memref<10240x32xf32, #tpu.memory_space<vmem_shared>>
    tpu.enqueue_indirect_dma source(%dma_start3A_185 : memref<10240x32xf32, #tpu.memory_space<vmem_shared>>) target(%arg16 : memref<128x32xf32, #tpu.memory_space<vmem>>) offsets(%dma_start3A_182 : memref<128xi32, #tpu.memory_space<vmem>>) semaphore(%arg25 : memref<!tpu.dma_semaphore, #tpu.memory_space<semaphore_mem>>)
    %dma_wait3A_186 = arith.constant 5 : i32
    %dma_wait3A_187 = arith.constant 0 : i32
    %dma_wait3A_188 = tpu.memref_slice %arg6[%dma_wait3A_186, %dma_wait3A_187] : memref<81x128xi32, #tpu.memory_space<vmem>> -> memref<1x128xi32, #tpu.memory_space<vmem>>
    %dma_wait3A_189 = tpu.memref_squeeze %dma_wait3A_188 : memref<1x128xi32, #tpu.memory_space<vmem>> -> memref<128xi32, #tpu.memory_space<vmem>>
    %dma_wait3A_190 = arith.constant 0 : i32
    %dma_wait3A_191 = arith.constant 0 : i32
    %dma_wait3A_192 = tpu.memref_slice %arg36[%dma_wait3A_190, %dma_wait3A_191] : memref<10240x32xf32, #tpu.memory_space<vmem_shared>> -> memref<10240x32xf32, #tpu.memory_space<vmem_shared>>
    tpu.wait_indirect_dma semaphore(%arg22 : memref<!tpu.dma_semaphore, #tpu.memory_space<semaphore_mem>>) src(%dma_wait3A_192 : memref<10240x32xf32, #tpu.memory_space<vmem_shared>>) dst(%arg13 : memref<128x32xf32, #tpu.memory_space<vmem>>)
    %dma_start3A_193 = arith.constant 5 : i32
    %dma_start3A_194 = arith.constant 0 : i32
    %dma_start3A_195 = tpu.memref_slice %arg7[%dma_start3A_193, %dma_start3A_194] : memref<81x128xi32, #tpu.memory_space<vmem>> -> memref<1x128xi32, #tpu.memory_space<vmem>>
    %dma_start3A_196 = tpu.memref_squeeze %dma_start3A_195 : memref<1x128xi32, #tpu.memory_space<vmem>> -> memref<128xi32, #tpu.memory_space<vmem>>
    %dma_start3A_197 = arith.constant 0 : i32
    %dma_start3A_198 = arith.constant 0 : i32
    %dma_start3A_199 = tpu.memref_slice %arg35[%dma_start3A_197, %dma_start3A_198] : memref<10240x32xf32, #tpu.memory_space<vmem_shared>> -> memref<10240x32xf32, #tpu.memory_space<vmem_shared>>
    tpu.enqueue_indirect_dma source(%arg13 : memref<128x32xf32, #tpu.memory_space<vmem>>) target(%dma_start3A_199 : memref<10240x32xf32, #tpu.memory_space<vmem_shared>>) offsets(%dma_start3A_196 : memref<128xi32, #tpu.memory_space<vmem>>) semaphore(%arg31 : memref<!tpu.dma_semaphore, #tpu.memory_space<semaphore_mem>>) {add = true}
    %dma_wait3A_200 = arith.constant 0 : i32
    %dma_wait3A_201 = arith.constant 0 : i32
    %dma_wait3A_202 = tpu.memref_slice %arg7[%dma_wait3A_200, %dma_wait3A_201] : memref<81x128xi32, #tpu.memory_space<vmem>> -> memref<1x128xi32, #tpu.memory_space<vmem>>
    %dma_wait3A_203 = tpu.memref_squeeze %dma_wait3A_202 : memref<1x128xi32, #tpu.memory_space<vmem>> -> memref<128xi32, #tpu.memory_space<vmem>>
    %dma_wait3A_204 = arith.constant 0 : i32
    %dma_wait3A_205 = arith.constant 0 : i32
    %dma_wait3A_206 = tpu.memref_slice %arg35[%dma_wait3A_204, %dma_wait3A_205] : memref<10240x32xf32, #tpu.memory_space<vmem_shared>> -> memref<10240x32xf32, #tpu.memory_space<vmem_shared>>
    tpu.wait_indirect_dma semaphore(%arg26 : memref<!tpu.dma_semaphore, #tpu.memory_space<semaphore_mem>>) src(%arg8 : memref<128x32xf32, #tpu.memory_space<vmem>>) dst(%dma_wait3A_206 : memref<10240x32xf32, #tpu.memory_space<vmem_shared>>)
    %dma_start3A_207 = arith.constant 9 : i32
    %dma_start3A_208 = arith.constant 0 : i32
    %dma_start3A_209 = tpu.memref_slice %arg6[%dma_start3A_207, %dma_start3A_208] : memref<81x128xi32, #tpu.memory_space<vmem>> -> memref<1x128xi32, #tpu.memory_space<vmem>>
    %dma_start3A_210 = tpu.memref_squeeze %dma_start3A_209 : memref<1x128xi32, #tpu.memory_space<vmem>> -> memref<128xi32, #tpu.memory_space<vmem>>
    %dma_start3A_211 = arith.constant 0 : i32
    %dma_start3A_212 = arith.constant 0 : i32
    %dma_start3A_213 = tpu.memref_slice %arg36[%dma_start3A_211, %dma_start3A_212] : memref<10240x32xf32, #tpu.memory_space<vmem_shared>> -> memref<10240x32xf32, #tpu.memory_space<vmem_shared>>
    tpu.enqueue_indirect_dma source(%dma_start3A_213 : memref<10240x32xf32, #tpu.memory_space<vmem_shared>>) target(%arg8 : memref<128x32xf32, #tpu.memory_space<vmem>>) offsets(%dma_start3A_210 : memref<128xi32, #tpu.memory_space<vmem>>) semaphore(%arg17 : memref<!tpu.dma_semaphore, #tpu.memory_space<semaphore_mem>>)
    %dma_wait3A_214 = arith.constant 6 : i32
    %dma_wait3A_215 = arith.constant 0 : i32
    %dma_wait3A_216 = tpu.memref_slice %arg6[%dma_wait3A_214, %dma_wait3A_215] : memref<81x128xi32, #tpu.memory_space<vmem>> -> memref<1x128xi32, #tpu.memory_space<vmem>>
    %dma_wait3A_217 = tpu.memref_squeeze %dma_wait3A_216 : memref<1x128xi32, #tpu.memory_space<vmem>> -> memref<128xi32, #tpu.memory_space<vmem>>
    %dma_wait3A_218 = arith.constant 0 : i32
    %dma_wait3A_219 = arith.constant 0 : i32
    %dma_wait3A_220 = tpu.memref_slice %arg36[%dma_wait3A_218, %dma_wait3A_219] : memref<10240x32xf32, #tpu.memory_space<vmem_shared>> -> memref<10240x32xf32, #tpu.memory_space<vmem_shared>>
    tpu.wait_indirect_dma semaphore(%arg23 : memref<!tpu.dma_semaphore, #tpu.memory_space<semaphore_mem>>) src(%dma_wait3A_220 : memref<10240x32xf32, #tpu.memory_space<vmem_shared>>) dst(%arg14 : memref<128x32xf32, #tpu.memory_space<vmem>>)
    %dma_start3A_221 = arith.constant 6 : i32
    %dma_start3A_222 = arith.constant 0 : i32
    %dma_start3A_223 = tpu.memref_slice %arg7[%dma_start3A_221, %dma_start3A_222] : memref<81x128xi32, #tpu.memory_space<vmem>> -> memref<1x128xi32, #tpu.memory_space<vmem>>
    %dma_start3A_224 = tpu.memref_squeeze %dma_start3A_223 : memref<1x128xi32, #tpu.memory_space<vmem>> -> memref<128xi32, #tpu.memory_space<vmem>>
    %dma_start3A_225 = arith.constant 0 : i32
    %dma_start3A_226 = arith.constant 0 : i32
    %dma_start3A_227 = tpu.memref_slice %arg35[%dma_start3A_225, %dma_start3A_226] : memref<10240x32xf32, #tpu.memory_space<vmem_shared>> -> memref<10240x32xf32, #tpu.memory_space<vmem_shared>>
    tpu.enqueue_indirect_dma source(%arg14 : memref<128x32xf32, #tpu.memory_space<vmem>>) target(%dma_start3A_227 : memref<10240x32xf32, #tpu.memory_space<vmem_shared>>) offsets(%dma_start3A_224 : memref<128xi32, #tpu.memory_space<vmem>>) semaphore(%arg32 : memref<!tpu.dma_semaphore, #tpu.memory_space<semaphore_mem>>) {add = true}
    %dma_wait3A_228 = arith.constant 1 : i32
    %dma_wait3A_229 = arith.constant 0 : i32
    %dma_wait3A_230 = tpu.memref_slice %arg7[%dma_wait3A_228, %dma_wait3A_229] : memref<81x128xi32, #tpu.memory_space<vmem>> -> memref<1x128xi32, #tpu.memory_space<vmem>>
    %dma_wait3A_231 = tpu.memref_squeeze %dma_wait3A_230 : memref<1x128xi32, #tpu.memory_space<vmem>> -> memref<128xi32, #tpu.memory_space<vmem>>
    %dma_wait3A_232 = arith.constant 0 : i32
    %dma_wait3A_233 = arith.constant 0 : i32
    %dma_wait3A_234 = tpu.memref_slice %arg35[%dma_wait3A_232, %dma_wait3A_233] : memref<10240x32xf32, #tpu.memory_space<vmem_shared>> -> memref<10240x32xf32, #tpu.memory_space<vmem_shared>>
    tpu.wait_indirect_dma semaphore(%arg27 : memref<!tpu.dma_semaphore, #tpu.memory_space<semaphore_mem>>) src(%arg9 : memref<128x32xf32, #tpu.memory_space<vmem>>) dst(%dma_wait3A_234 : memref<10240x32xf32, #tpu.memory_space<vmem_shared>>)
    %dma_start3A_235 = arith.constant 10 : i32
    %dma_start3A_236 = arith.constant 0 : i32
    %dma_start3A_237 = tpu.memref_slice %arg6[%dma_start3A_235, %dma_start3A_236] : memref<81x128xi32, #tpu.memory_space<vmem>> -> memref<1x128xi32, #tpu.memory_space<vmem>>
    %dma_start3A_238 = tpu.memref_squeeze %dma_start3A_237 : memref<1x128xi32, #tpu.memory_space<vmem>> -> memref<128xi32, #tpu.memory_space<vmem>>
    %dma_start3A_239 = arith.constant 0 : i32
    %dma_start3A_240 = arith.constant 0 : i32
    %dma_start3A_241 = tpu.memref_slice %arg36[%dma_start3A_239, %dma_start3A_240] : memref<10240x32xf32, #tpu.memory_space<vmem_shared>> -> memref<10240x32xf32, #tpu.memory_space<vmem_shared>>
    tpu.enqueue_indirect_dma source(%dma_start3A_241 : memref<10240x32xf32, #tpu.memory_space<vmem_shared>>) target(%arg9 : memref<128x32xf32, #tpu.memory_space<vmem>>) offsets(%dma_start3A_238 : memref<128xi32, #tpu.memory_space<vmem>>) semaphore(%arg18 : memref<!tpu.dma_semaphore, #tpu.memory_space<semaphore_mem>>)
    %dma_wait3A_242 = arith.constant 7 : i32
    %dma_wait3A_243 = arith.constant 0 : i32
    %dma_wait3A_244 = tpu.memref_slice %arg6[%dma_wait3A_242, %dma_wait3A_243] : memref<81x128xi32, #tpu.memory_space<vmem>> -> memref<1x128xi32, #tpu.memory_space<vmem>>
    %dma_wait3A_245 = tpu.memref_squeeze %dma_wait3A_244 : memref<1x128xi32, #tpu.memory_space<vmem>> -> memref<128xi32, #tpu.memory_space<vmem>>
    %dma_wait3A_246 = arith.constant 0 : i32
    %dma_wait3A_247 = arith.constant 0 : i32
    %dma_wait3A_248 = tpu.memref_slice %arg36[%dma_wait3A_246, %dma_wait3A_247] : memref<10240x32xf32, #tpu.memory_space<vmem_shared>> -> memref<10240x32xf32, #tpu.memory_space<vmem_shared>>
    tpu.wait_indirect_dma semaphore(%arg24 : memref<!tpu.dma_semaphore, #tpu.memory_space<semaphore_mem>>) src(%dma_wait3A_248 : memref<10240x32xf32, #tpu.memory_space<vmem_shared>>) dst(%arg15 : memref<128x32xf32, #tpu.memory_space<vmem>>)
    %dma_start3A_249 = arith.constant 7 : i32
    %dma_start3A_250 = arith.constant 0 : i32
    %dma_start3A_251 = tpu.memref_slice %arg7[%dma_start3A_249, %dma_start3A_250] : memref<81x128xi32, #tpu.memory_space<vmem>> -> memref<1x128xi32, #tpu.memory_space<vmem>>
    %dma_start3A_252 = tpu.memref_squeeze %dma_start3A_251 : memref<1x128xi32, #tpu.memory_space<vmem>> -> memref<128xi32, #tpu.memory_space<vmem>>
    %dma_start3A_253 = arith.constant 0 : i32
    %dma_start3A_254 = arith.constant 0 : i32
    %dma_start3A_255 = tpu.memref_slice %arg35[%dma_start3A_253, %dma_start3A_254] : memref<10240x32xf32, #tpu.memory_space<vmem_shared>> -> memref<10240x32xf32, #tpu.memory_space<vmem_shared>>
    tpu.enqueue_indirect_dma source(%arg15 : memref<128x32xf32, #tpu.memory_space<vmem>>) target(%dma_start3A_255 : memref<10240x32xf32, #tpu.memory_space<vmem_shared>>) offsets(%dma_start3A_252 : memref<128xi32, #tpu.memory_space<vmem>>) semaphore(%arg33 : memref<!tpu.dma_semaphore, #tpu.memory_space<semaphore_mem>>) {add = true}
    %dma_wait3A_256 = arith.constant 2 : i32
    %dma_wait3A_257 = arith.constant 0 : i32
    %dma_wait3A_258 = tpu.memref_slice %arg7[%dma_wait3A_256, %dma_wait3A_257] : memref<81x128xi32, #tpu.memory_space<vmem>> -> memref<1x128xi32, #tpu.memory_space<vmem>>
    %dma_wait3A_259 = tpu.memref_squeeze %dma_wait3A_258 : memref<1x128xi32, #tpu.memory_space<vmem>> -> memref<128xi32, #tpu.memory_space<vmem>>
    %dma_wait3A_260 = arith.constant 0 : i32
    %dma_wait3A_261 = arith.constant 0 : i32
    %dma_wait3A_262 = tpu.memref_slice %arg35[%dma_wait3A_260, %dma_wait3A_261] : memref<10240x32xf32, #tpu.memory_space<vmem_shared>> -> memref<10240x32xf32, #tpu.memory_space<vmem_shared>>
    tpu.wait_indirect_dma semaphore(%arg28 : memref<!tpu.dma_semaphore, #tpu.memory_space<semaphore_mem>>) src(%arg10 : memref<128x32xf32, #tpu.memory_space<vmem>>) dst(%dma_wait3A_262 : memref<10240x32xf32, #tpu.memory_space<vmem_shared>>)
    %dma_start3A_263 = arith.constant 11 : i32
    %dma_start3A_264 = arith.constant 0 : i32
    %dma_start3A_265 = tpu.memref_slice %arg6[%dma_start3A_263, %dma_start3A_264] : memref<81x128xi32, #tpu.memory_space<vmem>> -> memref<1x128xi32, #tpu.memory_space<vmem>>
    %dma_start3A_266 = tpu.memref_squeeze %dma_start3A_265 : memref<1x128xi32, #tpu.memory_space<vmem>> -> memref<128xi32, #tpu.memory_space<vmem>>
    %dma_start3A_267 = arith.constant 0 : i32
    %dma_start3A_268 = arith.constant 0 : i32
    %dma_start3A_269 = tpu.memref_slice %arg36[%dma_start3A_267, %dma_start3A_268] : memref<10240x32xf32, #tpu.memory_space<vmem_shared>> -> memref<10240x32xf32, #tpu.memory_space<vmem_shared>>
    tpu.enqueue_indirect_dma source(%dma_start3A_269 : memref<10240x32xf32, #tpu.memory_space<vmem_shared>>) target(%arg10 : memref<128x32xf32, #tpu.memory_space<vmem>>) offsets(%dma_start3A_266 : memref<128xi32, #tpu.memory_space<vmem>>) semaphore(%arg19 : memref<!tpu.dma_semaphore, #tpu.memory_space<semaphore_mem>>)
    %dma_wait3A_270 = arith.constant 8 : i32
    %dma_wait3A_271 = arith.constant 0 : i32
    %dma_wait3A_272 = tpu.memref_slice %arg6[%dma_wait3A_270, %dma_wait3A_271] : memref<81x128xi32, #tpu.memory_space<vmem>> -> memref<1x128xi32, #tpu.memory_space<vmem>>
    %dma_wait3A_273 = tpu.memref_squeeze %dma_wait3A_272 : memref<1x128xi32, #tpu.memory_space<vmem>> -> memref<128xi32, #tpu.memory_space<vmem>>
    %dma_wait3A_274 = arith.constant 0 : i32
    %dma_wait3A_275 = arith.constant 0 : i32
    %dma_wait3A_276 = tpu.memref_slice %arg36[%dma_wait3A_274, %dma_wait3A_275] : memref<10240x32xf32, #tpu.memory_space<vmem_shared>> -> memref<10240x32xf32, #tpu.memory_space<vmem_shared>>
    tpu.wait_indirect_dma semaphore(%arg25 : memref<!tpu.dma_semaphore, #tpu.memory_space<semaphore_mem>>) src(%dma_wait3A_276 : memref<10240x32xf32, #tpu.memory_space<vmem_shared>>) dst(%arg16 : memref<128x32xf32, #tpu.memory_space<vmem>>)
    %dma_start3A_277 = arith.constant 8 : i32
    %dma_start3A_278 = arith.constant 0 : i32
    %dma_start3A_279 = tpu.memref_slice %arg7[%dma_start3A_277, %dma_start3A_278] : memref<81x128xi32, #tpu.memory_space<vmem>> -> memref<1x128xi32, #tpu.memory_space<vmem>>
    %dma_start3A_280 = tpu.memref_squeeze %dma_start3A_279 : memref<1x128xi32, #tpu.memory_space<vmem>> -> memref<128xi32, #tpu.memory_space<vmem>>
    %dma_start3A_281 = arith.constant 0 : i32
    %dma_start3A_282 = arith.constant 0 : i32
    %dma_start3A_283 = tpu.memref_slice %arg35[%dma_start3A_281, %dma_start3A_282] : memref<10240x32xf32, #tpu.memory_space<vmem_shared>> -> memref<10240x32xf32, #tpu.memory_space<vmem_shared>>
    tpu.enqueue_indirect_dma source(%arg16 : memref<128x32xf32, #tpu.memory_space<vmem>>) target(%dma_start3A_283 : memref<10240x32xf32, #tpu.memory_space<vmem_shared>>) offsets(%dma_start3A_280 : memref<128xi32, #tpu.memory_space<vmem>>) semaphore(%arg34 : memref<!tpu.dma_semaphore, #tpu.memory_space<semaphore_mem>>) {add = true}
    %dma_wait3A_284 = arith.constant 3 : i32
    %dma_wait3A_285 = arith.constant 0 : i32
    %dma_wait3A_286 = tpu.memref_slice %arg7[%dma_wait3A_284, %dma_wait3A_285] : memref<81x128xi32, #tpu.memory_space<vmem>> -> memref<1x128xi32, #tpu.memory_space<vmem>>
    %dma_wait3A_287 = tpu.memref_squeeze %dma_wait3A_286 : memref<1x128xi32, #tpu.memory_space<vmem>> -> memref<128xi32, #tpu.memory_space<vmem>>
    %dma_wait3A_288 = arith.constant 0 : i32
    %dma_wait3A_289 = arith.constant 0 : i32
    %dma_wait3A_290 = tpu.memref_slice %arg35[%dma_wait3A_288, %dma_wait3A_289] : memref<10240x32xf32, #tpu.memory_space<vmem_shared>> -> memref<10240x32xf32, #tpu.memory_space<vmem_shared>>
    tpu.wait_indirect_dma semaphore(%arg29 : memref<!tpu.dma_semaphore, #tpu.memory_space<semaphore_mem>>) src(%arg11 : memref<128x32xf32, #tpu.memory_space<vmem>>) dst(%dma_wait3A_290 : memref<10240x32xf32, #tpu.memory_space<vmem_shared>>)
    %dma_start3A_291 = arith.constant 12 : i32
    %dma_start3A_292 = arith.constant 0 : i32
    %dma_start3A_293 = tpu.memref_slice %arg6[%dma_start3A_291, %dma_start3A_292] : memref<81x128xi32, #tpu.memory_space<vmem>> -> memref<1x128xi32, #tpu.memory_space<vmem>>
    %dma_start3A_294 = tpu.memref_squeeze %dma_start3A_293 : memref<1x128xi32, #tpu.memory_space<vmem>> -> memref<128xi32, #tpu.memory_space<vmem>>
    %dma_start3A_295 = arith.constant 0 : i32
    %dma_start3A_296 = arith.constant 0 : i32
    %dma_start3A_297 = tpu.memref_slice %arg36[%dma_start3A_295, %dma_start3A_296] : memref<10240x32xf32, #tpu.memory_space<vmem_shared>> -> memref<10240x32xf32, #tpu.memory_space<vmem_shared>>
    tpu.enqueue_indirect_dma source(%dma_start3A_297 : memref<10240x32xf32, #tpu.memory_space<vmem_shared>>) target(%arg11 : memref<128x32xf32, #tpu.memory_space<vmem>>) offsets(%dma_start3A_294 : memref<128xi32, #tpu.memory_space<vmem>>) semaphore(%arg20 : memref<!tpu.dma_semaphore, #tpu.memory_space<semaphore_mem>>)
    %scan3A = arith.constant 0 : i32
    %scan3A_298 = arith.constant 1 : i32
    %scan3A_299 = arith.constant 7 : i32
    %scan3A_300 = arith.addi %scan3A_298, %scan3A_299 : i32
    %scan3A_301 = arith.constant 1 : i32
    scf.for %scan3A_563 = %scan3A_298 to %scan3A_300 step %scan3A_301  : i32 {
      %mul3A_564 = arith.constant 9 : i32
      %mul3A_565 = arith.muli %scan3A_563, %mul3A_564 : i32
      %add3A_566 = arith.constant 0 : i32
      %add3A_567 = arith.addi %mul3A_565, %add3A_566 : i32
      %dma_wait3A_568 = arith.constant 0 : i32
      %dma_wait3A_569 = tpu.memref_slice %arg6[%add3A_567, %dma_wait3A_568] : memref<81x128xi32, #tpu.memory_space<vmem>> -> memref<1x128xi32, #tpu.memory_space<vmem>>
      %dma_wait3A_570 = tpu.memref_squeeze %dma_wait3A_569 : memref<1x128xi32, #tpu.memory_space<vmem>> -> memref<128xi32, #tpu.memory_space<vmem>>
      %dma_wait3A_571 = arith.constant 0 : i32
      %dma_wait3A_572 = arith.constant 0 : i32
      %dma_wait3A_573 = tpu.memref_slice %arg36[%dma_wait3A_571, %dma_wait3A_572] : memref<10240x32xf32, #tpu.memory_space<vmem_shared>> -> memref<10240x32xf32, #tpu.memory_space<vmem_shared>>
      tpu.wait_indirect_dma semaphore(%arg17 : memref<!tpu.dma_semaphore, #tpu.memory_space<semaphore_mem>>) src(%dma_wait3A_573 : memref<10240x32xf32, #tpu.memory_space<vmem_shared>>) dst(%arg8 : memref<128x32xf32, #tpu.memory_space<vmem>>)
      %dma_start3A_574 = arith.constant 0 : i32
      %dma_start3A_575 = tpu.memref_slice %arg7[%add3A_567, %dma_start3A_574] : memref<81x128xi32, #tpu.memory_space<vmem>> -> memref<1x128xi32, #tpu.memory_space<vmem>>
      %dma_start3A_576 = tpu.memref_squeeze %dma_start3A_575 : memref<1x128xi32, #tpu.memory_space<vmem>> -> memref<128xi32, #tpu.memory_space<vmem>>
      %dma_start3A_577 = arith.constant 0 : i32
      %dma_start3A_578 = arith.constant 0 : i32
      %dma_start3A_579 = tpu.memref_slice %arg35[%dma_start3A_577, %dma_start3A_578] : memref<10240x32xf32, #tpu.memory_space<vmem_shared>> -> memref<10240x32xf32, #tpu.memory_space<vmem_shared>>
      tpu.enqueue_indirect_dma source(%arg8 : memref<128x32xf32, #tpu.memory_space<vmem>>) target(%dma_start3A_579 : memref<10240x32xf32, #tpu.memory_space<vmem_shared>>) offsets(%dma_start3A_576 : memref<128xi32, #tpu.memory_space<vmem>>) semaphore(%arg26 : memref<!tpu.dma_semaphore, #tpu.memory_space<semaphore_mem>>) {add = true}
      %add3A_580 = arith.constant 4 : i32
      %add3A_581 = arith.addi %add3A_567, %add3A_580 : i32
      %sub3A = arith.constant 9 : i32
      %sub3A_582 = arith.subi %add3A_581, %sub3A : i32
      %dma_wait3A_583 = arith.constant 0 : i32
      %dma_wait3A_584 = tpu.memref_slice %arg7[%sub3A_582, %dma_wait3A_583] : memref<81x128xi32, #tpu.memory_space<vmem>> -> memref<1x128xi32, #tpu.memory_space<vmem>>
      %dma_wait3A_585 = tpu.memref_squeeze %dma_wait3A_584 : memref<1x128xi32, #tpu.memory_space<vmem>> -> memref<128xi32, #tpu.memory_space<vmem>>
      %dma_wait3A_586 = arith.constant 0 : i32
      %dma_wait3A_587 = arith.constant 0 : i32
      %dma_wait3A_588 = tpu.memref_slice %arg35[%dma_wait3A_586, %dma_wait3A_587] : memref<10240x32xf32, #tpu.memory_space<vmem_shared>> -> memref<10240x32xf32, #tpu.memory_space<vmem_shared>>
      tpu.wait_indirect_dma semaphore(%arg30 : memref<!tpu.dma_semaphore, #tpu.memory_space<semaphore_mem>>) src(%arg12 : memref<128x32xf32, #tpu.memory_space<vmem>>) dst(%dma_wait3A_588 : memref<10240x32xf32, #tpu.memory_space<vmem_shared>>)
      %dma_start3A_589 = arith.constant 0 : i32
      %dma_start3A_590 = tpu.memref_slice %arg6[%add3A_581, %dma_start3A_589] : memref<81x128xi32, #tpu.memory_space<vmem>> -> memref<1x128xi32, #tpu.memory_space<vmem>>
      %dma_start3A_591 = tpu.memref_squeeze %dma_start3A_590 : memref<1x128xi32, #tpu.memory_space<vmem>> -> memref<128xi32, #tpu.memory_space<vmem>>
      %dma_start3A_592 = arith.constant 0 : i32
      %dma_start3A_593 = arith.constant 0 : i32
      %dma_start3A_594 = tpu.memref_slice %arg36[%dma_start3A_592, %dma_start3A_593] : memref<10240x32xf32, #tpu.memory_space<vmem_shared>> -> memref<10240x32xf32, #tpu.memory_space<vmem_shared>>
      tpu.enqueue_indirect_dma source(%dma_start3A_594 : memref<10240x32xf32, #tpu.memory_space<vmem_shared>>) target(%arg12 : memref<128x32xf32, #tpu.memory_space<vmem>>) offsets(%dma_start3A_591 : memref<128xi32, #tpu.memory_space<vmem>>) semaphore(%arg21 : memref<!tpu.dma_semaphore, #tpu.memory_space<semaphore_mem>>)
      %add3A_595 = arith.constant 1 : i32
      %add3A_596 = arith.addi %mul3A_565, %add3A_595 : i32
      %dma_wait3A_597 = arith.constant 0 : i32
      %dma_wait3A_598 = tpu.memref_slice %arg6[%add3A_596, %dma_wait3A_597] : memref<81x128xi32, #tpu.memory_space<vmem>> -> memref<1x128xi32, #tpu.memory_space<vmem>>
      %dma_wait3A_599 = tpu.memref_squeeze %dma_wait3A_598 : memref<1x128xi32, #tpu.memory_space<vmem>> -> memref<128xi32, #tpu.memory_space<vmem>>
      %dma_wait3A_600 = arith.constant 0 : i32
      %dma_wait3A_601 = arith.constant 0 : i32
      %dma_wait3A_602 = tpu.memref_slice %arg36[%dma_wait3A_600, %dma_wait3A_601] : memref<10240x32xf32, #tpu.memory_space<vmem_shared>> -> memref<10240x32xf32, #tpu.memory_space<vmem_shared>>
      tpu.wait_indirect_dma semaphore(%arg18 : memref<!tpu.dma_semaphore, #tpu.memory_space<semaphore_mem>>) src(%dma_wait3A_602 : memref<10240x32xf32, #tpu.memory_space<vmem_shared>>) dst(%arg9 : memref<128x32xf32, #tpu.memory_space<vmem>>)
      %dma_start3A_603 = arith.constant 0 : i32
      %dma_start3A_604 = tpu.memref_slice %arg7[%add3A_596, %dma_start3A_603] : memref<81x128xi32, #tpu.memory_space<vmem>> -> memref<1x128xi32, #tpu.memory_space<vmem>>
      %dma_start3A_605 = tpu.memref_squeeze %dma_start3A_604 : memref<1x128xi32, #tpu.memory_space<vmem>> -> memref<128xi32, #tpu.memory_space<vmem>>
      %dma_start3A_606 = arith.constant 0 : i32
      %dma_start3A_607 = arith.constant 0 : i32
      %dma_start3A_608 = tpu.memref_slice %arg35[%dma_start3A_606, %dma_start3A_607] : memref<10240x32xf32, #tpu.memory_space<vmem_shared>> -> memref<10240x32xf32, #tpu.memory_space<vmem_shared>>
      tpu.enqueue_indirect_dma source(%arg9 : memref<128x32xf32, #tpu.memory_space<vmem>>) target(%dma_start3A_608 : memref<10240x32xf32, #tpu.memory_space<vmem_shared>>) offsets(%dma_start3A_605 : memref<128xi32, #tpu.memory_space<vmem>>) semaphore(%arg27 : memref<!tpu.dma_semaphore, #tpu.memory_space<semaphore_mem>>) {add = true}
      %add3A_609 = arith.constant 4 : i32
      %add3A_610 = arith.addi %add3A_596, %add3A_609 : i32
      %sub3A_611 = arith.constant 9 : i32
      %sub3A_612 = arith.subi %add3A_610, %sub3A_611 : i32
      %dma_wait3A_613 = arith.constant 0 : i32
      %dma_wait3A_614 = tpu.memref_slice %arg7[%sub3A_612, %dma_wait3A_613] : memref<81x128xi32, #tpu.memory_space<vmem>> -> memref<1x128xi32, #tpu.memory_space<vmem>>
      %dma_wait3A_615 = tpu.memref_squeeze %dma_wait3A_614 : memref<1x128xi32, #tpu.memory_space<vmem>> -> memref<128xi32, #tpu.memory_space<vmem>>
      %dma_wait3A_616 = arith.constant 0 : i32
      %dma_wait3A_617 = arith.constant 0 : i32
      %dma_wait3A_618 = tpu.memref_slice %arg35[%dma_wait3A_616, %dma_wait3A_617] : memref<10240x32xf32, #tpu.memory_space<vmem_shared>> -> memref<10240x32xf32, #tpu.memory_space<vmem_shared>>
      tpu.wait_indirect_dma semaphore(%arg31 : memref<!tpu.dma_semaphore, #tpu.memory_space<semaphore_mem>>) src(%arg13 : memref<128x32xf32, #tpu.memory_space<vmem>>) dst(%dma_wait3A_618 : memref<10240x32xf32, #tpu.memory_space<vmem_shared>>)
      %dma_start3A_619 = arith.constant 0 : i32
      %dma_start3A_620 = tpu.memref_slice %arg6[%add3A_610, %dma_start3A_619] : memref<81x128xi32, #tpu.memory_space<vmem>> -> memref<1x128xi32, #tpu.memory_space<vmem>>
      %dma_start3A_621 = tpu.memref_squeeze %dma_start3A_620 : memref<1x128xi32, #tpu.memory_space<vmem>> -> memref<128xi32, #tpu.memory_space<vmem>>
      %dma_start3A_622 = arith.constant 0 : i32
      %dma_start3A_623 = arith.constant 0 : i32
      %dma_start3A_624 = tpu.memref_slice %arg36[%dma_start3A_622, %dma_start3A_623] : memref<10240x32xf32, #tpu.memory_space<vmem_shared>> -> memref<10240x32xf32, #tpu.memory_space<vmem_shared>>
      tpu.enqueue_indirect_dma source(%dma_start3A_624 : memref<10240x32xf32, #tpu.memory_space<vmem_shared>>) target(%arg13 : memref<128x32xf32, #tpu.memory_space<vmem>>) offsets(%dma_start3A_621 : memref<128xi32, #tpu.memory_space<vmem>>) semaphore(%arg22 : memref<!tpu.dma_semaphore, #tpu.memory_space<semaphore_mem>>)
      %add3A_625 = arith.constant 2 : i32
      %add3A_626 = arith.addi %mul3A_565, %add3A_625 : i32
      %dma_wait3A_627 = arith.constant 0 : i32
      %dma_wait3A_628 = tpu.memref_slice %arg6[%add3A_626, %dma_wait3A_627] : memref<81x128xi32, #tpu.memory_space<vmem>> -> memref<1x128xi32, #tpu.memory_space<vmem>>
      %dma_wait3A_629 = tpu.memref_squeeze %dma_wait3A_628 : memref<1x128xi32, #tpu.memory_space<vmem>> -> memref<128xi32, #tpu.memory_space<vmem>>
      %dma_wait3A_630 = arith.constant 0 : i32
      %dma_wait3A_631 = arith.constant 0 : i32
      %dma_wait3A_632 = tpu.memref_slice %arg36[%dma_wait3A_630, %dma_wait3A_631] : memref<10240x32xf32, #tpu.memory_space<vmem_shared>> -> memref<10240x32xf32, #tpu.memory_space<vmem_shared>>
      tpu.wait_indirect_dma semaphore(%arg19 : memref<!tpu.dma_semaphore, #tpu.memory_space<semaphore_mem>>) src(%dma_wait3A_632 : memref<10240x32xf32, #tpu.memory_space<vmem_shared>>) dst(%arg10 : memref<128x32xf32, #tpu.memory_space<vmem>>)
      %dma_start3A_633 = arith.constant 0 : i32
      %dma_start3A_634 = tpu.memref_slice %arg7[%add3A_626, %dma_start3A_633] : memref<81x128xi32, #tpu.memory_space<vmem>> -> memref<1x128xi32, #tpu.memory_space<vmem>>
      %dma_start3A_635 = tpu.memref_squeeze %dma_start3A_634 : memref<1x128xi32, #tpu.memory_space<vmem>> -> memref<128xi32, #tpu.memory_space<vmem>>
      %dma_start3A_636 = arith.constant 0 : i32
      %dma_start3A_637 = arith.constant 0 : i32
      %dma_start3A_638 = tpu.memref_slice %arg35[%dma_start3A_636, %dma_start3A_637] : memref<10240x32xf32, #tpu.memory_space<vmem_shared>> -> memref<10240x32xf32, #tpu.memory_space<vmem_shared>>
      tpu.enqueue_indirect_dma source(%arg10 : memref<128x32xf32, #tpu.memory_space<vmem>>) target(%dma_start3A_638 : memref<10240x32xf32, #tpu.memory_space<vmem_shared>>) offsets(%dma_start3A_635 : memref<128xi32, #tpu.memory_space<vmem>>) semaphore(%arg28 : memref<!tpu.dma_semaphore, #tpu.memory_space<semaphore_mem>>) {add = true}
      %add3A_639 = arith.constant 4 : i32
      %add3A_640 = arith.addi %add3A_626, %add3A_639 : i32
      %sub3A_641 = arith.constant 9 : i32
      %sub3A_642 = arith.subi %add3A_640, %sub3A_641 : i32
      %dma_wait3A_643 = arith.constant 0 : i32
      %dma_wait3A_644 = tpu.memref_slice %arg7[%sub3A_642, %dma_wait3A_643] : memref<81x128xi32, #tpu.memory_space<vmem>> -> memref<1x128xi32, #tpu.memory_space<vmem>>
      %dma_wait3A_645 = tpu.memref_squeeze %dma_wait3A_644 : memref<1x128xi32, #tpu.memory_space<vmem>> -> memref<128xi32, #tpu.memory_space<vmem>>
      %dma_wait3A_646 = arith.constant 0 : i32
      %dma_wait3A_647 = arith.constant 0 : i32
      %dma_wait3A_648 = tpu.memref_slice %arg35[%dma_wait3A_646, %dma_wait3A_647] : memref<10240x32xf32, #tpu.memory_space<vmem_shared>> -> memref<10240x32xf32, #tpu.memory_space<vmem_shared>>
      tpu.wait_indirect_dma semaphore(%arg32 : memref<!tpu.dma_semaphore, #tpu.memory_space<semaphore_mem>>) src(%arg14 : memref<128x32xf32, #tpu.memory_space<vmem>>) dst(%dma_wait3A_648 : memref<10240x32xf32, #tpu.memory_space<vmem_shared>>)
      %dma_start3A_649 = arith.constant 0 : i32
      %dma_start3A_650 = tpu.memref_slice %arg6[%add3A_640, %dma_start3A_649] : memref<81x128xi32, #tpu.memory_space<vmem>> -> memref<1x128xi32, #tpu.memory_space<vmem>>
      %dma_start3A_651 = tpu.memref_squeeze %dma_start3A_650 : memref<1x128xi32, #tpu.memory_space<vmem>> -> memref<128xi32, #tpu.memory_space<vmem>>
      %dma_start3A_652 = arith.constant 0 : i32
      %dma_start3A_653 = arith.constant 0 : i32
      %dma_start3A_654 = tpu.memref_slice %arg36[%dma_start3A_652, %dma_start3A_653] : memref<10240x32xf32, #tpu.memory_space<vmem_shared>> -> memref<10240x32xf32, #tpu.memory_space<vmem_shared>>
      tpu.enqueue_indirect_dma source(%dma_start3A_654 : memref<10240x32xf32, #tpu.memory_space<vmem_shared>>) target(%arg14 : memref<128x32xf32, #tpu.memory_space<vmem>>) offsets(%dma_start3A_651 : memref<128xi32, #tpu.memory_space<vmem>>) semaphore(%arg23 : memref<!tpu.dma_semaphore, #tpu.memory_space<semaphore_mem>>)
      %add3A_655 = arith.constant 3 : i32
      %add3A_656 = arith.addi %mul3A_565, %add3A_655 : i32
      %dma_wait3A_657 = arith.constant 0 : i32
      %dma_wait3A_658 = tpu.memref_slice %arg6[%add3A_656, %dma_wait3A_657] : memref<81x128xi32, #tpu.memory_space<vmem>> -> memref<1x128xi32, #tpu.memory_space<vmem>>
      %dma_wait3A_659 = tpu.memref_squeeze %dma_wait3A_658 : memref<1x128xi32, #tpu.memory_space<vmem>> -> memref<128xi32, #tpu.memory_space<vmem>>
      %dma_wait3A_660 = arith.constant 0 : i32
      %dma_wait3A_661 = arith.constant 0 : i32
      %dma_wait3A_662 = tpu.memref_slice %arg36[%dma_wait3A_660, %dma_wait3A_661] : memref<10240x32xf32, #tpu.memory_space<vmem_shared>> -> memref<10240x32xf32, #tpu.memory_space<vmem_shared>>
      tpu.wait_indirect_dma semaphore(%arg20 : memref<!tpu.dma_semaphore, #tpu.memory_space<semaphore_mem>>) src(%dma_wait3A_662 : memref<10240x32xf32, #tpu.memory_space<vmem_shared>>) dst(%arg11 : memref<128x32xf32, #tpu.memory_space<vmem>>)
      %dma_start3A_663 = arith.constant 0 : i32
      %dma_start3A_664 = tpu.memref_slice %arg7[%add3A_656, %dma_start3A_663] : memref<81x128xi32, #tpu.memory_space<vmem>> -> memref<1x128xi32, #tpu.memory_space<vmem>>
      %dma_start3A_665 = tpu.memref_squeeze %dma_start3A_664 : memref<1x128xi32, #tpu.memory_space<vmem>> -> memref<128xi32, #tpu.memory_space<vmem>>
      %dma_start3A_666 = arith.constant 0 : i32
      %dma_start3A_667 = arith.constant 0 : i32
      %dma_start3A_668 = tpu.memref_slice %arg35[%dma_start3A_666, %dma_start3A_667] : memref<10240x32xf32, #tpu.memory_space<vmem_shared>> -> memref<10240x32xf32, #tpu.memory_space<vmem_shared>>
      tpu.enqueue_indirect_dma source(%arg11 : memref<128x32xf32, #tpu.memory_space<vmem>>) target(%dma_start3A_668 : memref<10240x32xf32, #tpu.memory_space<vmem_shared>>) offsets(%dma_start3A_665 : memref<128xi32, #tpu.memory_space<vmem>>) semaphore(%arg29 : memref<!tpu.dma_semaphore, #tpu.memory_space<semaphore_mem>>) {add = true}
      %add3A_669 = arith.constant 4 : i32
      %add3A_670 = arith.addi %add3A_656, %add3A_669 : i32
      %sub3A_671 = arith.constant 9 : i32
      %sub3A_672 = arith.subi %add3A_670, %sub3A_671 : i32
      %dma_wait3A_673 = arith.constant 0 : i32
      %dma_wait3A_674 = tpu.memref_slice %arg7[%sub3A_672, %dma_wait3A_673] : memref<81x128xi32, #tpu.memory_space<vmem>> -> memref<1x128xi32, #tpu.memory_space<vmem>>
      %dma_wait3A_675 = tpu.memref_squeeze %dma_wait3A_674 : memref<1x128xi32, #tpu.memory_space<vmem>> -> memref<128xi32, #tpu.memory_space<vmem>>
      %dma_wait3A_676 = arith.constant 0 : i32
      %dma_wait3A_677 = arith.constant 0 : i32
      %dma_wait3A_678 = tpu.memref_slice %arg35[%dma_wait3A_676, %dma_wait3A_677] : memref<10240x32xf32, #tpu.memory_space<vmem_shared>> -> memref<10240x32xf32, #tpu.memory_space<vmem_shared>>
      tpu.wait_indirect_dma semaphore(%arg33 : memref<!tpu.dma_semaphore, #tpu.memory_space<semaphore_mem>>) src(%arg15 : memref<128x32xf32, #tpu.memory_space<vmem>>) dst(%dma_wait3A_678 : memref<10240x32xf32, #tpu.memory_space<vmem_shared>>)
      %dma_start3A_679 = arith.constant 0 : i32
      %dma_start3A_680 = tpu.memref_slice %arg6[%add3A_670, %dma_start3A_679] : memref<81x128xi32, #tpu.memory_space<vmem>> -> memref<1x128xi32, #tpu.memory_space<vmem>>
      %dma_start3A_681 = tpu.memref_squeeze %dma_start3A_680 : memref<1x128xi32, #tpu.memory_space<vmem>> -> memref<128xi32, #tpu.memory_space<vmem>>
      %dma_start3A_682 = arith.constant 0 : i32
      %dma_start3A_683 = arith.constant 0 : i32
      %dma_start3A_684 = tpu.memref_slice %arg36[%dma_start3A_682, %dma_start3A_683] : memref<10240x32xf32, #tpu.memory_space<vmem_shared>> -> memref<10240x32xf32, #tpu.memory_space<vmem_shared>>
      tpu.enqueue_indirect_dma source(%dma_start3A_684 : memref<10240x32xf32, #tpu.memory_space<vmem_shared>>) target(%arg15 : memref<128x32xf32, #tpu.memory_space<vmem>>) offsets(%dma_start3A_681 : memref<128xi32, #tpu.memory_space<vmem>>) semaphore(%arg24 : memref<!tpu.dma_semaphore, #tpu.memory_space<semaphore_mem>>)
      %add3A_685 = arith.constant 4 : i32
      %add3A_686 = arith.addi %mul3A_565, %add3A_685 : i32
      %dma_wait3A_687 = arith.constant 0 : i32
      %dma_wait3A_688 = tpu.memref_slice %arg6[%add3A_686, %dma_wait3A_687] : memref<81x128xi32, #tpu.memory_space<vmem>> -> memref<1x128xi32, #tpu.memory_space<vmem>>
      %dma_wait3A_689 = tpu.memref_squeeze %dma_wait3A_688 : memref<1x128xi32, #tpu.memory_space<vmem>> -> memref<128xi32, #tpu.memory_space<vmem>>
      %dma_wait3A_690 = arith.constant 0 : i32
      %dma_wait3A_691 = arith.constant 0 : i32
      %dma_wait3A_692 = tpu.memref_slice %arg36[%dma_wait3A_690, %dma_wait3A_691] : memref<10240x32xf32, #tpu.memory_space<vmem_shared>> -> memref<10240x32xf32, #tpu.memory_space<vmem_shared>>
      tpu.wait_indirect_dma semaphore(%arg21 : memref<!tpu.dma_semaphore, #tpu.memory_space<semaphore_mem>>) src(%dma_wait3A_692 : memref<10240x32xf32, #tpu.memory_space<vmem_shared>>) dst(%arg12 : memref<128x32xf32, #tpu.memory_space<vmem>>)
      %dma_start3A_693 = arith.constant 0 : i32
      %dma_start3A_694 = tpu.memref_slice %arg7[%add3A_686, %dma_start3A_693] : memref<81x128xi32, #tpu.memory_space<vmem>> -> memref<1x128xi32, #tpu.memory_space<vmem>>
      %dma_start3A_695 = tpu.memref_squeeze %dma_start3A_694 : memref<1x128xi32, #tpu.memory_space<vmem>> -> memref<128xi32, #tpu.memory_space<vmem>>
      %dma_start3A_696 = arith.constant 0 : i32
      %dma_start3A_697 = arith.constant 0 : i32
      %dma_start3A_698 = tpu.memref_slice %arg35[%dma_start3A_696, %dma_start3A_697] : memref<10240x32xf32, #tpu.memory_space<vmem_shared>> -> memref<10240x32xf32, #tpu.memory_space<vmem_shared>>
      tpu.enqueue_indirect_dma source(%arg12 : memref<128x32xf32, #tpu.memory_space<vmem>>) target(%dma_start3A_698 : memref<10240x32xf32, #tpu.memory_space<vmem_shared>>) offsets(%dma_start3A_695 : memref<128xi32, #tpu.memory_space<vmem>>) semaphore(%arg30 : memref<!tpu.dma_semaphore, #tpu.memory_space<semaphore_mem>>) {add = true}
      %add3A_699 = arith.constant 4 : i32
      %add3A_700 = arith.addi %add3A_686, %add3A_699 : i32
      %sub3A_701 = arith.constant 9 : i32
      %sub3A_702 = arith.subi %add3A_700, %sub3A_701 : i32
      %dma_wait3A_703 = arith.constant 0 : i32
      %dma_wait3A_704 = tpu.memref_slice %arg7[%sub3A_702, %dma_wait3A_703] : memref<81x128xi32, #tpu.memory_space<vmem>> -> memref<1x128xi32, #tpu.memory_space<vmem>>
      %dma_wait3A_705 = tpu.memref_squeeze %dma_wait3A_704 : memref<1x128xi32, #tpu.memory_space<vmem>> -> memref<128xi32, #tpu.memory_space<vmem>>
      %dma_wait3A_706 = arith.constant 0 : i32
      %dma_wait3A_707 = arith.constant 0 : i32
      %dma_wait3A_708 = tpu.memref_slice %arg35[%dma_wait3A_706, %dma_wait3A_707] : memref<10240x32xf32, #tpu.memory_space<vmem_shared>> -> memref<10240x32xf32, #tpu.memory_space<vmem_shared>>
      tpu.wait_indirect_dma semaphore(%arg34 : memref<!tpu.dma_semaphore, #tpu.memory_space<semaphore_mem>>) src(%arg16 : memref<128x32xf32, #tpu.memory_space<vmem>>) dst(%dma_wait3A_708 : memref<10240x32xf32, #tpu.memory_space<vmem_shared>>)
      %dma_start3A_709 = arith.constant 0 : i32
      %dma_start3A_710 = tpu.memref_slice %arg6[%add3A_700, %dma_start3A_709] : memref<81x128xi32, #tpu.memory_space<vmem>> -> memref<1x128xi32, #tpu.memory_space<vmem>>
      %dma_start3A_711 = tpu.memref_squeeze %dma_start3A_710 : memref<1x128xi32, #tpu.memory_space<vmem>> -> memref<128xi32, #tpu.memory_space<vmem>>
      %dma_start3A_712 = arith.constant 0 : i32
      %dma_start3A_713 = arith.constant 0 : i32
      %dma_start3A_714 = tpu.memref_slice %arg36[%dma_start3A_712, %dma_start3A_713] : memref<10240x32xf32, #tpu.memory_space<vmem_shared>> -> memref<10240x32xf32, #tpu.memory_space<vmem_shared>>
      tpu.enqueue_indirect_dma source(%dma_start3A_714 : memref<10240x32xf32, #tpu.memory_space<vmem_shared>>) target(%arg16 : memref<128x32xf32, #tpu.memory_space<vmem>>) offsets(%dma_start3A_711 : memref<128xi32, #tpu.memory_space<vmem>>) semaphore(%arg25 : memref<!tpu.dma_semaphore, #tpu.memory_space<semaphore_mem>>)
      %add3A_715 = arith.constant 5 : i32
      %add3A_716 = arith.addi %mul3A_565, %add3A_715 : i32
      %dma_wait3A_717 = arith.constant 0 : i32
      %dma_wait3A_718 = tpu.memref_slice %arg6[%add3A_716, %dma_wait3A_717] : memref<81x128xi32, #tpu.memory_space<vmem>> -> memref<1x128xi32, #tpu.memory_space<vmem>>
      %dma_wait3A_719 = tpu.memref_squeeze %dma_wait3A_718 : memref<1x128xi32, #tpu.memory_space<vmem>> -> memref<128xi32, #tpu.memory_space<vmem>>
      %dma_wait3A_720 = arith.constant 0 : i32
      %dma_wait3A_721 = arith.constant 0 : i32
      %dma_wait3A_722 = tpu.memref_slice %arg36[%dma_wait3A_720, %dma_wait3A_721] : memref<10240x32xf32, #tpu.memory_space<vmem_shared>> -> memref<10240x32xf32, #tpu.memory_space<vmem_shared>>
      tpu.wait_indirect_dma semaphore(%arg22 : memref<!tpu.dma_semaphore, #tpu.memory_space<semaphore_mem>>) src(%dma_wait3A_722 : memref<10240x32xf32, #tpu.memory_space<vmem_shared>>) dst(%arg13 : memref<128x32xf32, #tpu.memory_space<vmem>>)
      %dma_start3A_723 = arith.constant 0 : i32
      %dma_start3A_724 = tpu.memref_slice %arg7[%add3A_716, %dma_start3A_723] : memref<81x128xi32, #tpu.memory_space<vmem>> -> memref<1x128xi32, #tpu.memory_space<vmem>>
      %dma_start3A_725 = tpu.memref_squeeze %dma_start3A_724 : memref<1x128xi32, #tpu.memory_space<vmem>> -> memref<128xi32, #tpu.memory_space<vmem>>
      %dma_start3A_726 = arith.constant 0 : i32
      %dma_start3A_727 = arith.constant 0 : i32
      %dma_start3A_728 = tpu.memref_slice %arg35[%dma_start3A_726, %dma_start3A_727] : memref<10240x32xf32, #tpu.memory_space<vmem_shared>> -> memref<10240x32xf32, #tpu.memory_space<vmem_shared>>
      tpu.enqueue_indirect_dma source(%arg13 : memref<128x32xf32, #tpu.memory_space<vmem>>) target(%dma_start3A_728 : memref<10240x32xf32, #tpu.memory_space<vmem_shared>>) offsets(%dma_start3A_725 : memref<128xi32, #tpu.memory_space<vmem>>) semaphore(%arg31 : memref<!tpu.dma_semaphore, #tpu.memory_space<semaphore_mem>>) {add = true}
      %add3A_729 = arith.constant 4 : i32
      %add3A_730 = arith.addi %add3A_716, %add3A_729 : i32
      %sub3A_731 = arith.constant 9 : i32
      %sub3A_732 = arith.subi %add3A_730, %sub3A_731 : i32
      %dma_wait3A_733 = arith.constant 0 : i32
      %dma_wait3A_734 = tpu.memref_slice %arg7[%sub3A_732, %dma_wait3A_733] : memref<81x128xi32, #tpu.memory_space<vmem>> -> memref<1x128xi32, #tpu.memory_space<vmem>>
      %dma_wait3A_735 = tpu.memref_squeeze %dma_wait3A_734 : memref<1x128xi32, #tpu.memory_space<vmem>> -> memref<128xi32, #tpu.memory_space<vmem>>
      %dma_wait3A_736 = arith.constant 0 : i32
      %dma_wait3A_737 = arith.constant 0 : i32
      %dma_wait3A_738 = tpu.memref_slice %arg35[%dma_wait3A_736, %dma_wait3A_737] : memref<10240x32xf32, #tpu.memory_space<vmem_shared>> -> memref<10240x32xf32, #tpu.memory_space<vmem_shared>>
      tpu.wait_indirect_dma semaphore(%arg26 : memref<!tpu.dma_semaphore, #tpu.memory_space<semaphore_mem>>) src(%arg8 : memref<128x32xf32, #tpu.memory_space<vmem>>) dst(%dma_wait3A_738 : memref<10240x32xf32, #tpu.memory_space<vmem_shared>>)
      %dma_start3A_739 = arith.constant 0 : i32
      %dma_start3A_740 = tpu.memref_slice %arg6[%add3A_730, %dma_start3A_739] : memref<81x128xi32, #tpu.memory_space<vmem>> -> memref<1x128xi32, #tpu.memory_space<vmem>>
      %dma_start3A_741 = tpu.memref_squeeze %dma_start3A_740 : memref<1x128xi32, #tpu.memory_space<vmem>> -> memref<128xi32, #tpu.memory_space<vmem>>
      %dma_start3A_742 = arith.constant 0 : i32
      %dma_start3A_743 = arith.constant 0 : i32
      %dma_start3A_744 = tpu.memref_slice %arg36[%dma_start3A_742, %dma_start3A_743] : memref<10240x32xf32, #tpu.memory_space<vmem_shared>> -> memref<10240x32xf32, #tpu.memory_space<vmem_shared>>
      tpu.enqueue_indirect_dma source(%dma_start3A_744 : memref<10240x32xf32, #tpu.memory_space<vmem_shared>>) target(%arg8 : memref<128x32xf32, #tpu.memory_space<vmem>>) offsets(%dma_start3A_741 : memref<128xi32, #tpu.memory_space<vmem>>) semaphore(%arg17 : memref<!tpu.dma_semaphore, #tpu.memory_space<semaphore_mem>>)
      %add3A_745 = arith.constant 6 : i32
      %add3A_746 = arith.addi %mul3A_565, %add3A_745 : i32
      %dma_wait3A_747 = arith.constant 0 : i32
      %dma_wait3A_748 = tpu.memref_slice %arg6[%add3A_746, %dma_wait3A_747] : memref<81x128xi32, #tpu.memory_space<vmem>> -> memref<1x128xi32, #tpu.memory_space<vmem>>
      %dma_wait3A_749 = tpu.memref_squeeze %dma_wait3A_748 : memref<1x128xi32, #tpu.memory_space<vmem>> -> memref<128xi32, #tpu.memory_space<vmem>>
      %dma_wait3A_750 = arith.constant 0 : i32
      %dma_wait3A_751 = arith.constant 0 : i32
      %dma_wait3A_752 = tpu.memref_slice %arg36[%dma_wait3A_750, %dma_wait3A_751] : memref<10240x32xf32, #tpu.memory_space<vmem_shared>> -> memref<10240x32xf32, #tpu.memory_space<vmem_shared>>
      tpu.wait_indirect_dma semaphore(%arg23 : memref<!tpu.dma_semaphore, #tpu.memory_space<semaphore_mem>>) src(%dma_wait3A_752 : memref<10240x32xf32, #tpu.memory_space<vmem_shared>>) dst(%arg14 : memref<128x32xf32, #tpu.memory_space<vmem>>)
      %dma_start3A_753 = arith.constant 0 : i32
      %dma_start3A_754 = tpu.memref_slice %arg7[%add3A_746, %dma_start3A_753] : memref<81x128xi32, #tpu.memory_space<vmem>> -> memref<1x128xi32, #tpu.memory_space<vmem>>
      %dma_start3A_755 = tpu.memref_squeeze %dma_start3A_754 : memref<1x128xi32, #tpu.memory_space<vmem>> -> memref<128xi32, #tpu.memory_space<vmem>>
      %dma_start3A_756 = arith.constant 0 : i32
      %dma_start3A_757 = arith.constant 0 : i32
      %dma_start3A_758 = tpu.memref_slice %arg35[%dma_start3A_756, %dma_start3A_757] : memref<10240x32xf32, #tpu.memory_space<vmem_shared>> -> memref<10240x32xf32, #tpu.memory_space<vmem_shared>>
      tpu.enqueue_indirect_dma source(%arg14 : memref<128x32xf32, #tpu.memory_space<vmem>>) target(%dma_start3A_758 : memref<10240x32xf32, #tpu.memory_space<vmem_shared>>) offsets(%dma_start3A_755 : memref<128xi32, #tpu.memory_space<vmem>>) semaphore(%arg32 : memref<!tpu.dma_semaphore, #tpu.memory_space<semaphore_mem>>) {add = true}
      %add3A_759 = arith.constant 4 : i32
      %add3A_760 = arith.addi %add3A_746, %add3A_759 : i32
      %sub3A_761 = arith.constant 9 : i32
      %sub3A_762 = arith.subi %add3A_760, %sub3A_761 : i32
      %dma_wait3A_763 = arith.constant 0 : i32
      %dma_wait3A_764 = tpu.memref_slice %arg7[%sub3A_762, %dma_wait3A_763] : memref<81x128xi32, #tpu.memory_space<vmem>> -> memref<1x128xi32, #tpu.memory_space<vmem>>
      %dma_wait3A_765 = tpu.memref_squeeze %dma_wait3A_764 : memref<1x128xi32, #tpu.memory_space<vmem>> -> memref<128xi32, #tpu.memory_space<vmem>>
      %dma_wait3A_766 = arith.constant 0 : i32
      %dma_wait3A_767 = arith.constant 0 : i32
      %dma_wait3A_768 = tpu.memref_slice %arg35[%dma_wait3A_766, %dma_wait3A_767] : memref<10240x32xf32, #tpu.memory_space<vmem_shared>> -> memref<10240x32xf32, #tpu.memory_space<vmem_shared>>
      tpu.wait_indirect_dma semaphore(%arg27 : memref<!tpu.dma_semaphore, #tpu.memory_space<semaphore_mem>>) src(%arg9 : memref<128x32xf32, #tpu.memory_space<vmem>>) dst(%dma_wait3A_768 : memref<10240x32xf32, #tpu.memory_space<vmem_shared>>)
      %dma_start3A_769 = arith.constant 0 : i32
      %dma_start3A_770 = tpu.memref_slice %arg6[%add3A_760, %dma_start3A_769] : memref<81x128xi32, #tpu.memory_space<vmem>> -> memref<1x128xi32, #tpu.memory_space<vmem>>
      %dma_start3A_771 = tpu.memref_squeeze %dma_start3A_770 : memref<1x128xi32, #tpu.memory_space<vmem>> -> memref<128xi32, #tpu.memory_space<vmem>>
      %dma_start3A_772 = arith.constant 0 : i32
      %dma_start3A_773 = arith.constant 0 : i32
      %dma_start3A_774 = tpu.memref_slice %arg36[%dma_start3A_772, %dma_start3A_773] : memref<10240x32xf32, #tpu.memory_space<vmem_shared>> -> memref<10240x32xf32, #tpu.memory_space<vmem_shared>>
      tpu.enqueue_indirect_dma source(%dma_start3A_774 : memref<10240x32xf32, #tpu.memory_space<vmem_shared>>) target(%arg9 : memref<128x32xf32, #tpu.memory_space<vmem>>) offsets(%dma_start3A_771 : memref<128xi32, #tpu.memory_space<vmem>>) semaphore(%arg18 : memref<!tpu.dma_semaphore, #tpu.memory_space<semaphore_mem>>)
      %add3A_775 = arith.constant 7 : i32
      %add3A_776 = arith.addi %mul3A_565, %add3A_775 : i32
      %dma_wait3A_777 = arith.constant 0 : i32
      %dma_wait3A_778 = tpu.memref_slice %arg6[%add3A_776, %dma_wait3A_777] : memref<81x128xi32, #tpu.memory_space<vmem>> -> memref<1x128xi32, #tpu.memory_space<vmem>>
      %dma_wait3A_779 = tpu.memref_squeeze %dma_wait3A_778 : memref<1x128xi32, #tpu.memory_space<vmem>> -> memref<128xi32, #tpu.memory_space<vmem>>
      %dma_wait3A_780 = arith.constant 0 : i32
      %dma_wait3A_781 = arith.constant 0 : i32
      %dma_wait3A_782 = tpu.memref_slice %arg36[%dma_wait3A_780, %dma_wait3A_781] : memref<10240x32xf32, #tpu.memory_space<vmem_shared>> -> memref<10240x32xf32, #tpu.memory_space<vmem_shared>>
      tpu.wait_indirect_dma semaphore(%arg24 : memref<!tpu.dma_semaphore, #tpu.memory_space<semaphore_mem>>) src(%dma_wait3A_782 : memref<10240x32xf32, #tpu.memory_space<vmem_shared>>) dst(%arg15 : memref<128x32xf32, #tpu.memory_space<vmem>>)
      %dma_start3A_783 = arith.constant 0 : i32
      %dma_start3A_784 = tpu.memref_slice %arg7[%add3A_776, %dma_start3A_783] : memref<81x128xi32, #tpu.memory_space<vmem>> -> memref<1x128xi32, #tpu.memory_space<vmem>>
      %dma_start3A_785 = tpu.memref_squeeze %dma_start3A_784 : memref<1x128xi32, #tpu.memory_space<vmem>> -> memref<128xi32, #tpu.memory_space<vmem>>
      %dma_start3A_786 = arith.constant 0 : i32
      %dma_start3A_787 = arith.constant 0 : i32
      %dma_start3A_788 = tpu.memref_slice %arg35[%dma_start3A_786, %dma_start3A_787] : memref<10240x32xf32, #tpu.memory_space<vmem_shared>> -> memref<10240x32xf32, #tpu.memory_space<vmem_shared>>
      tpu.enqueue_indirect_dma source(%arg15 : memref<128x32xf32, #tpu.memory_space<vmem>>) target(%dma_start3A_788 : memref<10240x32xf32, #tpu.memory_space<vmem_shared>>) offsets(%dma_start3A_785 : memref<128xi32, #tpu.memory_space<vmem>>) semaphore(%arg33 : memref<!tpu.dma_semaphore, #tpu.memory_space<semaphore_mem>>) {add = true}
      %add3A_789 = arith.constant 4 : i32
      %add3A_790 = arith.addi %add3A_776, %add3A_789 : i32
      %sub3A_791 = arith.constant 9 : i32
      %sub3A_792 = arith.subi %add3A_790, %sub3A_791 : i32
      %dma_wait3A_793 = arith.constant 0 : i32
      %dma_wait3A_794 = tpu.memref_slice %arg7[%sub3A_792, %dma_wait3A_793] : memref<81x128xi32, #tpu.memory_space<vmem>> -> memref<1x128xi32, #tpu.memory_space<vmem>>
      %dma_wait3A_795 = tpu.memref_squeeze %dma_wait3A_794 : memref<1x128xi32, #tpu.memory_space<vmem>> -> memref<128xi32, #tpu.memory_space<vmem>>
      %dma_wait3A_796 = arith.constant 0 : i32
      %dma_wait3A_797 = arith.constant 0 : i32
      %dma_wait3A_798 = tpu.memref_slice %arg35[%dma_wait3A_796, %dma_wait3A_797] : memref<10240x32xf32, #tpu.memory_space<vmem_shared>> -> memref<10240x32xf32, #tpu.memory_space<vmem_shared>>
      tpu.wait_indirect_dma semaphore(%arg28 : memref<!tpu.dma_semaphore, #tpu.memory_space<semaphore_mem>>) src(%arg10 : memref<128x32xf32, #tpu.memory_space<vmem>>) dst(%dma_wait3A_798 : memref<10240x32xf32, #tpu.memory_space<vmem_shared>>)
      %dma_start3A_799 = arith.constant 0 : i32
      %dma_start3A_800 = tpu.memref_slice %arg6[%add3A_790, %dma_start3A_799] : memref<81x128xi32, #tpu.memory_space<vmem>> -> memref<1x128xi32, #tpu.memory_space<vmem>>
      %dma_start3A_801 = tpu.memref_squeeze %dma_start3A_800 : memref<1x128xi32, #tpu.memory_space<vmem>> -> memref<128xi32, #tpu.memory_space<vmem>>
      %dma_start3A_802 = arith.constant 0 : i32
      %dma_start3A_803 = arith.constant 0 : i32
      %dma_start3A_804 = tpu.memref_slice %arg36[%dma_start3A_802, %dma_start3A_803] : memref<10240x32xf32, #tpu.memory_space<vmem_shared>> -> memref<10240x32xf32, #tpu.memory_space<vmem_shared>>
      tpu.enqueue_indirect_dma source(%dma_start3A_804 : memref<10240x32xf32, #tpu.memory_space<vmem_shared>>) target(%arg10 : memref<128x32xf32, #tpu.memory_space<vmem>>) offsets(%dma_start3A_801 : memref<128xi32, #tpu.memory_space<vmem>>) semaphore(%arg19 : memref<!tpu.dma_semaphore, #tpu.memory_space<semaphore_mem>>)
      %add3A_805 = arith.constant 8 : i32
      %add3A_806 = arith.addi %mul3A_565, %add3A_805 : i32
      %dma_wait3A_807 = arith.constant 0 : i32
      %dma_wait3A_808 = tpu.memref_slice %arg6[%add3A_806, %dma_wait3A_807] : memref<81x128xi32, #tpu.memory_space<vmem>> -> memref<1x128xi32, #tpu.memory_space<vmem>>
      %dma_wait3A_809 = tpu.memref_squeeze %dma_wait3A_808 : memref<1x128xi32, #tpu.memory_space<vmem>> -> memref<128xi32, #tpu.memory_space<vmem>>
      %dma_wait3A_810 = arith.constant 0 : i32
      %dma_wait3A_811 = arith.constant 0 : i32
      %dma_wait3A_812 = tpu.memref_slice %arg36[%dma_wait3A_810, %dma_wait3A_811] : memref<10240x32xf32, #tpu.memory_space<vmem_shared>> -> memref<10240x32xf32, #tpu.memory_space<vmem_shared>>
      tpu.wait_indirect_dma semaphore(%arg25 : memref<!tpu.dma_semaphore, #tpu.memory_space<semaphore_mem>>) src(%dma_wait3A_812 : memref<10240x32xf32, #tpu.memory_space<vmem_shared>>) dst(%arg16 : memref<128x32xf32, #tpu.memory_space<vmem>>)
      %dma_start3A_813 = arith.constant 0 : i32
      %dma_start3A_814 = tpu.memref_slice %arg7[%add3A_806, %dma_start3A_813] : memref<81x128xi32, #tpu.memory_space<vmem>> -> memref<1x128xi32, #tpu.memory_space<vmem>>
      %dma_start3A_815 = tpu.memref_squeeze %dma_start3A_814 : memref<1x128xi32, #tpu.memory_space<vmem>> -> memref<128xi32, #tpu.memory_space<vmem>>
      %dma_start3A_816 = arith.constant 0 : i32
      %dma_start3A_817 = arith.constant 0 : i32
      %dma_start3A_818 = tpu.memref_slice %arg35[%dma_start3A_816, %dma_start3A_817] : memref<10240x32xf32, #tpu.memory_space<vmem_shared>> -> memref<10240x32xf32, #tpu.memory_space<vmem_shared>>
      tpu.enqueue_indirect_dma source(%arg16 : memref<128x32xf32, #tpu.memory_space<vmem>>) target(%dma_start3A_818 : memref<10240x32xf32, #tpu.memory_space<vmem_shared>>) offsets(%dma_start3A_815 : memref<128xi32, #tpu.memory_space<vmem>>) semaphore(%arg34 : memref<!tpu.dma_semaphore, #tpu.memory_space<semaphore_mem>>) {add = true}
      %add3A_819 = arith.constant 4 : i32
      %add3A_820 = arith.addi %add3A_806, %add3A_819 : i32
      %sub3A_821 = arith.constant 9 : i32
      %sub3A_822 = arith.subi %add3A_820, %sub3A_821 : i32
      %dma_wait3A_823 = arith.constant 0 : i32
      %dma_wait3A_824 = tpu.memref_slice %arg7[%sub3A_822, %dma_wait3A_823] : memref<81x128xi32, #tpu.memory_space<vmem>> -> memref<1x128xi32, #tpu.memory_space<vmem>>
      %dma_wait3A_825 = tpu.memref_squeeze %dma_wait3A_824 : memref<1x128xi32, #tpu.memory_space<vmem>> -> memref<128xi32, #tpu.memory_space<vmem>>
      %dma_wait3A_826 = arith.constant 0 : i32
      %dma_wait3A_827 = arith.constant 0 : i32
      %dma_wait3A_828 = tpu.memref_slice %arg35[%dma_wait3A_826, %dma_wait3A_827] : memref<10240x32xf32, #tpu.memory_space<vmem_shared>> -> memref<10240x32xf32, #tpu.memory_space<vmem_shared>>
      tpu.wait_indirect_dma semaphore(%arg29 : memref<!tpu.dma_semaphore, #tpu.memory_space<semaphore_mem>>) src(%arg11 : memref<128x32xf32, #tpu.memory_space<vmem>>) dst(%dma_wait3A_828 : memref<10240x32xf32, #tpu.memory_space<vmem_shared>>)
      %dma_start3A_829 = arith.constant 0 : i32
      %dma_start3A_830 = tpu.memref_slice %arg6[%add3A_820, %dma_start3A_829] : memref<81x128xi32, #tpu.memory_space<vmem>> -> memref<1x128xi32, #tpu.memory_space<vmem>>
      %dma_start3A_831 = tpu.memref_squeeze %dma_start3A_830 : memref<1x128xi32, #tpu.memory_space<vmem>> -> memref<128xi32, #tpu.memory_space<vmem>>
      %dma_start3A_832 = arith.constant 0 : i32
      %dma_start3A_833 = arith.constant 0 : i32
      %dma_start3A_834 = tpu.memref_slice %arg36[%dma_start3A_832, %dma_start3A_833] : memref<10240x32xf32, #tpu.memory_space<vmem_shared>> -> memref<10240x32xf32, #tpu.memory_space<vmem_shared>>
      tpu.enqueue_indirect_dma source(%dma_start3A_834 : memref<10240x32xf32, #tpu.memory_space<vmem_shared>>) target(%arg11 : memref<128x32xf32, #tpu.memory_space<vmem>>) offsets(%dma_start3A_831 : memref<128xi32, #tpu.memory_space<vmem>>) semaphore(%arg20 : memref<!tpu.dma_semaphore, #tpu.memory_space<semaphore_mem>>)
    }
    %scan3A_302 = arith.constant 7 : i32
    %dma_wait3A_303 = arith.constant 72 : i32
    %dma_wait3A_304 = arith.constant 0 : i32
    %dma_wait3A_305 = tpu.memref_slice %arg6[%dma_wait3A_303, %dma_wait3A_304] : memref<81x128xi32, #tpu.memory_space<vmem>> -> memref<1x128xi32, #tpu.memory_space<vmem>>
    %dma_wait3A_306 = tpu.memref_squeeze %dma_wait3A_305 : memref<1x128xi32, #tpu.memory_space<vmem>> -> memref<128xi32, #tpu.memory_space<vmem>>
    %dma_wait3A_307 = arith.constant 0 : i32
    %dma_wait3A_308 = arith.constant 0 : i32
    %dma_wait3A_309 = tpu.memref_slice %arg36[%dma_wait3A_307, %dma_wait3A_308] : memref<10240x32xf32, #tpu.memory_space<vmem_shared>> -> memref<10240x32xf32, #tpu.memory_space<vmem_shared>>
    tpu.wait_indirect_dma semaphore(%arg17 : memref<!tpu.dma_semaphore, #tpu.memory_space<semaphore_mem>>) src(%dma_wait3A_309 : memref<10240x32xf32, #tpu.memory_space<vmem_shared>>) dst(%arg8 : memref<128x32xf32, #tpu.memory_space<vmem>>)
    %dma_start3A_310 = arith.constant 72 : i32
    %dma_start3A_311 = arith.constant 0 : i32
    %dma_start3A_312 = tpu.memref_slice %arg7[%dma_start3A_310, %dma_start3A_311] : memref<81x128xi32, #tpu.memory_space<vmem>> -> memref<1x128xi32, #tpu.memory_space<vmem>>
    %dma_start3A_313 = tpu.memref_squeeze %dma_start3A_312 : memref<1x128xi32, #tpu.memory_space<vmem>> -> memref<128xi32, #tpu.memory_space<vmem>>
    %dma_start3A_314 = arith.constant 0 : i32
    %dma_start3A_315 = arith.constant 0 : i32
    %dma_start3A_316 = tpu.memref_slice %arg35[%dma_start3A_314, %dma_start3A_315] : memref<10240x32xf32, #tpu.memory_space<vmem_shared>> -> memref<10240x32xf32, #tpu.memory_space<vmem_shared>>
    tpu.enqueue_indirect_dma source(%arg8 : memref<128x32xf32, #tpu.memory_space<vmem>>) target(%dma_start3A_316 : memref<10240x32xf32, #tpu.memory_space<vmem_shared>>) offsets(%dma_start3A_313 : memref<128xi32, #tpu.memory_space<vmem>>) semaphore(%arg26 : memref<!tpu.dma_semaphore, #tpu.memory_space<semaphore_mem>>) {add = true}
    %dma_wait3A_317 = arith.constant 67 : i32
    %dma_wait3A_318 = arith.constant 0 : i32
    %dma_wait3A_319 = tpu.memref_slice %arg7[%dma_wait3A_317, %dma_wait3A_318] : memref<81x128xi32, #tpu.memory_space<vmem>> -> memref<1x128xi32, #tpu.memory_space<vmem>>
    %dma_wait3A_320 = tpu.memref_squeeze %dma_wait3A_319 : memref<1x128xi32, #tpu.memory_space<vmem>> -> memref<128xi32, #tpu.memory_space<vmem>>
    %dma_wait3A_321 = arith.constant 0 : i32
    %dma_wait3A_322 = arith.constant 0 : i32
    %dma_wait3A_323 = tpu.memref_slice %arg35[%dma_wait3A_321, %dma_wait3A_322] : memref<10240x32xf32, #tpu.memory_space<vmem_shared>> -> memref<10240x32xf32, #tpu.memory_space<vmem_shared>>
    tpu.wait_indirect_dma semaphore(%arg30 : memref<!tpu.dma_semaphore, #tpu.memory_space<semaphore_mem>>) src(%arg12 : memref<128x32xf32, #tpu.memory_space<vmem>>) dst(%dma_wait3A_323 : memref<10240x32xf32, #tpu.memory_space<vmem_shared>>)
    %dma_start3A_324 = arith.constant 76 : i32
    %dma_start3A_325 = arith.constant 0 : i32
    %dma_start3A_326 = tpu.memref_slice %arg6[%dma_start3A_324, %dma_start3A_325] : memref<81x128xi32, #tpu.memory_space<vmem>> -> memref<1x128xi32, #tpu.memory_space<vmem>>
    %dma_start3A_327 = tpu.memref_squeeze %dma_start3A_326 : memref<1x128xi32, #tpu.memory_space<vmem>> -> memref<128xi32, #tpu.memory_space<vmem>>
    %dma_start3A_328 = arith.constant 0 : i32
    %dma_start3A_329 = arith.constant 0 : i32
    %dma_start3A_330 = tpu.memref_slice %arg36[%dma_start3A_328, %dma_start3A_329] : memref<10240x32xf32, #tpu.memory_space<vmem_shared>> -> memref<10240x32xf32, #tpu.memory_space<vmem_shared>>
    tpu.enqueue_indirect_dma source(%dma_start3A_330 : memref<10240x32xf32, #tpu.memory_space<vmem_shared>>) target(%arg12 : memref<128x32xf32, #tpu.memory_space<vmem>>) offsets(%dma_start3A_327 : memref<128xi32, #tpu.memory_space<vmem>>) semaphore(%arg21 : memref<!tpu.dma_semaphore, #tpu.memory_space<semaphore_mem>>)
    %dma_wait3A_331 = arith.constant 73 : i32
    %dma_wait3A_332 = arith.constant 0 : i32
    %dma_wait3A_333 = tpu.memref_slice %arg6[%dma_wait3A_331, %dma_wait3A_332] : memref<81x128xi32, #tpu.memory_space<vmem>> -> memref<1x128xi32, #tpu.memory_space<vmem>>
    %dma_wait3A_334 = tpu.memref_squeeze %dma_wait3A_333 : memref<1x128xi32, #tpu.memory_space<vmem>> -> memref<128xi32, #tpu.memory_space<vmem>>
    %dma_wait3A_335 = arith.constant 0 : i32
    %dma_wait3A_336 = arith.constant 0 : i32
    %dma_wait3A_337 = tpu.memref_slice %arg36[%dma_wait3A_335, %dma_wait3A_336] : memref<10240x32xf32, #tpu.memory_space<vmem_shared>> -> memref<10240x32xf32, #tpu.memory_space<vmem_shared>>
    tpu.wait_indirect_dma semaphore(%arg18 : memref<!tpu.dma_semaphore, #tpu.memory_space<semaphore_mem>>) src(%dma_wait3A_337 : memref<10240x32xf32, #tpu.memory_space<vmem_shared>>) dst(%arg9 : memref<128x32xf32, #tpu.memory_space<vmem>>)
    %dma_start3A_338 = arith.constant 73 : i32
    %dma_start3A_339 = arith.constant 0 : i32
    %dma_start3A_340 = tpu.memref_slice %arg7[%dma_start3A_338, %dma_start3A_339] : memref<81x128xi32, #tpu.memory_space<vmem>> -> memref<1x128xi32, #tpu.memory_space<vmem>>
    %dma_start3A_341 = tpu.memref_squeeze %dma_start3A_340 : memref<1x128xi32, #tpu.memory_space<vmem>> -> memref<128xi32, #tpu.memory_space<vmem>>
    %dma_start3A_342 = arith.constant 0 : i32
    %dma_start3A_343 = arith.constant 0 : i32
    %dma_start3A_344 = tpu.memref_slice %arg35[%dma_start3A_342, %dma_start3A_343] : memref<10240x32xf32, #tpu.memory_space<vmem_shared>> -> memref<10240x32xf32, #tpu.memory_space<vmem_shared>>
    tpu.enqueue_indirect_dma source(%arg9 : memref<128x32xf32, #tpu.memory_space<vmem>>) target(%dma_start3A_344 : memref<10240x32xf32, #tpu.memory_space<vmem_shared>>) offsets(%dma_start3A_341 : memref<128xi32, #tpu.memory_space<vmem>>) semaphore(%arg27 : memref<!tpu.dma_semaphore, #tpu.memory_space<semaphore_mem>>) {add = true}
    %dma_wait3A_345 = arith.constant 68 : i32
    %dma_wait3A_346 = arith.constant 0 : i32
    %dma_wait3A_347 = tpu.memref_slice %arg7[%dma_wait3A_345, %dma_wait3A_346] : memref<81x128xi32, #tpu.memory_space<vmem>> -> memref<1x128xi32, #tpu.memory_space<vmem>>
    %dma_wait3A_348 = tpu.memref_squeeze %dma_wait3A_347 : memref<1x128xi32, #tpu.memory_space<vmem>> -> memref<128xi32, #tpu.memory_space<vmem>>
    %dma_wait3A_349 = arith.constant 0 : i32
    %dma_wait3A_350 = arith.constant 0 : i32
    %dma_wait3A_351 = tpu.memref_slice %arg35[%dma_wait3A_349, %dma_wait3A_350] : memref<10240x32xf32, #tpu.memory_space<vmem_shared>> -> memref<10240x32xf32, #tpu.memory_space<vmem_shared>>
    tpu.wait_indirect_dma semaphore(%arg31 : memref<!tpu.dma_semaphore, #tpu.memory_space<semaphore_mem>>) src(%arg13 : memref<128x32xf32, #tpu.memory_space<vmem>>) dst(%dma_wait3A_351 : memref<10240x32xf32, #tpu.memory_space<vmem_shared>>)
    %dma_start3A_352 = arith.constant 77 : i32
    %dma_start3A_353 = arith.constant 0 : i32
    %dma_start3A_354 = tpu.memref_slice %arg6[%dma_start3A_352, %dma_start3A_353] : memref<81x128xi32, #tpu.memory_space<vmem>> -> memref<1x128xi32, #tpu.memory_space<vmem>>
    %dma_start3A_355 = tpu.memref_squeeze %dma_start3A_354 : memref<1x128xi32, #tpu.memory_space<vmem>> -> memref<128xi32, #tpu.memory_space<vmem>>
    %dma_start3A_356 = arith.constant 0 : i32
    %dma_start3A_357 = arith.constant 0 : i32
    %dma_start3A_358 = tpu.memref_slice %arg36[%dma_start3A_356, %dma_start3A_357] : memref<10240x32xf32, #tpu.memory_space<vmem_shared>> -> memref<10240x32xf32, #tpu.memory_space<vmem_shared>>
    tpu.enqueue_indirect_dma source(%dma_start3A_358 : memref<10240x32xf32, #tpu.memory_space<vmem_shared>>) target(%arg13 : memref<128x32xf32, #tpu.memory_space<vmem>>) offsets(%dma_start3A_355 : memref<128xi32, #tpu.memory_space<vmem>>) semaphore(%arg22 : memref<!tpu.dma_semaphore, #tpu.memory_space<semaphore_mem>>)
    %dma_wait3A_359 = arith.constant 74 : i32
    %dma_wait3A_360 = arith.constant 0 : i32
    %dma_wait3A_361 = tpu.memref_slice %arg6[%dma_wait3A_359, %dma_wait3A_360] : memref<81x128xi32, #tpu.memory_space<vmem>> -> memref<1x128xi32, #tpu.memory_space<vmem>>
    %dma_wait3A_362 = tpu.memref_squeeze %dma_wait3A_361 : memref<1x128xi32, #tpu.memory_space<vmem>> -> memref<128xi32, #tpu.memory_space<vmem>>
    %dma_wait3A_363 = arith.constant 0 : i32
    %dma_wait3A_364 = arith.constant 0 : i32
    %dma_wait3A_365 = tpu.memref_slice %arg36[%dma_wait3A_363, %dma_wait3A_364] : memref<10240x32xf32, #tpu.memory_space<vmem_shared>> -> memref<10240x32xf32, #tpu.memory_space<vmem_shared>>
    tpu.wait_indirect_dma semaphore(%arg19 : memref<!tpu.dma_semaphore, #tpu.memory_space<semaphore_mem>>) src(%dma_wait3A_365 : memref<10240x32xf32, #tpu.memory_space<vmem_shared>>) dst(%arg10 : memref<128x32xf32, #tpu.memory_space<vmem>>)
    %dma_start3A_366 = arith.constant 74 : i32
    %dma_start3A_367 = arith.constant 0 : i32
    %dma_start3A_368 = tpu.memref_slice %arg7[%dma_start3A_366, %dma_start3A_367] : memref<81x128xi32, #tpu.memory_space<vmem>> -> memref<1x128xi32, #tpu.memory_space<vmem>>
    %dma_start3A_369 = tpu.memref_squeeze %dma_start3A_368 : memref<1x128xi32, #tpu.memory_space<vmem>> -> memref<128xi32, #tpu.memory_space<vmem>>
    %dma_start3A_370 = arith.constant 0 : i32
    %dma_start3A_371 = arith.constant 0 : i32
    %dma_start3A_372 = tpu.memref_slice %arg35[%dma_start3A_370, %dma_start3A_371] : memref<10240x32xf32, #tpu.memory_space<vmem_shared>> -> memref<10240x32xf32, #tpu.memory_space<vmem_shared>>
    tpu.enqueue_indirect_dma source(%arg10 : memref<128x32xf32, #tpu.memory_space<vmem>>) target(%dma_start3A_372 : memref<10240x32xf32, #tpu.memory_space<vmem_shared>>) offsets(%dma_start3A_369 : memref<128xi32, #tpu.memory_space<vmem>>) semaphore(%arg28 : memref<!tpu.dma_semaphore, #tpu.memory_space<semaphore_mem>>) {add = true}
    %dma_wait3A_373 = arith.constant 69 : i32
    %dma_wait3A_374 = arith.constant 0 : i32
    %dma_wait3A_375 = tpu.memref_slice %arg7[%dma_wait3A_373, %dma_wait3A_374] : memref<81x128xi32, #tpu.memory_space<vmem>> -> memref<1x128xi32, #tpu.memory_space<vmem>>
    %dma_wait3A_376 = tpu.memref_squeeze %dma_wait3A_375 : memref<1x128xi32, #tpu.memory_space<vmem>> -> memref<128xi32, #tpu.memory_space<vmem>>
    %dma_wait3A_377 = arith.constant 0 : i32
    %dma_wait3A_378 = arith.constant 0 : i32
    %dma_wait3A_379 = tpu.memref_slice %arg35[%dma_wait3A_377, %dma_wait3A_378] : memref<10240x32xf32, #tpu.memory_space<vmem_shared>> -> memref<10240x32xf32, #tpu.memory_space<vmem_shared>>
    tpu.wait_indirect_dma semaphore(%arg32 : memref<!tpu.dma_semaphore, #tpu.memory_space<semaphore_mem>>) src(%arg14 : memref<128x32xf32, #tpu.memory_space<vmem>>) dst(%dma_wait3A_379 : memref<10240x32xf32, #tpu.memory_space<vmem_shared>>)
    %dma_start3A_380 = arith.constant 78 : i32
    %dma_start3A_381 = arith.constant 0 : i32
    %dma_start3A_382 = tpu.memref_slice %arg6[%dma_start3A_380, %dma_start3A_381] : memref<81x128xi32, #tpu.memory_space<vmem>> -> memref<1x128xi32, #tpu.memory_space<vmem>>
    %dma_start3A_383 = tpu.memref_squeeze %dma_start3A_382 : memref<1x128xi32, #tpu.memory_space<vmem>> -> memref<128xi32, #tpu.memory_space<vmem>>
    %dma_start3A_384 = arith.constant 0 : i32
    %dma_start3A_385 = arith.constant 0 : i32
    %dma_start3A_386 = tpu.memref_slice %arg36[%dma_start3A_384, %dma_start3A_385] : memref<10240x32xf32, #tpu.memory_space<vmem_shared>> -> memref<10240x32xf32, #tpu.memory_space<vmem_shared>>
    tpu.enqueue_indirect_dma source(%dma_start3A_386 : memref<10240x32xf32, #tpu.memory_space<vmem_shared>>) target(%arg14 : memref<128x32xf32, #tpu.memory_space<vmem>>) offsets(%dma_start3A_383 : memref<128xi32, #tpu.memory_space<vmem>>) semaphore(%arg23 : memref<!tpu.dma_semaphore, #tpu.memory_space<semaphore_mem>>)
    %dma_wait3A_387 = arith.constant 75 : i32
    %dma_wait3A_388 = arith.constant 0 : i32
    %dma_wait3A_389 = tpu.memref_slice %arg6[%dma_wait3A_387, %dma_wait3A_388] : memref<81x128xi32, #tpu.memory_space<vmem>> -> memref<1x128xi32, #tpu.memory_space<vmem>>
    %dma_wait3A_390 = tpu.memref_squeeze %dma_wait3A_389 : memref<1x128xi32, #tpu.memory_space<vmem>> -> memref<128xi32, #tpu.memory_space<vmem>>
    %dma_wait3A_391 = arith.constant 0 : i32
    %dma_wait3A_392 = arith.constant 0 : i32
    %dma_wait3A_393 = tpu.memref_slice %arg36[%dma_wait3A_391, %dma_wait3A_392] : memref<10240x32xf32, #tpu.memory_space<vmem_shared>> -> memref<10240x32xf32, #tpu.memory_space<vmem_shared>>
    tpu.wait_indirect_dma semaphore(%arg20 : memref<!tpu.dma_semaphore, #tpu.memory_space<semaphore_mem>>) src(%dma_wait3A_393 : memref<10240x32xf32, #tpu.memory_space<vmem_shared>>) dst(%arg11 : memref<128x32xf32, #tpu.memory_space<vmem>>)
    %dma_start3A_394 = arith.constant 75 : i32
    %dma_start3A_395 = arith.constant 0 : i32
    %dma_start3A_396 = tpu.memref_slice %arg7[%dma_start3A_394, %dma_start3A_395] : memref<81x128xi32, #tpu.memory_space<vmem>> -> memref<1x128xi32, #tpu.memory_space<vmem>>
    %dma_start3A_397 = tpu.memref_squeeze %dma_start3A_396 : memref<1x128xi32, #tpu.memory_space<vmem>> -> memref<128xi32, #tpu.memory_space<vmem>>
    %dma_start3A_398 = arith.constant 0 : i32
    %dma_start3A_399 = arith.constant 0 : i32
    %dma_start3A_400 = tpu.memref_slice %arg35[%dma_start3A_398, %dma_start3A_399] : memref<10240x32xf32, #tpu.memory_space<vmem_shared>> -> memref<10240x32xf32, #tpu.memory_space<vmem_shared>>
    tpu.enqueue_indirect_dma source(%arg11 : memref<128x32xf32, #tpu.memory_space<vmem>>) target(%dma_start3A_400 : memref<10240x32xf32, #tpu.memory_space<vmem_shared>>) offsets(%dma_start3A_397 : memref<128xi32, #tpu.memory_space<vmem>>) semaphore(%arg29 : memref<!tpu.dma_semaphore, #tpu.memory_space<semaphore_mem>>) {add = true}
    %dma_wait3A_401 = arith.constant 70 : i32
    %dma_wait3A_402 = arith.constant 0 : i32
    %dma_wait3A_403 = tpu.memref_slice %arg7[%dma_wait3A_401, %dma_wait3A_402] : memref<81x128xi32, #tpu.memory_space<vmem>> -> memref<1x128xi32, #tpu.memory_space<vmem>>
    %dma_wait3A_404 = tpu.memref_squeeze %dma_wait3A_403 : memref<1x128xi32, #tpu.memory_space<vmem>> -> memref<128xi32, #tpu.memory_space<vmem>>
    %dma_wait3A_405 = arith.constant 0 : i32
    %dma_wait3A_406 = arith.constant 0 : i32
    %dma_wait3A_407 = tpu.memref_slice %arg35[%dma_wait3A_405, %dma_wait3A_406] : memref<10240x32xf32, #tpu.memory_space<vmem_shared>> -> memref<10240x32xf32, #tpu.memory_space<vmem_shared>>
    tpu.wait_indirect_dma semaphore(%arg33 : memref<!tpu.dma_semaphore, #tpu.memory_space<semaphore_mem>>) src(%arg15 : memref<128x32xf32, #tpu.memory_space<vmem>>) dst(%dma_wait3A_407 : memref<10240x32xf32, #tpu.memory_space<vmem_shared>>)
    %dma_start3A_408 = arith.constant 79 : i32
    %dma_start3A_409 = arith.constant 0 : i32
    %dma_start3A_410 = tpu.memref_slice %arg6[%dma_start3A_408, %dma_start3A_409] : memref<81x128xi32, #tpu.memory_space<vmem>> -> memref<1x128xi32, #tpu.memory_space<vmem>>
    %dma_start3A_411 = tpu.memref_squeeze %dma_start3A_410 : memref<1x128xi32, #tpu.memory_space<vmem>> -> memref<128xi32, #tpu.memory_space<vmem>>
    %dma_start3A_412 = arith.constant 0 : i32
    %dma_start3A_413 = arith.constant 0 : i32
    %dma_start3A_414 = tpu.memref_slice %arg36[%dma_start3A_412, %dma_start3A_413] : memref<10240x32xf32, #tpu.memory_space<vmem_shared>> -> memref<10240x32xf32, #tpu.memory_space<vmem_shared>>
    tpu.enqueue_indirect_dma source(%dma_start3A_414 : memref<10240x32xf32, #tpu.memory_space<vmem_shared>>) target(%arg15 : memref<128x32xf32, #tpu.memory_space<vmem>>) offsets(%dma_start3A_411 : memref<128xi32, #tpu.memory_space<vmem>>) semaphore(%arg24 : memref<!tpu.dma_semaphore, #tpu.memory_space<semaphore_mem>>)
    %dma_wait3A_415 = arith.constant 76 : i32
    %dma_wait3A_416 = arith.constant 0 : i32
    %dma_wait3A_417 = tpu.memref_slice %arg6[%dma_wait3A_415, %dma_wait3A_416] : memref<81x128xi32, #tpu.memory_space<vmem>> -> memref<1x128xi32, #tpu.memory_space<vmem>>
    %dma_wait3A_418 = tpu.memref_squeeze %dma_wait3A_417 : memref<1x128xi32, #tpu.memory_space<vmem>> -> memref<128xi32, #tpu.memory_space<vmem>>
    %dma_wait3A_419 = arith.constant 0 : i32
    %dma_wait3A_420 = arith.constant 0 : i32
    %dma_wait3A_421 = tpu.memref_slice %arg36[%dma_wait3A_419, %dma_wait3A_420] : memref<10240x32xf32, #tpu.memory_space<vmem_shared>> -> memref<10240x32xf32, #tpu.memory_space<vmem_shared>>
    tpu.wait_indirect_dma semaphore(%arg21 : memref<!tpu.dma_semaphore, #tpu.memory_space<semaphore_mem>>) src(%dma_wait3A_421 : memref<10240x32xf32, #tpu.memory_space<vmem_shared>>) dst(%arg12 : memref<128x32xf32, #tpu.memory_space<vmem>>)
    %dma_start3A_422 = arith.constant 76 : i32
    %dma_start3A_423 = arith.constant 0 : i32
    %dma_start3A_424 = tpu.memref_slice %arg7[%dma_start3A_422, %dma_start3A_423] : memref<81x128xi32, #tpu.memory_space<vmem>> -> memref<1x128xi32, #tpu.memory_space<vmem>>
    %dma_start3A_425 = tpu.memref_squeeze %dma_start3A_424 : memref<1x128xi32, #tpu.memory_space<vmem>> -> memref<128xi32, #tpu.memory_space<vmem>>
    %dma_start3A_426 = arith.constant 0 : i32
    %dma_start3A_427 = arith.constant 0 : i32
    %dma_start3A_428 = tpu.memref_slice %arg35[%dma_start3A_426, %dma_start3A_427] : memref<10240x32xf32, #tpu.memory_space<vmem_shared>> -> memref<10240x32xf32, #tpu.memory_space<vmem_shared>>
    tpu.enqueue_indirect_dma source(%arg12 : memref<128x32xf32, #tpu.memory_space<vmem>>) target(%dma_start3A_428 : memref<10240x32xf32, #tpu.memory_space<vmem_shared>>) offsets(%dma_start3A_425 : memref<128xi32, #tpu.memory_space<vmem>>) semaphore(%arg30 : memref<!tpu.dma_semaphore, #tpu.memory_space<semaphore_mem>>) {add = true}
    %dma_wait3A_429 = arith.constant 71 : i32
    %dma_wait3A_430 = arith.constant 0 : i32
    %dma_wait3A_431 = tpu.memref_slice %arg7[%dma_wait3A_429, %dma_wait3A_430] : memref<81x128xi32, #tpu.memory_space<vmem>> -> memref<1x128xi32, #tpu.memory_space<vmem>>
    %dma_wait3A_432 = tpu.memref_squeeze %dma_wait3A_431 : memref<1x128xi32, #tpu.memory_space<vmem>> -> memref<128xi32, #tpu.memory_space<vmem>>
    %dma_wait3A_433 = arith.constant 0 : i32
    %dma_wait3A_434 = arith.constant 0 : i32
    %dma_wait3A_435 = tpu.memref_slice %arg35[%dma_wait3A_433, %dma_wait3A_434] : memref<10240x32xf32, #tpu.memory_space<vmem_shared>> -> memref<10240x32xf32, #tpu.memory_space<vmem_shared>>
    tpu.wait_indirect_dma semaphore(%arg34 : memref<!tpu.dma_semaphore, #tpu.memory_space<semaphore_mem>>) src(%arg16 : memref<128x32xf32, #tpu.memory_space<vmem>>) dst(%dma_wait3A_435 : memref<10240x32xf32, #tpu.memory_space<vmem_shared>>)
    %dma_start3A_436 = arith.constant 80 : i32
    %dma_start3A_437 = arith.constant 0 : i32
    %dma_start3A_438 = tpu.memref_slice %arg6[%dma_start3A_436, %dma_start3A_437] : memref<81x128xi32, #tpu.memory_space<vmem>> -> memref<1x128xi32, #tpu.memory_space<vmem>>
    %dma_start3A_439 = tpu.memref_squeeze %dma_start3A_438 : memref<1x128xi32, #tpu.memory_space<vmem>> -> memref<128xi32, #tpu.memory_space<vmem>>
    %dma_start3A_440 = arith.constant 0 : i32
    %dma_start3A_441 = arith.constant 0 : i32
    %dma_start3A_442 = tpu.memref_slice %arg36[%dma_start3A_440, %dma_start3A_441] : memref<10240x32xf32, #tpu.memory_space<vmem_shared>> -> memref<10240x32xf32, #tpu.memory_space<vmem_shared>>
    tpu.enqueue_indirect_dma source(%dma_start3A_442 : memref<10240x32xf32, #tpu.memory_space<vmem_shared>>) target(%arg16 : memref<128x32xf32, #tpu.memory_space<vmem>>) offsets(%dma_start3A_439 : memref<128xi32, #tpu.memory_space<vmem>>) semaphore(%arg25 : memref<!tpu.dma_semaphore, #tpu.memory_space<semaphore_mem>>)
    %dma_wait3A_443 = arith.constant 77 : i32
    %dma_wait3A_444 = arith.constant 0 : i32
    %dma_wait3A_445 = tpu.memref_slice %arg6[%dma_wait3A_443, %dma_wait3A_444] : memref<81x128xi32, #tpu.memory_space<vmem>> -> memref<1x128xi32, #tpu.memory_space<vmem>>
    %dma_wait3A_446 = tpu.memref_squeeze %dma_wait3A_445 : memref<1x128xi32, #tpu.memory_space<vmem>> -> memref<128xi32, #tpu.memory_space<vmem>>
    %dma_wait3A_447 = arith.constant 0 : i32
    %dma_wait3A_448 = arith.constant 0 : i32
    %dma_wait3A_449 = tpu.memref_slice %arg36[%dma_wait3A_447, %dma_wait3A_448] : memref<10240x32xf32, #tpu.memory_space<vmem_shared>> -> memref<10240x32xf32, #tpu.memory_space<vmem_shared>>
    tpu.wait_indirect_dma semaphore(%arg22 : memref<!tpu.dma_semaphore, #tpu.memory_space<semaphore_mem>>) src(%dma_wait3A_449 : memref<10240x32xf32, #tpu.memory_space<vmem_shared>>) dst(%arg13 : memref<128x32xf32, #tpu.memory_space<vmem>>)
    %dma_start3A_450 = arith.constant 77 : i32
    %dma_start3A_451 = arith.constant 0 : i32
    %dma_start3A_452 = tpu.memref_slice %arg7[%dma_start3A_450, %dma_start3A_451] : memref<81x128xi32, #tpu.memory_space<vmem>> -> memref<1x128xi32, #tpu.memory_space<vmem>>
    %dma_start3A_453 = tpu.memref_squeeze %dma_start3A_452 : memref<1x128xi32, #tpu.memory_space<vmem>> -> memref<128xi32, #tpu.memory_space<vmem>>
    %dma_start3A_454 = arith.constant 0 : i32
    %dma_start3A_455 = arith.constant 0 : i32
    %dma_start3A_456 = tpu.memref_slice %arg35[%dma_start3A_454, %dma_start3A_455] : memref<10240x32xf32, #tpu.memory_space<vmem_shared>> -> memref<10240x32xf32, #tpu.memory_space<vmem_shared>>
    tpu.enqueue_indirect_dma source(%arg13 : memref<128x32xf32, #tpu.memory_space<vmem>>) target(%dma_start3A_456 : memref<10240x32xf32, #tpu.memory_space<vmem_shared>>) offsets(%dma_start3A_453 : memref<128xi32, #tpu.memory_space<vmem>>) semaphore(%arg31 : memref<!tpu.dma_semaphore, #tpu.memory_space<semaphore_mem>>) {add = true}
    %dma_wait3A_457 = arith.constant 78 : i32
    %dma_wait3A_458 = arith.constant 0 : i32
    %dma_wait3A_459 = tpu.memref_slice %arg6[%dma_wait3A_457, %dma_wait3A_458] : memref<81x128xi32, #tpu.memory_space<vmem>> -> memref<1x128xi32, #tpu.memory_space<vmem>>
    %dma_wait3A_460 = tpu.memref_squeeze %dma_wait3A_459 : memref<1x128xi32, #tpu.memory_space<vmem>> -> memref<128xi32, #tpu.memory_space<vmem>>
    %dma_wait3A_461 = arith.constant 0 : i32
    %dma_wait3A_462 = arith.constant 0 : i32
    %dma_wait3A_463 = tpu.memref_slice %arg36[%dma_wait3A_461, %dma_wait3A_462] : memref<10240x32xf32, #tpu.memory_space<vmem_shared>> -> memref<10240x32xf32, #tpu.memory_space<vmem_shared>>
    tpu.wait_indirect_dma semaphore(%arg23 : memref<!tpu.dma_semaphore, #tpu.memory_space<semaphore_mem>>) src(%dma_wait3A_463 : memref<10240x32xf32, #tpu.memory_space<vmem_shared>>) dst(%arg14 : memref<128x32xf32, #tpu.memory_space<vmem>>)
    %dma_start3A_464 = arith.constant 78 : i32
    %dma_start3A_465 = arith.constant 0 : i32
    %dma_start3A_466 = tpu.memref_slice %arg7[%dma_start3A_464, %dma_start3A_465] : memref<81x128xi32, #tpu.memory_space<vmem>> -> memref<1x128xi32, #tpu.memory_space<vmem>>
    %dma_start3A_467 = tpu.memref_squeeze %dma_start3A_466 : memref<1x128xi32, #tpu.memory_space<vmem>> -> memref<128xi32, #tpu.memory_space<vmem>>
    %dma_start3A_468 = arith.constant 0 : i32
    %dma_start3A_469 = arith.constant 0 : i32
    %dma_start3A_470 = tpu.memref_slice %arg35[%dma_start3A_468, %dma_start3A_469] : memref<10240x32xf32, #tpu.memory_space<vmem_shared>> -> memref<10240x32xf32, #tpu.memory_space<vmem_shared>>
    tpu.enqueue_indirect_dma source(%arg14 : memref<128x32xf32, #tpu.memory_space<vmem>>) target(%dma_start3A_470 : memref<10240x32xf32, #tpu.memory_space<vmem_shared>>) offsets(%dma_start3A_467 : memref<128xi32, #tpu.memory_space<vmem>>) semaphore(%arg32 : memref<!tpu.dma_semaphore, #tpu.memory_space<semaphore_mem>>) {add = true}
    %dma_wait3A_471 = arith.constant 79 : i32
    %dma_wait3A_472 = arith.constant 0 : i32
    %dma_wait3A_473 = tpu.memref_slice %arg6[%dma_wait3A_471, %dma_wait3A_472] : memref<81x128xi32, #tpu.memory_space<vmem>> -> memref<1x128xi32, #tpu.memory_space<vmem>>
    %dma_wait3A_474 = tpu.memref_squeeze %dma_wait3A_473 : memref<1x128xi32, #tpu.memory_space<vmem>> -> memref<128xi32, #tpu.memory_space<vmem>>
    %dma_wait3A_475 = arith.constant 0 : i32
    %dma_wait3A_476 = arith.constant 0 : i32
    %dma_wait3A_477 = tpu.memref_slice %arg36[%dma_wait3A_475, %dma_wait3A_476] : memref<10240x32xf32, #tpu.memory_space<vmem_shared>> -> memref<10240x32xf32, #tpu.memory_space<vmem_shared>>
    tpu.wait_indirect_dma semaphore(%arg24 : memref<!tpu.dma_semaphore, #tpu.memory_space<semaphore_mem>>) src(%dma_wait3A_477 : memref<10240x32xf32, #tpu.memory_space<vmem_shared>>) dst(%arg15 : memref<128x32xf32, #tpu.memory_space<vmem>>)
    %dma_start3A_478 = arith.constant 79 : i32
    %dma_start3A_479 = arith.constant 0 : i32
    %dma_start3A_480 = tpu.memref_slice %arg7[%dma_start3A_478, %dma_start3A_479] : memref<81x128xi32, #tpu.memory_space<vmem>> -> memref<1x128xi32, #tpu.memory_space<vmem>>
    %dma_start3A_481 = tpu.memref_squeeze %dma_start3A_480 : memref<1x128xi32, #tpu.memory_space<vmem>> -> memref<128xi32, #tpu.memory_space<vmem>>
    %dma_start3A_482 = arith.constant 0 : i32
    %dma_start3A_483 = arith.constant 0 : i32
    %dma_start3A_484 = tpu.memref_slice %arg35[%dma_start3A_482, %dma_start3A_483] : memref<10240x32xf32, #tpu.memory_space<vmem_shared>> -> memref<10240x32xf32, #tpu.memory_space<vmem_shared>>
    tpu.enqueue_indirect_dma source(%arg15 : memref<128x32xf32, #tpu.memory_space<vmem>>) target(%dma_start3A_484 : memref<10240x32xf32, #tpu.memory_space<vmem_shared>>) offsets(%dma_start3A_481 : memref<128xi32, #tpu.memory_space<vmem>>) semaphore(%arg33 : memref<!tpu.dma_semaphore, #tpu.memory_space<semaphore_mem>>) {add = true}
    %dma_wait3A_485 = arith.constant 80 : i32
    %dma_wait3A_486 = arith.constant 0 : i32
    %dma_wait3A_487 = tpu.memref_slice %arg6[%dma_wait3A_485, %dma_wait3A_486] : memref<81x128xi32, #tpu.memory_space<vmem>> -> memref<1x128xi32, #tpu.memory_space<vmem>>
    %dma_wait3A_488 = tpu.memref_squeeze %dma_wait3A_487 : memref<1x128xi32, #tpu.memory_space<vmem>> -> memref<128xi32, #tpu.memory_space<vmem>>
    %dma_wait3A_489 = arith.constant 0 : i32
    %dma_wait3A_490 = arith.constant 0 : i32
    %dma_wait3A_491 = tpu.memref_slice %arg36[%dma_wait3A_489, %dma_wait3A_490] : memref<10240x32xf32, #tpu.memory_space<vmem_shared>> -> memref<10240x32xf32, #tpu.memory_space<vmem_shared>>
    tpu.wait_indirect_dma semaphore(%arg25 : memref<!tpu.dma_semaphore, #tpu.memory_space<semaphore_mem>>) src(%dma_wait3A_491 : memref<10240x32xf32, #tpu.memory_space<vmem_shared>>) dst(%arg16 : memref<128x32xf32, #tpu.memory_space<vmem>>)
    %dma_start3A_492 = arith.constant 80 : i32
    %dma_start3A_493 = arith.constant 0 : i32
    %dma_start3A_494 = tpu.memref_slice %arg7[%dma_start3A_492, %dma_start3A_493] : memref<81x128xi32, #tpu.memory_space<vmem>> -> memref<1x128xi32, #tpu.memory_space<vmem>>
    %dma_start3A_495 = tpu.memref_squeeze %dma_start3A_494 : memref<1x128xi32, #tpu.memory_space<vmem>> -> memref<128xi32, #tpu.memory_space<vmem>>
    %dma_start3A_496 = arith.constant 0 : i32
    %dma_start3A_497 = arith.constant 0 : i32
    %dma_start3A_498 = tpu.memref_slice %arg35[%dma_start3A_496, %dma_start3A_497] : memref<10240x32xf32, #tpu.memory_space<vmem_shared>> -> memref<10240x32xf32, #tpu.memory_space<vmem_shared>>
    tpu.enqueue_indirect_dma source(%arg16 : memref<128x32xf32, #tpu.memory_space<vmem>>) target(%dma_start3A_498 : memref<10240x32xf32, #tpu.memory_space<vmem_shared>>) offsets(%dma_start3A_495 : memref<128xi32, #tpu.memory_space<vmem>>) semaphore(%arg34 : memref<!tpu.dma_semaphore, #tpu.memory_space<semaphore_mem>>) {add = true}
    %dma_wait3A_499 = arith.constant 72 : i32
    %dma_wait3A_500 = arith.constant 0 : i32
    %dma_wait3A_501 = tpu.memref_slice %arg7[%dma_wait3A_499, %dma_wait3A_500] : memref<81x128xi32, #tpu.memory_space<vmem>> -> memref<1x128xi32, #tpu.memory_space<vmem>>
    %dma_wait3A_502 = tpu.memref_squeeze %dma_wait3A_501 : memref<1x128xi32, #tpu.memory_space<vmem>> -> memref<128xi32, #tpu.memory_space<vmem>>
    %dma_wait3A_503 = arith.constant 0 : i32
    %dma_wait3A_504 = arith.constant 0 : i32
    %dma_wait3A_505 = tpu.memref_slice %arg35[%dma_wait3A_503, %dma_wait3A_504] : memref<10240x32xf32, #tpu.memory_space<vmem_shared>> -> memref<10240x32xf32, #tpu.memory_space<vmem_shared>>
    tpu.wait_indirect_dma semaphore(%arg26 : memref<!tpu.dma_semaphore, #tpu.memory_space<semaphore_mem>>) src(%arg8 : memref<128x32xf32, #tpu.memory_space<vmem>>) dst(%dma_wait3A_505 : memref<10240x32xf32, #tpu.memory_space<vmem_shared>>)
    %dma_wait3A_506 = arith.constant 73 : i32
    %dma_wait3A_507 = arith.constant 0 : i32
    %dma_wait3A_508 = tpu.memref_slice %arg7[%dma_wait3A_506, %dma_wait3A_507] : memref<81x128xi32, #tpu.memory_space<vmem>> -> memref<1x128xi32, #tpu.memory_space<vmem>>
    %dma_wait3A_509 = tpu.memref_squeeze %dma_wait3A_508 : memref<1x128xi32, #tpu.memory_space<vmem>> -> memref<128xi32, #tpu.memory_space<vmem>>
    %dma_wait3A_510 = arith.constant 0 : i32
    %dma_wait3A_511 = arith.constant 0 : i32
    %dma_wait3A_512 = tpu.memref_slice %arg35[%dma_wait3A_510, %dma_wait3A_511] : memref<10240x32xf32, #tpu.memory_space<vmem_shared>> -> memref<10240x32xf32, #tpu.memory_space<vmem_shared>>
    tpu.wait_indirect_dma semaphore(%arg27 : memref<!tpu.dma_semaphore, #tpu.memory_space<semaphore_mem>>) src(%arg9 : memref<128x32xf32, #tpu.memory_space<vmem>>) dst(%dma_wait3A_512 : memref<10240x32xf32, #tpu.memory_space<vmem_shared>>)
    %dma_wait3A_513 = arith.constant 74 : i32
    %dma_wait3A_514 = arith.constant 0 : i32
    %dma_wait3A_515 = tpu.memref_slice %arg7[%dma_wait3A_513, %dma_wait3A_514] : memref<81x128xi32, #tpu.memory_space<vmem>> -> memref<1x128xi32, #tpu.memory_space<vmem>>
    %dma_wait3A_516 = tpu.memref_squeeze %dma_wait3A_515 : memref<1x128xi32, #tpu.memory_space<vmem>> -> memref<128xi32, #tpu.memory_space<vmem>>
    %dma_wait3A_517 = arith.constant 0 : i32
    %dma_wait3A_518 = arith.constant 0 : i32
    %dma_wait3A_519 = tpu.memref_slice %arg35[%dma_wait3A_517, %dma_wait3A_518] : memref<10240x32xf32, #tpu.memory_space<vmem_shared>> -> memref<10240x32xf32, #tpu.memory_space<vmem_shared>>
    tpu.wait_indirect_dma semaphore(%arg28 : memref<!tpu.dma_semaphore, #tpu.memory_space<semaphore_mem>>) src(%arg10 : memref<128x32xf32, #tpu.memory_space<vmem>>) dst(%dma_wait3A_519 : memref<10240x32xf32, #tpu.memory_space<vmem_shared>>)
    %dma_wait3A_520 = arith.constant 75 : i32
    %dma_wait3A_521 = arith.constant 0 : i32
    %dma_wait3A_522 = tpu.memref_slice %arg7[%dma_wait3A_520, %dma_wait3A_521] : memref<81x128xi32, #tpu.memory_space<vmem>> -> memref<1x128xi32, #tpu.memory_space<vmem>>
    %dma_wait3A_523 = tpu.memref_squeeze %dma_wait3A_522 : memref<1x128xi32, #tpu.memory_space<vmem>> -> memref<128xi32, #tpu.memory_space<vmem>>
    %dma_wait3A_524 = arith.constant 0 : i32
    %dma_wait3A_525 = arith.constant 0 : i32
    %dma_wait3A_526 = tpu.memref_slice %arg35[%dma_wait3A_524, %dma_wait3A_525] : memref<10240x32xf32, #tpu.memory_space<vmem_shared>> -> memref<10240x32xf32, #tpu.memory_space<vmem_shared>>
    tpu.wait_indirect_dma semaphore(%arg29 : memref<!tpu.dma_semaphore, #tpu.memory_space<semaphore_mem>>) src(%arg11 : memref<128x32xf32, #tpu.memory_space<vmem>>) dst(%dma_wait3A_526 : memref<10240x32xf32, #tpu.memory_space<vmem_shared>>)
    %dma_wait3A_527 = arith.constant 76 : i32
    %dma_wait3A_528 = arith.constant 0 : i32
    %dma_wait3A_529 = tpu.memref_slice %arg7[%dma_wait3A_527, %dma_wait3A_528] : memref<81x128xi32, #tpu.memory_space<vmem>> -> memref<1x128xi32, #tpu.memory_space<vmem>>
    %dma_wait3A_530 = tpu.memref_squeeze %dma_wait3A_529 : memref<1x128xi32, #tpu.memory_space<vmem>> -> memref<128xi32, #tpu.memory_space<vmem>>
    %dma_wait3A_531 = arith.constant 0 : i32
    %dma_wait3A_532 = arith.constant 0 : i32
    %dma_wait3A_533 = tpu.memref_slice %arg35[%dma_wait3A_531, %dma_wait3A_532] : memref<10240x32xf32, #tpu.memory_space<vmem_shared>> -> memref<10240x32xf32, #tpu.memory_space<vmem_shared>>
    tpu.wait_indirect_dma semaphore(%arg30 : memref<!tpu.dma_semaphore, #tpu.memory_space<semaphore_mem>>) src(%arg12 : memref<128x32xf32, #tpu.memory_space<vmem>>) dst(%dma_wait3A_533 : memref<10240x32xf32, #tpu.memory_space<vmem_shared>>)
    %dma_wait3A_534 = arith.constant 77 : i32
    %dma_wait3A_535 = arith.constant 0 : i32
    %dma_wait3A_536 = tpu.memref_slice %arg7[%dma_wait3A_534, %dma_wait3A_535] : memref<81x128xi32, #tpu.memory_space<vmem>> -> memref<1x128xi32, #tpu.memory_space<vmem>>
    %dma_wait3A_537 = tpu.memref_squeeze %dma_wait3A_536 : memref<1x128xi32, #tpu.memory_space<vmem>> -> memref<128xi32, #tpu.memory_space<vmem>>
    %dma_wait3A_538 = arith.constant 0 : i32
    %dma_wait3A_539 = arith.constant 0 : i32
    %dma_wait3A_540 = tpu.memref_slice %arg35[%dma_wait3A_538, %dma_wait3A_539] : memref<10240x32xf32, #tpu.memory_space<vmem_shared>> -> memref<10240x32xf32, #tpu.memory_space<vmem_shared>>
    tpu.wait_indirect_dma semaphore(%arg31 : memref<!tpu.dma_semaphore, #tpu.memory_space<semaphore_mem>>) src(%arg13 : memref<128x32xf32, #tpu.memory_space<vmem>>) dst(%dma_wait3A_540 : memref<10240x32xf32, #tpu.memory_space<vmem_shared>>)
    %dma_wait3A_541 = arith.constant 78 : i32
    %dma_wait3A_542 = arith.constant 0 : i32
    %dma_wait3A_543 = tpu.memref_slice %arg7[%dma_wait3A_541, %dma_wait3A_542] : memref<81x128xi32, #tpu.memory_space<vmem>> -> memref<1x128xi32, #tpu.memory_space<vmem>>
    %dma_wait3A_544 = tpu.memref_squeeze %dma_wait3A_543 : memref<1x128xi32, #tpu.memory_space<vmem>> -> memref<128xi32, #tpu.memory_space<vmem>>
    %dma_wait3A_545 = arith.constant 0 : i32
    %dma_wait3A_546 = arith.constant 0 : i32
    %dma_wait3A_547 = tpu.memref_slice %arg35[%dma_wait3A_545, %dma_wait3A_546] : memref<10240x32xf32, #tpu.memory_space<vmem_shared>> -> memref<10240x32xf32, #tpu.memory_space<vmem_shared>>
    tpu.wait_indirect_dma semaphore(%arg32 : memref<!tpu.dma_semaphore, #tpu.memory_space<semaphore_mem>>) src(%arg14 : memref<128x32xf32, #tpu.memory_space<vmem>>) dst(%dma_wait3A_547 : memref<10240x32xf32, #tpu.memory_space<vmem_shared>>)
    %dma_wait3A_548 = arith.constant 79 : i32
    %dma_wait3A_549 = arith.constant 0 : i32
    %dma_wait3A_550 = tpu.memref_slice %arg7[%dma_wait3A_548, %dma_wait3A_549] : memref<81x128xi32, #tpu.memory_space<vmem>> -> memref<1x128xi32, #tpu.memory_space<vmem>>
    %dma_wait3A_551 = tpu.memref_squeeze %dma_wait3A_550 : memref<1x128xi32, #tpu.memory_space<vmem>> -> memref<128xi32, #tpu.memory_space<vmem>>
    %dma_wait3A_552 = arith.constant 0 : i32
    %dma_wait3A_553 = arith.constant 0 : i32
    %dma_wait3A_554 = tpu.memref_slice %arg35[%dma_wait3A_552, %dma_wait3A_553] : memref<10240x32xf32, #tpu.memory_space<vmem_shared>> -> memref<10240x32xf32, #tpu.memory_space<vmem_shared>>
    tpu.wait_indirect_dma semaphore(%arg33 : memref<!tpu.dma_semaphore, #tpu.memory_space<semaphore_mem>>) src(%arg15 : memref<128x32xf32, #tpu.memory_space<vmem>>) dst(%dma_wait3A_554 : memref<10240x32xf32, #tpu.memory_space<vmem_shared>>)
    %dma_wait3A_555 = arith.constant 80 : i32
    %dma_wait3A_556 = arith.constant 0 : i32
    %dma_wait3A_557 = tpu.memref_slice %arg7[%dma_wait3A_555, %dma_wait3A_556] : memref<81x128xi32, #tpu.memory_space<vmem>> -> memref<1x128xi32, #tpu.memory_space<vmem>>
    %dma_wait3A_558 = tpu.memref_squeeze %dma_wait3A_557 : memref<1x128xi32, #tpu.memory_space<vmem>> -> memref<128xi32, #tpu.memory_space<vmem>>
    %dma_wait3A_559 = arith.constant 0 : i32
    %dma_wait3A_560 = arith.constant 0 : i32
    %dma_wait3A_561 = tpu.memref_slice %arg35[%dma_wait3A_559, %dma_wait3A_560] : memref<10240x32xf32, #tpu.memory_space<vmem_shared>> -> memref<10240x32xf32, #tpu.memory_space<vmem_shared>>
    tpu.wait_indirect_dma semaphore(%arg34 : memref<!tpu.dma_semaphore, #tpu.memory_space<semaphore_mem>>) src(%arg16 : memref<128x32xf32, #tpu.memory_space<vmem>>) dst(%dma_wait3A_561 : memref<10240x32xf32, #tpu.memory_space<vmem_shared>>)
    %barrier3A_562 = arith.constant 0 : index
    tpu.barrier barrier_id(%barrier3A_562)
    "tpu.region"() ({
      %run_scoped3A = tpu.sem_alloc : memref<!tpu.dma_semaphore, #tpu.memory_space<semaphore_mem>>
      %dma_start3A_563 = arith.constant 0 : i32
      %dma_start3A_564 = tpu.memref_slice %arg5[%arg0, %mul3A_2, %dma_start3A_563] : memref<2x10240x32xf32, #tpu.memory_space<hbm>> -> memref<1x640x32xf32, #tpu.memory_space<hbm>>
      %dma_start3A_565 = tpu.memref_squeeze %dma_start3A_564 : memref<1x640x32xf32, #tpu.memory_space<hbm>> -> memref<640x32xf32, #tpu.memory_space<hbm>>
      %dma_start3A_566 = arith.constant 0 : i32
      %dma_start3A_567 = tpu.memref_slice %arg35[%mul3A_2, %dma_start3A_566] : memref<10240x32xf32, #tpu.memory_space<vmem_shared>> -> memref<640x32xf32, #tpu.memory_space<vmem_shared>>
      tpu.enqueue_dma source(%dma_start3A_567 : memref<640x32xf32, #tpu.memory_space<vmem_shared>>) target(%dma_start3A_565 : memref<640x32xf32, #tpu.memory_space<hbm>>) target_semaphore(%run_scoped3A : memref<!tpu.dma_semaphore, #tpu.memory_space<semaphore_mem>>)
      %dma_wait3A_568 = arith.constant 0 : i32
      %dma_wait3A_569 = tpu.memref_slice %arg5[%arg0, %mul3A_2, %dma_wait3A_568] : memref<2x10240x32xf32, #tpu.memory_space<hbm>> -> memref<1x640x32xf32, #tpu.memory_space<hbm>>
      %dma_wait3A_570 = tpu.memref_squeeze %dma_wait3A_569 : memref<1x640x32xf32, #tpu.memory_space<hbm>> -> memref<640x32xf32, #tpu.memory_space<hbm>>
      %dma_wait3A_571 = arith.constant 0 : i32
      %dma_wait3A_572 = tpu.memref_slice %arg35[%mul3A_2, %dma_wait3A_571] : memref<10240x32xf32, #tpu.memory_space<vmem_shared>> -> memref<640x32xf32, #tpu.memory_space<vmem_shared>>
      tpu.wait_dma2 semaphore(%run_scoped3A : memref<!tpu.dma_semaphore, #tpu.memory_space<semaphore_mem>>) src(%dma_wait3A_572 : memref<640x32xf32, #tpu.memory_space<vmem_shared>>) dst(%dma_wait3A_570 : memref<640x32xf32, #tpu.memory_space<hbm>>)
      tpu.yield
    }) : () -> ()
    return
  }
}

module attributes {stable_mosaic.version = 14 : i64} {
  func.func @_tc_stage1(%arg0: memref<32x10240xf32, #tpu.memory_space<hbm>>, %arg1: memref<10000x128xf32, #tpu.memory_space<vmem>>, %arg2: memref<128x32xf32, #tpu.memory_space<vmem>>, %arg3: memref<10240x32xf32, #tpu.memory_space<hbm>>, %arg4: memref<10000x1xf32, #tpu.memory_space<vmem>>, %arg5: memref<32x10240xf32, #tpu.memory_space<vmem>>, %arg6: memref<10000x32xf32, #tpu.memory_space<vmem>>, %arg7: memref<!tpu.dma_semaphore, #tpu.memory_space<semaphore_mem>>, %arg8: memref<!tpu.dma_semaphore, #tpu.memory_space<semaphore_mem>>) attributes {dimension_semantics = [], scalar_prefetch = 0 : i64, scratch_operands = 4 : i64, tpu.core_type = #tpu.core_type<tc>} {
    tpu.enqueue_dma source(%arg0 : memref<32x10240xf32, #tpu.memory_space<hbm>>) target(%arg5 : memref<32x10240xf32, #tpu.memory_space<vmem>>) target_semaphore(%arg7 : memref<!tpu.dma_semaphore, #tpu.memory_space<semaphore_mem>>)
    tpu.wait_dma2 semaphore(%arg7 : memref<!tpu.dma_semaphore, #tpu.memory_space<semaphore_mem>>) src(%arg0 : memref<32x10240xf32, #tpu.memory_space<hbm>>) dst(%arg5 : memref<32x10240xf32, #tpu.memory_space<vmem>>)
    %get3A = arith.constant 0 : index
    %get3A_0 = arith.constant 0 : index
    %get3A_1 = vector.load %arg5[%get3A, %get3A_0] : memref<32x10240xf32, #tpu.memory_space<vmem>>, vector<32x10240xf32>
    %broadcast_in_dim3A = arith.constant 1.000000e+00 : f32
    %broadcast_in_dim3A_2 = vector.broadcast %broadcast_in_dim3A : f32 to vector<32x1xf32>
    %dot_general3A = arith.constant dense<0.000000e+00> : vector<10240x1xf32>
    %dot_general3A_3 = tpu.matmul %get3A_1, %broadcast_in_dim3A_2, %dot_general3A {dimension_numbers = #tpu.dot_dimension_numbers<[0], [0], [1], [1], [0, 1, 1, 1], [], []>, transpose_lhs_hint = false} : vector<32x10240xf32>, vector<32x1xf32>, vector<10240x1xf32> -> vector<10240x1xf32>
    %slice3A = vector.extract_strided_slice %dot_general3A_3 {offsets = [0, 0], sizes = [10000, 1], strides = [1, 1]} : vector<10240x1xf32> to vector<10000x1xf32>
    %rsqrt3A = math.rsqrt %slice3A : vector<10000x1xf32>
    %swap3A = arith.constant 0 : index
    %swap3A_4 = arith.constant 0 : index
    %swap3A_5 = vector.load %arg4[%swap3A, %swap3A_4] : memref<10000x1xf32, #tpu.memory_space<vmem>>, vector<10000x1xf32>
    tpu.vector_store %arg4[%swap3A, %swap3A_4], %rsqrt3A {strides = array<i32>} : memref<10000x1xf32, #tpu.memory_space<vmem>>, vector<10000x1xf32>,
    %get3A_6 = arith.constant 0 : index
    %get3A_7 = arith.constant 0 : index
    %get3A_8 = vector.load %arg1[%get3A_6, %get3A_7] : memref<10000x128xf32, #tpu.memory_space<vmem>>, vector<10000x128xf32>
    %get3A_9 = arith.constant 0 : index
    %get3A_10 = arith.constant 0 : index
    %get3A_11 = vector.load %arg2[%get3A_9, %get3A_10] : memref<128x32xf32, #tpu.memory_space<vmem>>, vector<128x32xf32>
    %dot_general3A_12 = arith.constant dense<0.000000e+00> : vector<10000x32xf32>
    %dot_general3A_13 = tpu.matmul %get3A_8, %get3A_11, %dot_general3A_12 {dimension_numbers = #tpu.dot_dimension_numbers<[1], [0], [0], [1], [0, 0, 1, 1], [], []>, transpose_lhs_hint = false} : vector<10000x128xf32>, vector<128x32xf32>, vector<10000x32xf32> -> vector<10000x32xf32>
    %mul3A = vector.broadcast %rsqrt3A : vector<10000x1xf32> to vector<10000x32xf32>
    %mul3A_14 = arith.mulf %dot_general3A_13, %mul3A : vector<10000x32xf32>
    %swap3A_15 = arith.constant 0 : index
    %swap3A_16 = arith.constant 0 : index
    %swap3A_17 = vector.load %arg6[%swap3A_15, %swap3A_16] : memref<10000x32xf32, #tpu.memory_space<vmem>>, vector<10000x32xf32>
    tpu.vector_store %arg6[%swap3A_15, %swap3A_16], %mul3A_14 {strides = array<i32>} : memref<10000x32xf32, #tpu.memory_space<vmem>>, vector<10000x32xf32>,
    %dma_start3A = arith.constant 0 : i32
    %dma_start3A_18 = arith.constant 0 : i32
    %dma_start3A_19 = tpu.memref_slice %arg3[%dma_start3A, %dma_start3A_18] : memref<10240x32xf32, #tpu.memory_space<hbm>> -> memref<10000x32xf32, #tpu.memory_space<hbm>>
    tpu.enqueue_dma source(%arg6 : memref<10000x32xf32, #tpu.memory_space<vmem>>) target(%dma_start3A_19 : memref<10000x32xf32, #tpu.memory_space<hbm>>) target_semaphore(%arg8 : memref<!tpu.dma_semaphore, #tpu.memory_space<semaphore_mem>>)
    %dma_wait3A = arith.constant 0 : i32
    %dma_wait3A_20 = arith.constant 0 : i32
    %dma_wait3A_21 = tpu.memref_slice %arg3[%dma_wait3A, %dma_wait3A_20] : memref<10240x32xf32, #tpu.memory_space<hbm>> -> memref<10000x32xf32, #tpu.memory_space<hbm>>
    tpu.wait_dma2 semaphore(%arg8 : memref<!tpu.dma_semaphore, #tpu.memory_space<semaphore_mem>>) src(%arg6 : memref<10000x32xf32, #tpu.memory_space<vmem>>) dst(%dma_wait3A_21 : memref<10000x32xf32, #tpu.memory_space<hbm>>)
    return
  }
}

module attributes {stable_mosaic.version = 14 : i64} {
  func.func @_tc_stage2(%arg0: memref<2x2560x128xf32, #tpu.memory_space<hbm>>, %arg1: memref<2500x128xf32, #tpu.memory_space<vmem>>, %arg2: memref<1x128xf32, #tpu.memory_space<vmem>>, %arg3: memref<2560x128xf32, #tpu.memory_space<hbm>>, %arg4: memref<2x2560x128xf32, #tpu.memory_space<vmem>>, %arg5: memref<2500x128xf32, #tpu.memory_space<vmem>>, %arg6: memref<!tpu.dma_semaphore, #tpu.memory_space<semaphore_mem>>, %arg7: memref<!tpu.dma_semaphore, #tpu.memory_space<semaphore_mem>>) attributes {dimension_semantics = [], scalar_prefetch = 0 : i64, scratch_operands = 4 : i64, tpu.core_type = #tpu.core_type<tc>} {
    tpu.enqueue_dma source(%arg0 : memref<2x2560x128xf32, #tpu.memory_space<hbm>>) target(%arg4 : memref<2x2560x128xf32, #tpu.memory_space<vmem>>) target_semaphore(%arg6 : memref<!tpu.dma_semaphore, #tpu.memory_space<semaphore_mem>>)
    tpu.wait_dma2 semaphore(%arg6 : memref<!tpu.dma_semaphore, #tpu.memory_space<semaphore_mem>>) src(%arg0 : memref<2x2560x128xf32, #tpu.memory_space<hbm>>) dst(%arg4 : memref<2x2560x128xf32, #tpu.memory_space<vmem>>)
    %get3A = arith.constant 0 : index
    %get3A_0 = arith.constant 0 : index
    %get3A_1 = vector.load %arg1[%get3A, %get3A_0] : memref<2500x128xf32, #tpu.memory_space<vmem>>, vector<2500x128xf32>
    %get3A_2 = arith.constant 0 : index
    %get3A_3 = arith.constant 0 : index
    %get3A_4 = arith.constant 0 : index
    %get3A_5 = vector.load %arg4[%get3A_2, %get3A_3, %get3A_4] : memref<2x2560x128xf32, #tpu.memory_space<vmem>>, vector<1x2500x128xf32>
    %get3A_6 = vector.shape_cast %get3A_5 : vector<1x2500x128xf32> to vector<2500x128xf32>
    %get3A_7 = arith.constant 1 : index
    %get3A_8 = arith.constant 0 : index
    %get3A_9 = arith.constant 0 : index
    %get3A_10 = vector.load %arg4[%get3A_7, %get3A_8, %get3A_9] : memref<2x2560x128xf32, #tpu.memory_space<vmem>>, vector<1x2500x128xf32>
    %get3A_11 = vector.shape_cast %get3A_10 : vector<1x2500x128xf32> to vector<2500x128xf32>
    %add3A = arith.addf %get3A_6, %get3A_11 : vector<2500x128xf32>
    %mul3A = arith.mulf %add3A, %get3A_1 : vector<2500x128xf32>
    %get3A_12 = arith.constant 0 : index
    %get3A_13 = arith.constant 0 : index
    %get3A_14 = vector.load %arg2[%get3A_12, %get3A_13] : memref<1x128xf32, #tpu.memory_space<vmem>>, vector<1x128xf32>
    %add3A_15 = vector.broadcast %get3A_14 : vector<1x128xf32> to vector<2500x128xf32>
    %add3A_16 = arith.addf %mul3A, %add3A_15 : vector<2500x128xf32>
    %gt3A = arith.constant 0.000000e+00 : f32
    %gt3A_17 = vector.broadcast %gt3A : f32 to vector<2500x128xf32>
    %gt3A_18 = arith.cmpf ogt, %add3A_16, %gt3A_17 : vector<2500x128xf32>
    %min3A = arith.constant 0.000000e+00 : f32
    %min3A_19 = vector.broadcast %min3A : f32 to vector<2500x128xf32>
    %min3A_20 = arith.minimumf %add3A_16, %min3A_19 : vector<2500x128xf32>
    %exp3A = math.exp %min3A_20 : vector<2500x128xf32>
    %sub3A = arith.constant 1.000000e+00 : f32
    %sub3A_21 = vector.broadcast %sub3A : f32 to vector<2500x128xf32>
    %sub3A_22 = arith.subf %exp3A, %sub3A_21 : vector<2500x128xf32>
    %select_n3A = arith.select %gt3A_18, %add3A_16, %sub3A_22 : vector<2500x128xi1>, vector<2500x128xf32>
    %mul3A_23 = arith.mulf %select_n3A, %get3A_1 : vector<2500x128xf32>
    %swap3A = arith.constant 0 : index
    %swap3A_24 = arith.constant 0 : index
    %swap3A_25 = vector.load %arg5[%swap3A, %swap3A_24] : memref<2500x128xf32, #tpu.memory_space<vmem>>, vector<2500x128xf32>
    tpu.vector_store %arg5[%swap3A, %swap3A_24], %mul3A_23 {strides = array<i32>} : memref<2500x128xf32, #tpu.memory_space<vmem>>, vector<2500x128xf32>,
    %dma_start3A = arith.constant 0 : i32
    %dma_start3A_26 = arith.constant 0 : i32
    %dma_start3A_27 = tpu.memref_slice %arg3[%dma_start3A, %dma_start3A_26] : memref<2560x128xf32, #tpu.memory_space<hbm>> -> memref<2500x128xf32, #tpu.memory_space<hbm>>
    tpu.enqueue_dma source(%arg5 : memref<2500x128xf32, #tpu.memory_space<vmem>>) target(%dma_start3A_27 : memref<2500x128xf32, #tpu.memory_space<hbm>>) target_semaphore(%arg7 : memref<!tpu.dma_semaphore, #tpu.memory_space<semaphore_mem>>)
    %dma_wait3A = arith.constant 0 : i32
    %dma_wait3A_28 = arith.constant 0 : i32
    %dma_wait3A_29 = tpu.memref_slice %arg3[%dma_wait3A, %dma_wait3A_28] : memref<2560x128xf32, #tpu.memory_space<hbm>> -> memref<2500x128xf32, #tpu.memory_space<hbm>>
    tpu.wait_dma2 semaphore(%arg7 : memref<!tpu.dma_semaphore, #tpu.memory_space<semaphore_mem>>) src(%arg5 : memref<2500x128xf32, #tpu.memory_space<vmem>>) dst(%dma_wait3A_29 : memref<2500x128xf32, #tpu.memory_space<hbm>>)
    return
  }
}

module attributes {stable_mosaic.version = 14 : i64} {
  func.func @_tc_stage3(%arg0: memref<2x2560x128xf32, #tpu.memory_space<hbm>>, %arg1: memref<2500x128xf32, #tpu.memory_space<vmem>>, %arg2: memref<128x256xf32, #tpu.memory_space<vmem>>, %arg3: memref<1x256xf32, #tpu.memory_space<vmem>>, %arg4: memref<256x128xf32, #tpu.memory_space<vmem>>, %arg5: memref<2560x128xf32, #tpu.memory_space<hbm>>, %arg6: memref<2x2560x128xf32, #tpu.memory_space<vmem>>, %arg7: memref<2500x128xf32, #tpu.memory_space<vmem>>, %arg8: memref<!tpu.dma_semaphore, #tpu.memory_space<semaphore_mem>>, %arg9: memref<!tpu.dma_semaphore, #tpu.memory_space<semaphore_mem>>) attributes {dimension_semantics = [], scalar_prefetch = 0 : i64, scratch_operands = 4 : i64, tpu.core_type = #tpu.core_type<tc>} {
    tpu.enqueue_dma source(%arg0 : memref<2x2560x128xf32, #tpu.memory_space<hbm>>) target(%arg6 : memref<2x2560x128xf32, #tpu.memory_space<vmem>>) target_semaphore(%arg8 : memref<!tpu.dma_semaphore, #tpu.memory_space<semaphore_mem>>)
    tpu.wait_dma2 semaphore(%arg8 : memref<!tpu.dma_semaphore, #tpu.memory_space<semaphore_mem>>) src(%arg0 : memref<2x2560x128xf32, #tpu.memory_space<hbm>>) dst(%arg6 : memref<2x2560x128xf32, #tpu.memory_space<vmem>>)
    %get3A = arith.constant 0 : index
    %get3A_0 = arith.constant 0 : index
    %get3A_1 = vector.load %arg1[%get3A, %get3A_0] : memref<2500x128xf32, #tpu.memory_space<vmem>>, vector<2500x128xf32>
    %get3A_2 = arith.constant 0 : index
    %get3A_3 = arith.constant 0 : index
    %get3A_4 = arith.constant 0 : index
    %get3A_5 = vector.load %arg6[%get3A_2, %get3A_3, %get3A_4] : memref<2x2560x128xf32, #tpu.memory_space<vmem>>, vector<1x2500x128xf32>
    %get3A_6 = vector.shape_cast %get3A_5 : vector<1x2500x128xf32> to vector<2500x128xf32>
    %get3A_7 = arith.constant 1 : index
    %get3A_8 = arith.constant 0 : index
    %get3A_9 = arith.constant 0 : index
    %get3A_10 = vector.load %arg6[%get3A_7, %get3A_8, %get3A_9] : memref<2x2560x128xf32, #tpu.memory_space<vmem>>, vector<1x2500x128xf32>
    %get3A_11 = vector.shape_cast %get3A_10 : vector<1x2500x128xf32> to vector<2500x128xf32>
    %add3A = arith.addf %get3A_6, %get3A_11 : vector<2500x128xf32>
    %mul3A = arith.mulf %add3A, %get3A_1 : vector<2500x128xf32>
    %get3A_12 = arith.constant 0 : index
    %get3A_13 = arith.constant 0 : index
    %get3A_14 = vector.load %arg2[%get3A_12, %get3A_13] : memref<128x256xf32, #tpu.memory_space<vmem>>, vector<128x256xf32>
    %dot_general3A = arith.constant dense<0.000000e+00> : vector<2500x256xf32>
    %dot_general3A_15 = tpu.matmul %mul3A, %get3A_14, %dot_general3A {dimension_numbers = #tpu.dot_dimension_numbers<[1], [0], [0], [1], [0, 0, 1, 1], [], []>, transpose_lhs_hint = false} : vector<2500x128xf32>, vector<128x256xf32>, vector<2500x256xf32> -> vector<2500x256xf32>
    %get3A_16 = arith.constant 0 : index
    %get3A_17 = arith.constant 0 : index
    %get3A_18 = vector.load %arg3[%get3A_16, %get3A_17] : memref<1x256xf32, #tpu.memory_space<vmem>>, vector<1x256xf32>
    %add3A_19 = vector.broadcast %get3A_18 : vector<1x256xf32> to vector<2500x256xf32>
    %add3A_20 = arith.addf %dot_general3A_15, %add3A_19 : vector<2500x256xf32>
    %gt3A = arith.constant 0.000000e+00 : f32
    %gt3A_21 = vector.broadcast %gt3A : f32 to vector<2500x256xf32>
    %gt3A_22 = arith.cmpf ogt, %add3A_20, %gt3A_21 : vector<2500x256xf32>
    %min3A = arith.constant 0.000000e+00 : f32
    %min3A_23 = vector.broadcast %min3A : f32 to vector<2500x256xf32>
    %min3A_24 = arith.minimumf %add3A_20, %min3A_23 : vector<2500x256xf32>
    %exp3A = math.exp %min3A_24 : vector<2500x256xf32>
    %sub3A = arith.constant 1.000000e+00 : f32
    %sub3A_25 = vector.broadcast %sub3A : f32 to vector<2500x256xf32>
    %sub3A_26 = arith.subf %exp3A, %sub3A_25 : vector<2500x256xf32>
    %select_n3A = arith.select %gt3A_22, %add3A_20, %sub3A_26 : vector<2500x256xi1>, vector<2500x256xf32>
    %get3A_27 = arith.constant 0 : index
    %get3A_28 = arith.constant 0 : index
    %get3A_29 = vector.load %arg4[%get3A_27, %get3A_28] : memref<256x128xf32, #tpu.memory_space<vmem>>, vector<256x128xf32>
    %dot_general3A_30 = arith.constant dense<0.000000e+00> : vector<2500x128xf32>
    %dot_general3A_31 = tpu.matmul %select_n3A, %get3A_29, %dot_general3A_30 {dimension_numbers = #tpu.dot_dimension_numbers<[1], [0], [0], [1], [0, 0, 1, 1], [], []>, transpose_lhs_hint = false} : vector<2500x256xf32>, vector<256x128xf32>, vector<2500x128xf32> -> vector<2500x128xf32>
    %mul3A_32 = arith.mulf %dot_general3A_31, %get3A_1 : vector<2500x128xf32>
    %swap3A = arith.constant 0 : index
    %swap3A_33 = arith.constant 0 : index
    %swap3A_34 = vector.load %arg7[%swap3A, %swap3A_33] : memref<2500x128xf32, #tpu.memory_space<vmem>>, vector<2500x128xf32>
    tpu.vector_store %arg7[%swap3A, %swap3A_33], %mul3A_32 {strides = array<i32>} : memref<2500x128xf32, #tpu.memory_space<vmem>>, vector<2500x128xf32>,
    %dma_start3A = arith.constant 0 : i32
    %dma_start3A_35 = arith.constant 0 : i32
    %dma_start3A_36 = tpu.memref_slice %arg5[%dma_start3A, %dma_start3A_35] : memref<2560x128xf32, #tpu.memory_space<hbm>> -> memref<2500x128xf32, #tpu.memory_space<hbm>>
    tpu.enqueue_dma source(%arg7 : memref<2500x128xf32, #tpu.memory_space<vmem>>) target(%dma_start3A_36 : memref<2500x128xf32, #tpu.memory_space<hbm>>) target_semaphore(%arg9 : memref<!tpu.dma_semaphore, #tpu.memory_space<semaphore_mem>>)
    %dma_wait3A = arith.constant 0 : i32
    %dma_wait3A_37 = arith.constant 0 : i32
    %dma_wait3A_38 = tpu.memref_slice %arg5[%dma_wait3A, %dma_wait3A_37] : memref<2560x128xf32, #tpu.memory_space<hbm>> -> memref<2500x128xf32, #tpu.memory_space<hbm>>
    tpu.wait_dma2 semaphore(%arg9 : memref<!tpu.dma_semaphore, #tpu.memory_space<semaphore_mem>>) src(%arg7 : memref<2500x128xf32, #tpu.memory_space<vmem>>) dst(%dma_wait3A_38 : memref<2500x128xf32, #tpu.memory_space<hbm>>)
    return
  }
}

module attributes {stable_mosaic.version = 14 : i64} {
  func.func @_tc_stage4(%arg0: memref<2x2560x128xf32, #tpu.memory_space<hbm>>, %arg1: memref<2500x128xf32, #tpu.memory_space<vmem>>, %arg2: memref<1x128xf32, #tpu.memory_space<vmem>>, %arg3: memref<128x4xf32, #tpu.memory_space<vmem>>, %arg4: memref<4x128xf32, #tpu.memory_space<vmem>>, %arg5: memref<2500x128xf32, #tpu.memory_space<vmem>>, %arg6: memref<2x2560x128xf32, #tpu.memory_space<vmem>>, %arg7: memref<!tpu.dma_semaphore, #tpu.memory_space<semaphore_mem>>) attributes {dimension_semantics = [], scalar_prefetch = 0 : i64, scratch_operands = 2 : i64, tpu.core_type = #tpu.core_type<tc>} {
    tpu.enqueue_dma source(%arg0 : memref<2x2560x128xf32, #tpu.memory_space<hbm>>) target(%arg6 : memref<2x2560x128xf32, #tpu.memory_space<vmem>>) target_semaphore(%arg7 : memref<!tpu.dma_semaphore, #tpu.memory_space<semaphore_mem>>)
    tpu.wait_dma2 semaphore(%arg7 : memref<!tpu.dma_semaphore, #tpu.memory_space<semaphore_mem>>) src(%arg0 : memref<2x2560x128xf32, #tpu.memory_space<hbm>>) dst(%arg6 : memref<2x2560x128xf32, #tpu.memory_space<vmem>>)
    %get3A = arith.constant 0 : index
    %get3A_0 = arith.constant 0 : index
    %get3A_1 = vector.load %arg1[%get3A, %get3A_0] : memref<2500x128xf32, #tpu.memory_space<vmem>>, vector<2500x128xf32>
    %get3A_2 = arith.constant 0 : index
    %get3A_3 = arith.constant 0 : index
    %get3A_4 = arith.constant 0 : index
    %get3A_5 = vector.load %arg6[%get3A_2, %get3A_3, %get3A_4] : memref<2x2560x128xf32, #tpu.memory_space<vmem>>, vector<1x2500x128xf32>
    %get3A_6 = vector.shape_cast %get3A_5 : vector<1x2500x128xf32> to vector<2500x128xf32>
    %get3A_7 = arith.constant 1 : index
    %get3A_8 = arith.constant 0 : index
    %get3A_9 = arith.constant 0 : index
    %get3A_10 = vector.load %arg6[%get3A_7, %get3A_8, %get3A_9] : memref<2x2560x128xf32, #tpu.memory_space<vmem>>, vector<1x2500x128xf32>
    %get3A_11 = vector.shape_cast %get3A_10 : vector<1x2500x128xf32> to vector<2500x128xf32>
    %add3A = arith.addf %get3A_6, %get3A_11 : vector<2500x128xf32>
    %mul3A = arith.mulf %add3A, %get3A_1 : vector<2500x128xf32>
    %get3A_12 = arith.constant 0 : index
    %get3A_13 = arith.constant 0 : index
    %get3A_14 = vector.load %arg2[%get3A_12, %get3A_13] : memref<1x128xf32, #tpu.memory_space<vmem>>, vector<1x128xf32>
    %add3A_15 = vector.broadcast %get3A_14 : vector<1x128xf32> to vector<2500x128xf32>
    %add3A_16 = arith.addf %mul3A, %add3A_15 : vector<2500x128xf32>
    %iota3A = tpu.iota {dimensions = array<i32: 1>} : vector<2500x128xi32>
    %jit3A = arith.constant 32 : i32
    %eq3A = arith.constant 0 : i32
    %eq3A_17 = arith.cmpi eq, %jit3A, %eq3A : i32
    %jit3A_18 = arith.constant 1 : i32
    %select_n3A = arith.select %eq3A_17, %jit3A_18, %jit3A : i32
    %rem3A = vector.broadcast %select_n3A : i32 to vector<2500x128xi32>
    %rem3A_19 = arith.remsi %iota3A, %rem3A : vector<2500x128xi32>
    %ne3A = arith.constant 0 : i32
    %ne3A_20 = vector.broadcast %ne3A : i32 to vector<2500x128xi32>
    %ne3A_21 = arith.cmpi ne, %rem3A_19, %ne3A_20 : vector<2500x128xi32>
    %lt3A = arith.constant 0 : i32
    %lt3A_22 = vector.broadcast %lt3A : i32 to vector<2500x128xi32>
    %lt3A_23 = arith.cmpi slt, %rem3A_19, %lt3A_22 : vector<2500x128xi32>
    %lt3A_24 = arith.constant 0 : i32
    %lt3A_25 = arith.cmpi slt, %select_n3A, %lt3A_24 : i32
    %ne3A_26 = vector.broadcast %lt3A_25 : i1 to vector<2500x128xi1>
    %ne3A_27 = vector.broadcast %ne3A_26 : vector<2500x128xi1> to vector<2500x128xi1>
    %ne3A_28 = arith.xori %lt3A_23, %ne3A_27 : vector<2500x128xi1>
    %and3A = arith.andi %ne3A_28, %ne3A_21 : vector<2500x128xi1>
    %add3A_29 = vector.broadcast %select_n3A : i32 to vector<2500x128xi32>
    %add3A_30 = arith.addi %rem3A_19, %add3A_29 : vector<2500x128xi32>
    %select_n3A_31 = arith.select %and3A, %add3A_30, %rem3A_19 : vector<2500x128xi1>, vector<2500x128xi32>
    %lt3A_32 = arith.constant 19 : i32
    %lt3A_33 = vector.broadcast %lt3A_32 : i32 to vector<2500x128xi32>
    %lt3A_34 = arith.cmpi slt, %select_n3A_31, %lt3A_33 : vector<2500x128xi32>
    %jit3A_35 = arith.constant 0xFF800000 : f32
    %broadcast_in_dim3A = vector.broadcast %jit3A_35 : f32 to vector<2500x128xf32>
    %select_n3A_36 = arith.select %lt3A_34, %add3A_16, %broadcast_in_dim3A : vector<2500x128xi1>, vector<2500x128xf32>
    %reduce_max3A = arith.constant dense<0xFF800000> : vector<2500xf32>
    %reduce_max3A_37 = vector.multi_reduction <maximumf>, %select_n3A_36, %reduce_max3A [1] : vector<2500x128xf32> to vector<2500xf32>
    %broadcast_in_dim3A_38 = vector.shape_cast %reduce_max3A_37 : vector<2500xf32> to vector<2500x1xf32>
    %sub3A = vector.broadcast %broadcast_in_dim3A_38 : vector<2500x1xf32> to vector<2500x128xf32>
    %sub3A_39 = arith.subf %select_n3A_36, %sub3A : vector<2500x128xf32>
    %exp3A = math.exp %sub3A_39 : vector<2500x128xf32>
    %get3A_40 = arith.constant 0 : index
    %get3A_41 = arith.constant 0 : index
    %get3A_42 = vector.load %arg3[%get3A_40, %get3A_41] : memref<128x4xf32, #tpu.memory_space<vmem>>, vector<128x4xf32>
    %dot_general3A = arith.constant dense<0.000000e+00> : vector<2500x4xf32>
    %dot_general3A_43 = tpu.matmul %exp3A, %get3A_42, %dot_general3A {dimension_numbers = #tpu.dot_dimension_numbers<[1], [0], [0], [1], [0, 0, 1, 1], [], []>, precision = #tpu.contract_precision<fp32>, transpose_lhs_hint = false} : vector<2500x128xf32>, vector<128x4xf32>, vector<2500x4xf32> -> vector<2500x4xf32>
    %div3A = arith.constant 1.000000e+00 : f32
    %div3A_44 = vector.broadcast %div3A : f32 to vector<2500x4xf32>
    %div3A_45 = arith.divf %div3A_44, %dot_general3A_43 : vector<2500x4xf32>
    %get3A_46 = arith.constant 0 : index
    %get3A_47 = arith.constant 0 : index
    %get3A_48 = vector.load %arg4[%get3A_46, %get3A_47] : memref<4x128xf32, #tpu.memory_space<vmem>>, vector<4x128xf32>
    %dot_general3A_49 = arith.constant dense<0.000000e+00> : vector<2500x128xf32>
    %dot_general3A_50 = tpu.matmul %div3A_45, %get3A_48, %dot_general3A_49 {dimension_numbers = #tpu.dot_dimension_numbers<[1], [0], [0], [1], [0, 0, 1, 1], [], []>, precision = #tpu.contract_precision<fp32>, transpose_lhs_hint = false} : vector<2500x4xf32>, vector<4x128xf32>, vector<2500x128xf32> -> vector<2500x128xf32>
    %mul3A_51 = arith.mulf %exp3A, %dot_general3A_50 : vector<2500x128xf32>
    %swap3A = arith.constant 0 : index
    %swap3A_52 = arith.constant 0 : index
    %swap3A_53 = vector.load %arg5[%swap3A, %swap3A_52] : memref<2500x128xf32, #tpu.memory_space<vmem>>, vector<2500x128xf32>
    tpu.vector_store %arg5[%swap3A, %swap3A_52], %mul3A_51 {strides = array<i32>} : memref<2500x128xf32, #tpu.memory_space<vmem>>, vector<2500x128xf32>,
    return
  }
}

</mosaic_0001>

<sc_bundles>
// kernel: kernel.10.cloned.1.call-start
scs
__scs_entry_jumppad:
0x0: {  	(pc) =	sbr.rel $0x88, $3  }
0x1: {  	(tag) =	ssettag $0x0;
	lr =	simm.s32 $0x1  }
0x2: {  	[smem:$0x3F99] =	sst lr;
	_ =	strace $0xD0000000  }
0x3: {  	_ = 	snop  }
0x4: {  	_ = 	snop  }
0x5: {  	_ = 	snop  }
0x6: {  	_ = 	snop  }
0x7: {  	_ = 	snop  }
__scs_overlays_trampoline_lowered:
0x8: {  	[smem:$0x3FA8] =	sst s0  }
0x9: {  	[smem:$0x3FA9] =	sst s1  }
0xa: {  	[smem:$0x3FAA] =	sst s2  }
0xb: {  	[smem:$0x3FAB] =	sst s3  }
0xc: {  	[smem:$0x3FAC] =	sst s4  }
0xd: {  	[smem:$0x3FAD] =	sst s5  }
0xe: {  	[smem:$0x3FAE] =	sst s6  }
0xf: {  	[smem:$0x3FAF] =	sst s7  }
0x10: {  	[smem:$0x3FB0] =	sst s8  }
0x11: {  	[smem:$0x3FB1] =	sst s9;
	s0 =	simm.s32 @!p0 $0x0  }
0x12: {  	s1 =	sld [smem:$0x3F97];
	s0 =	simm.s32 @p0 $0x1  }
0x13: {  	[smem:$0x3FB2] =	sst s0;
	s0 =	simm.s32 @!p1 $0x0  }
0x14: {  	s2 =	sld [smem:$0x3F96];
	s0 =	simm.s32 @p1 $0x1  }
0x15: {  	[smem:$0x3FB3] =	sst s0;
	s0 =	simm.s32 @!p2 $0x0  }
0x16: {  	s3 =	sld [smem:$0x3FDB];
	s0 =	simm.s32 @p2 $0x1  }
0x17: {  	s4 =	simm.s32 $0x1BF5;
	[smem:$0x3FB5] =	sst s0  }
0x18: {  	s0 =	sld [smem:$0x3F98];
	_ =	swait.ge [sflag:s4], $0x0  }
0x19: {  	s7 =	sld [smem:$0x3F99]  }
0x1a: {  	s8 =	sadd.s32 $0xFFFFE003, lr  }
0x1b: {  	s9 =	sadd.s32 $0xFFFFFEF7, lr;
	s5 =	simm.s32 $0xFFFFFFFF;
	p2 =	slt.u32 s8, $0xFFFFF086  }
0x1c: {  	p1 =	slt.u32 s9, $0xF7A;
	s5 =	simm.s32 @!p2 $0x0  }
0x1d: {  	s5 =	simm.s32 @p1 $0x1;
	p0 =	seq.s32 s7, s2  }
0x1e: {  	s7 =	smul.u32 @!p0 $0xF7A, s2;
	p2 =	seq.s32 @!p0 s5, $0x0  }
0x1f: {  	s9 =	smul.u32 $0xF7A, s1;
	s8 =	simm.s32 @!p0 $0x1BF5;
	p2 =	por !p2, p0  }
0x20: {  	[sflag:s8] =	ssyncset.s32 @!p0 $0xFFFFF086;
	s6 =	sadd.s32 @!p0 s3, s7;
	s7 =	simm.s32 @!p0 $0x108  }
0x21: {  	s3 =	sadd.s32 s3, s9;
	s6 =	sadd.s32 @!p0 $0x88, s6;
	s7 =	simm.s32 @p2 $0x1082  }
0x22: {  	[simem:s7], [sflag:s8] =	dma.local @!p0 [hbm:s6], $0xF7A  }
0x23: {  	s9 =	sor.u32 $0xD0000000, s2;
	s6 =	simm.s32 $0x108;
	_ =	swait.ge @!p0 [sflag:s8], $0x0  }
0x24: {  	s3 =	sadd.s32 $0x88, s3;
	s6 =	simm.s32 @!p1 $0x1082;
	[sflag:s4] =	ssyncset.s32 $0xFFFFF086  }
0x25: {  	[simem:s6], [sflag:s4] =	dma.local [hbm:s3], $0xF7A  }
0x26: {  	[smem:$0x3F99] =	sst s1;
	(tag) =	ssettag s2;
	_ =	strace s9  }
0x27: {  	s1 =	sld [smem:$0x3FA9]  }
0x28: {  	s2 =	sld [smem:$0x3FAA]  }
0x29: {  	s4 =	sld [smem:$0x3FAC]  }
0x2a: {  	p0 =	seq.s32 s5, $0x0;
	s5 =	sld [smem:$0x3FAD]  }
0x2b: {  	s6 =	sld [smem:$0x3FAE]  }
0x2c: {  	s7 =	sld [smem:$0x3FAF]  }
0x2d: {  	s3 =	simm.s32 $0x108;
	s8 =	sld [smem:$0x3FB0]  }
0x2e: {  	s3 =	simm.s32 @!p0 $0x1082;
	s9 =	sld [smem:$0x3FB1]  }
0x2f: {  	lr =	sadd.s32 s0, s3;
	s0 =	sld [smem:$0x3FA8]  }
0x30: {  	s3 =	sld [smem:$0x3FAB]  }
0x31: {  	[smem:$0x3FB4] =	sst s10  }
0x32: {  	s10 =	sld [smem:$0x3FB2];
	_ =	sdelay $0x3  }
0x33: {  	p0 =	seq.s32 s10, $0x1;
	s10 =	sld [smem:$0x3FB4];
	_ =	sdelay $0x3  }
0x34: {  	[smem:$0x3FB4] =	sst s10  }
0x35: {  	s10 =	sld [smem:$0x3FB3];
	_ =	sdelay $0x3  }
0x36: {  	p1 =	seq.s32 s10, $0x1;
	s10 =	sld [smem:$0x3FB4];
	_ =	sdelay $0x3  }
0x37: {  	[smem:$0x3FB4] =	sst s10  }
0x38: {  	s10 =	sld [smem:$0x3FB5]  }
0x39: {  	_ = 	snop;
	(pc) =	sbr.ind lr, $3  }
0x3a: {  	_ = 	snop  }
0x3b: {  	_ = 	snop  }
0x3c: {  	p2 =	seq.s32 s10, $0x1;
	s10 =	sld [smem:$0x3FB4]  }
0x3d: {  	_ =	shalt  }
0x3e: {  	_ =	shalt  }
0x3f: {  	_ =	shalt  }
0x40: {  	_ =	shalt  }
0x41: {  	_ =	shalt  }
0x42: {  	_ =	shalt  }
0x43: {  	_ =	shalt  }
0x44: {  	_ =	shalt  }
0x45: {  	_ =	shalt  }
0x46: {  	_ =	shalt  }
0x47: {  	_ =	shalt  }
0x48: {  	_ =	shalt  }
0x49: {  	_ =	shalt  }
0x4a: {  	_ =	shalt  }
0x4b: {  	_ =	shalt  }
0x4c: {  	_ =	shalt  }
0x4d: {  	_ =	shalt  }
0x4e: {  	_ =	shalt  }
0x4f: {  	_ =	shalt  }
0x50: {  	_ =	shalt  }
0x51: {  	_ =	shalt  }
0x52: {  	_ =	shalt  }
0x53: {  	_ =	shalt  }
0x54: {  	_ =	shalt  }
0x55: {  	_ =	shalt  }
0x56: {  	_ =	shalt  }
0x57: {  	_ =	shalt  }
0x58: {  	_ =	shalt  }
0x59: {  	_ =	shalt  }
0x5a: {  	_ =	shalt  }
0x5b: {  	_ =	shalt  }
0x5c: {  	_ =	shalt  }
0x5d: {  	_ =	shalt  }
0x5e: {  	_ =	shalt  }
0x5f: {  	_ =	shalt  }
0x60: {  	_ =	shalt  }
0x61: {  	_ =	shalt  }
0x62: {  	_ =	shalt  }
0x63: {  	_ =	shalt  }
0x64: {  	_ =	shalt  }
0x65: {  	_ =	shalt  }
0x66: {  	_ =	shalt  }
0x67: {  	_ =	shalt  }
0x68: {  	_ =	shalt  }
0x69: {  	_ =	shalt  }
0x6a: {  	_ =	shalt  }
0x6b: {  	_ =	shalt  }
0x6c: {  	_ =	shalt  }
0x6d: {  	_ =	shalt  }
0x6e: {  	_ =	shalt  }
0x6f: {  	_ =	shalt  }
0x70: {  	_ =	shalt  }
0x71: {  	_ =	shalt  }
0x72: {  	_ =	shalt  }
0x73: {  	_ =	shalt  }
0x74: {  	_ =	shalt  }
0x75: {  	_ =	shalt  }
0x76: {  	_ =	shalt  }
0x77: {  	_ =	shalt  }
0x78: {  	_ =	shalt  }
0x79: {  	_ =	shalt  }
0x7a: {  	_ =	shalt  }
0x7b: {  	_ =	shalt  }
0x7c: {  	_ =	shalt  }
0x7d: {  	_ =	shalt  }
0x7e: {  	_ =	shalt  }
0x7f: {  	_ =	shalt  }
0x80: {  	_ =	shalt  }
0x81: {  	_ =	shalt  }
0x82: {  	_ =	shalt  }
0x83: {  	_ =	shalt  }
0x84: {  	_ =	shalt  }
0x85: {  	_ =	shalt  }
0x86: {  	_ =	shalt  }
0x87: {  	_ =	shalt  }
.Lfunc_end0:
.L_simem_size_0:
called_computation_lowered:
.L_overlay_start_0:
0x88: {  	s2 =	sld [smem:$0x3FD9]  }
0x89: {  	s3 =	sld [smem:$0x3FFE];
	_ =	sdelay $0x1  }
0x8a: {  	s1 =	srdreg.scid  }
0x8b: {  	s0 =	sand.u32 $0x1, s1  }
0x8c: {  	s16 =	sshll.u32 s0, $0xA;
	s2 =	sadd.s32 s3, s2  }
0x8d: {  	s2 =	sadd.s32 s2, s16  }
0x8e: {  	[smem:$0x3FC0] =	sst s2  }
0x8f: {  	_ = 	snop  }
0x90: {  	(tm) =	ssettm $0x1  }
0x91: {  	s17 =	sld [smem:$0x3FFB];
	_ =	sdelay $0x3  }
0x92: {  	_ =	strace s17  }
0x93: {  	s2 =	sld [smem:$0x3FFC];
	_ =	sdelay $0x3  }
0x94: {  	_ =	strace s2  }
0x95: {  	s2 =	sld [smem:$0x3FFD];
	_ =	sdelay $0x3  }
0x96: {  	_ =	strace s2  }
0x97: {  	_ =	strace $0x8FFFFFFF  }
0x98: {  	s18 =	sld [smem:$0x3FDB];
	_ =	sdelay $0x1  }
0x99: {  	s19 =	simm.s32 $_scs_section_size  }
0x9a: {  	s4 =	simm.s32 $_size__tile_overlayer_lowered;
	s5 =	simm.s32 $_tile_overlayer_lowered  }
0x9b: {  	s22 =	simm.s32 $0x1BFF;
	s21 =	sshll.u32 s5, $0x1;
	s2 =	sadd.s32 s19, s18  }
0x9c: {  	s6 =	simm.s32 $0x0;
	s20 =	sshll.u32 s4, $0x1;
	s4 =	sadd.s32 s21, s2  }
0x9d: {  	[timem:s6], [sflag:s22] =	dma.local [hbm:s4], s20  }
0x9e: {  	_ =	swait.ge [sflag:s22], s20  }
0x9f: {  	s3 =	ssub.s32 $0x0, s20;
	[sflag:s22] =	ssyncset.done $0x0  }
0xa0: {  	[sflag:s22] =	ssyncadd.s32 s3;
	_ =	sdelay $0x1  }
0xa1: {  	s23 =	simm.s32 $0x1B8B  }
0xa2: {  	_ =	swait.ge [sflag:s23], $0x1  }
0xa3: {  	[sflag:s23] =	ssyncset.done $0x0  }
0xa4: {  	s25 =	simm.s32 $0x1B8E;
	s24 =	sld [smem:$0x3FFE];
	[sflag:s23] =	ssyncadd.s32 $0xFFFFFFFF  }
0xa5: {  	s26 =	simm.s32 $execute0_lowered;
	[smem:$0x3FD2] =	sst s25  }
0xa6: {  	s4 =	sshll.u32 s26, $0x1;
	_ =	strace $0x80000046;
	[dreg:$0x1] =	wrdreg $0xFFFFFFFF  }
0xa7: {  	s28 =	simm.s32 $_size_execute0_lowered;
	s2 =	sadd.s32 s2, s4;
	[dreg:$0x0] =	wrdreg $0x0  }
0xa8: {  	s4 =	sshll.u32 s28, $0x1;
	[dreg:$0x2] =	wrdreg s2  }
0xa9: {  	[dreg:$0x3] =	wrdreg s4  }
0xaa: {  	[dreg:$0x4] =	wrdreg $0xC0  }
0xab: {  	_ =	task [dreg:s6], $0x5FFFF  }
0xac: {  	[dreg:$0x1] =	wrdreg $0xFFFFFFFF  }
0xad: {  	[dreg:$0x0] =	wrdreg $0x60  }
0xae: {  	[dreg:$0x2] =	wrdreg s24  }
0xaf: {  	[dreg:$0x3] =	wrdreg $0x9  }
0xb0: {  	_ =	task.clear_ibuf [dreg:s6], $0x4FFFF;
	_ =	strace $0x90000046  }
0xb1: {  	s29 =	simm.s32 $0x9;
	_ =	strace $0x80000048  }
0xb2: {  	_ =	swait.ge [sflag:s29], $0x1  }
0xb3: {  	[sflag:s29] =	ssyncadd.s32 $0xFFFFFFFF  }
0xb4: {  	_ =	strace $0x90000048  }
0xb5: {  	_ =	sfence  }
0xb6: {  	s30 =	sld [smem:$0x0];
	_ =	sdelay $0x2  }
0xb7: {  	s31 =	sshll.u32 s1, $0xD;
	s1 =	sshrl.u32 s1, $0x2  }
0xb8: {  	s3 =	sand.u32 $0x4000, s31;
	s1 =	sadd.s32 s1, s30  }
0xb9: {  	s0 =	sor.u32 s3, s0;
	s1 =	sshll.u32 s1, $0x11  }
0xba: {  	s0 =	sor.u32 s1, s0  }
0xbb: {  	s0 =	sadd.s32 $0x8F2B, s0  }
0xbc: {  	[sflag:s0] =	ssyncadd.remote.s32 $0x1  }
0xbd: {  	_ =	sfence.sel $0xFFFF  }
0xbe: {  	[dreg:$0x0] =	wrdreg $0xFFFFFFFF;
	(pc) =	sbr.abs _section_cstart, $3  }
0xbf: {  	[dreg:$0x1] =	wrdreg $0xFFFFFFFF  }
0xc0: {  	_ =	task.clear_ibuf [dreg:s6], $0x2FFFF;
	_ =	strace $0x9FFFFFFF  }
0xc1: {  	(tm) =	ssettm $0x7FFFFFFF  }
tec
execute0_lowered:
.L_overlay_start_1:
0x0: {  	(tag) =	ssettag $0x1  }
0x1: {  	s0 =	srdreg.scid  }
0x2: {  	s4 =	rddreg [dreg:$0x0];
	s2 =	simm.s32 $0x0;
	s3 =	sand.u32 $0x1, s0  }
0x3: {  	s8 =	simm.s32 $0x2;
	s0 =	stileid.u32;
	s1 =	sshll.u32 s3, $0x4  }
0x4: {  	s9 =	simm.s32 $0x0;
	[smem:$0x7FF] =	sst s2;
	s5 =	sor.u32 s0, s1  }
0x5: {  	s3 =	ssub.s32 $0x2, s3;
	s1 =	rddreg [dreg:$0x1];
	s6 =	smul.u32 $0x2880, s5  }
0x6: {  	_ =	strace $0x80000047;
	s7 =	sshrl.u32 s3, $0x1;
	s5 =	smul.u32 $0x500, s5  }
0x7: {  	s31 =	ssub.s32 s3, s7;
	s7 =	simm.s32 $0x2880;
	s6 =	sshrl.u32 s6, $0x3  }
0x8: {  	s6 =	sadd.s32 s4, s6;
	s4 =	sadd.s32 s5, s4;
	s5 =	smax.u32 s31, $0x1  }
0x9: {  	v0 =	vimm.f32 $0.0e+00;
	v1 =	vimm.f32 $1.000000000e+00;
	s3 =	sadd.s32 $0xC800, s6;
	s4 =	sadd.s32 $0x16A00, s4;
	s6 =	simm.s32 $0x1  }
.LBB2_1:
0xa: {  	[tilespmem:s2], [sflag:$0x1] =	stream.linear.gather [hbm4b:s3+s2], $0x2880, $0x38;
	[tilespmem:$0x5080] =	vst v63  }
0xb: {  	s10 =	simm.s32 $0x40;
	s11 =	simm.s32 $0x0  }
.LBB2_2:
0xc: {  	p0 =	sne.s32 s10, $0x9FC0;
	[tilespmem:s11+$0x2880] =	vst v0;
	s11 =	smov.u32 s10;
	s10 =	sadd.s32 $0x40, s10  }
.Ltmp0:
0xd: {  	(pc) =	sbr.rel @p0 .LBB2_2-.Ltmp0, $2  }
0xe: {  	_ =	sdelay $0x2  }
0xf: {  	s11 =	sshra.s32 s11, $0x2  }
0x10: {  	[tilespmem:s11+$0x2880] =	vst v0  }
0x11: {  	_ =	swait.ge [sflag:s6], $0x2880  }
0x12: {  	[sflag:s6] =	ssyncset.done $0x0  }
0x13: {  	s10 =	simm.s32 $0x0;
	[sflag:s6] =	ssyncadd.s32 $0xFFFFD780  }
.LBB2_4:
0x14: {  	s11 =	sshra.s32 s10, $0x2  }
0x15: {  	v2 =	vld [tilespmem:s11+$0x0];
	_ =	sdelay $0x7  }
0x16: {  	[tilespmem:v2+s7+$0x0] =	vst.idx.add.f32.msk $0xffff, v1  }
0x17: {  	v2 =	vld [tilespmem:s11+$0x10];
	_ =	sdelay $0x7  }
0x18: {  	[tilespmem:v2+s7+$0x0] =	vst.idx.add.f32.msk $0xffff, v1  }
0x19: {  	v2 =	vld [tilespmem:s11+$0x20];
	_ =	sdelay $0x7  }
0x1a: {  	[tilespmem:v2+s7+$0x0] =	vst.idx.add.f32.msk $0xffff, v1  }
0x1b: {  	v2 =	vld [tilespmem:s11+$0x30];
	_ =	sdelay $0x7  }
0x1c: {  	[tilespmem:v2+s7+$0x0] =	vst.idx.add.f32.msk $0xffff, v1  }
0x1d: {  	v2 =	vld [tilespmem:s11+$0x40];
	_ =	sdelay $0x7  }
0x1e: {  	[tilespmem:v2+s7+$0x0] =	vst.idx.add.f32.msk $0xffff, v1  }
0x1f: {  	v2 =	vld [tilespmem:s11+$0x50];
	_ =	sdelay $0x7  }
0x20: {  	[tilespmem:v2+s7+$0x0] =	vst.idx.add.f32.msk $0xffff, v1  }
0x21: {  	v2 =	vld [tilespmem:s11+$0x60];
	_ =	sdelay $0x7  }
0x22: {  	[tilespmem:v2+s7+$0x0] =	vst.idx.add.f32.msk $0xffff, v1  }
0x23: {  	v2 =	vld [tilespmem:s11+$0x70];
	_ =	sdelay $0x2  }
0x24: {  	p0 =	sne.s32 s10, $0xA000  }
.Ltmp1:
0x25: {  	_ = 	snop;
	(pc) =	sbr.rel @p0 .LBB2_4-.Ltmp1, $2  }
0x26: {  	_ =	sdelay $0x2  }
0x27: {  	s10 =	sadd.s32 $0x200, s10;
	[tilespmem:v2+s7+$0x0] =	vst.idx.add.f32.msk $0xffff, v1  }
0x28: {  	s9 =	sadd.s32 $0x1, s9  }
0x29: {  	p0 =	sne.s32 s9, s5  }
.Ltmp2:
0x2a: {  	_ = 	snop;
	(pc) =	sbr.rel @p0 .LBB2_1-.Ltmp2, $4  }
0x2b: {  	[hbm4b:s4+s2] =	stream.linear.scatter [tilespmem:s7], [sflag:$0x2], $0x2800, $0x38;
	[tilespmem:$0x5080] =	vst v63  }
0x2c: {  	_ =	swait.ge [sflag:s8], $0x2800  }
0x2d: {  	[sflag:s8] =	ssyncset.done $0x0  }
0x2e: {  	[sflag:s8] =	ssyncadd.s32 $0xFFFFD800  }
0x2f: {  	_ =	sfence.sel $0x180000  }
0x30: {  	[bflag:$0x0] =	sbarrier.arrive $0xFFFF  }
0x31: {  	p0 =	sne.s32 s0, $0x0;
	_ =	strace $0x90000047  }
0x32: {  	s0 =	sadd.s32 @!p0 $0x100000, s1;
	[bflag:$0x2] =	sbarrier.arrive $0xFFFF  }
0x33: {  	[sflag:s0] =	ssyncadd.tile.s32 @!p0 $0x1;
	_ =	shalt  }
.Lfunc_end2:
_tile_overlayer_lowered:
.L_overlay_start_2:
0x34: {  	(tag) =	ssettag $0x2  }
0x35: {  	s0 =	rddreg [dreg:$0x0];
	s2 =	stileid.u32  }
0x36: {  	s1 =	rddreg [dreg:$0x1];
	p0 =	sne.s32 s2, $0x0  }
0x37: {  	s3 =	rddreg [dreg:$0x2];
	[bflag:$0x3] =	sbarrier.arrive $0xFFFF;
	s2 =	simm.s32 @!p0 $0x1C02  }
0x38: {  	[timem:s3], [sflag:s2] =	dma.local @!p0 [hbm:s0], s1  }
0x39: {  	s0 =	simm.s32 @!p0 $0x2  }
0x3a: {  	_ =	swait.ge @!p0 [sflag:s0], s1  }
0x3b: {  	s1 =	ssub.s32 @!p0 $0x0, s1;
	[sflag:s0] =	ssyncset.done @!p0 $0x0  }
0x3c: {  	[sflag:s0] =	ssyncadd.s32 @!p0 s1  }
0x3d: {  	[bflag:$0x3] =	sbarrier.arrive $0xFFFF  }
0x3e: {  	_ =	shalt  }

// kernel: kernel.13.cloned.1.call-start
scs
__scs_entry_jumppad:
0x0: {  	(pc) =	sbr.rel $0x88, $3  }
0x1: {  	(tag) =	ssettag $0x0;
	lr =	simm.s32 $0x1  }
0x2: {  	[smem:$0x3F99] =	sst lr;
	_ =	strace $0xD0000000  }
0x3: {  	_ = 	snop  }
0x4: {  	_ = 	snop  }
0x5: {  	_ = 	snop  }
0x6: {  	_ = 	snop  }
0x7: {  	_ = 	snop  }
__scs_overlays_trampoline_lowered:
0x8: {  	[smem:$0x3FA8] =	sst s0  }
0x9: {  	[smem:$0x3FA9] =	sst s1  }
0xa: {  	[smem:$0x3FAA] =	sst s2  }
0xb: {  	[smem:$0x3FAB] =	sst s3  }
0xc: {  	[smem:$0x3FAC] =	sst s4  }
0xd: {  	[smem:$0x3FAD] =	sst s5  }
0xe: {  	[smem:$0x3FAE] =	sst s6  }
0xf: {  	[smem:$0x3FAF] =	sst s7  }
0x10: {  	[smem:$0x3FB0] =	sst s8  }
0x11: {  	[smem:$0x3FB1] =	sst s9;
	s0 =	simm.s32 @!p0 $0x0  }
0x12: {  	s1 =	sld [smem:$0x3F97];
	s0 =	simm.s32 @p0 $0x1  }
0x13: {  	[smem:$0x3FB2] =	sst s0;
	s0 =	simm.s32 @!p1 $0x0  }
0x14: {  	s2 =	sld [smem:$0x3F96];
	s0 =	simm.s32 @p1 $0x1  }
0x15: {  	[smem:$0x3FB3] =	sst s0;
	s0 =	simm.s32 @!p2 $0x0  }
0x16: {  	s3 =	sld [smem:$0x3FDB];
	s0 =	simm.s32 @p2 $0x1  }
0x17: {  	s4 =	simm.s32 $0x1BF5;
	[smem:$0x3FB5] =	sst s0  }
0x18: {  	s0 =	sld [smem:$0x3F98];
	_ =	swait.ge [sflag:s4], $0x0  }
0x19: {  	s7 =	sld [smem:$0x3F99]  }
0x1a: {  	s8 =	sadd.s32 $0xFFFFE003, lr  }
0x1b: {  	s9 =	sadd.s32 $0xFFFFFEF7, lr;
	s5 =	simm.s32 $0xFFFFFFFF;
	p2 =	slt.u32 s8, $0xFFFFF086  }
0x1c: {  	p1 =	slt.u32 s9, $0xF7A;
	s5 =	simm.s32 @!p2 $0x0  }
0x1d: {  	s5 =	simm.s32 @p1 $0x1;
	p0 =	seq.s32 s7, s2  }
0x1e: {  	s7 =	smul.u32 @!p0 $0xF7A, s2;
	p2 =	seq.s32 @!p0 s5, $0x0  }
0x1f: {  	s9 =	smul.u32 $0xF7A, s1;
	s8 =	simm.s32 @!p0 $0x1BF5;
	p2 =	por !p2, p0  }
0x20: {  	[sflag:s8] =	ssyncset.s32 @!p0 $0xFFFFF086;
	s6 =	sadd.s32 @!p0 s3, s7;
	s7 =	simm.s32 @!p0 $0x108  }
0x21: {  	s3 =	sadd.s32 s3, s9;
	s6 =	sadd.s32 @!p0 $0x88, s6;
	s7 =	simm.s32 @p2 $0x1082  }
0x22: {  	[simem:s7], [sflag:s8] =	dma.local @!p0 [hbm:s6], $0xF7A  }
0x23: {  	s9 =	sor.u32 $0xD0000000, s2;
	s6 =	simm.s32 $0x108;
	_ =	swait.ge @!p0 [sflag:s8], $0x0  }
0x24: {  	s3 =	sadd.s32 $0x88, s3;
	s6 =	simm.s32 @!p1 $0x1082;
	[sflag:s4] =	ssyncset.s32 $0xFFFFF086  }
0x25: {  	[simem:s6], [sflag:s4] =	dma.local [hbm:s3], $0xF7A  }
0x26: {  	[smem:$0x3F99] =	sst s1;
	(tag) =	ssettag s2;
	_ =	strace s9  }
0x27: {  	s1 =	sld [smem:$0x3FA9]  }
0x28: {  	s2 =	sld [smem:$0x3FAA]  }
0x29: {  	s4 =	sld [smem:$0x3FAC]  }
0x2a: {  	p0 =	seq.s32 s5, $0x0;
	s5 =	sld [smem:$0x3FAD]  }
0x2b: {  	s6 =	sld [smem:$0x3FAE]  }
0x2c: {  	s7 =	sld [smem:$0x3FAF]  }
0x2d: {  	s3 =	simm.s32 $0x108;
	s8 =	sld [smem:$0x3FB0]  }
0x2e: {  	s3 =	simm.s32 @!p0 $0x1082;
	s9 =	sld [smem:$0x3FB1]  }
0x2f: {  	lr =	sadd.s32 s0, s3;
	s0 =	sld [smem:$0x3FA8]  }
0x30: {  	s3 =	sld [smem:$0x3FAB]  }
0x31: {  	[smem:$0x3FB4] =	sst s10  }
0x32: {  	s10 =	sld [smem:$0x3FB2];
	_ =	sdelay $0x3  }
0x33: {  	p0 =	seq.s32 s10, $0x1;
	s10 =	sld [smem:$0x3FB4];
	_ =	sdelay $0x3  }
0x34: {  	[smem:$0x3FB4] =	sst s10  }
0x35: {  	s10 =	sld [smem:$0x3FB3];
	_ =	sdelay $0x3  }
0x36: {  	p1 =	seq.s32 s10, $0x1;
	s10 =	sld [smem:$0x3FB4];
	_ =	sdelay $0x3  }
0x37: {  	[smem:$0x3FB4] =	sst s10  }
0x38: {  	s10 =	sld [smem:$0x3FB5]  }
0x39: {  	_ = 	snop;
	(pc) =	sbr.ind lr, $3  }
0x3a: {  	_ = 	snop  }
0x3b: {  	_ = 	snop  }
0x3c: {  	p2 =	seq.s32 s10, $0x1;
	s10 =	sld [smem:$0x3FB4]  }
0x3d: {  	_ =	shalt  }
0x3e: {  	_ =	shalt  }
0x3f: {  	_ =	shalt  }
0x40: {  	_ =	shalt  }
0x41: {  	_ =	shalt  }
0x42: {  	_ =	shalt  }
0x43: {  	_ =	shalt  }
0x44: {  	_ =	shalt  }
0x45: {  	_ =	shalt  }
0x46: {  	_ =	shalt  }
0x47: {  	_ =	shalt  }
0x48: {  	_ =	shalt  }
0x49: {  	_ =	shalt  }
0x4a: {  	_ =	shalt  }
0x4b: {  	_ =	shalt  }
0x4c: {  	_ =	shalt  }
0x4d: {  	_ =	shalt  }
0x4e: {  	_ =	shalt  }
0x4f: {  	_ =	shalt  }
0x50: {  	_ =	shalt  }
0x51: {  	_ =	shalt  }
0x52: {  	_ =	shalt  }
0x53: {  	_ =	shalt  }
0x54: {  	_ =	shalt  }
0x55: {  	_ =	shalt  }
0x56: {  	_ =	shalt  }
0x57: {  	_ =	shalt  }
0x58: {  	_ =	shalt  }
0x59: {  	_ =	shalt  }
0x5a: {  	_ =	shalt  }
0x5b: {  	_ =	shalt  }
0x5c: {  	_ =	shalt  }
0x5d: {  	_ =	shalt  }
0x5e: {  	_ =	shalt  }
0x5f: {  	_ =	shalt  }
0x60: {  	_ =	shalt  }
0x61: {  	_ =	shalt  }
0x62: {  	_ =	shalt  }
0x63: {  	_ =	shalt  }
0x64: {  	_ =	shalt  }
0x65: {  	_ =	shalt  }
0x66: {  	_ =	shalt  }
0x67: {  	_ =	shalt  }
0x68: {  	_ =	shalt  }
0x69: {  	_ =	shalt  }
0x6a: {  	_ =	shalt  }
0x6b: {  	_ =	shalt  }
0x6c: {  	_ =	shalt  }
0x6d: {  	_ =	shalt  }
0x6e: {  	_ =	shalt  }
0x6f: {  	_ =	shalt  }
0x70: {  	_ =	shalt  }
0x71: {  	_ =	shalt  }
0x72: {  	_ =	shalt  }
0x73: {  	_ =	shalt  }
0x74: {  	_ =	shalt  }
0x75: {  	_ =	shalt  }
0x76: {  	_ =	shalt  }
0x77: {  	_ =	shalt  }
0x78: {  	_ =	shalt  }
0x79: {  	_ =	shalt  }
0x7a: {  	_ =	shalt  }
0x7b: {  	_ =	shalt  }
0x7c: {  	_ =	shalt  }
0x7d: {  	_ =	shalt  }
0x7e: {  	_ =	shalt  }
0x7f: {  	_ =	shalt  }
0x80: {  	_ =	shalt  }
0x81: {  	_ =	shalt  }
0x82: {  	_ =	shalt  }
0x83: {  	_ =	shalt  }
0x84: {  	_ =	shalt  }
0x85: {  	_ =	shalt  }
0x86: {  	_ =	shalt  }
0x87: {  	_ =	shalt  }
.Lfunc_end0:
.L_simem_size_0:
called_computation.1_lowered:
.L_overlay_start_0:
0x88: {  	s2 =	sld [smem:$0x3FD9]  }
0x89: {  	s3 =	sld [smem:$0x3FFE];
	_ =	sdelay $0x1  }
0x8a: {  	s1 =	srdreg.scid  }
0x8b: {  	s0 =	sand.u32 $0x1, s1  }
0x8c: {  	s16 =	sshll.u32 s0, $0xA;
	s2 =	sadd.s32 s3, s2  }
0x8d: {  	s2 =	sadd.s32 s2, s16  }
0x8e: {  	[smem:$0x3FC0] =	sst s2  }
0x8f: {  	_ = 	snop  }
0x90: {  	(tm) =	ssettm $0x1  }
0x91: {  	s17 =	sld [smem:$0x3FFB];
	_ =	sdelay $0x3  }
0x92: {  	_ =	strace s17  }
0x93: {  	s2 =	sld [smem:$0x3FFC];
	_ =	sdelay $0x3  }
0x94: {  	_ =	strace s2  }
0x95: {  	s2 =	sld [smem:$0x3FFD];
	_ =	sdelay $0x3  }
0x96: {  	_ =	strace s2  }
0x97: {  	_ =	strace $0x8FFFFFFF  }
0x98: {  	s18 =	sld [smem:$0x3FDB];
	_ =	sdelay $0x1  }
0x99: {  	s19 =	simm.s32 $_scs_section_size  }
0x9a: {  	s4 =	simm.s32 $_size__tile_overlayer_lowered;
	s5 =	simm.s32 $_tile_overlayer_lowered  }
0x9b: {  	s22 =	simm.s32 $0x1BFF;
	s21 =	sshll.u32 s5, $0x1;
	s2 =	sadd.s32 s19, s18  }
0x9c: {  	s6 =	simm.s32 $0x0;
	s20 =	sshll.u32 s4, $0x1;
	s4 =	sadd.s32 s21, s2  }
0x9d: {  	[timem:s6], [sflag:s22] =	dma.local [hbm:s4], s20  }
0x9e: {  	_ =	swait.ge [sflag:s22], s20  }
0x9f: {  	s3 =	ssub.s32 $0x0, s20;
	[sflag:s22] =	ssyncset.done $0x0  }
0xa0: {  	[sflag:s22] =	ssyncadd.s32 s3;
	_ =	sdelay $0x1  }
0xa1: {  	s23 =	simm.s32 $0x1B8B  }
0xa2: {  	_ =	swait.ge [sflag:s23], $0x1  }
0xa3: {  	[sflag:s23] =	ssyncset.done $0x0  }
0xa4: {  	s25 =	simm.s32 $0x1B8E;
	s24 =	sld [smem:$0x3FFE];
	[sflag:s23] =	ssyncadd.s32 $0xFFFFFFFF  }
0xa5: {  	s26 =	simm.s32 $execute0_lowered;
	[smem:$0x3FD2] =	sst s25  }
0xa6: {  	s4 =	sshll.u32 s26, $0x1;
	_ =	strace $0x80000049;
	[dreg:$0x1] =	wrdreg $0xFFFFFFFF  }
0xa7: {  	s28 =	simm.s32 $_size_execute0_lowered;
	s2 =	sadd.s32 s2, s4;
	[dreg:$0x0] =	wrdreg $0x0  }
0xa8: {  	s4 =	sshll.u32 s28, $0x1;
	[dreg:$0x2] =	wrdreg s2  }
0xa9: {  	[dreg:$0x3] =	wrdreg s4  }
0xaa: {  	[dreg:$0x4] =	wrdreg $0xC0  }
0xab: {  	_ =	task [dreg:s6], $0x5FFFF  }
0xac: {  	[dreg:$0x1] =	wrdreg $0xFFFFFFFF  }
0xad: {  	[dreg:$0x0] =	wrdreg $0x60  }
0xae: {  	[dreg:$0x2] =	wrdreg s24  }
0xaf: {  	[dreg:$0x3] =	wrdreg $0xE1000  }
0xb0: {  	[dreg:$0x4] =	wrdreg $0x131000  }
0xb1: {  	[dreg:$0x5] =	wrdreg $0x9  }
0xb2: {  	_ =	task.clear_ibuf [dreg:s6], $0x6FFFF;
	_ =	strace $0x90000049  }
0xb3: {  	s29 =	simm.s32 $0x9;
	_ =	strace $0x8000004B  }
0xb4: {  	_ =	swait.ge [sflag:s29], $0x1  }
0xb5: {  	[sflag:s29] =	ssyncadd.s32 $0xFFFFFFFF  }
0xb6: {  	_ =	strace $0x9000004B  }
0xb7: {  	_ =	sfence  }
0xb8: {  	s30 =	sld [smem:$0x0];
	_ =	sdelay $0x2  }
0xb9: {  	s31 =	sshll.u32 s1, $0xD;
	s1 =	sshrl.u32 s1, $0x2  }
0xba: {  	s3 =	sand.u32 $0x4000, s31;
	s1 =	sadd.s32 s1, s30  }
0xbb: {  	s0 =	sor.u32 s3, s0;
	s1 =	sshll.u32 s1, $0x11  }
0xbc: {  	s0 =	sor.u32 s1, s0  }
0xbd: {  	s0 =	sadd.s32 $0x8F2B, s0  }
0xbe: {  	[sflag:s0] =	ssyncadd.remote.s32 $0x1  }
0xbf: {  	_ =	sfence.sel $0xFFFF  }
0xc0: {  	[dreg:$0x0] =	wrdreg $0xFFFFFFFF;
	(pc) =	sbr.abs _section_cstart, $3  }
0xc1: {  	[dreg:$0x1] =	wrdreg $0xFFFFFFFF  }
0xc2: {  	_ =	task.clear_ibuf [dreg:s6], $0x2FFFF;
	_ =	strace $0x9FFFFFFF  }
0xc3: {  	(tm) =	ssettm $0x7FFFFFFF  }
tec
execute0_lowered:
.L_overlay_start_1:
0x0: {  	(tag) =	ssettag $0x1  }
0x1: {  	s0 =	rddreg [dreg:$0x0]  }
0x2: {  	s2 =	rddreg [dreg:$0x1]  }
0x3: {  	s1 =	srdreg.scid;
	s3 =	rddreg [dreg:$0x2]  }
0x4: {  	s8 =	stileid.u32;
	s7 =	simm.s32 $0x0;
	s18 =	simm.s32 $0x2  }
0x5: {  	s19 =	simm.s32 $0x3;
	s20 =	simm.s32 $0x4;
	s21 =	simm.s32 $0x80  }
0x6: {  	s16 =	simm.s32 $0xB;
	s10 =	simm.s32 $0x9;
	s11 =	simm.s32 $0xD  }
0x7: {  	s12 =	simm.s32 $0xE;
	s14 =	simm.s32 $0xF;
	s15 =	simm.s32 $0x10  }
0x8: {  	s17 =	simm.s32 $0x0;
	s1 =	sand.u32 $0x1, s1;
	s4 =	smul.u32 $0x5000, s8  }
0x9: {  	[smem:$0x7FF] =	sst s7;
	s5 =	sshll.u32 s1, $0x4;
	s6 =	smul.u32 $0x50000, s1  }
0xa: {  	_ =	strace $0x8000004A;
	s1 =	ssub.s32 $0x2, s1;
	s5 =	sor.u32 s8, s5  }
0xb: {  	s23 =	sshrl.u32 s4, $0x3;
	s24 =	sshrl.u32 s1, $0x1;
	s25 =	sadd.s32 s4, s2  }
0xc: {  	s8 =	sshll.u32 s8, $0x6;
	s5 =	smul.u32 $0x2880, s5;
	s7 =	sadd.s32 s23, s0  }
0xd: {  	s6 =	sadd.s32 s4, s6;
	s26 =	sor.u32 $0x1C01, s8;
	[dreg:$0x4] =	wrdreg s8  }
0xe: {  	s1 =	ssub.s32 s1, s24;
	s30 =	sor.u32 $0x1C02, s8;
	[dreg:$0x6] =	wrdreg s26  }
0xf: {  	s4 =	sadd.s32 s4, s3;
	s23 =	sshrl.u32 s25, $0x3;
	[dreg:$0xd] =	wrdreg s30  }
0x10: {  	s8 =	simm.s32 $0x8;
	s9 =	sadd.s32 $0x20A00, s7;
	[dreg:$0xc] =	wrdreg s23  }
0x11: {  	s6 =	sshrl.u32 s6, $0x3;
	s7 =	sadd.s32 $0x16A00, s7;
	[dreg:$0x5] =	wrdreg s9  }
0x12: {  	s29 =	smax.u32 s1, $0x1;
	s31 =	sshrl.u32 s4, $0x3;
	[dreg:$0x7] =	wrdreg s7  }
0x13: {  	s26 =	simm.s32 $0x5;
	s5 =	sshrl.u32 s5, $0x3;
	[dreg:$0xb] =	wrdreg s29  }
0x14: {  	s4 =	simm.s32 $0x12;
	[dreg:$0xe] =	wrdreg s31;
	s5 =	sadd.s32 s5, s0  }
0x15: {  	s7 =	simm.s32 $0x7;
	s9 =	simm.s32 $0xC;
	s28 =	sadd.s32 $0x2600, s5  }
0x16: {  	s0 =	sadd.s32 s6, s0;
	s5 =	sadd.s32 $0xC800, s5;
	[dreg:$0x8] =	wrdreg s28  }
0x17: {  	s6 =	simm.s32 $0xA;
	s0 =	sadd.s32 $0x2AA00, s0;
	[dreg:$0x9] =	wrdreg s5  }
0x18: {  	[dreg:$0xa] =	wrdreg s0;
	s0 =	simm.s32 $0x6;
	s5 =	simm.s32 $0x11  }
.LBB2_1:
0x19: {  	[dreg:$0xf] =	wrdreg s17  }
0x1a: {  	s13 =	rddreg [dreg:$0x5]  }
0x1b: {  	s22 =	rddreg [dreg:$0x6]  }
0x1c: {  	[spmem:s23], [sflag:s22] =	dma.local [hbm:s13], $0xA00  }
0x1d: {  	s13 =	rddreg [dreg:$0x7]  }
0x1e: {  	s22 =	rddreg [dreg:$0xd]  }
0x1f: {  	s23 =	rddreg [dreg:$0xe]  }
0x20: {  	[spmem:s23], [sflag:s22] =	dma.local [hbm:s13], $0xA00  }
0x21: {  	s25 =	simm.s32 $0x0;
	s22 =	rddreg [dreg:$0x8]  }
0x22: {  	[tilespmem:s25], [sflag:$0x3] =	stream.linear.gather [hbm4b:s22+s25], $0x2880, $0x38;
	[tilespmem:$0x18100] =	vst v63  }
0x23: {  	s29 =	simm.s32 $0x2880;
	s17 =	simm.s32 $0x1;
	s28 =	rddreg [dreg:$0x9]  }
0x24: {  	[tilespmem:s29], [sflag:$0x4] =	stream.linear.gather [hbm4b:s28+s25], $0x2880, $0x38;
	[tilespmem:$0x18100] =	vst v63  }
0x25: {  	_ =	swait.ge [sflag:s17], $0xA00  }
0x26: {  	[sflag:s17] =	ssyncset.done $0x0  }
0x27: {  	[sflag:s17] =	ssyncadd.s32 $0xFFFFF600  }
0x28: {  	_ =	swait.ge [sflag:s18], $0xA00  }
0x29: {  	[sflag:s18] =	ssyncset.done $0x0  }
0x2a: {  	[sflag:s18] =	ssyncadd.s32 $0xFFFFF600  }
0x2b: {  	_ =	swait.ge [sflag:s19], $0x2880  }
0x2c: {  	[sflag:s19] =	ssyncset.done $0x0  }
0x2d: {  	[sflag:s19] =	ssyncadd.s32 $0xFFFFD780  }
0x2e: {  	_ =	swait.ge [sflag:s20], $0x2880  }
0x2f: {  	[sflag:s20] =	ssyncset.done $0x0  }
0x30: {  	[sflag:s20] =	ssyncadd.s32 $0xFFFFD780  }
0x31: {  	s22 =	simm.s32 $0x5100;
	[bflag:$0x0] =	sbarrier.arrive $0xFFFF  }
0x32: {  	[tilespmem:s22], [sflag:$0x1] =	stream.indirect.gather [spmem:s3], $0x20, s25, s21, $0xb8;
	[tilespmem:$0x18100] =	vst v63  }
0x33: {  	s25 =	simm.s32 $0x6100  }
0x34: {  	[tilespmem:s25], [sflag:$0x2] =	stream.indirect.gather [spmem:s3], $0x20, s21, s21, $0xb8;
	[tilespmem:$0x18100] =	vst v63  }
0x35: {  	s30 =	simm.s32 $0x100;
	s28 =	simm.s32 $0x7100  }
0x36: {  	[tilespmem:s28], [sflag:$0x3] =	stream.indirect.gather [spmem:s3], $0x20, s30, s21, $0xb8;
	[tilespmem:$0x18100] =	vst v63  }
0x37: {  	s1 =	simm.s32 $0x180;
	s30 =	simm.s32 $0x8100  }
0x38: {  	[tilespmem:s30], [sflag:$0x4] =	stream.indirect.gather [spmem:s3], $0x20, s1, s21, $0xb8;
	[tilespmem:$0x18100] =	vst v63  }
0x39: {  	_ =	swait.ge [sflag:s17], $0x1000  }
0x3a: {  	[sflag:s17] =	ssyncset.done $0x0  }
0x3b: {  	[sflag:s17] =	ssyncadd.s32 $0xFFFFF000  }
0x3c: {  	[spmem:s2] =	stream.indirect.scatter.add.f32 [tilespmem:s22], [sflag:$0xA], $0x20, s29, s21, $0xb8;
	[tilespmem:$0x18100] =	vst v63  }
0x3d: {  	s31 =	simm.s32 $0x200;
	s23 =	simm.s32 $0x9100  }
0x3e: {  	[tilespmem:s23], [sflag:$0x5] =	stream.indirect.gather [spmem:s3], $0x20, s31, s21, $0xb8;
	[tilespmem:$0x18100] =	vst v63  }
0x3f: {  	_ =	swait.ge [sflag:s18], $0x1000  }
0x40: {  	[sflag:s18] =	ssyncset.done $0x0  }
0x41: {  	s13 =	simm.s32 $0x2900;
	[sflag:s18] =	ssyncadd.s32 $0xFFFFF000  }
0x42: {  	[spmem:s2] =	stream.indirect.scatter.add.f32 [tilespmem:s25], [sflag:$0xB], $0x20, s13, s21, $0xb8;
	[tilespmem:$0x18100] =	vst v63  }
0x43: {  	s24 =	simm.s32 $0x280;
	s29 =	simm.s32 $0xA100  }
0x44: {  	[tilespmem:s29], [sflag:$0x6] =	stream.indirect.gather [spmem:s3], $0x20, s24, s21, $0xb8;
	[tilespmem:$0x18100] =	vst v63  }
0x45: {  	_ =	swait.ge [sflag:s19], $0x1000  }
0x46: {  	[sflag:s19] =	ssyncset.done $0x0  }
0x47: {  	s31 =	simm.s32 $0x2980;
	[sflag:s19] =	ssyncadd.s32 $0xFFFFF000  }
0x48: {  	[spmem:s2] =	stream.indirect.scatter.add.f32 [tilespmem:s28], [sflag:$0xC], $0x20, s31, s21, $0xb8;
	[tilespmem:$0x18100] =	vst v63  }
0x49: {  	s13 =	simm.s32 $0x300;
	s24 =	simm.s32 $0xB100  }
0x4a: {  	[tilespmem:s24], [sflag:$0x7] =	stream.indirect.gather [spmem:s3], $0x20, s13, s21, $0xb8;
	[tilespmem:$0x18100] =	vst v63  }
0x4b: {  	_ =	swait.ge [sflag:s20], $0x1000  }
0x4c: {  	[sflag:s20] =	ssyncset.done $0x0  }
0x4d: {  	s31 =	simm.s32 $0x2A00;
	[sflag:s20] =	ssyncadd.s32 $0xFFFFF000  }
0x4e: {  	[spmem:s2] =	stream.indirect.scatter.add.f32 [tilespmem:s30], [sflag:$0xD], $0x20, s31, s21, $0xb8;
	[tilespmem:$0x18100] =	vst v63  }
0x4f: {  	s13 =	simm.s32 $0x380;
	s31 =	simm.s32 $0xC100  }
0x50: {  	[tilespmem:s31], [sflag:$0x8] =	stream.indirect.gather [spmem:s3], $0x20, s13, s21, $0xb8;
	[tilespmem:$0x18100] =	vst v63  }
0x51: {  	_ =	swait.ge [sflag:s26], $0x1000  }
0x52: {  	[sflag:s26] =	ssyncset.done $0x0  }
0x53: {  	s13 =	simm.s32 $0x2A80;
	[sflag:s26] =	ssyncadd.s32 $0xFFFFF000  }
0x54: {  	[spmem:s2] =	stream.indirect.scatter.add.f32 [tilespmem:s23], [sflag:$0xE], $0x20, s13, s21, $0xb8;
	[tilespmem:$0x18100] =	vst v63  }
0x55: {  	s1 =	simm.s32 $0x400;
	s13 =	simm.s32 $0xD100  }
0x56: {  	[tilespmem:s13], [sflag:$0x9] =	stream.indirect.gather [spmem:s3], $0x20, s1, s21, $0xb8;
	[tilespmem:$0x18100] =	vst v63  }
0x57: {  	_ =	swait.ge [sflag:s0], $0x1000  }
0x58: {  	[sflag:s0] =	ssyncset.done $0x0  }
0x59: {  	s1 =	simm.s32 $0x2B00;
	[sflag:s0] =	ssyncadd.s32 $0xFFFFF000  }
0x5a: {  	[spmem:s2] =	stream.indirect.scatter.add.f32 [tilespmem:s29], [sflag:$0xF], $0x20, s1, s21, $0xb8;
	[tilespmem:$0x18100] =	vst v63  }
0x5b: {  	_ =	swait.ge [sflag:s6], $0x1000  }
0x5c: {  	[sflag:s6] =	ssyncset.done $0x0  }
0x5d: {  	s1 =	simm.s32 $0x480;
	[sflag:s6] =	ssyncadd.s32 $0xFFFFF000  }
0x5e: {  	[tilespmem:s22], [sflag:$0x1] =	stream.indirect.gather [spmem:s3], $0x20, s1, s21, $0xb8;
	[tilespmem:$0x18100] =	vst v63  }
0x5f: {  	_ =	swait.ge [sflag:s7], $0x1000  }
0x60: {  	[sflag:s7] =	ssyncset.done $0x0  }
0x61: {  	s1 =	simm.s32 $0x2B80;
	[sflag:s7] =	ssyncadd.s32 $0xFFFFF000  }
0x62: {  	[spmem:s2] =	stream.indirect.scatter.add.f32 [tilespmem:s24], [sflag:$0x10], $0x20, s1, s21, $0xb8;
	[tilespmem:$0x18100] =	vst v63  }
0x63: {  	_ =	swait.ge [sflag:s16], $0x1000  }
0x64: {  	[sflag:s16] =	ssyncset.done $0x0  }
0x65: {  	s1 =	simm.s32 $0x500;
	[sflag:s16] =	ssyncadd.s32 $0xFFFFF000  }
0x66: {  	[tilespmem:s25], [sflag:$0x2] =	stream.indirect.gather [spmem:s3], $0x20, s1, s21, $0xb8;
	[tilespmem:$0x18100] =	vst v63  }
0x67: {  	_ =	swait.ge [sflag:s8], $0x1000  }
0x68: {  	[sflag:s8] =	ssyncset.done $0x0  }
0x69: {  	s1 =	simm.s32 $0x2C00;
	[sflag:s8] =	ssyncadd.s32 $0xFFFFF000  }
0x6a: {  	[spmem:s2] =	stream.indirect.scatter.add.f32 [tilespmem:s31], [sflag:$0x11], $0x20, s1, s21, $0xb8;
	[tilespmem:$0x18100] =	vst v63  }
0x6b: {  	_ =	swait.ge [sflag:s9], $0x1000  }
0x6c: {  	[sflag:s9] =	ssyncset.done $0x0  }
0x6d: {  	s1 =	simm.s32 $0x580;
	[sflag:s9] =	ssyncadd.s32 $0xFFFFF000  }
0x6e: {  	[tilespmem:s28], [sflag:$0x3] =	stream.indirect.gather [spmem:s3], $0x20, s1, s21, $0xb8;
	[tilespmem:$0x18100] =	vst v63  }
0x6f: {  	_ =	swait.ge [sflag:s10], $0x1000  }
0x70: {  	[sflag:s10] =	ssyncset.done $0x0  }
0x71: {  	s13 =	simm.s32 $0xD100;
	s1 =	simm.s32 $0x2C80;
	[sflag:s10] =	ssyncadd.s32 $0xFFFFF000  }
0x72: {  	[spmem:s2] =	stream.indirect.scatter.add.f32 [tilespmem:s13], [sflag:$0x12], $0x20, s1, s21, $0xb8;
	[tilespmem:$0x18100] =	vst v63  }
0x73: {  	_ =	swait.ge [sflag:s11], $0x1000  }
0x74: {  	[sflag:s11] =	ssyncset.done $0x0  }
0x75: {  	s13 =	simm.s32 $0x600;
	[sflag:s11] =	ssyncadd.s32 $0xFFFFF000  }
0x76: {  	[tilespmem:s30], [sflag:$0x4] =	stream.indirect.gather [spmem:s3], $0x20, s13, s21, $0xb8;
	[tilespmem:$0x18100] =	vst v63  }
0x77: {  	_ =	swait.ge [sflag:s17], $0x1000  }
0x78: {  	[sflag:s17] =	ssyncset.done $0x0  }
0x79: {  	[sflag:s17] =	ssyncadd.s32 $0xFFFFF000;
	s17 =	simm.s32 $0x2D00  }
0x7a: {  	[spmem:s2] =	stream.indirect.scatter.add.f32 [tilespmem:s22], [sflag:$0xA], $0x20, s17, s21, $0xb8;
	[tilespmem:$0x18100] =	vst v63  }
0x7b: {  	_ =	swait.ge [sflag:s12], $0x1000  }
0x7c: {  	[sflag:s12] =	ssyncset.done $0x0  }
0x7d: {  	s1 =	simm.s32 $0x680;
	[sflag:s12] =	ssyncadd.s32 $0xFFFFF000  }
0x7e: {  	[tilespmem:s23], [sflag:$0x5] =	stream.indirect.gather [spmem:s3], $0x20, s1, s21, $0xb8;
	[tilespmem:$0x18100] =	vst v63  }
0x7f: {  	_ =	swait.ge [sflag:s18], $0x1000  }
0x80: {  	[sflag:s18] =	ssyncset.done $0x0  }
0x81: {  	s17 =	simm.s32 $0x2D80;
	[sflag:s18] =	ssyncadd.s32 $0xFFFFF000  }
0x82: {  	[spmem:s2] =	stream.indirect.scatter.add.f32 [tilespmem:s25], [sflag:$0xB], $0x20, s17, s21, $0xb8;
	[tilespmem:$0x18100] =	vst v63  }
0x83: {  	_ =	swait.ge [sflag:s14], $0x1000  }
0x84: {  	[sflag:s14] =	ssyncset.done $0x0  }
0x85: {  	s1 =	simm.s32 $0x700;
	[sflag:s14] =	ssyncadd.s32 $0xFFFFF000  }
0x86: {  	[tilespmem:s29], [sflag:$0x6] =	stream.indirect.gather [spmem:s3], $0x20, s1, s21, $0xb8;
	[tilespmem:$0x18100] =	vst v63  }
0x87: {  	_ =	swait.ge [sflag:s19], $0x1000  }
0x88: {  	[sflag:s19] =	ssyncset.done $0x0  }
0x89: {  	s17 =	simm.s32 $0x2E00;
	[sflag:s19] =	ssyncadd.s32 $0xFFFFF000  }
0x8a: {  	[spmem:s2] =	stream.indirect.scatter.add.f32 [tilespmem:s28], [sflag:$0xC], $0x20, s17, s21, $0xb8;
	[tilespmem:$0x18100] =	vst v63  }
0x8b: {  	_ =	swait.ge [sflag:s15], $0x1000  }
0x8c: {  	[sflag:s15] =	ssyncset.done $0x0  }
0x8d: {  	s1 =	simm.s32 $0x780;
	[sflag:s15] =	ssyncadd.s32 $0xFFFFF000  }
0x8e: {  	[tilespmem:s24], [sflag:$0x7] =	stream.indirect.gather [spmem:s3], $0x20, s1, s21, $0xb8;
	[tilespmem:$0x18100] =	vst v63  }
0x8f: {  	_ =	swait.ge [sflag:s20], $0x1000  }
0x90: {  	[sflag:s20] =	ssyncset.done $0x0  }
0x91: {  	s17 =	simm.s32 $0x2E80;
	[sflag:s20] =	ssyncadd.s32 $0xFFFFF000  }
0x92: {  	[spmem:s2] =	stream.indirect.scatter.add.f32 [tilespmem:s30], [sflag:$0xD], $0x20, s17, s21, $0xb8;
	[tilespmem:$0x18100] =	vst v63  }
0x93: {  	_ =	swait.ge [sflag:s5], $0x1000  }
0x94: {  	[sflag:s5] =	ssyncset.done $0x0  }
0x95: {  	s1 =	simm.s32 $0x800;
	[sflag:s5] =	ssyncadd.s32 $0xFFFFF000  }
0x96: {  	[tilespmem:s31], [sflag:$0x8] =	stream.indirect.gather [spmem:s3], $0x20, s1, s21, $0xb8;
	[tilespmem:$0x18100] =	vst v63  }
0x97: {  	_ =	swait.ge [sflag:s26], $0x1000  }
0x98: {  	[sflag:s26] =	ssyncset.done $0x0  }
0x99: {  	s17 =	simm.s32 $0x2F00;
	[sflag:s26] =	ssyncadd.s32 $0xFFFFF000  }
0x9a: {  	[spmem:s2] =	stream.indirect.scatter.add.f32 [tilespmem:s23], [sflag:$0xE], $0x20, s17, s21, $0xb8;
	[tilespmem:$0x18100] =	vst v63  }
0x9b: {  	_ =	swait.ge [sflag:s4], $0x1000  }
0x9c: {  	[sflag:s4] =	ssyncset.done $0x0  }
0x9d: {  	s1 =	simm.s32 $0xD100;
	s23 =	simm.s32 $0x880;
	[sflag:s4] =	ssyncadd.s32 $0xFFFFF000  }
0x9e: {  	[tilespmem:s1], [sflag:$0x9] =	stream.indirect.gather [spmem:s3], $0x20, s23, s21, $0xb8;
	[tilespmem:$0x18100] =	vst v63  }
0x9f: {  	_ =	swait.ge [sflag:s0], $0x1000  }
0xa0: {  	[sflag:s0] =	ssyncset.done $0x0  }
0xa1: {  	s30 =	simm.s32 $0x2F80;
	[sflag:s0] =	ssyncadd.s32 $0xFFFFF000  }
0xa2: {  	[spmem:s2] =	stream.indirect.scatter.add.f32 [tilespmem:s29], [sflag:$0xF], $0x20, s30, s21, $0xb8;
	[tilespmem:$0x18100] =	vst v63  }
0xa3: {  	_ =	swait.ge [sflag:s6], $0x1000  }
0xa4: {  	[sflag:s6] =	ssyncset.done $0x0  }
0xa5: {  	s17 =	simm.s32 $0x900;
	[sflag:s6] =	ssyncadd.s32 $0xFFFFF000  }
0xa6: {  	[tilespmem:s22], [sflag:$0x1] =	stream.indirect.gather [spmem:s3], $0x20, s17, s21, $0xb8;
	[tilespmem:$0x18100] =	vst v63  }
0xa7: {  	_ =	swait.ge [sflag:s7], $0x1000  }
0xa8: {  	[sflag:s7] =	ssyncset.done $0x0  }
0xa9: {  	s23 =	simm.s32 $0x3000;
	[sflag:s7] =	ssyncadd.s32 $0xFFFFF000  }
0xaa: {  	[spmem:s2] =	stream.indirect.scatter.add.f32 [tilespmem:s24], [sflag:$0x10], $0x20, s23, s21, $0xb8;
	[tilespmem:$0x18100] =	vst v63  }
0xab: {  	_ =	swait.ge [sflag:s16], $0x1000  }
0xac: {  	[sflag:s16] =	ssyncset.done $0x0  }
0xad: {  	s24 =	simm.s32 $0x980;
	[sflag:s16] =	ssyncadd.s32 $0xFFFFF000  }
0xae: {  	[tilespmem:s25], [sflag:$0x2] =	stream.indirect.gather [spmem:s3], $0x20, s24, s21, $0xb8;
	[tilespmem:$0x18100] =	vst v63  }
0xaf: {  	_ =	swait.ge [sflag:s8], $0x1000  }
0xb0: {  	[sflag:s8] =	ssyncset.done $0x0  }
0xb1: {  	s29 =	simm.s32 $0x3080;
	[sflag:s8] =	ssyncadd.s32 $0xFFFFF000  }
0xb2: {  	[spmem:s2] =	stream.indirect.scatter.add.f32 [tilespmem:s31], [sflag:$0x11], $0x20, s29, s21, $0xb8;
	[tilespmem:$0x18100] =	vst v63  }
0xb3: {  	_ =	swait.ge [sflag:s9], $0x1000  }
0xb4: {  	[sflag:s9] =	ssyncset.done $0x0  }
0xb5: {  	s30 =	simm.s32 $0xA00;
	[sflag:s9] =	ssyncadd.s32 $0xFFFFF000  }
0xb6: {  	[tilespmem:s28], [sflag:$0x3] =	stream.indirect.gather [spmem:s3], $0x20, s30, s21, $0xb8;
	[tilespmem:$0x18100] =	vst v63  }
0xb7: {  	_ =	swait.ge [sflag:s10], $0x1000  }
0xb8: {  	[sflag:s10] =	ssyncset.done $0x0  }
0xb9: {  	s31 =	simm.s32 $0x3100;
	[sflag:s10] =	ssyncadd.s32 $0xFFFFF000  }
0xba: {  	[spmem:s2] =	stream.indirect.scatter.add.f32 [tilespmem:s1], [sflag:$0x12], $0x20, s31, s21, $0xb8;
	[tilespmem:$0x18100] =	vst v63  }
0xbb: {  	_ =	swait.ge [sflag:s11], $0x1000  }
0xbc: {  	[sflag:s11] =	ssyncset.done $0x0  }
0xbd: {  	s13 =	simm.s32 $0x1200;
	s22 =	simm.s32 $0xA80;
	[sflag:s11] =	ssyncadd.s32 $0xFFFFF000  }
.LBB2_2:
0xbe: {  	s28 =	simm.s32 $0x8100  }
0xbf: {  	[tilespmem:s28], [sflag:$0x4] =	stream.indirect.gather [spmem:s3], $0x20, s22, s21, $0xb8;
	[tilespmem:$0x18100] =	vst v63  }
0xc0: {  	s1 =	simm.s32 $0x1;
	s22 =	smov.u32 s13  }
0xc1: {  	p0 =	sne.s32 s13, $0x6C00;
	s13 =	sadd.s32 $0x1200, s13;
	_ =	swait.ge [sflag:s1], $0x1000  }
0xc2: {  	s22 =	sshra.s32 s22, $0x2;
	[sflag:s1] =	ssyncset.done $0x0  }
0xc3: {  	s25 =	simm.s32 $0x5100;
	s23 =	sadd.s32 $0x2D00, s22;
	[sflag:s1] =	ssyncadd.s32 $0xFFFFF000  }
0xc4: {  	[spmem:s2] =	stream.indirect.scatter.add.f32 [tilespmem:s25], [sflag:$0xA], $0x20, s23, s21, $0xb8;
	[tilespmem:$0x18100] =	vst v63  }
0xc5: {  	_ =	swait.ge [sflag:s12], $0x1000  }
0xc6: {  	[sflag:s12] =	ssyncset.done $0x0  }
0xc7: {  	s29 =	simm.s32 $0x9100;
	s23 =	sadd.s32 $0x680, s22;
	[sflag:s12] =	ssyncadd.s32 $0xFFFFF000  }
0xc8: {  	[tilespmem:s29], [sflag:$0x5] =	stream.indirect.gather [spmem:s3], $0x20, s23, s21, $0xb8;
	[tilespmem:$0x18100] =	vst v63  }
0xc9: {  	_ =	swait.ge [sflag:s18], $0x1000  }
0xca: {  	[sflag:s18] =	ssyncset.done $0x0  }
0xcb: {  	s30 =	simm.s32 $0x6100;
	s23 =	sadd.s32 $0x2D80, s22;
	[sflag:s18] =	ssyncadd.s32 $0xFFFFF000  }
0xcc: {  	[spmem:s2] =	stream.indirect.scatter.add.f32 [tilespmem:s30], [sflag:$0xB], $0x20, s23, s21, $0xb8;
	[tilespmem:$0x18100] =	vst v63  }
0xcd: {  	_ =	swait.ge [sflag:s14], $0x1000  }
0xce: {  	[sflag:s14] =	ssyncset.done $0x0  }
0xcf: {  	s24 =	simm.s32 $0xA100;
	s23 =	sadd.s32 $0x700, s22;
	[sflag:s14] =	ssyncadd.s32 $0xFFFFF000  }
0xd0: {  	[tilespmem:s24], [sflag:$0x6] =	stream.indirect.gather [spmem:s3], $0x20, s23, s21, $0xb8;
	[tilespmem:$0x18100] =	vst v63  }
0xd1: {  	_ =	swait.ge [sflag:s19], $0x1000  }
0xd2: {  	[sflag:s19] =	ssyncset.done $0x0  }
0xd3: {  	s1 =	simm.s32 $0x7100;
	s23 =	sadd.s32 $0x2E00, s22;
	[sflag:s19] =	ssyncadd.s32 $0xFFFFF000  }
0xd4: {  	[spmem:s2] =	stream.indirect.scatter.add.f32 [tilespmem:s1], [sflag:$0xC], $0x20, s23, s21, $0xb8;
	[tilespmem:$0x18100] =	vst v63  }
0xd5: {  	_ =	swait.ge [sflag:s15], $0x1000  }
0xd6: {  	[sflag:s15] =	ssyncset.done $0x0  }
0xd7: {  	s31 =	simm.s32 $0xB100;
	s23 =	sadd.s32 $0x780, s22;
	[sflag:s15] =	ssyncadd.s32 $0xFFFFF000  }
0xd8: {  	[tilespmem:s31], [sflag:$0x7] =	stream.indirect.gather [spmem:s3], $0x20, s23, s21, $0xb8;
	[tilespmem:$0x18100] =	vst v63  }
0xd9: {  	_ =	swait.ge [sflag:s20], $0x1000  }
0xda: {  	[sflag:s20] =	ssyncset.done $0x0  }
0xdb: {  	s23 =	sadd.s32 $0x2E80, s22;
	[sflag:s20] =	ssyncadd.s32 $0xFFFFF000  }
0xdc: {  	[spmem:s2] =	stream.indirect.scatter.add.f32 [tilespmem:s28], [sflag:$0xD], $0x20, s23, s21, $0xb8;
	[tilespmem:$0x18100] =	vst v63  }
0xdd: {  	_ =	swait.ge [sflag:s5], $0x1000  }
0xde: {  	[sflag:s5] =	ssyncset.done $0x0  }
0xdf: {  	s17 =	simm.s32 $0xC100;
	s23 =	sadd.s32 $0x800, s22;
	[sflag:s5] =	ssyncadd.s32 $0xFFFFF000  }
0xe0: {  	[tilespmem:s17], [sflag:$0x8] =	stream.indirect.gather [spmem:s3], $0x20, s23, s21, $0xb8;
	[tilespmem:$0x18100] =	vst v63  }
0xe1: {  	_ =	swait.ge [sflag:s26], $0x1000  }
0xe2: {  	[sflag:s26] =	ssyncset.done $0x0  }
0xe3: {  	s23 =	sadd.s32 $0x2F00, s22;
	[sflag:s26] =	ssyncadd.s32 $0xFFFFF000  }
0xe4: {  	[spmem:s2] =	stream.indirect.scatter.add.f32 [tilespmem:s29], [sflag:$0xE], $0x20, s23, s21, $0xb8;
	[tilespmem:$0x18100] =	vst v63  }
0xe5: {  	_ =	swait.ge [sflag:s4], $0x1000  }
0xe6: {  	[sflag:s4] =	ssyncset.done $0x0  }
0xe7: {  	s23 =	sadd.s32 $0x880, s22;
	s29 =	simm.s32 $0xD100;
	[sflag:s4] =	ssyncadd.s32 $0xFFFFF000  }
0xe8: {  	[tilespmem:s29], [sflag:$0x9] =	stream.indirect.gather [spmem:s3], $0x20, s23, s21, $0xb8;
	[tilespmem:$0x18100] =	vst v63  }
0xe9: {  	_ =	swait.ge [sflag:s0], $0x1000  }
0xea: {  	[sflag:s0] =	ssyncset.done $0x0  }
0xeb: {  	s23 =	sadd.s32 $0x2F80, s22;
	[sflag:s0] =	ssyncadd.s32 $0xFFFFF000  }
0xec: {  	[spmem:s2] =	stream.indirect.scatter.add.f32 [tilespmem:s24], [sflag:$0xF], $0x20, s23, s21, $0xb8;
	[tilespmem:$0x18100] =	vst v63  }
0xed: {  	_ =	swait.ge [sflag:s6], $0x1000  }
0xee: {  	[sflag:s6] =	ssyncset.done $0x0  }
0xef: {  	s28 =	simm.s32 $0x5100;
	s23 =	sadd.s32 $0x900, s22;
	[sflag:s6] =	ssyncadd.s32 $0xFFFFF000  }
0xf0: {  	[tilespmem:s25], [sflag:$0x1] =	stream.indirect.gather [spmem:s3], $0x20, s23, s21, $0xb8;
	[tilespmem:$0x18100] =	vst v63  }
0xf1: {  	_ =	swait.ge [sflag:s7], $0x1000  }
0xf2: {  	[sflag:s7] =	ssyncset.done $0x0  }
0xf3: {  	s23 =	sadd.s32 $0x3000, s22;
	[sflag:s7] =	ssyncadd.s32 $0xFFFFF000  }
0xf4: {  	[spmem:s2] =	stream.indirect.scatter.add.f32 [tilespmem:s31], [sflag:$0x10], $0x20, s23, s21, $0xb8;
	[tilespmem:$0x18100] =	vst v63  }
0xf5: {  	_ =	swait.ge [sflag:s16], $0x1000  }
0xf6: {  	[sflag:s16] =	ssyncset.done $0x0  }
0xf7: {  	s25 =	simm.s32 $0x6100;
	s23 =	sadd.s32 $0x980, s22;
	[sflag:s16] =	ssyncadd.s32 $0xFFFFF000  }
0xf8: {  	[tilespmem:s30], [sflag:$0x2] =	stream.indirect.gather [spmem:s3], $0x20, s23, s21, $0xb8;
	[tilespmem:$0x18100] =	vst v63  }
0xf9: {  	_ =	swait.ge [sflag:s8], $0x1000  }
0xfa: {  	[sflag:s8] =	ssyncset.done $0x0  }
0xfb: {  	s23 =	sadd.s32 $0x3080, s22;
	[sflag:s8] =	ssyncadd.s32 $0xFFFFF000  }
0xfc: {  	[spmem:s2] =	stream.indirect.scatter.add.f32 [tilespmem:s17], [sflag:$0x11], $0x20, s23, s21, $0xb8;
	[tilespmem:$0x18100] =	vst v63  }
0xfd: {  	_ =	swait.ge [sflag:s9], $0x1000  }
0xfe: {  	[sflag:s9] =	ssyncset.done $0x0  }
0xff: {  	s30 =	simm.s32 $0x7100;
	s23 =	sadd.s32 $0xA00, s22;
	[sflag:s9] =	ssyncadd.s32 $0xFFFFF000  }
0x100: {  	[tilespmem:s1], [sflag:$0x3] =	stream.indirect.gather [spmem:s3], $0x20, s23, s21, $0xb8;
	[tilespmem:$0x18100] =	vst v63  }
0x101: {  	_ =	swait.ge [sflag:s10], $0x1000  }
0x102: {  	[sflag:s10] =	ssyncset.done $0x0  }
.Ltmp0:
0x103: {  	s23 =	sadd.s32 $0x3100, s22;
	[sflag:s10] =	ssyncadd.s32 $0xFFFFF000;
	(pc) =	sbr.rel @p0 .LBB2_2-.Ltmp0, $4  }
0x104: {  	[spmem:s2] =	stream.indirect.scatter.add.f32 [tilespmem:s29], [sflag:$0x12], $0x20, s23, s21, $0xb8;
	[tilespmem:$0x18100] =	vst v63  }
0x105: {  	_ =	swait.ge [sflag:s11], $0x1000  }
0x106: {  	[sflag:s11] =	ssyncset.done $0x0  }
0x107: {  	s22 =	sadd.s32 $0xA80, s22;
	[sflag:s11] =	ssyncadd.s32 $0xFFFFF000  }
0x108: {  	s1 =	simm.s32 $0x8100;
	s13 =	simm.s32 $0x1  }
0x109: {  	[tilespmem:s1], [sflag:$0x4] =	stream.indirect.gather [spmem:s3], $0x20, s22, s21, $0xb8;
	[tilespmem:$0x18100] =	vst v63  }
0x10a: {  	_ =	swait.ge [sflag:s13], $0x1000  }
0x10b: {  	[sflag:s13] =	ssyncset.done $0x0  }
0x10c: {  	s23 =	simm.s32 $0x4C80;
	[sflag:s13] =	ssyncadd.s32 $0xFFFFF000  }
0x10d: {  	[spmem:s2] =	stream.indirect.scatter.add.f32 [tilespmem:s28], [sflag:$0xA], $0x20, s23, s21, $0xb8;
	[tilespmem:$0x18100] =	vst v63  }
0x10e: {  	_ =	swait.ge [sflag:s12], $0x1000  }
0x10f: {  	[sflag:s12] =	ssyncset.done $0x0  }
0x110: {  	s17 =	simm.s32 $0x2600;
	s13 =	simm.s32 $0x9100;
	[sflag:s12] =	ssyncadd.s32 $0xFFFFF000  }
0x111: {  	[tilespmem:s13], [sflag:$0x5] =	stream.indirect.gather [spmem:s3], $0x20, s17, s21, $0xb8;
	[tilespmem:$0x18100] =	vst v63  }
0x112: {  	_ =	swait.ge [sflag:s18], $0x1000  }
0x113: {  	[sflag:s18] =	ssyncset.done $0x0  }
0x114: {  	s24 =	simm.s32 $0x4D00;
	[sflag:s18] =	ssyncadd.s32 $0xFFFFF000  }
0x115: {  	[spmem:s2] =	stream.indirect.scatter.add.f32 [tilespmem:s25], [sflag:$0xB], $0x20, s24, s21, $0xb8;
	[tilespmem:$0x18100] =	vst v63  }
0x116: {  	_ =	swait.ge [sflag:s14], $0x1000  }
0x117: {  	[sflag:s14] =	ssyncset.done $0x0  }
0x118: {  	s22 =	simm.s32 $0xA100;
	s28 =	simm.s32 $0x2680;
	[sflag:s14] =	ssyncadd.s32 $0xFFFFF000  }
0x119: {  	[tilespmem:s22], [sflag:$0x6] =	stream.indirect.gather [spmem:s3], $0x20, s28, s21, $0xb8;
	[tilespmem:$0x18100] =	vst v63  }
0x11a: {  	_ =	swait.ge [sflag:s19], $0x1000  }
0x11b: {  	[sflag:s19] =	ssyncset.done $0x0  }
0x11c: {  	s29 =	simm.s32 $0x4D80;
	[sflag:s19] =	ssyncadd.s32 $0xFFFFF000  }
0x11d: {  	[spmem:s2] =	stream.indirect.scatter.add.f32 [tilespmem:s30], [sflag:$0xC], $0x20, s29, s21, $0xb8;
	[tilespmem:$0x18100] =	vst v63  }
0x11e: {  	_ =	swait.ge [sflag:s15], $0x1000  }
0x11f: {  	[sflag:s15] =	ssyncset.done $0x0  }
0x120: {  	s23 =	simm.s32 $0xB100;
	s30 =	simm.s32 $0x2700;
	[sflag:s15] =	ssyncadd.s32 $0xFFFFF000  }
0x121: {  	[tilespmem:s23], [sflag:$0x7] =	stream.indirect.gather [spmem:s3], $0x20, s30, s21, $0xb8;
	[tilespmem:$0x18100] =	vst v63  }
0x122: {  	_ =	swait.ge [sflag:s20], $0x1000  }
0x123: {  	[sflag:s20] =	ssyncset.done $0x0  }
0x124: {  	s31 =	simm.s32 $0x4E00;
	[sflag:s20] =	ssyncadd.s32 $0xFFFFF000  }
0x125: {  	[spmem:s2] =	stream.indirect.scatter.add.f32 [tilespmem:s1], [sflag:$0xD], $0x20, s31, s21, $0xb8;
	[tilespmem:$0x18100] =	vst v63  }
0x126: {  	_ =	swait.ge [sflag:s5], $0x1000  }
0x127: {  	[sflag:s5] =	ssyncset.done $0x0  }
0x128: {  	s24 =	simm.s32 $0xC100;
	s25 =	simm.s32 $0x2780;
	[sflag:s5] =	ssyncadd.s32 $0xFFFFF000  }
0x129: {  	[tilespmem:s24], [sflag:$0x8] =	stream.indirect.gather [spmem:s3], $0x20, s25, s21, $0xb8;
	[tilespmem:$0x18100] =	vst v63  }
0x12a: {  	_ =	swait.ge [sflag:s26], $0x1000  }
0x12b: {  	[sflag:s26] =	ssyncset.done $0x0  }
0x12c: {  	s28 =	simm.s32 $0x4E80;
	[sflag:s26] =	ssyncadd.s32 $0xFFFFF000  }
0x12d: {  	[spmem:s2] =	stream.indirect.scatter.add.f32 [tilespmem:s13], [sflag:$0xE], $0x20, s28, s21, $0xb8;
	[tilespmem:$0x18100] =	vst v63  }
0x12e: {  	_ =	swait.ge [sflag:s4], $0x1000  }
0x12f: {  	[sflag:s4] =	ssyncset.done $0x0  }
0x130: {  	s29 =	simm.s32 $0xD100;
	s30 =	simm.s32 $0x2800;
	[sflag:s4] =	ssyncadd.s32 $0xFFFFF000  }
0x131: {  	[tilespmem:s29], [sflag:$0x9] =	stream.indirect.gather [spmem:s3], $0x20, s30, s21, $0xb8;
	[tilespmem:$0x18100] =	vst v63  }
0x132: {  	_ =	swait.ge [sflag:s0], $0x1000  }
0x133: {  	[sflag:s0] =	ssyncset.done $0x0  }
0x134: {  	s31 =	simm.s32 $0x4F00;
	[sflag:s0] =	ssyncadd.s32 $0xFFFFF000  }
0x135: {  	[spmem:s2] =	stream.indirect.scatter.add.f32 [tilespmem:s22], [sflag:$0xF], $0x20, s31, s21, $0xb8;
	[tilespmem:$0x18100] =	vst v63  }
0x136: {  	_ =	swait.ge [sflag:s7], $0x1000  }
0x137: {  	[sflag:s7] =	ssyncset.done $0x0  }
0x138: {  	s22 =	simm.s32 $0x4F80;
	[sflag:s7] =	ssyncadd.s32 $0xFFFFF000  }
0x139: {  	[spmem:s2] =	stream.indirect.scatter.add.f32 [tilespmem:s23], [sflag:$0x10], $0x20, s22, s21, $0xb8;
	[tilespmem:$0x18100] =	vst v63  }
0x13a: {  	_ =	swait.ge [sflag:s8], $0x1000  }
0x13b: {  	[sflag:s8] =	ssyncset.done $0x0  }
0x13c: {  	s23 =	simm.s32 $0x5000;
	[sflag:s8] =	ssyncadd.s32 $0xFFFFF000  }
0x13d: {  	[spmem:s2] =	stream.indirect.scatter.add.f32 [tilespmem:s24], [sflag:$0x11], $0x20, s23, s21, $0xb8;
	[tilespmem:$0x18100] =	vst v63  }
0x13e: {  	_ =	swait.ge [sflag:s10], $0x1000  }
0x13f: {  	[sflag:s10] =	ssyncset.done $0x0  }
0x140: {  	s24 =	simm.s32 $0x5080;
	[sflag:s10] =	ssyncadd.s32 $0xFFFFF000  }
0x141: {  	[spmem:s2] =	stream.indirect.scatter.add.f32 [tilespmem:s29], [sflag:$0x12], $0x20, s24, s21, $0xb8;
	[tilespmem:$0x18100] =	vst v63  }
0x142: {  	_ =	swait.ge [sflag:s6], $0x1000  }
0x143: {  	[sflag:s6] =	ssyncset.done $0x0  }
0x144: {  	[sflag:s6] =	ssyncadd.s32 $0xFFFFF000  }
0x145: {  	_ =	swait.ge [sflag:s16], $0x1000  }
0x146: {  	[sflag:s16] =	ssyncset.done $0x0  }
0x147: {  	[sflag:s16] =	ssyncadd.s32 $0xFFFFF000  }
0x148: {  	_ =	swait.ge [sflag:s9], $0x1000  }
0x149: {  	[sflag:s9] =	ssyncset.done $0x0  }
0x14a: {  	[sflag:s9] =	ssyncadd.s32 $0xFFFFF000  }
0x14b: {  	_ =	swait.ge [sflag:s11], $0x1000  }
0x14c: {  	[sflag:s11] =	ssyncset.done $0x0  }
0x14d: {  	[sflag:s11] =	ssyncadd.s32 $0xFFFFF000  }
0x14e: {  	_ =	swait.ge [sflag:s12], $0x1000  }
0x14f: {  	[sflag:s12] =	ssyncset.done $0x0  }
0x150: {  	[sflag:s12] =	ssyncadd.s32 $0xFFFFF000  }
0x151: {  	_ =	swait.ge [sflag:s14], $0x1000  }
0x152: {  	[sflag:s14] =	ssyncset.done $0x0  }
0x153: {  	[sflag:s14] =	ssyncadd.s32 $0xFFFFF000  }
0x154: {  	_ =	swait.ge [sflag:s15], $0x1000  }
0x155: {  	[sflag:s15] =	ssyncset.done $0x0  }
0x156: {  	[sflag:s15] =	ssyncadd.s32 $0xFFFFF000  }
0x157: {  	_ =	swait.ge [sflag:s5], $0x1000  }
0x158: {  	[sflag:s5] =	ssyncset.done $0x0  }
0x159: {  	[sflag:s5] =	ssyncadd.s32 $0xFFFFF000  }
0x15a: {  	_ =	swait.ge [sflag:s4], $0x1000  }
0x15b: {  	[sflag:s4] =	ssyncset.done $0x0  }
0x15c: {  	[sflag:s4] =	ssyncadd.s32 $0xFFFFF000  }
0x15d: {  	[bflag:$0x0] =	sbarrier.arrive $0xFFFF  }
0x15e: {  	s25 =	rddreg [dreg:$0x4]  }
0x15f: {  	s28 =	rddreg [dreg:$0xa]  }
0x160: {  	s29 =	simm.s32 $0x13;
	s23 =	rddreg [dreg:$0xc];
	s13 =	sor.u32 $0x1C13, s25  }
0x161: {  	[hbm:s28], [sflag:s13] =	dma.local [spmem:s23], $0xA00  }
0x162: {  	_ =	swait.ge [sflag:s29], $0xA00  }
0x163: {  	s30 =	rddreg [dreg:$0xf]  }
0x164: {  	s31 =	rddreg [dreg:$0xb];
	s17 =	sadd.s32 $0x1, s30  }
0x165: {  	p0 =	sne.s32 s17, s31  }
.Ltmp1:
0x166: {  	_ = 	snop;
	(pc) =	sbr.rel @p0 .LBB2_1-.Ltmp1, $3  }
0x167: {  	_ =	sdelay $0x1  }
0x168: {  	[sflag:s29] =	ssyncset.done $0x0  }
0x169: {  	[sflag:s29] =	ssyncadd.s32 $0xFFFFF600  }
0x16a: {  	_ =	sfence.sel $0x180000  }
0x16b: {  	[bflag:$0x0] =	sbarrier.arrive $0xFFFF  }
0x16c: {  	_ =	strace $0x9000004A  }
0x16d: {  	s0 =	stileid.u32;
	[bflag:$0x2] =	sbarrier.arrive $0xFFFF  }
0x16e: {  	p0 =	sne.s32 s0, $0x0;
	s0 =	rddreg [dreg:$0x3]  }
0x16f: {  	s0 =	sadd.s32 @!p0 $0x100000, s0  }
0x170: {  	[sflag:s0] =	ssyncadd.tile.s32 @!p0 $0x1;
	_ =	shalt  }
.Lfunc_end2:
_tile_overlayer_lowered:
.L_overlay_start_2:
0x171: {  	(tag) =	ssettag $0x2  }
0x172: {  	s0 =	rddreg [dreg:$0x0];
	s2 =	stileid.u32  }
0x173: {  	s1 =	rddreg [dreg:$0x1];
	p0 =	sne.s32 s2, $0x0  }
0x174: {  	s3 =	rddreg [dreg:$0x2];
	[bflag:$0x3] =	sbarrier.arrive $0xFFFF;
	s2 =	simm.s32 @!p0 $0x1C13  }
0x175: {  	[timem:s3], [sflag:s2] =	dma.local @!p0 [hbm:s0], s1  }
0x176: {  	s0 =	simm.s32 @!p0 $0x13  }
0x177: {  	_ =	swait.ge @!p0 [sflag:s0], s1  }
0x178: {  	s1 =	ssub.s32 @!p0 $0x0, s1;
	[sflag:s0] =	ssyncset.done @!p0 $0x0  }
0x179: {  	[sflag:s0] =	ssyncadd.s32 @!p0 s1  }
0x17a: {  	[bflag:$0x3] =	sbarrier.arrive $0xFFFF  }
0x17b: {  	_ =	shalt  }

// kernel: kernel.16.cloned.1.call-start
scs
__scs_entry_jumppad:
0x0: {  	(pc) =	sbr.rel $0x88, $3  }
0x1: {  	(tag) =	ssettag $0x0;
	lr =	simm.s32 $0x1  }
0x2: {  	[smem:$0x3F99] =	sst lr;
	_ =	strace $0xD0000000  }
0x3: {  	_ = 	snop  }
0x4: {  	_ = 	snop  }
0x5: {  	_ = 	snop  }
0x6: {  	_ = 	snop  }
0x7: {  	_ = 	snop  }
__scs_overlays_trampoline_lowered:
0x8: {  	[smem:$0x3FA8] =	sst s0  }
0x9: {  	[smem:$0x3FA9] =	sst s1  }
0xa: {  	[smem:$0x3FAA] =	sst s2  }
0xb: {  	[smem:$0x3FAB] =	sst s3  }
0xc: {  	[smem:$0x3FAC] =	sst s4  }
0xd: {  	[smem:$0x3FAD] =	sst s5  }
0xe: {  	[smem:$0x3FAE] =	sst s6  }
0xf: {  	[smem:$0x3FAF] =	sst s7  }
0x10: {  	[smem:$0x3FB0] =	sst s8  }
0x11: {  	[smem:$0x3FB1] =	sst s9;
	s0 =	simm.s32 @!p0 $0x0  }
0x12: {  	s1 =	sld [smem:$0x3F97];
	s0 =	simm.s32 @p0 $0x1  }
0x13: {  	[smem:$0x3FB2] =	sst s0;
	s0 =	simm.s32 @!p1 $0x0  }
0x14: {  	s2 =	sld [smem:$0x3F96];
	s0 =	simm.s32 @p1 $0x1  }
0x15: {  	[smem:$0x3FB3] =	sst s0;
	s0 =	simm.s32 @!p2 $0x0  }
0x16: {  	s3 =	sld [smem:$0x3FDB];
	s0 =	simm.s32 @p2 $0x1  }
0x17: {  	s4 =	simm.s32 $0x1BF5;
	[smem:$0x3FB5] =	sst s0  }
0x18: {  	s0 =	sld [smem:$0x3F98];
	_ =	swait.ge [sflag:s4], $0x0  }
0x19: {  	s7 =	sld [smem:$0x3F99]  }
0x1a: {  	s8 =	sadd.s32 $0xFFFFE003, lr  }
0x1b: {  	s9 =	sadd.s32 $0xFFFFFEF7, lr;
	s5 =	simm.s32 $0xFFFFFFFF;
	p2 =	slt.u32 s8, $0xFFFFF086  }
0x1c: {  	p1 =	slt.u32 s9, $0xF7A;
	s5 =	simm.s32 @!p2 $0x0  }
0x1d: {  	s5 =	simm.s32 @p1 $0x1;
	p0 =	seq.s32 s7, s2  }
0x1e: {  	s7 =	smul.u32 @!p0 $0xF7A, s2;
	p2 =	seq.s32 @!p0 s5, $0x0  }
0x1f: {  	s9 =	smul.u32 $0xF7A, s1;
	s8 =	simm.s32 @!p0 $0x1BF5;
	p2 =	por !p2, p0  }
0x20: {  	[sflag:s8] =	ssyncset.s32 @!p0 $0xFFFFF086;
	s6 =	sadd.s32 @!p0 s3, s7;
	s7 =	simm.s32 @!p0 $0x108  }
0x21: {  	s3 =	sadd.s32 s3, s9;
	s6 =	sadd.s32 @!p0 $0x88, s6;
	s7 =	simm.s32 @p2 $0x1082  }
0x22: {  	[simem:s7], [sflag:s8] =	dma.local @!p0 [hbm:s6], $0xF7A  }
0x23: {  	s9 =	sor.u32 $0xD0000000, s2;
	s6 =	simm.s32 $0x108;
	_ =	swait.ge @!p0 [sflag:s8], $0x0  }
0x24: {  	s3 =	sadd.s32 $0x88, s3;
	s6 =	simm.s32 @!p1 $0x1082;
	[sflag:s4] =	ssyncset.s32 $0xFFFFF086  }
0x25: {  	[simem:s6], [sflag:s4] =	dma.local [hbm:s3], $0xF7A  }
0x26: {  	[smem:$0x3F99] =	sst s1;
	(tag) =	ssettag s2;
	_ =	strace s9  }
0x27: {  	s1 =	sld [smem:$0x3FA9]  }
0x28: {  	s2 =	sld [smem:$0x3FAA]  }
0x29: {  	s4 =	sld [smem:$0x3FAC]  }
0x2a: {  	p0 =	seq.s32 s5, $0x0;
	s5 =	sld [smem:$0x3FAD]  }
0x2b: {  	s6 =	sld [smem:$0x3FAE]  }
0x2c: {  	s7 =	sld [smem:$0x3FAF]  }
0x2d: {  	s3 =	simm.s32 $0x108;
	s8 =	sld [smem:$0x3FB0]  }
0x2e: {  	s3 =	simm.s32 @!p0 $0x1082;
	s9 =	sld [smem:$0x3FB1]  }
0x2f: {  	lr =	sadd.s32 s0, s3;
	s0 =	sld [smem:$0x3FA8]  }
0x30: {  	s3 =	sld [smem:$0x3FAB]  }
0x31: {  	[smem:$0x3FB4] =	sst s10  }
0x32: {  	s10 =	sld [smem:$0x3FB2];
	_ =	sdelay $0x3  }
0x33: {  	p0 =	seq.s32 s10, $0x1;
	s10 =	sld [smem:$0x3FB4];
	_ =	sdelay $0x3  }
0x34: {  	[smem:$0x3FB4] =	sst s10  }
0x35: {  	s10 =	sld [smem:$0x3FB3];
	_ =	sdelay $0x3  }
0x36: {  	p1 =	seq.s32 s10, $0x1;
	s10 =	sld [smem:$0x3FB4];
	_ =	sdelay $0x3  }
0x37: {  	[smem:$0x3FB4] =	sst s10  }
0x38: {  	s10 =	sld [smem:$0x3FB5]  }
0x39: {  	_ = 	snop;
	(pc) =	sbr.ind lr, $3  }
0x3a: {  	_ = 	snop  }
0x3b: {  	_ = 	snop  }
0x3c: {  	p2 =	seq.s32 s10, $0x1;
	s10 =	sld [smem:$0x3FB4]  }
0x3d: {  	_ =	shalt  }
0x3e: {  	_ =	shalt  }
0x3f: {  	_ =	shalt  }
0x40: {  	_ =	shalt  }
0x41: {  	_ =	shalt  }
0x42: {  	_ =	shalt  }
0x43: {  	_ =	shalt  }
0x44: {  	_ =	shalt  }
0x45: {  	_ =	shalt  }
0x46: {  	_ =	shalt  }
0x47: {  	_ =	shalt  }
0x48: {  	_ =	shalt  }
0x49: {  	_ =	shalt  }
0x4a: {  	_ =	shalt  }
0x4b: {  	_ =	shalt  }
0x4c: {  	_ =	shalt  }
0x4d: {  	_ =	shalt  }
0x4e: {  	_ =	shalt  }
0x4f: {  	_ =	shalt  }
0x50: {  	_ =	shalt  }
0x51: {  	_ =	shalt  }
0x52: {  	_ =	shalt  }
0x53: {  	_ =	shalt  }
0x54: {  	_ =	shalt  }
0x55: {  	_ =	shalt  }
0x56: {  	_ =	shalt  }
0x57: {  	_ =	shalt  }
0x58: {  	_ =	shalt  }
0x59: {  	_ =	shalt  }
0x5a: {  	_ =	shalt  }
0x5b: {  	_ =	shalt  }
0x5c: {  	_ =	shalt  }
0x5d: {  	_ =	shalt  }
0x5e: {  	_ =	shalt  }
0x5f: {  	_ =	shalt  }
0x60: {  	_ =	shalt  }
0x61: {  	_ =	shalt  }
0x62: {  	_ =	shalt  }
0x63: {  	_ =	shalt  }
0x64: {  	_ =	shalt  }
0x65: {  	_ =	shalt  }
0x66: {  	_ =	shalt  }
0x67: {  	_ =	shalt  }
0x68: {  	_ =	shalt  }
0x69: {  	_ =	shalt  }
0x6a: {  	_ =	shalt  }
0x6b: {  	_ =	shalt  }
0x6c: {  	_ =	shalt  }
0x6d: {  	_ =	shalt  }
0x6e: {  	_ =	shalt  }
0x6f: {  	_ =	shalt  }
0x70: {  	_ =	shalt  }
0x71: {  	_ =	shalt  }
0x72: {  	_ =	shalt  }
0x73: {  	_ =	shalt  }
0x74: {  	_ =	shalt  }
0x75: {  	_ =	shalt  }
0x76: {  	_ =	shalt  }
0x77: {  	_ =	shalt  }
0x78: {  	_ =	shalt  }
0x79: {  	_ =	shalt  }
0x7a: {  	_ =	shalt  }
0x7b: {  	_ =	shalt  }
0x7c: {  	_ =	shalt  }
0x7d: {  	_ =	shalt  }
0x7e: {  	_ =	shalt  }
0x7f: {  	_ =	shalt  }
0x80: {  	_ =	shalt  }
0x81: {  	_ =	shalt  }
0x82: {  	_ =	shalt  }
0x83: {  	_ =	shalt  }
0x84: {  	_ =	shalt  }
0x85: {  	_ =	shalt  }
0x86: {  	_ =	shalt  }
0x87: {  	_ =	shalt  }
.Lfunc_end0:
.L_simem_size_0:
called_computation.2_lowered:
.L_overlay_start_0:
0x88: {  	s2 =	sld [smem:$0x3FD9]  }
0x89: {  	s3 =	sld [smem:$0x3FFE];
	_ =	sdelay $0x1  }
0x8a: {  	s1 =	srdreg.scid  }
0x8b: {  	s0 =	sand.u32 $0x1, s1  }
0x8c: {  	s16 =	sshll.u32 s0, $0xA;
	s2 =	sadd.s32 s3, s2  }
0x8d: {  	s2 =	sadd.s32 s2, s16  }
0x8e: {  	[smem:$0x3FC0] =	sst s2  }
0x8f: {  	_ = 	snop  }
0x90: {  	(tm) =	ssettm $0x1  }
0x91: {  	s17 =	sld [smem:$0x3FFB];
	_ =	sdelay $0x3  }
0x92: {  	_ =	strace s17  }
0x93: {  	s2 =	sld [smem:$0x3FFC];
	_ =	sdelay $0x3  }
0x94: {  	_ =	strace s2  }
0x95: {  	s2 =	sld [smem:$0x3FFD];
	_ =	sdelay $0x3  }
0x96: {  	_ =	strace s2  }
0x97: {  	_ =	strace $0x8FFFFFFF  }
0x98: {  	s18 =	sld [smem:$0x3FDB];
	_ =	sdelay $0x1  }
0x99: {  	s19 =	simm.s32 $_scs_section_size  }
0x9a: {  	s4 =	simm.s32 $_size__tile_overlayer_lowered;
	s5 =	simm.s32 $_tile_overlayer_lowered  }
0x9b: {  	s22 =	simm.s32 $0x1BFF;
	s21 =	sshll.u32 s5, $0x1;
	s2 =	sadd.s32 s19, s18  }
0x9c: {  	s6 =	simm.s32 $0x0;
	s20 =	sshll.u32 s4, $0x1;
	s4 =	sadd.s32 s21, s2  }
0x9d: {  	[timem:s6], [sflag:s22] =	dma.local [hbm:s4], s20  }
0x9e: {  	_ =	swait.ge [sflag:s22], s20  }
0x9f: {  	s3 =	ssub.s32 $0x0, s20;
	[sflag:s22] =	ssyncset.done $0x0  }
0xa0: {  	[sflag:s22] =	ssyncadd.s32 s3;
	_ =	sdelay $0x1  }
0xa1: {  	s23 =	simm.s32 $0x1B8B  }
0xa2: {  	_ =	swait.ge [sflag:s23], $0x1  }
0xa3: {  	[sflag:s23] =	ssyncset.done $0x0  }
0xa4: {  	s25 =	simm.s32 $0x1B8E;
	s24 =	sld [smem:$0x3FFE];
	[sflag:s23] =	ssyncadd.s32 $0xFFFFFFFF  }
0xa5: {  	s26 =	simm.s32 $execute0_lowered;
	[smem:$0x3FD2] =	sst s25  }
0xa6: {  	s4 =	sshll.u32 s26, $0x1;
	_ =	strace $0x8000004C;
	[dreg:$0x1] =	wrdreg $0xFFFFFFFF  }
0xa7: {  	s28 =	simm.s32 $_size_execute0_lowered;
	s2 =	sadd.s32 s2, s4;
	[dreg:$0x0] =	wrdreg $0x0  }
0xa8: {  	s4 =	sshll.u32 s28, $0x1;
	[dreg:$0x2] =	wrdreg s2  }
0xa9: {  	[dreg:$0x3] =	wrdreg s4  }
0xaa: {  	[dreg:$0x4] =	wrdreg $0xC0  }
0xab: {  	_ =	task [dreg:s6], $0x5FFFF  }
0xac: {  	[dreg:$0x1] =	wrdreg $0xFFFFFFFF  }
0xad: {  	[dreg:$0x0] =	wrdreg $0x60  }
0xae: {  	[dreg:$0x2] =	wrdreg s24  }
0xaf: {  	[dreg:$0x3] =	wrdreg $0xE1000  }
0xb0: {  	[dreg:$0x4] =	wrdreg $0x131000  }
0xb1: {  	[dreg:$0x5] =	wrdreg $0x9  }
0xb2: {  	_ =	task.clear_ibuf [dreg:s6], $0x6FFFF;
	_ =	strace $0x9000004C  }
0xb3: {  	s29 =	simm.s32 $0x9;
	_ =	strace $0x8000004E  }
0xb4: {  	_ =	swait.ge [sflag:s29], $0x1  }
0xb5: {  	[sflag:s29] =	ssyncadd.s32 $0xFFFFFFFF  }
0xb6: {  	_ =	strace $0x9000004E  }
0xb7: {  	_ =	sfence  }
0xb8: {  	s30 =	sld [smem:$0x0];
	_ =	sdelay $0x2  }
0xb9: {  	s31 =	sshll.u32 s1, $0xD;
	s1 =	sshrl.u32 s1, $0x2  }
0xba: {  	s3 =	sand.u32 $0x4000, s31;
	s1 =	sadd.s32 s1, s30  }
0xbb: {  	s0 =	sor.u32 s3, s0;
	s1 =	sshll.u32 s1, $0x11  }
0xbc: {  	s0 =	sor.u32 s1, s0  }
0xbd: {  	s0 =	sadd.s32 $0x8F2B, s0  }
0xbe: {  	[sflag:s0] =	ssyncadd.remote.s32 $0x1  }
0xbf: {  	_ =	sfence.sel $0xFFFF  }
0xc0: {  	[dreg:$0x0] =	wrdreg $0xFFFFFFFF;
	(pc) =	sbr.abs _section_cstart, $3  }
0xc1: {  	[dreg:$0x1] =	wrdreg $0xFFFFFFFF  }
0xc2: {  	_ =	task.clear_ibuf [dreg:s6], $0x2FFFF;
	_ =	strace $0x9FFFFFFF  }
0xc3: {  	(tm) =	ssettm $0x7FFFFFFF  }
tec
execute0_lowered:
.L_overlay_start_1:
0x0: {  	(tag) =	ssettag $0x1  }
0x1: {  	s0 =	rddreg [dreg:$0x0]  }
0x2: {  	s2 =	rddreg [dreg:$0x1]  }
0x3: {  	s1 =	srdreg.scid;
	s3 =	rddreg [dreg:$0x2]  }
0x4: {  	s8 =	stileid.u32;
	s7 =	simm.s32 $0x0;
	s18 =	simm.s32 $0x2  }
0x5: {  	s19 =	simm.s32 $0x3;
	s20 =	simm.s32 $0x4;
	s21 =	simm.s32 $0x80  }
0x6: {  	s16 =	simm.s32 $0xB;
	s10 =	simm.s32 $0x9;
	s11 =	simm.s32 $0xD  }
0x7: {  	s12 =	simm.s32 $0xE;
	s14 =	simm.s32 $0xF;
	s15 =	simm.s32 $0x10  }
0x8: {  	s17 =	simm.s32 $0x0;
	s1 =	sand.u32 $0x1, s1;
	s4 =	smul.u32 $0x5000, s8  }
0x9: {  	[smem:$0x7FF] =	sst s7;
	s5 =	sshll.u32 s1, $0x4;
	s6 =	smul.u32 $0x50000, s1  }
0xa: {  	_ =	strace $0x8000004D;
	s1 =	ssub.s32 $0x2, s1;
	s5 =	sor.u32 s8, s5  }
0xb: {  	s23 =	sshrl.u32 s4, $0x3;
	s24 =	sshrl.u32 s1, $0x1;
	s25 =	sadd.s32 s4, s2  }
0xc: {  	s8 =	sshll.u32 s8, $0x6;
	s5 =	smul.u32 $0x2880, s5;
	s7 =	sadd.s32 s23, s0  }
0xd: {  	s6 =	sadd.s32 s4, s6;
	s26 =	sor.u32 $0x1C01, s8;
	[dreg:$0x4] =	wrdreg s8  }
0xe: {  	s1 =	ssub.s32 s1, s24;
	s30 =	sor.u32 $0x1C02, s8;
	[dreg:$0x6] =	wrdreg s26  }
0xf: {  	s4 =	sadd.s32 s4, s3;
	s23 =	sshrl.u32 s25, $0x3;
	[dreg:$0xd] =	wrdreg s30  }
0x10: {  	s8 =	simm.s32 $0x8;
	s9 =	sadd.s32 $0x20A00, s7;
	[dreg:$0xc] =	wrdreg s23  }
0x11: {  	s6 =	sshrl.u32 s6, $0x3;
	s7 =	sadd.s32 $0x16A00, s7;
	[dreg:$0x5] =	wrdreg s9  }
0x12: {  	s29 =	smax.u32 s1, $0x1;
	s31 =	sshrl.u32 s4, $0x3;
	[dreg:$0x7] =	wrdreg s7  }
0x13: {  	s26 =	simm.s32 $0x5;
	s5 =	sshrl.u32 s5, $0x3;
	[dreg:$0xb] =	wrdreg s29  }
0x14: {  	s4 =	simm.s32 $0x12;
	[dreg:$0xe] =	wrdreg s31;
	s5 =	sadd.s32 s5, s0  }
0x15: {  	s7 =	simm.s32 $0x7;
	s9 =	simm.s32 $0xC;
	s28 =	sadd.s32 $0x2600, s5  }
0x16: {  	s0 =	sadd.s32 s6, s0;
	s5 =	sadd.s32 $0xC800, s5;
	[dreg:$0x8] =	wrdreg s28  }
0x17: {  	s6 =	simm.s32 $0xA;
	s0 =	sadd.s32 $0x2AA00, s0;
	[dreg:$0x9] =	wrdreg s5  }
0x18: {  	[dreg:$0xa] =	wrdreg s0;
	s0 =	simm.s32 $0x6;
	s5 =	simm.s32 $0x11  }
.LBB2_1:
0x19: {  	[dreg:$0xf] =	wrdreg s17  }
0x1a: {  	s13 =	rddreg [dreg:$0x5]  }
0x1b: {  	s22 =	rddreg [dreg:$0x6]  }
0x1c: {  	[spmem:s23], [sflag:s22] =	dma.local [hbm:s13], $0xA00  }
0x1d: {  	s13 =	rddreg [dreg:$0x7]  }
0x1e: {  	s22 =	rddreg [dreg:$0xd]  }
0x1f: {  	s23 =	rddreg [dreg:$0xe]  }
0x20: {  	[spmem:s23], [sflag:s22] =	dma.local [hbm:s13], $0xA00  }
0x21: {  	s25 =	simm.s32 $0x0;
	s22 =	rddreg [dreg:$0x8]  }
0x22: {  	[tilespmem:s25], [sflag:$0x3] =	stream.linear.gather [hbm4b:s22+s25], $0x2880, $0x38;
	[tilespmem:$0x18100] =	vst v63  }
0x23: {  	s29 =	simm.s32 $0x2880;
	s17 =	simm.s32 $0x1;
	s28 =	rddreg [dreg:$0x9]  }
0x24: {  	[tilespmem:s29], [sflag:$0x4] =	stream.linear.gather [hbm4b:s28+s25], $0x2880, $0x38;
	[tilespmem:$0x18100] =	vst v63  }
0x25: {  	_ =	swait.ge [sflag:s17], $0xA00  }
0x26: {  	[sflag:s17] =	ssyncset.done $0x0  }
0x27: {  	[sflag:s17] =	ssyncadd.s32 $0xFFFFF600  }
0x28: {  	_ =	swait.ge [sflag:s18], $0xA00  }
0x29: {  	[sflag:s18] =	ssyncset.done $0x0  }
0x2a: {  	[sflag:s18] =	ssyncadd.s32 $0xFFFFF600  }
0x2b: {  	_ =	swait.ge [sflag:s19], $0x2880  }
0x2c: {  	[sflag:s19] =	ssyncset.done $0x0  }
0x2d: {  	[sflag:s19] =	ssyncadd.s32 $0xFFFFD780  }
0x2e: {  	_ =	swait.ge [sflag:s20], $0x2880  }
0x2f: {  	[sflag:s20] =	ssyncset.done $0x0  }
0x30: {  	[sflag:s20] =	ssyncadd.s32 $0xFFFFD780  }
0x31: {  	s22 =	simm.s32 $0x5100;
	[bflag:$0x0] =	sbarrier.arrive $0xFFFF  }
0x32: {  	[tilespmem:s22], [sflag:$0x1] =	stream.indirect.gather [spmem:s3], $0x20, s25, s21, $0xb8;
	[tilespmem:$0x18100] =	vst v63  }
0x33: {  	s25 =	simm.s32 $0x6100  }
0x34: {  	[tilespmem:s25], [sflag:$0x2] =	stream.indirect.gather [spmem:s3], $0x20, s21, s21, $0xb8;
	[tilespmem:$0x18100] =	vst v63  }
0x35: {  	s30 =	simm.s32 $0x100;
	s28 =	simm.s32 $0x7100  }
0x36: {  	[tilespmem:s28], [sflag:$0x3] =	stream.indirect.gather [spmem:s3], $0x20, s30, s21, $0xb8;
	[tilespmem:$0x18100] =	vst v63  }
0x37: {  	s1 =	simm.s32 $0x180;
	s30 =	simm.s32 $0x8100  }
0x38: {  	[tilespmem:s30], [sflag:$0x4] =	stream.indirect.gather [spmem:s3], $0x20, s1, s21, $0xb8;
	[tilespmem:$0x18100] =	vst v63  }
0x39: {  	_ =	swait.ge [sflag:s17], $0x1000  }
0x3a: {  	[sflag:s17] =	ssyncset.done $0x0  }
0x3b: {  	[sflag:s17] =	ssyncadd.s32 $0xFFFFF000  }
0x3c: {  	[spmem:s2] =	stream.indirect.scatter.add.f32 [tilespmem:s22], [sflag:$0xA], $0x20, s29, s21, $0xb8;
	[tilespmem:$0x18100] =	vst v63  }
0x3d: {  	s31 =	simm.s32 $0x200;
	s23 =	simm.s32 $0x9100  }
0x3e: {  	[tilespmem:s23], [sflag:$0x5] =	stream.indirect.gather [spmem:s3], $0x20, s31, s21, $0xb8;
	[tilespmem:$0x18100] =	vst v63  }
0x3f: {  	_ =	swait.ge [sflag:s18], $0x1000  }
0x40: {  	[sflag:s18] =	ssyncset.done $0x0  }
0x41: {  	s13 =	simm.s32 $0x2900;
	[sflag:s18] =	ssyncadd.s32 $0xFFFFF000  }
0x42: {  	[spmem:s2] =	stream.indirect.scatter.add.f32 [tilespmem:s25], [sflag:$0xB], $0x20, s13, s21, $0xb8;
	[tilespmem:$0x18100] =	vst v63  }
0x43: {  	s24 =	simm.s32 $0x280;
	s29 =	simm.s32 $0xA100  }
0x44: {  	[tilespmem:s29], [sflag:$0x6] =	stream.indirect.gather [spmem:s3], $0x20, s24, s21, $0xb8;
	[tilespmem:$0x18100] =	vst v63  }
0x45: {  	_ =	swait.ge [sflag:s19], $0x1000  }
0x46: {  	[sflag:s19] =	ssyncset.done $0x0  }
0x47: {  	s31 =	simm.s32 $0x2980;
	[sflag:s19] =	ssyncadd.s32 $0xFFFFF000  }
0x48: {  	[spmem:s2] =	stream.indirect.scatter.add.f32 [tilespmem:s28], [sflag:$0xC], $0x20, s31, s21, $0xb8;
	[tilespmem:$0x18100] =	vst v63  }
0x49: {  	s13 =	simm.s32 $0x300;
	s24 =	simm.s32 $0xB100  }
0x4a: {  	[tilespmem:s24], [sflag:$0x7] =	stream.indirect.gather [spmem:s3], $0x20, s13, s21, $0xb8;
	[tilespmem:$0x18100] =	vst v63  }
0x4b: {  	_ =	swait.ge [sflag:s20], $0x1000  }
0x4c: {  	[sflag:s20] =	ssyncset.done $0x0  }
0x4d: {  	s31 =	simm.s32 $0x2A00;
	[sflag:s20] =	ssyncadd.s32 $0xFFFFF000  }
0x4e: {  	[spmem:s2] =	stream.indirect.scatter.add.f32 [tilespmem:s30], [sflag:$0xD], $0x20, s31, s21, $0xb8;
	[tilespmem:$0x18100] =	vst v63  }
0x4f: {  	s13 =	simm.s32 $0x380;
	s31 =	simm.s32 $0xC100  }
0x50: {  	[tilespmem:s31], [sflag:$0x8] =	stream.indirect.gather [spmem:s3], $0x20, s13, s21, $0xb8;
	[tilespmem:$0x18100] =	vst v63  }
0x51: {  	_ =	swait.ge [sflag:s26], $0x1000  }
0x52: {  	[sflag:s26] =	ssyncset.done $0x0  }
0x53: {  	s13 =	simm.s32 $0x2A80;
	[sflag:s26] =	ssyncadd.s32 $0xFFFFF000  }
0x54: {  	[spmem:s2] =	stream.indirect.scatter.add.f32 [tilespmem:s23], [sflag:$0xE], $0x20, s13, s21, $0xb8;
	[tilespmem:$0x18100] =	vst v63  }
0x55: {  	s1 =	simm.s32 $0x400;
	s13 =	simm.s32 $0xD100  }
0x56: {  	[tilespmem:s13], [sflag:$0x9] =	stream.indirect.gather [spmem:s3], $0x20, s1, s21, $0xb8;
	[tilespmem:$0x18100] =	vst v63  }
0x57: {  	_ =	swait.ge [sflag:s0], $0x1000  }
0x58: {  	[sflag:s0] =	ssyncset.done $0x0  }
0x59: {  	s1 =	simm.s32 $0x2B00;
	[sflag:s0] =	ssyncadd.s32 $0xFFFFF000  }
0x5a: {  	[spmem:s2] =	stream.indirect.scatter.add.f32 [tilespmem:s29], [sflag:$0xF], $0x20, s1, s21, $0xb8;
	[tilespmem:$0x18100] =	vst v63  }
0x5b: {  	_ =	swait.ge [sflag:s6], $0x1000  }
0x5c: {  	[sflag:s6] =	ssyncset.done $0x0  }
0x5d: {  	s1 =	simm.s32 $0x480;
	[sflag:s6] =	ssyncadd.s32 $0xFFFFF000  }
0x5e: {  	[tilespmem:s22], [sflag:$0x1] =	stream.indirect.gather [spmem:s3], $0x20, s1, s21, $0xb8;
	[tilespmem:$0x18100] =	vst v63  }
0x5f: {  	_ =	swait.ge [sflag:s7], $0x1000  }
0x60: {  	[sflag:s7] =	ssyncset.done $0x0  }
0x61: {  	s1 =	simm.s32 $0x2B80;
	[sflag:s7] =	ssyncadd.s32 $0xFFFFF000  }
0x62: {  	[spmem:s2] =	stream.indirect.scatter.add.f32 [tilespmem:s24], [sflag:$0x10], $0x20, s1, s21, $0xb8;
	[tilespmem:$0x18100] =	vst v63  }
0x63: {  	_ =	swait.ge [sflag:s16], $0x1000  }
0x64: {  	[sflag:s16] =	ssyncset.done $0x0  }
0x65: {  	s1 =	simm.s32 $0x500;
	[sflag:s16] =	ssyncadd.s32 $0xFFFFF000  }
0x66: {  	[tilespmem:s25], [sflag:$0x2] =	stream.indirect.gather [spmem:s3], $0x20, s1, s21, $0xb8;
	[tilespmem:$0x18100] =	vst v63  }
0x67: {  	_ =	swait.ge [sflag:s8], $0x1000  }
0x68: {  	[sflag:s8] =	ssyncset.done $0x0  }
0x69: {  	s1 =	simm.s32 $0x2C00;
	[sflag:s8] =	ssyncadd.s32 $0xFFFFF000  }
0x6a: {  	[spmem:s2] =	stream.indirect.scatter.add.f32 [tilespmem:s31], [sflag:$0x11], $0x20, s1, s21, $0xb8;
	[tilespmem:$0x18100] =	vst v63  }
0x6b: {  	_ =	swait.ge [sflag:s9], $0x1000  }
0x6c: {  	[sflag:s9] =	ssyncset.done $0x0  }
0x6d: {  	s1 =	simm.s32 $0x580;
	[sflag:s9] =	ssyncadd.s32 $0xFFFFF000  }
0x6e: {  	[tilespmem:s28], [sflag:$0x3] =	stream.indirect.gather [spmem:s3], $0x20, s1, s21, $0xb8;
	[tilespmem:$0x18100] =	vst v63  }
0x6f: {  	_ =	swait.ge [sflag:s10], $0x1000  }
0x70: {  	[sflag:s10] =	ssyncset.done $0x0  }
0x71: {  	s13 =	simm.s32 $0xD100;
	s1 =	simm.s32 $0x2C80;
	[sflag:s10] =	ssyncadd.s32 $0xFFFFF000  }
0x72: {  	[spmem:s2] =	stream.indirect.scatter.add.f32 [tilespmem:s13], [sflag:$0x12], $0x20, s1, s21, $0xb8;
	[tilespmem:$0x18100] =	vst v63  }
0x73: {  	_ =	swait.ge [sflag:s11], $0x1000  }
0x74: {  	[sflag:s11] =	ssyncset.done $0x0  }
0x75: {  	s13 =	simm.s32 $0x600;
	[sflag:s11] =	ssyncadd.s32 $0xFFFFF000  }
0x76: {  	[tilespmem:s30], [sflag:$0x4] =	stream.indirect.gather [spmem:s3], $0x20, s13, s21, $0xb8;
	[tilespmem:$0x18100] =	vst v63  }
0x77: {  	_ =	swait.ge [sflag:s17], $0x1000  }
0x78: {  	[sflag:s17] =	ssyncset.done $0x0  }
0x79: {  	[sflag:s17] =	ssyncadd.s32 $0xFFFFF000;
	s17 =	simm.s32 $0x2D00  }
0x7a: {  	[spmem:s2] =	stream.indirect.scatter.add.f32 [tilespmem:s22], [sflag:$0xA], $0x20, s17, s21, $0xb8;
	[tilespmem:$0x18100] =	vst v63  }
0x7b: {  	_ =	swait.ge [sflag:s12], $0x1000  }
0x7c: {  	[sflag:s12] =	ssyncset.done $0x0  }
0x7d: {  	s1 =	simm.s32 $0x680;
	[sflag:s12] =	ssyncadd.s32 $0xFFFFF000  }
0x7e: {  	[tilespmem:s23], [sflag:$0x5] =	stream.indirect.gather [spmem:s3], $0x20, s1, s21, $0xb8;
	[tilespmem:$0x18100] =	vst v63  }
0x7f: {  	_ =	swait.ge [sflag:s18], $0x1000  }
0x80: {  	[sflag:s18] =	ssyncset.done $0x0  }
0x81: {  	s17 =	simm.s32 $0x2D80;
	[sflag:s18] =	ssyncadd.s32 $0xFFFFF000  }
0x82: {  	[spmem:s2] =	stream.indirect.scatter.add.f32 [tilespmem:s25], [sflag:$0xB], $0x20, s17, s21, $0xb8;
	[tilespmem:$0x18100] =	vst v63  }
0x83: {  	_ =	swait.ge [sflag:s14], $0x1000  }
0x84: {  	[sflag:s14] =	ssyncset.done $0x0  }
0x85: {  	s1 =	simm.s32 $0x700;
	[sflag:s14] =	ssyncadd.s32 $0xFFFFF000  }
0x86: {  	[tilespmem:s29], [sflag:$0x6] =	stream.indirect.gather [spmem:s3], $0x20, s1, s21, $0xb8;
	[tilespmem:$0x18100] =	vst v63  }
0x87: {  	_ =	swait.ge [sflag:s19], $0x1000  }
0x88: {  	[sflag:s19] =	ssyncset.done $0x0  }
0x89: {  	s17 =	simm.s32 $0x2E00;
	[sflag:s19] =	ssyncadd.s32 $0xFFFFF000  }
0x8a: {  	[spmem:s2] =	stream.indirect.scatter.add.f32 [tilespmem:s28], [sflag:$0xC], $0x20, s17, s21, $0xb8;
	[tilespmem:$0x18100] =	vst v63  }
0x8b: {  	_ =	swait.ge [sflag:s15], $0x1000  }
0x8c: {  	[sflag:s15] =	ssyncset.done $0x0  }
0x8d: {  	s1 =	simm.s32 $0x780;
	[sflag:s15] =	ssyncadd.s32 $0xFFFFF000  }
0x8e: {  	[tilespmem:s24], [sflag:$0x7] =	stream.indirect.gather [spmem:s3], $0x20, s1, s21, $0xb8;
	[tilespmem:$0x18100] =	vst v63  }
0x8f: {  	_ =	swait.ge [sflag:s20], $0x1000  }
0x90: {  	[sflag:s20] =	ssyncset.done $0x0  }
0x91: {  	s17 =	simm.s32 $0x2E80;
	[sflag:s20] =	ssyncadd.s32 $0xFFFFF000  }
0x92: {  	[spmem:s2] =	stream.indirect.scatter.add.f32 [tilespmem:s30], [sflag:$0xD], $0x20, s17, s21, $0xb8;
	[tilespmem:$0x18100] =	vst v63  }
0x93: {  	_ =	swait.ge [sflag:s5], $0x1000  }
0x94: {  	[sflag:s5] =	ssyncset.done $0x0  }
0x95: {  	s1 =	simm.s32 $0x800;
	[sflag:s5] =	ssyncadd.s32 $0xFFFFF000  }
0x96: {  	[tilespmem:s31], [sflag:$0x8] =	stream.indirect.gather [spmem:s3], $0x20, s1, s21, $0xb8;
	[tilespmem:$0x18100] =	vst v63  }
0x97: {  	_ =	swait.ge [sflag:s26], $0x1000  }
0x98: {  	[sflag:s26] =	ssyncset.done $0x0  }
0x99: {  	s17 =	simm.s32 $0x2F00;
	[sflag:s26] =	ssyncadd.s32 $0xFFFFF000  }
0x9a: {  	[spmem:s2] =	stream.indirect.scatter.add.f32 [tilespmem:s23], [sflag:$0xE], $0x20, s17, s21, $0xb8;
	[tilespmem:$0x18100] =	vst v63  }
0x9b: {  	_ =	swait.ge [sflag:s4], $0x1000  }
0x9c: {  	[sflag:s4] =	ssyncset.done $0x0  }
0x9d: {  	s1 =	simm.s32 $0xD100;
	s23 =	simm.s32 $0x880;
	[sflag:s4] =	ssyncadd.s32 $0xFFFFF000  }
0x9e: {  	[tilespmem:s1], [sflag:$0x9] =	stream.indirect.gather [spmem:s3], $0x20, s23, s21, $0xb8;
	[tilespmem:$0x18100] =	vst v63  }
0x9f: {  	_ =	swait.ge [sflag:s0], $0x1000  }
0xa0: {  	[sflag:s0] =	ssyncset.done $0x0  }
0xa1: {  	s30 =	simm.s32 $0x2F80;
	[sflag:s0] =	ssyncadd.s32 $0xFFFFF000  }
0xa2: {  	[spmem:s2] =	stream.indirect.scatter.add.f32 [tilespmem:s29], [sflag:$0xF], $0x20, s30, s21, $0xb8;
	[tilespmem:$0x18100] =	vst v63  }
0xa3: {  	_ =	swait.ge [sflag:s6], $0x1000  }
0xa4: {  	[sflag:s6] =	ssyncset.done $0x0  }
0xa5: {  	s17 =	simm.s32 $0x900;
	[sflag:s6] =	ssyncadd.s32 $0xFFFFF000  }
0xa6: {  	[tilespmem:s22], [sflag:$0x1] =	stream.indirect.gather [spmem:s3], $0x20, s17, s21, $0xb8;
	[tilespmem:$0x18100] =	vst v63  }
0xa7: {  	_ =	swait.ge [sflag:s7], $0x1000  }
0xa8: {  	[sflag:s7] =	ssyncset.done $0x0  }
0xa9: {  	s23 =	simm.s32 $0x3000;
	[sflag:s7] =	ssyncadd.s32 $0xFFFFF000  }
0xaa: {  	[spmem:s2] =	stream.indirect.scatter.add.f32 [tilespmem:s24], [sflag:$0x10], $0x20, s23, s21, $0xb8;
	[tilespmem:$0x18100] =	vst v63  }
0xab: {  	_ =	swait.ge [sflag:s16], $0x1000  }
0xac: {  	[sflag:s16] =	ssyncset.done $0x0  }
0xad: {  	s24 =	simm.s32 $0x980;
	[sflag:s16] =	ssyncadd.s32 $0xFFFFF000  }
0xae: {  	[tilespmem:s25], [sflag:$0x2] =	stream.indirect.gather [spmem:s3], $0x20, s24, s21, $0xb8;
	[tilespmem:$0x18100] =	vst v63  }
0xaf: {  	_ =	swait.ge [sflag:s8], $0x1000  }
0xb0: {  	[sflag:s8] =	ssyncset.done $0x0  }
0xb1: {  	s29 =	simm.s32 $0x3080;
	[sflag:s8] =	ssyncadd.s32 $0xFFFFF000  }
0xb2: {  	[spmem:s2] =	stream.indirect.scatter.add.f32 [tilespmem:s31], [sflag:$0x11], $0x20, s29, s21, $0xb8;
	[tilespmem:$0x18100] =	vst v63  }
0xb3: {  	_ =	swait.ge [sflag:s9], $0x1000  }
0xb4: {  	[sflag:s9] =	ssyncset.done $0x0  }
0xb5: {  	s30 =	simm.s32 $0xA00;
	[sflag:s9] =	ssyncadd.s32 $0xFFFFF000  }
0xb6: {  	[tilespmem:s28], [sflag:$0x3] =	stream.indirect.gather [spmem:s3], $0x20, s30, s21, $0xb8;
	[tilespmem:$0x18100] =	vst v63  }
0xb7: {  	_ =	swait.ge [sflag:s10], $0x1000  }
0xb8: {  	[sflag:s10] =	ssyncset.done $0x0  }
0xb9: {  	s31 =	simm.s32 $0x3100;
	[sflag:s10] =	ssyncadd.s32 $0xFFFFF000  }
0xba: {  	[spmem:s2] =	stream.indirect.scatter.add.f32 [tilespmem:s1], [sflag:$0x12], $0x20, s31, s21, $0xb8;
	[tilespmem:$0x18100] =	vst v63  }
0xbb: {  	_ =	swait.ge [sflag:s11], $0x1000  }
0xbc: {  	[sflag:s11] =	ssyncset.done $0x0  }
0xbd: {  	s13 =	simm.s32 $0x1200;
	s22 =	simm.s32 $0xA80;
	[sflag:s11] =	ssyncadd.s32 $0xFFFFF000  }
.LBB2_2:
0xbe: {  	s28 =	simm.s32 $0x8100  }
0xbf: {  	[tilespmem:s28], [sflag:$0x4] =	stream.indirect.gather [spmem:s3], $0x20, s22, s21, $0xb8;
	[tilespmem:$0x18100] =	vst v63  }
0xc0: {  	s1 =	simm.s32 $0x1;
	s22 =	smov.u32 s13  }
0xc1: {  	p0 =	sne.s32 s13, $0x6C00;
	s13 =	sadd.s32 $0x1200, s13;
	_ =	swait.ge [sflag:s1], $0x1000  }
0xc2: {  	s22 =	sshra.s32 s22, $0x2;
	[sflag:s1] =	ssyncset.done $0x0  }
0xc3: {  	s25 =	simm.s32 $0x5100;
	s23 =	sadd.s32 $0x2D00, s22;
	[sflag:s1] =	ssyncadd.s32 $0xFFFFF000  }
0xc4: {  	[spmem:s2] =	stream.indirect.scatter.add.f32 [tilespmem:s25], [sflag:$0xA], $0x20, s23, s21, $0xb8;
	[tilespmem:$0x18100] =	vst v63  }
0xc5: {  	_ =	swait.ge [sflag:s12], $0x1000  }
0xc6: {  	[sflag:s12] =	ssyncset.done $0x0  }
0xc7: {  	s29 =	simm.s32 $0x9100;
	s23 =	sadd.s32 $0x680, s22;
	[sflag:s12] =	ssyncadd.s32 $0xFFFFF000  }
0xc8: {  	[tilespmem:s29], [sflag:$0x5] =	stream.indirect.gather [spmem:s3], $0x20, s23, s21, $0xb8;
	[tilespmem:$0x18100] =	vst v63  }
0xc9: {  	_ =	swait.ge [sflag:s18], $0x1000  }
0xca: {  	[sflag:s18] =	ssyncset.done $0x0  }
0xcb: {  	s30 =	simm.s32 $0x6100;
	s23 =	sadd.s32 $0x2D80, s22;
	[sflag:s18] =	ssyncadd.s32 $0xFFFFF000  }
0xcc: {  	[spmem:s2] =	stream.indirect.scatter.add.f32 [tilespmem:s30], [sflag:$0xB], $0x20, s23, s21, $0xb8;
	[tilespmem:$0x18100] =	vst v63  }
0xcd: {  	_ =	swait.ge [sflag:s14], $0x1000  }
0xce: {  	[sflag:s14] =	ssyncset.done $0x0  }
0xcf: {  	s24 =	simm.s32 $0xA100;
	s23 =	sadd.s32 $0x700, s22;
	[sflag:s14] =	ssyncadd.s32 $0xFFFFF000  }
0xd0: {  	[tilespmem:s24], [sflag:$0x6] =	stream.indirect.gather [spmem:s3], $0x20, s23, s21, $0xb8;
	[tilespmem:$0x18100] =	vst v63  }
0xd1: {  	_ =	swait.ge [sflag:s19], $0x1000  }
0xd2: {  	[sflag:s19] =	ssyncset.done $0x0  }
0xd3: {  	s1 =	simm.s32 $0x7100;
	s23 =	sadd.s32 $0x2E00, s22;
	[sflag:s19] =	ssyncadd.s32 $0xFFFFF000  }
0xd4: {  	[spmem:s2] =	stream.indirect.scatter.add.f32 [tilespmem:s1], [sflag:$0xC], $0x20, s23, s21, $0xb8;
	[tilespmem:$0x18100] =	vst v63  }
0xd5: {  	_ =	swait.ge [sflag:s15], $0x1000  }
0xd6: {  	[sflag:s15] =	ssyncset.done $0x0  }
0xd7: {  	s31 =	simm.s32 $0xB100;
	s23 =	sadd.s32 $0x780, s22;
	[sflag:s15] =	ssyncadd.s32 $0xFFFFF000  }
0xd8: {  	[tilespmem:s31], [sflag:$0x7] =	stream.indirect.gather [spmem:s3], $0x20, s23, s21, $0xb8;
	[tilespmem:$0x18100] =	vst v63  }
0xd9: {  	_ =	swait.ge [sflag:s20], $0x1000  }
0xda: {  	[sflag:s20] =	ssyncset.done $0x0  }
0xdb: {  	s23 =	sadd.s32 $0x2E80, s22;
	[sflag:s20] =	ssyncadd.s32 $0xFFFFF000  }
0xdc: {  	[spmem:s2] =	stream.indirect.scatter.add.f32 [tilespmem:s28], [sflag:$0xD], $0x20, s23, s21, $0xb8;
	[tilespmem:$0x18100] =	vst v63  }
0xdd: {  	_ =	swait.ge [sflag:s5], $0x1000  }
0xde: {  	[sflag:s5] =	ssyncset.done $0x0  }
0xdf: {  	s17 =	simm.s32 $0xC100;
	s23 =	sadd.s32 $0x800, s22;
	[sflag:s5] =	ssyncadd.s32 $0xFFFFF000  }
0xe0: {  	[tilespmem:s17], [sflag:$0x8] =	stream.indirect.gather [spmem:s3], $0x20, s23, s21, $0xb8;
	[tilespmem:$0x18100] =	vst v63  }
0xe1: {  	_ =	swait.ge [sflag:s26], $0x1000  }
0xe2: {  	[sflag:s26] =	ssyncset.done $0x0  }
0xe3: {  	s23 =	sadd.s32 $0x2F00, s22;
	[sflag:s26] =	ssyncadd.s32 $0xFFFFF000  }
0xe4: {  	[spmem:s2] =	stream.indirect.scatter.add.f32 [tilespmem:s29], [sflag:$0xE], $0x20, s23, s21, $0xb8;
	[tilespmem:$0x18100] =	vst v63  }
0xe5: {  	_ =	swait.ge [sflag:s4], $0x1000  }
0xe6: {  	[sflag:s4] =	ssyncset.done $0x0  }
0xe7: {  	s23 =	sadd.s32 $0x880, s22;
	s29 =	simm.s32 $0xD100;
	[sflag:s4] =	ssyncadd.s32 $0xFFFFF000  }
0xe8: {  	[tilespmem:s29], [sflag:$0x9] =	stream.indirect.gather [spmem:s3], $0x20, s23, s21, $0xb8;
	[tilespmem:$0x18100] =	vst v63  }
0xe9: {  	_ =	swait.ge [sflag:s0], $0x1000  }
0xea: {  	[sflag:s0] =	ssyncset.done $0x0  }
0xeb: {  	s23 =	sadd.s32 $0x2F80, s22;
	[sflag:s0] =	ssyncadd.s32 $0xFFFFF000  }
0xec: {  	[spmem:s2] =	stream.indirect.scatter.add.f32 [tilespmem:s24], [sflag:$0xF], $0x20, s23, s21, $0xb8;
	[tilespmem:$0x18100] =	vst v63  }
0xed: {  	_ =	swait.ge [sflag:s6], $0x1000  }
0xee: {  	[sflag:s6] =	ssyncset.done $0x0  }
0xef: {  	s28 =	simm.s32 $0x5100;
	s23 =	sadd.s32 $0x900, s22;
	[sflag:s6] =	ssyncadd.s32 $0xFFFFF000  }
0xf0: {  	[tilespmem:s25], [sflag:$0x1] =	stream.indirect.gather [spmem:s3], $0x20, s23, s21, $0xb8;
	[tilespmem:$0x18100] =	vst v63  }
0xf1: {  	_ =	swait.ge [sflag:s7], $0x1000  }
0xf2: {  	[sflag:s7] =	ssyncset.done $0x0  }
0xf3: {  	s23 =	sadd.s32 $0x3000, s22;
	[sflag:s7] =	ssyncadd.s32 $0xFFFFF000  }
0xf4: {  	[spmem:s2] =	stream.indirect.scatter.add.f32 [tilespmem:s31], [sflag:$0x10], $0x20, s23, s21, $0xb8;
	[tilespmem:$0x18100] =	vst v63  }
0xf5: {  	_ =	swait.ge [sflag:s16], $0x1000  }
0xf6: {  	[sflag:s16] =	ssyncset.done $0x0  }
0xf7: {  	s25 =	simm.s32 $0x6100;
	s23 =	sadd.s32 $0x980, s22;
	[sflag:s16] =	ssyncadd.s32 $0xFFFFF000  }
0xf8: {  	[tilespmem:s30], [sflag:$0x2] =	stream.indirect.gather [spmem:s3], $0x20, s23, s21, $0xb8;
	[tilespmem:$0x18100] =	vst v63  }
0xf9: {  	_ =	swait.ge [sflag:s8], $0x1000  }
0xfa: {  	[sflag:s8] =	ssyncset.done $0x0  }
0xfb: {  	s23 =	sadd.s32 $0x3080, s22;
	[sflag:s8] =	ssyncadd.s32 $0xFFFFF000  }
0xfc: {  	[spmem:s2] =	stream.indirect.scatter.add.f32 [tilespmem:s17], [sflag:$0x11], $0x20, s23, s21, $0xb8;
	[tilespmem:$0x18100] =	vst v63  }
0xfd: {  	_ =	swait.ge [sflag:s9], $0x1000  }
0xfe: {  	[sflag:s9] =	ssyncset.done $0x0  }
0xff: {  	s30 =	simm.s32 $0x7100;
	s23 =	sadd.s32 $0xA00, s22;
	[sflag:s9] =	ssyncadd.s32 $0xFFFFF000  }
0x100: {  	[tilespmem:s1], [sflag:$0x3] =	stream.indirect.gather [spmem:s3], $0x20, s23, s21, $0xb8;
	[tilespmem:$0x18100] =	vst v63  }
0x101: {  	_ =	swait.ge [sflag:s10], $0x1000  }
0x102: {  	[sflag:s10] =	ssyncset.done $0x0  }
.Ltmp0:
0x103: {  	s23 =	sadd.s32 $0x3100, s22;
	[sflag:s10] =	ssyncadd.s32 $0xFFFFF000;
	(pc) =	sbr.rel @p0 .LBB2_2-.Ltmp0, $4  }
0x104: {  	[spmem:s2] =	stream.indirect.scatter.add.f32 [tilespmem:s29], [sflag:$0x12], $0x20, s23, s21, $0xb8;
	[tilespmem:$0x18100] =	vst v63  }
0x105: {  	_ =	swait.ge [sflag:s11], $0x1000  }
0x106: {  	[sflag:s11] =	ssyncset.done $0x0  }
0x107: {  	s22 =	sadd.s32 $0xA80, s22;
	[sflag:s11] =	ssyncadd.s32 $0xFFFFF000  }
0x108: {  	s1 =	simm.s32 $0x8100;
	s13 =	simm.s32 $0x1  }
0x109: {  	[tilespmem:s1], [sflag:$0x4] =	stream.indirect.gather [spmem:s3], $0x20, s22, s21, $0xb8;
	[tilespmem:$0x18100] =	vst v63  }
0x10a: {  	_ =	swait.ge [sflag:s13], $0x1000  }
0x10b: {  	[sflag:s13] =	ssyncset.done $0x0  }
0x10c: {  	s23 =	simm.s32 $0x4C80;
	[sflag:s13] =	ssyncadd.s32 $0xFFFFF000  }
0x10d: {  	[spmem:s2] =	stream.indirect.scatter.add.f32 [tilespmem:s28], [sflag:$0xA], $0x20, s23, s21, $0xb8;
	[tilespmem:$0x18100] =	vst v63  }
0x10e: {  	_ =	swait.ge [sflag:s12], $0x1000  }
0x10f: {  	[sflag:s12] =	ssyncset.done $0x0  }
0x110: {  	s17 =	simm.s32 $0x2600;
	s13 =	simm.s32 $0x9100;
	[sflag:s12] =	ssyncadd.s32 $0xFFFFF000  }
0x111: {  	[tilespmem:s13], [sflag:$0x5] =	stream.indirect.gather [spmem:s3], $0x20, s17, s21, $0xb8;
	[tilespmem:$0x18100] =	vst v63  }
0x112: {  	_ =	swait.ge [sflag:s18], $0x1000  }
0x113: {  	[sflag:s18] =	ssyncset.done $0x0  }
0x114: {  	s24 =	simm.s32 $0x4D00;
	[sflag:s18] =	ssyncadd.s32 $0xFFFFF000  }
0x115: {  	[spmem:s2] =	stream.indirect.scatter.add.f32 [tilespmem:s25], [sflag:$0xB], $0x20, s24, s21, $0xb8;
	[tilespmem:$0x18100] =	vst v63  }
0x116: {  	_ =	swait.ge [sflag:s14], $0x1000  }
0x117: {  	[sflag:s14] =	ssyncset.done $0x0  }
0x118: {  	s22 =	simm.s32 $0xA100;
	s28 =	simm.s32 $0x2680;
	[sflag:s14] =	ssyncadd.s32 $0xFFFFF000  }
0x119: {  	[tilespmem:s22], [sflag:$0x6] =	stream.indirect.gather [spmem:s3], $0x20, s28, s21, $0xb8;
	[tilespmem:$0x18100] =	vst v63  }
0x11a: {  	_ =	swait.ge [sflag:s19], $0x1000  }
0x11b: {  	[sflag:s19] =	ssyncset.done $0x0  }
0x11c: {  	s29 =	simm.s32 $0x4D80;
	[sflag:s19] =	ssyncadd.s32 $0xFFFFF000  }
0x11d: {  	[spmem:s2] =	stream.indirect.scatter.add.f32 [tilespmem:s30], [sflag:$0xC], $0x20, s29, s21, $0xb8;
	[tilespmem:$0x18100] =	vst v63  }
0x11e: {  	_ =	swait.ge [sflag:s15], $0x1000  }
0x11f: {  	[sflag:s15] =	ssyncset.done $0x0  }
0x120: {  	s23 =	simm.s32 $0xB100;
	s30 =	simm.s32 $0x2700;
	[sflag:s15] =	ssyncadd.s32 $0xFFFFF000  }
0x121: {  	[tilespmem:s23], [sflag:$0x7] =	stream.indirect.gather [spmem:s3], $0x20, s30, s21, $0xb8;
	[tilespmem:$0x18100] =	vst v63  }
0x122: {  	_ =	swait.ge [sflag:s20], $0x1000  }
0x123: {  	[sflag:s20] =	ssyncset.done $0x0  }
0x124: {  	s31 =	simm.s32 $0x4E00;
	[sflag:s20] =	ssyncadd.s32 $0xFFFFF000  }
0x125: {  	[spmem:s2] =	stream.indirect.scatter.add.f32 [tilespmem:s1], [sflag:$0xD], $0x20, s31, s21, $0xb8;
	[tilespmem:$0x18100] =	vst v63  }
0x126: {  	_ =	swait.ge [sflag:s5], $0x1000  }
0x127: {  	[sflag:s5] =	ssyncset.done $0x0  }
0x128: {  	s24 =	simm.s32 $0xC100;
	s25 =	simm.s32 $0x2780;
	[sflag:s5] =	ssyncadd.s32 $0xFFFFF000  }
0x129: {  	[tilespmem:s24], [sflag:$0x8] =	stream.indirect.gather [spmem:s3], $0x20, s25, s21, $0xb8;
	[tilespmem:$0x18100] =	vst v63  }
0x12a: {  	_ =	swait.ge [sflag:s26], $0x1000  }
0x12b: {  	[sflag:s26] =	ssyncset.done $0x0  }
0x12c: {  	s28 =	simm.s32 $0x4E80;
	[sflag:s26] =	ssyncadd.s32 $0xFFFFF000  }
0x12d: {  	[spmem:s2] =	stream.indirect.scatter.add.f32 [tilespmem:s13], [sflag:$0xE], $0x20, s28, s21, $0xb8;
	[tilespmem:$0x18100] =	vst v63  }
0x12e: {  	_ =	swait.ge [sflag:s4], $0x1000  }
0x12f: {  	[sflag:s4] =	ssyncset.done $0x0  }
0x130: {  	s29 =	simm.s32 $0xD100;
	s30 =	simm.s32 $0x2800;
	[sflag:s4] =	ssyncadd.s32 $0xFFFFF000  }
0x131: {  	[tilespmem:s29], [sflag:$0x9] =	stream.indirect.gather [spmem:s3], $0x20, s30, s21, $0xb8;
	[tilespmem:$0x18100] =	vst v63  }
0x132: {  	_ =	swait.ge [sflag:s0], $0x1000  }
0x133: {  	[sflag:s0] =	ssyncset.done $0x0  }
0x134: {  	s31 =	simm.s32 $0x4F00;
	[sflag:s0] =	ssyncadd.s32 $0xFFFFF000  }
0x135: {  	[spmem:s2] =	stream.indirect.scatter.add.f32 [tilespmem:s22], [sflag:$0xF], $0x20, s31, s21, $0xb8;
	[tilespmem:$0x18100] =	vst v63  }
0x136: {  	_ =	swait.ge [sflag:s7], $0x1000  }
0x137: {  	[sflag:s7] =	ssyncset.done $0x0  }
0x138: {  	s22 =	simm.s32 $0x4F80;
	[sflag:s7] =	ssyncadd.s32 $0xFFFFF000  }
0x139: {  	[spmem:s2] =	stream.indirect.scatter.add.f32 [tilespmem:s23], [sflag:$0x10], $0x20, s22, s21, $0xb8;
	[tilespmem:$0x18100] =	vst v63  }
0x13a: {  	_ =	swait.ge [sflag:s8], $0x1000  }
0x13b: {  	[sflag:s8] =	ssyncset.done $0x0  }
0x13c: {  	s23 =	simm.s32 $0x5000;
	[sflag:s8] =	ssyncadd.s32 $0xFFFFF000  }
0x13d: {  	[spmem:s2] =	stream.indirect.scatter.add.f32 [tilespmem:s24], [sflag:$0x11], $0x20, s23, s21, $0xb8;
	[tilespmem:$0x18100] =	vst v63  }
0x13e: {  	_ =	swait.ge [sflag:s10], $0x1000  }
0x13f: {  	[sflag:s10] =	ssyncset.done $0x0  }
0x140: {  	s24 =	simm.s32 $0x5080;
	[sflag:s10] =	ssyncadd.s32 $0xFFFFF000  }
0x141: {  	[spmem:s2] =	stream.indirect.scatter.add.f32 [tilespmem:s29], [sflag:$0x12], $0x20, s24, s21, $0xb8;
	[tilespmem:$0x18100] =	vst v63  }
0x142: {  	_ =	swait.ge [sflag:s6], $0x1000  }
0x143: {  	[sflag:s6] =	ssyncset.done $0x0  }
0x144: {  	[sflag:s6] =	ssyncadd.s32 $0xFFFFF000  }
0x145: {  	_ =	swait.ge [sflag:s16], $0x1000  }
0x146: {  	[sflag:s16] =	ssyncset.done $0x0  }
0x147: {  	[sflag:s16] =	ssyncadd.s32 $0xFFFFF000  }
0x148: {  	_ =	swait.ge [sflag:s9], $0x1000  }
0x149: {  	[sflag:s9] =	ssyncset.done $0x0  }
0x14a: {  	[sflag:s9] =	ssyncadd.s32 $0xFFFFF000  }
0x14b: {  	_ =	swait.ge [sflag:s11], $0x1000  }
0x14c: {  	[sflag:s11] =	ssyncset.done $0x0  }
0x14d: {  	[sflag:s11] =	ssyncadd.s32 $0xFFFFF000  }
0x14e: {  	_ =	swait.ge [sflag:s12], $0x1000  }
0x14f: {  	[sflag:s12] =	ssyncset.done $0x0  }
0x150: {  	[sflag:s12] =	ssyncadd.s32 $0xFFFFF000  }
0x151: {  	_ =	swait.ge [sflag:s14], $0x1000  }
0x152: {  	[sflag:s14] =	ssyncset.done $0x0  }
0x153: {  	[sflag:s14] =	ssyncadd.s32 $0xFFFFF000  }
0x154: {  	_ =	swait.ge [sflag:s15], $0x1000  }
0x155: {  	[sflag:s15] =	ssyncset.done $0x0  }
0x156: {  	[sflag:s15] =	ssyncadd.s32 $0xFFFFF000  }
0x157: {  	_ =	swait.ge [sflag:s5], $0x1000  }
0x158: {  	[sflag:s5] =	ssyncset.done $0x0  }
0x159: {  	[sflag:s5] =	ssyncadd.s32 $0xFFFFF000  }
0x15a: {  	_ =	swait.ge [sflag:s4], $0x1000  }
0x15b: {  	[sflag:s4] =	ssyncset.done $0x0  }
0x15c: {  	[sflag:s4] =	ssyncadd.s32 $0xFFFFF000  }
0x15d: {  	[bflag:$0x0] =	sbarrier.arrive $0xFFFF  }
0x15e: {  	s25 =	rddreg [dreg:$0x4]  }
0x15f: {  	s28 =	rddreg [dreg:$0xa]  }
0x160: {  	s29 =	simm.s32 $0x13;
	s23 =	rddreg [dreg:$0xc];
	s13 =	sor.u32 $0x1C13, s25  }
0x161: {  	[hbm:s28], [sflag:s13] =	dma.local [spmem:s23], $0xA00  }
0x162: {  	_ =	swait.ge [sflag:s29], $0xA00  }
0x163: {  	s30 =	rddreg [dreg:$0xf]  }
0x164: {  	s31 =	rddreg [dreg:$0xb];
	s17 =	sadd.s32 $0x1, s30  }
0x165: {  	p0 =	sne.s32 s17, s31  }
.Ltmp1:
0x166: {  	_ = 	snop;
	(pc) =	sbr.rel @p0 .LBB2_1-.Ltmp1, $3  }
0x167: {  	_ =	sdelay $0x1  }
0x168: {  	[sflag:s29] =	ssyncset.done $0x0  }
0x169: {  	[sflag:s29] =	ssyncadd.s32 $0xFFFFF600  }
0x16a: {  	_ =	sfence.sel $0x180000  }
0x16b: {  	[bflag:$0x0] =	sbarrier.arrive $0xFFFF  }
0x16c: {  	_ =	strace $0x9000004D  }
0x16d: {  	s0 =	stileid.u32;
	[bflag:$0x2] =	sbarrier.arrive $0xFFFF  }
0x16e: {  	p0 =	sne.s32 s0, $0x0;
	s0 =	rddreg [dreg:$0x3]  }
0x16f: {  	s0 =	sadd.s32 @!p0 $0x100000, s0  }
0x170: {  	[sflag:s0] =	ssyncadd.tile.s32 @!p0 $0x1;
	_ =	shalt  }
.Lfunc_end2:
_tile_overlayer_lowered:
.L_overlay_start_2:
0x171: {  	(tag) =	ssettag $0x2  }
0x172: {  	s0 =	rddreg [dreg:$0x0];
	s2 =	stileid.u32  }
0x173: {  	s1 =	rddreg [dreg:$0x1];
	p0 =	sne.s32 s2, $0x0  }
0x174: {  	s3 =	rddreg [dreg:$0x2];
	[bflag:$0x3] =	sbarrier.arrive $0xFFFF;
	s2 =	simm.s32 @!p0 $0x1C13  }
0x175: {  	[timem:s3], [sflag:s2] =	dma.local @!p0 [hbm:s0], s1  }
0x176: {  	s0 =	simm.s32 @!p0 $0x13  }
0x177: {  	_ =	swait.ge @!p0 [sflag:s0], s1  }
0x178: {  	s1 =	ssub.s32 @!p0 $0x0, s1;
	[sflag:s0] =	ssyncset.done @!p0 $0x0  }
0x179: {  	[sflag:s0] =	ssyncadd.s32 @!p0 s1  }
0x17a: {  	[bflag:$0x3] =	sbarrier.arrive $0xFFFF  }
0x17b: {  	_ =	shalt  }

// kernel: kernel.19.cloned.1.call-start
scs
__scs_entry_jumppad:
0x0: {  	(pc) =	sbr.rel $0x88, $3  }
0x1: {  	(tag) =	ssettag $0x0;
	lr =	simm.s32 $0x1  }
0x2: {  	[smem:$0x3F99] =	sst lr;
	_ =	strace $0xD0000000  }
0x3: {  	_ = 	snop  }
0x4: {  	_ = 	snop  }
0x5: {  	_ = 	snop  }
0x6: {  	_ = 	snop  }
0x7: {  	_ = 	snop  }
__scs_overlays_trampoline_lowered:
0x8: {  	[smem:$0x3FA8] =	sst s0  }
0x9: {  	[smem:$0x3FA9] =	sst s1  }
0xa: {  	[smem:$0x3FAA] =	sst s2  }
0xb: {  	[smem:$0x3FAB] =	sst s3  }
0xc: {  	[smem:$0x3FAC] =	sst s4  }
0xd: {  	[smem:$0x3FAD] =	sst s5  }
0xe: {  	[smem:$0x3FAE] =	sst s6  }
0xf: {  	[smem:$0x3FAF] =	sst s7  }
0x10: {  	[smem:$0x3FB0] =	sst s8  }
0x11: {  	[smem:$0x3FB1] =	sst s9;
	s0 =	simm.s32 @!p0 $0x0  }
0x12: {  	s1 =	sld [smem:$0x3F97];
	s0 =	simm.s32 @p0 $0x1  }
0x13: {  	[smem:$0x3FB2] =	sst s0;
	s0 =	simm.s32 @!p1 $0x0  }
0x14: {  	s2 =	sld [smem:$0x3F96];
	s0 =	simm.s32 @p1 $0x1  }
0x15: {  	[smem:$0x3FB3] =	sst s0;
	s0 =	simm.s32 @!p2 $0x0  }
0x16: {  	s3 =	sld [smem:$0x3FDB];
	s0 =	simm.s32 @p2 $0x1  }
0x17: {  	s4 =	simm.s32 $0x1BF5;
	[smem:$0x3FB5] =	sst s0  }
0x18: {  	s0 =	sld [smem:$0x3F98];
	_ =	swait.ge [sflag:s4], $0x0  }
0x19: {  	s7 =	sld [smem:$0x3F99]  }
0x1a: {  	s8 =	sadd.s32 $0xFFFFE003, lr  }
0x1b: {  	s9 =	sadd.s32 $0xFFFFFEF7, lr;
	s5 =	simm.s32 $0xFFFFFFFF;
	p2 =	slt.u32 s8, $0xFFFFF086  }
0x1c: {  	p1 =	slt.u32 s9, $0xF7A;
	s5 =	simm.s32 @!p2 $0x0  }
0x1d: {  	s5 =	simm.s32 @p1 $0x1;
	p0 =	seq.s32 s7, s2  }
0x1e: {  	s7 =	smul.u32 @!p0 $0xF7A, s2;
	p2 =	seq.s32 @!p0 s5, $0x0  }
0x1f: {  	s9 =	smul.u32 $0xF7A, s1;
	s8 =	simm.s32 @!p0 $0x1BF5;
	p2 =	por !p2, p0  }
0x20: {  	[sflag:s8] =	ssyncset.s32 @!p0 $0xFFFFF086;
	s6 =	sadd.s32 @!p0 s3, s7;
	s7 =	simm.s32 @!p0 $0x108  }
0x21: {  	s3 =	sadd.s32 s3, s9;
	s6 =	sadd.s32 @!p0 $0x88, s6;
	s7 =	simm.s32 @p2 $0x1082  }
0x22: {  	[simem:s7], [sflag:s8] =	dma.local @!p0 [hbm:s6], $0xF7A  }
0x23: {  	s9 =	sor.u32 $0xD0000000, s2;
	s6 =	simm.s32 $0x108;
	_ =	swait.ge @!p0 [sflag:s8], $0x0  }
0x24: {  	s3 =	sadd.s32 $0x88, s3;
	s6 =	simm.s32 @!p1 $0x1082;
	[sflag:s4] =	ssyncset.s32 $0xFFFFF086  }
0x25: {  	[simem:s6], [sflag:s4] =	dma.local [hbm:s3], $0xF7A  }
0x26: {  	[smem:$0x3F99] =	sst s1;
	(tag) =	ssettag s2;
	_ =	strace s9  }
0x27: {  	s1 =	sld [smem:$0x3FA9]  }
0x28: {  	s2 =	sld [smem:$0x3FAA]  }
0x29: {  	s4 =	sld [smem:$0x3FAC]  }
0x2a: {  	p0 =	seq.s32 s5, $0x0;
	s5 =	sld [smem:$0x3FAD]  }
0x2b: {  	s6 =	sld [smem:$0x3FAE]  }
0x2c: {  	s7 =	sld [smem:$0x3FAF]  }
0x2d: {  	s3 =	simm.s32 $0x108;
	s8 =	sld [smem:$0x3FB0]  }
0x2e: {  	s3 =	simm.s32 @!p0 $0x1082;
	s9 =	sld [smem:$0x3FB1]  }
0x2f: {  	lr =	sadd.s32 s0, s3;
	s0 =	sld [smem:$0x3FA8]  }
0x30: {  	s3 =	sld [smem:$0x3FAB]  }
0x31: {  	[smem:$0x3FB4] =	sst s10  }
0x32: {  	s10 =	sld [smem:$0x3FB2];
	_ =	sdelay $0x3  }
0x33: {  	p0 =	seq.s32 s10, $0x1;
	s10 =	sld [smem:$0x3FB4];
	_ =	sdelay $0x3  }
0x34: {  	[smem:$0x3FB4] =	sst s10  }
0x35: {  	s10 =	sld [smem:$0x3FB3];
	_ =	sdelay $0x3  }
0x36: {  	p1 =	seq.s32 s10, $0x1;
	s10 =	sld [smem:$0x3FB4];
	_ =	sdelay $0x3  }
0x37: {  	[smem:$0x3FB4] =	sst s10  }
0x38: {  	s10 =	sld [smem:$0x3FB5]  }
0x39: {  	_ = 	snop;
	(pc) =	sbr.ind lr, $3  }
0x3a: {  	_ = 	snop  }
0x3b: {  	_ = 	snop  }
0x3c: {  	p2 =	seq.s32 s10, $0x1;
	s10 =	sld [smem:$0x3FB4]  }
0x3d: {  	_ =	shalt  }
0x3e: {  	_ =	shalt  }
0x3f: {  	_ =	shalt  }
0x40: {  	_ =	shalt  }
0x41: {  	_ =	shalt  }
0x42: {  	_ =	shalt  }
0x43: {  	_ =	shalt  }
0x44: {  	_ =	shalt  }
0x45: {  	_ =	shalt  }
0x46: {  	_ =	shalt  }
0x47: {  	_ =	shalt  }
0x48: {  	_ =	shalt  }
0x49: {  	_ =	shalt  }
0x4a: {  	_ =	shalt  }
0x4b: {  	_ =	shalt  }
0x4c: {  	_ =	shalt  }
0x4d: {  	_ =	shalt  }
0x4e: {  	_ =	shalt  }
0x4f: {  	_ =	shalt  }
0x50: {  	_ =	shalt  }
0x51: {  	_ =	shalt  }
0x52: {  	_ =	shalt  }
0x53: {  	_ =	shalt  }
0x54: {  	_ =	shalt  }
0x55: {  	_ =	shalt  }
0x56: {  	_ =	shalt  }
0x57: {  	_ =	shalt  }
0x58: {  	_ =	shalt  }
0x59: {  	_ =	shalt  }
0x5a: {  	_ =	shalt  }
0x5b: {  	_ =	shalt  }
0x5c: {  	_ =	shalt  }
0x5d: {  	_ =	shalt  }
0x5e: {  	_ =	shalt  }
0x5f: {  	_ =	shalt  }
0x60: {  	_ =	shalt  }
0x61: {  	_ =	shalt  }
0x62: {  	_ =	shalt  }
0x63: {  	_ =	shalt  }
0x64: {  	_ =	shalt  }
0x65: {  	_ =	shalt  }
0x66: {  	_ =	shalt  }
0x67: {  	_ =	shalt  }
0x68: {  	_ =	shalt  }
0x69: {  	_ =	shalt  }
0x6a: {  	_ =	shalt  }
0x6b: {  	_ =	shalt  }
0x6c: {  	_ =	shalt  }
0x6d: {  	_ =	shalt  }
0x6e: {  	_ =	shalt  }
0x6f: {  	_ =	shalt  }
0x70: {  	_ =	shalt  }
0x71: {  	_ =	shalt  }
0x72: {  	_ =	shalt  }
0x73: {  	_ =	shalt  }
0x74: {  	_ =	shalt  }
0x75: {  	_ =	shalt  }
0x76: {  	_ =	shalt  }
0x77: {  	_ =	shalt  }
0x78: {  	_ =	shalt  }
0x79: {  	_ =	shalt  }
0x7a: {  	_ =	shalt  }
0x7b: {  	_ =	shalt  }
0x7c: {  	_ =	shalt  }
0x7d: {  	_ =	shalt  }
0x7e: {  	_ =	shalt  }
0x7f: {  	_ =	shalt  }
0x80: {  	_ =	shalt  }
0x81: {  	_ =	shalt  }
0x82: {  	_ =	shalt  }
0x83: {  	_ =	shalt  }
0x84: {  	_ =	shalt  }
0x85: {  	_ =	shalt  }
0x86: {  	_ =	shalt  }
0x87: {  	_ =	shalt  }
.Lfunc_end0:
.L_simem_size_0:
called_computation.3_lowered:
.L_overlay_start_0:
0x88: {  	s2 =	sld [smem:$0x3FD9]  }
0x89: {  	s3 =	sld [smem:$0x3FFE];
	_ =	sdelay $0x1  }
0x8a: {  	s1 =	srdreg.scid  }
0x8b: {  	s0 =	sand.u32 $0x1, s1  }
0x8c: {  	s16 =	sshll.u32 s0, $0xA;
	s2 =	sadd.s32 s3, s2  }
0x8d: {  	s2 =	sadd.s32 s2, s16  }
0x8e: {  	[smem:$0x3FC0] =	sst s2  }
0x8f: {  	_ = 	snop  }
0x90: {  	(tm) =	ssettm $0x1  }
0x91: {  	s17 =	sld [smem:$0x3FFB];
	_ =	sdelay $0x3  }
0x92: {  	_ =	strace s17  }
0x93: {  	s2 =	sld [smem:$0x3FFC];
	_ =	sdelay $0x3  }
0x94: {  	_ =	strace s2  }
0x95: {  	s2 =	sld [smem:$0x3FFD];
	_ =	sdelay $0x3  }
0x96: {  	_ =	strace s2  }
0x97: {  	_ =	strace $0x8FFFFFFF  }
0x98: {  	s18 =	sld [smem:$0x3FDB];
	_ =	sdelay $0x1  }
0x99: {  	s19 =	simm.s32 $_scs_section_size  }
0x9a: {  	s4 =	simm.s32 $_size__tile_overlayer_lowered;
	s5 =	simm.s32 $_tile_overlayer_lowered  }
0x9b: {  	s22 =	simm.s32 $0x1BFF;
	s21 =	sshll.u32 s5, $0x1;
	s2 =	sadd.s32 s19, s18  }
0x9c: {  	s6 =	simm.s32 $0x0;
	s20 =	sshll.u32 s4, $0x1;
	s4 =	sadd.s32 s21, s2  }
0x9d: {  	[timem:s6], [sflag:s22] =	dma.local [hbm:s4], s20  }
0x9e: {  	_ =	swait.ge [sflag:s22], s20  }
0x9f: {  	s3 =	ssub.s32 $0x0, s20;
	[sflag:s22] =	ssyncset.done $0x0  }
0xa0: {  	[sflag:s22] =	ssyncadd.s32 s3;
	_ =	sdelay $0x1  }
0xa1: {  	s23 =	simm.s32 $0x1B8B  }
0xa2: {  	_ =	swait.ge [sflag:s23], $0x1  }
0xa3: {  	[sflag:s23] =	ssyncset.done $0x0  }
0xa4: {  	s25 =	simm.s32 $0x1B8E;
	s24 =	sld [smem:$0x3FFE];
	[sflag:s23] =	ssyncadd.s32 $0xFFFFFFFF  }
0xa5: {  	s26 =	simm.s32 $execute0_lowered;
	[smem:$0x3FD2] =	sst s25  }
0xa6: {  	s4 =	sshll.u32 s26, $0x1;
	_ =	strace $0x8000004F;
	[dreg:$0x1] =	wrdreg $0xFFFFFFFF  }
0xa7: {  	s28 =	simm.s32 $_size_execute0_lowered;
	s2 =	sadd.s32 s2, s4;
	[dreg:$0x0] =	wrdreg $0x0  }
0xa8: {  	s4 =	sshll.u32 s28, $0x1;
	[dreg:$0x2] =	wrdreg s2  }
0xa9: {  	[dreg:$0x3] =	wrdreg s4  }
0xaa: {  	[dreg:$0x4] =	wrdreg $0xC0  }
0xab: {  	_ =	task [dreg:s6], $0x5FFFF  }
0xac: {  	[dreg:$0x1] =	wrdreg $0xFFFFFFFF  }
0xad: {  	[dreg:$0x0] =	wrdreg $0x60  }
0xae: {  	[dreg:$0x2] =	wrdreg s24  }
0xaf: {  	[dreg:$0x3] =	wrdreg $0xE1000  }
0xb0: {  	[dreg:$0x4] =	wrdreg $0x131000  }
0xb1: {  	[dreg:$0x5] =	wrdreg $0x9  }
0xb2: {  	_ =	task.clear_ibuf [dreg:s6], $0x6FFFF;
	_ =	strace $0x9000004F  }
0xb3: {  	s29 =	simm.s32 $0x9;
	_ =	strace $0x80000051  }
0xb4: {  	_ =	swait.ge [sflag:s29], $0x1  }
0xb5: {  	[sflag:s29] =	ssyncadd.s32 $0xFFFFFFFF  }
0xb6: {  	_ =	strace $0x90000051  }
0xb7: {  	_ =	sfence  }
0xb8: {  	s30 =	sld [smem:$0x0];
	_ =	sdelay $0x2  }
0xb9: {  	s31 =	sshll.u32 s1, $0xD;
	s1 =	sshrl.u32 s1, $0x2  }
0xba: {  	s3 =	sand.u32 $0x4000, s31;
	s1 =	sadd.s32 s1, s30  }
0xbb: {  	s0 =	sor.u32 s3, s0;
	s1 =	sshll.u32 s1, $0x11  }
0xbc: {  	s0 =	sor.u32 s1, s0  }
0xbd: {  	s0 =	sadd.s32 $0x8F2B, s0  }
0xbe: {  	[sflag:s0] =	ssyncadd.remote.s32 $0x1  }
0xbf: {  	_ =	sfence.sel $0xFFFF  }
0xc0: {  	[dreg:$0x0] =	wrdreg $0xFFFFFFFF;
	(pc) =	sbr.abs _section_cstart, $3  }
0xc1: {  	[dreg:$0x1] =	wrdreg $0xFFFFFFFF  }
0xc2: {  	_ =	task.clear_ibuf [dreg:s6], $0x2FFFF;
	_ =	strace $0x9FFFFFFF  }
0xc3: {  	(tm) =	ssettm $0x7FFFFFFF  }
tec
execute0_lowered:
.L_overlay_start_1:
0x0: {  	(tag) =	ssettag $0x1  }
0x1: {  	s0 =	rddreg [dreg:$0x0]  }
0x2: {  	s2 =	rddreg [dreg:$0x1]  }
0x3: {  	s1 =	srdreg.scid;
	s3 =	rddreg [dreg:$0x2]  }
0x4: {  	s8 =	stileid.u32;
	s7 =	simm.s32 $0x0;
	s18 =	simm.s32 $0x2  }
0x5: {  	s19 =	simm.s32 $0x3;
	s20 =	simm.s32 $0x4;
	s21 =	simm.s32 $0x80  }
0x6: {  	s16 =	simm.s32 $0xB;
	s10 =	simm.s32 $0x9;
	s11 =	simm.s32 $0xD  }
0x7: {  	s12 =	simm.s32 $0xE;
	s14 =	simm.s32 $0xF;
	s15 =	simm.s32 $0x10  }
0x8: {  	s17 =	simm.s32 $0x0;
	s1 =	sand.u32 $0x1, s1;
	s4 =	smul.u32 $0x5000, s8  }
0x9: {  	[smem:$0x7FF] =	sst s7;
	s5 =	sshll.u32 s1, $0x4;
	s6 =	smul.u32 $0x50000, s1  }
0xa: {  	_ =	strace $0x80000050;
	s1 =	ssub.s32 $0x2, s1;
	s5 =	sor.u32 s8, s5  }
0xb: {  	s23 =	sshrl.u32 s4, $0x3;
	s24 =	sshrl.u32 s1, $0x1;
	s25 =	sadd.s32 s4, s2  }
0xc: {  	s8 =	sshll.u32 s8, $0x6;
	s5 =	smul.u32 $0x2880, s5;
	s7 =	sadd.s32 s23, s0  }
0xd: {  	s6 =	sadd.s32 s4, s6;
	s26 =	sor.u32 $0x1C01, s8;
	[dreg:$0x4] =	wrdreg s8  }
0xe: {  	s1 =	ssub.s32 s1, s24;
	s30 =	sor.u32 $0x1C02, s8;
	[dreg:$0x6] =	wrdreg s26  }
0xf: {  	s4 =	sadd.s32 s4, s3;
	s23 =	sshrl.u32 s25, $0x3;
	[dreg:$0xd] =	wrdreg s30  }
0x10: {  	s8 =	simm.s32 $0x8;
	s9 =	sadd.s32 $0x20A00, s7;
	[dreg:$0xc] =	wrdreg s23  }
0x11: {  	s6 =	sshrl.u32 s6, $0x3;
	s7 =	sadd.s32 $0x16A00, s7;
	[dreg:$0x5] =	wrdreg s9  }
0x12: {  	s29 =	smax.u32 s1, $0x1;
	s31 =	sshrl.u32 s4, $0x3;
	[dreg:$0x7] =	wrdreg s7  }
0x13: {  	s26 =	simm.s32 $0x5;
	s5 =	sshrl.u32 s5, $0x3;
	[dreg:$0xb] =	wrdreg s29  }
0x14: {  	s4 =	simm.s32 $0x12;
	[dreg:$0xe] =	wrdreg s31;
	s5 =	sadd.s32 s5, s0  }
0x15: {  	s7 =	simm.s32 $0x7;
	s9 =	simm.s32 $0xC;
	s28 =	sadd.s32 $0x2600, s5  }
0x16: {  	s0 =	sadd.s32 s6, s0;
	s5 =	sadd.s32 $0xC800, s5;
	[dreg:$0x8] =	wrdreg s28  }
0x17: {  	s6 =	simm.s32 $0xA;
	s0 =	sadd.s32 $0x2AA00, s0;
	[dreg:$0x9] =	wrdreg s5  }
0x18: {  	[dreg:$0xa] =	wrdreg s0;
	s0 =	simm.s32 $0x6;
	s5 =	simm.s32 $0x11  }
.LBB2_1:
0x19: {  	[dreg:$0xf] =	wrdreg s17  }
0x1a: {  	s13 =	rddreg [dreg:$0x5]  }
0x1b: {  	s22 =	rddreg [dreg:$0x6]  }
0x1c: {  	[spmem:s23], [sflag:s22] =	dma.local [hbm:s13], $0xA00  }
0x1d: {  	s13 =	rddreg [dreg:$0x7]  }
0x1e: {  	s22 =	rddreg [dreg:$0xd]  }
0x1f: {  	s23 =	rddreg [dreg:$0xe]  }
0x20: {  	[spmem:s23], [sflag:s22] =	dma.local [hbm:s13], $0xA00  }
0x21: {  	s25 =	simm.s32 $0x0;
	s22 =	rddreg [dreg:$0x8]  }
0x22: {  	[tilespmem:s25], [sflag:$0x3] =	stream.linear.gather [hbm4b:s22+s25], $0x2880, $0x38;
	[tilespmem:$0x18100] =	vst v63  }
0x23: {  	s29 =	simm.s32 $0x2880;
	s17 =	simm.s32 $0x1;
	s28 =	rddreg [dreg:$0x9]  }
0x24: {  	[tilespmem:s29], [sflag:$0x4] =	stream.linear.gather [hbm4b:s28+s25], $0x2880, $0x38;
	[tilespmem:$0x18100] =	vst v63  }
0x25: {  	_ =	swait.ge [sflag:s17], $0xA00  }
0x26: {  	[sflag:s17] =	ssyncset.done $0x0  }
0x27: {  	[sflag:s17] =	ssyncadd.s32 $0xFFFFF600  }
0x28: {  	_ =	swait.ge [sflag:s18], $0xA00  }
0x29: {  	[sflag:s18] =	ssyncset.done $0x0  }
0x2a: {  	[sflag:s18] =	ssyncadd.s32 $0xFFFFF600  }
0x2b: {  	_ =	swait.ge [sflag:s19], $0x2880  }
0x2c: {  	[sflag:s19] =	ssyncset.done $0x0  }
0x2d: {  	[sflag:s19] =	ssyncadd.s32 $0xFFFFD780  }
0x2e: {  	_ =	swait.ge [sflag:s20], $0x2880  }
0x2f: {  	[sflag:s20] =	ssyncset.done $0x0  }
0x30: {  	[sflag:s20] =	ssyncadd.s32 $0xFFFFD780  }
0x31: {  	s22 =	simm.s32 $0x5100;
	[bflag:$0x0] =	sbarrier.arrive $0xFFFF  }
0x32: {  	[tilespmem:s22], [sflag:$0x1] =	stream.indirect.gather [spmem:s3], $0x20, s25, s21, $0xb8;
	[tilespmem:$0x18100] =	vst v63  }
0x33: {  	s25 =	simm.s32 $0x6100  }
0x34: {  	[tilespmem:s25], [sflag:$0x2] =	stream.indirect.gather [spmem:s3], $0x20, s21, s21, $0xb8;
	[tilespmem:$0x18100] =	vst v63  }
0x35: {  	s30 =	simm.s32 $0x100;
	s28 =	simm.s32 $0x7100  }
0x36: {  	[tilespmem:s28], [sflag:$0x3] =	stream.indirect.gather [spmem:s3], $0x20, s30, s21, $0xb8;
	[tilespmem:$0x18100] =	vst v63  }
0x37: {  	s1 =	simm.s32 $0x180;
	s30 =	simm.s32 $0x8100  }
0x38: {  	[tilespmem:s30], [sflag:$0x4] =	stream.indirect.gather [spmem:s3], $0x20, s1, s21, $0xb8;
	[tilespmem:$0x18100] =	vst v63  }
0x39: {  	_ =	swait.ge [sflag:s17], $0x1000  }
0x3a: {  	[sflag:s17] =	ssyncset.done $0x0  }
0x3b: {  	[sflag:s17] =	ssyncadd.s32 $0xFFFFF000  }
0x3c: {  	[spmem:s2] =	stream.indirect.scatter.add.f32 [tilespmem:s22], [sflag:$0xA], $0x20, s29, s21, $0xb8;
	[tilespmem:$0x18100] =	vst v63  }
0x3d: {  	s31 =	simm.s32 $0x200;
	s23 =	simm.s32 $0x9100  }
0x3e: {  	[tilespmem:s23], [sflag:$0x5] =	stream.indirect.gather [spmem:s3], $0x20, s31, s21, $0xb8;
	[tilespmem:$0x18100] =	vst v63  }
0x3f: {  	_ =	swait.ge [sflag:s18], $0x1000  }
0x40: {  	[sflag:s18] =	ssyncset.done $0x0  }
0x41: {  	s13 =	simm.s32 $0x2900;
	[sflag:s18] =	ssyncadd.s32 $0xFFFFF000  }
0x42: {  	[spmem:s2] =	stream.indirect.scatter.add.f32 [tilespmem:s25], [sflag:$0xB], $0x20, s13, s21, $0xb8;
	[tilespmem:$0x18100] =	vst v63  }
0x43: {  	s24 =	simm.s32 $0x280;
	s29 =	simm.s32 $0xA100  }
0x44: {  	[tilespmem:s29], [sflag:$0x6] =	stream.indirect.gather [spmem:s3], $0x20, s24, s21, $0xb8;
	[tilespmem:$0x18100] =	vst v63  }
0x45: {  	_ =	swait.ge [sflag:s19], $0x1000  }
0x46: {  	[sflag:s19] =	ssyncset.done $0x0  }
0x47: {  	s31 =	simm.s32 $0x2980;
	[sflag:s19] =	ssyncadd.s32 $0xFFFFF000  }
0x48: {  	[spmem:s2] =	stream.indirect.scatter.add.f32 [tilespmem:s28], [sflag:$0xC], $0x20, s31, s21, $0xb8;
	[tilespmem:$0x18100] =	vst v63  }
0x49: {  	s13 =	simm.s32 $0x300;
	s24 =	simm.s32 $0xB100  }
0x4a: {  	[tilespmem:s24], [sflag:$0x7] =	stream.indirect.gather [spmem:s3], $0x20, s13, s21, $0xb8;
	[tilespmem:$0x18100] =	vst v63  }
0x4b: {  	_ =	swait.ge [sflag:s20], $0x1000  }
0x4c: {  	[sflag:s20] =	ssyncset.done $0x0  }
0x4d: {  	s31 =	simm.s32 $0x2A00;
	[sflag:s20] =	ssyncadd.s32 $0xFFFFF000  }
0x4e: {  	[spmem:s2] =	stream.indirect.scatter.add.f32 [tilespmem:s30], [sflag:$0xD], $0x20, s31, s21, $0xb8;
	[tilespmem:$0x18100] =	vst v63  }
0x4f: {  	s13 =	simm.s32 $0x380;
	s31 =	simm.s32 $0xC100  }
0x50: {  	[tilespmem:s31], [sflag:$0x8] =	stream.indirect.gather [spmem:s3], $0x20, s13, s21, $0xb8;
	[tilespmem:$0x18100] =	vst v63  }
0x51: {  	_ =	swait.ge [sflag:s26], $0x1000  }
0x52: {  	[sflag:s26] =	ssyncset.done $0x0  }
0x53: {  	s13 =	simm.s32 $0x2A80;
	[sflag:s26] =	ssyncadd.s32 $0xFFFFF000  }
0x54: {  	[spmem:s2] =	stream.indirect.scatter.add.f32 [tilespmem:s23], [sflag:$0xE], $0x20, s13, s21, $0xb8;
	[tilespmem:$0x18100] =	vst v63  }
0x55: {  	s1 =	simm.s32 $0x400;
	s13 =	simm.s32 $0xD100  }
0x56: {  	[tilespmem:s13], [sflag:$0x9] =	stream.indirect.gather [spmem:s3], $0x20, s1, s21, $0xb8;
	[tilespmem:$0x18100] =	vst v63  }
0x57: {  	_ =	swait.ge [sflag:s0], $0x1000  }
0x58: {  	[sflag:s0] =	ssyncset.done $0x0  }
0x59: {  	s1 =	simm.s32 $0x2B00;
	[sflag:s0] =	ssyncadd.s32 $0xFFFFF000  }
0x5a: {  	[spmem:s2] =	stream.indirect.scatter.add.f32 [tilespmem:s29], [sflag:$0xF], $0x20, s1, s21, $0xb8;
	[tilespmem:$0x18100] =	vst v63  }
0x5b: {  	_ =	swait.ge [sflag:s6], $0x1000  }
0x5c: {  	[sflag:s6] =	ssyncset.done $0x0  }
0x5d: {  	s1 =	simm.s32 $0x480;
	[sflag:s6] =	ssyncadd.s32 $0xFFFFF000  }
0x5e: {  	[tilespmem:s22], [sflag:$0x1] =	stream.indirect.gather [spmem:s3], $0x20, s1, s21, $0xb8;
	[tilespmem:$0x18100] =	vst v63  }
0x5f: {  	_ =	swait.ge [sflag:s7], $0x1000  }
0x60: {  	[sflag:s7] =	ssyncset.done $0x0  }
0x61: {  	s1 =	simm.s32 $0x2B80;
	[sflag:s7] =	ssyncadd.s32 $0xFFFFF000  }
0x62: {  	[spmem:s2] =	stream.indirect.scatter.add.f32 [tilespmem:s24], [sflag:$0x10], $0x20, s1, s21, $0xb8;
	[tilespmem:$0x18100] =	vst v63  }
0x63: {  	_ =	swait.ge [sflag:s16], $0x1000  }
0x64: {  	[sflag:s16] =	ssyncset.done $0x0  }
0x65: {  	s1 =	simm.s32 $0x500;
	[sflag:s16] =	ssyncadd.s32 $0xFFFFF000  }
0x66: {  	[tilespmem:s25], [sflag:$0x2] =	stream.indirect.gather [spmem:s3], $0x20, s1, s21, $0xb8;
	[tilespmem:$0x18100] =	vst v63  }
0x67: {  	_ =	swait.ge [sflag:s8], $0x1000  }
0x68: {  	[sflag:s8] =	ssyncset.done $0x0  }
0x69: {  	s1 =	simm.s32 $0x2C00;
	[sflag:s8] =	ssyncadd.s32 $0xFFFFF000  }
0x6a: {  	[spmem:s2] =	stream.indirect.scatter.add.f32 [tilespmem:s31], [sflag:$0x11], $0x20, s1, s21, $0xb8;
	[tilespmem:$0x18100] =	vst v63  }
0x6b: {  	_ =	swait.ge [sflag:s9], $0x1000  }
0x6c: {  	[sflag:s9] =	ssyncset.done $0x0  }
0x6d: {  	s1 =	simm.s32 $0x580;
	[sflag:s9] =	ssyncadd.s32 $0xFFFFF000  }
0x6e: {  	[tilespmem:s28], [sflag:$0x3] =	stream.indirect.gather [spmem:s3], $0x20, s1, s21, $0xb8;
	[tilespmem:$0x18100] =	vst v63  }
0x6f: {  	_ =	swait.ge [sflag:s10], $0x1000  }
0x70: {  	[sflag:s10] =	ssyncset.done $0x0  }
0x71: {  	s13 =	simm.s32 $0xD100;
	s1 =	simm.s32 $0x2C80;
	[sflag:s10] =	ssyncadd.s32 $0xFFFFF000  }
0x72: {  	[spmem:s2] =	stream.indirect.scatter.add.f32 [tilespmem:s13], [sflag:$0x12], $0x20, s1, s21, $0xb8;
	[tilespmem:$0x18100] =	vst v63  }
0x73: {  	_ =	swait.ge [sflag:s11], $0x1000  }
0x74: {  	[sflag:s11] =	ssyncset.done $0x0  }
0x75: {  	s13 =	simm.s32 $0x600;
	[sflag:s11] =	ssyncadd.s32 $0xFFFFF000  }
0x76: {  	[tilespmem:s30], [sflag:$0x4] =	stream.indirect.gather [spmem:s3], $0x20, s13, s21, $0xb8;
	[tilespmem:$0x18100] =	vst v63  }
0x77: {  	_ =	swait.ge [sflag:s17], $0x1000  }
0x78: {  	[sflag:s17] =	ssyncset.done $0x0  }
0x79: {  	[sflag:s17] =	ssyncadd.s32 $0xFFFFF000;
	s17 =	simm.s32 $0x2D00  }
0x7a: {  	[spmem:s2] =	stream.indirect.scatter.add.f32 [tilespmem:s22], [sflag:$0xA], $0x20, s17, s21, $0xb8;
	[tilespmem:$0x18100] =	vst v63  }
0x7b: {  	_ =	swait.ge [sflag:s12], $0x1000  }
0x7c: {  	[sflag:s12] =	ssyncset.done $0x0  }
0x7d: {  	s1 =	simm.s32 $0x680;
	[sflag:s12] =	ssyncadd.s32 $0xFFFFF000  }
0x7e: {  	[tilespmem:s23], [sflag:$0x5] =	stream.indirect.gather [spmem:s3], $0x20, s1, s21, $0xb8;
	[tilespmem:$0x18100] =	vst v63  }
0x7f: {  	_ =	swait.ge [sflag:s18], $0x1000  }
0x80: {  	[sflag:s18] =	ssyncset.done $0x0  }
0x81: {  	s17 =	simm.s32 $0x2D80;
	[sflag:s18] =	ssyncadd.s32 $0xFFFFF000  }
0x82: {  	[spmem:s2] =	stream.indirect.scatter.add.f32 [tilespmem:s25], [sflag:$0xB], $0x20, s17, s21, $0xb8;
	[tilespmem:$0x18100] =	vst v63  }
0x83: {  	_ =	swait.ge [sflag:s14], $0x1000  }
0x84: {  	[sflag:s14] =	ssyncset.done $0x0  }
0x85: {  	s1 =	simm.s32 $0x700;
	[sflag:s14] =	ssyncadd.s32 $0xFFFFF000  }
0x86: {  	[tilespmem:s29], [sflag:$0x6] =	stream.indirect.gather [spmem:s3], $0x20, s1, s21, $0xb8;
	[tilespmem:$0x18100] =	vst v63  }
0x87: {  	_ =	swait.ge [sflag:s19], $0x1000  }
0x88: {  	[sflag:s19] =	ssyncset.done $0x0  }
0x89: {  	s17 =	simm.s32 $0x2E00;
	[sflag:s19] =	ssyncadd.s32 $0xFFFFF000  }
0x8a: {  	[spmem:s2] =	stream.indirect.scatter.add.f32 [tilespmem:s28], [sflag:$0xC], $0x20, s17, s21, $0xb8;
	[tilespmem:$0x18100] =	vst v63  }
0x8b: {  	_ =	swait.ge [sflag:s15], $0x1000  }
0x8c: {  	[sflag:s15] =	ssyncset.done $0x0  }
0x8d: {  	s1 =	simm.s32 $0x780;
	[sflag:s15] =	ssyncadd.s32 $0xFFFFF000  }
0x8e: {  	[tilespmem:s24], [sflag:$0x7] =	stream.indirect.gather [spmem:s3], $0x20, s1, s21, $0xb8;
	[tilespmem:$0x18100] =	vst v63  }
0x8f: {  	_ =	swait.ge [sflag:s20], $0x1000  }
0x90: {  	[sflag:s20] =	ssyncset.done $0x0  }
0x91: {  	s17 =	simm.s32 $0x2E80;
	[sflag:s20] =	ssyncadd.s32 $0xFFFFF000  }
0x92: {  	[spmem:s2] =	stream.indirect.scatter.add.f32 [tilespmem:s30], [sflag:$0xD], $0x20, s17, s21, $0xb8;
	[tilespmem:$0x18100] =	vst v63  }
0x93: {  	_ =	swait.ge [sflag:s5], $0x1000  }
0x94: {  	[sflag:s5] =	ssyncset.done $0x0  }
0x95: {  	s1 =	simm.s32 $0x800;
	[sflag:s5] =	ssyncadd.s32 $0xFFFFF000  }
0x96: {  	[tilespmem:s31], [sflag:$0x8] =	stream.indirect.gather [spmem:s3], $0x20, s1, s21, $0xb8;
	[tilespmem:$0x18100] =	vst v63  }
0x97: {  	_ =	swait.ge [sflag:s26], $0x1000  }
0x98: {  	[sflag:s26] =	ssyncset.done $0x0  }
0x99: {  	s17 =	simm.s32 $0x2F00;
	[sflag:s26] =	ssyncadd.s32 $0xFFFFF000  }
0x9a: {  	[spmem:s2] =	stream.indirect.scatter.add.f32 [tilespmem:s23], [sflag:$0xE], $0x20, s17, s21, $0xb8;
	[tilespmem:$0x18100] =	vst v63  }
0x9b: {  	_ =	swait.ge [sflag:s4], $0x1000  }
0x9c: {  	[sflag:s4] =	ssyncset.done $0x0  }
0x9d: {  	s1 =	simm.s32 $0xD100;
	s23 =	simm.s32 $0x880;
	[sflag:s4] =	ssyncadd.s32 $0xFFFFF000  }
0x9e: {  	[tilespmem:s1], [sflag:$0x9] =	stream.indirect.gather [spmem:s3], $0x20, s23, s21, $0xb8;
	[tilespmem:$0x18100] =	vst v63  }
0x9f: {  	_ =	swait.ge [sflag:s0], $0x1000  }
0xa0: {  	[sflag:s0] =	ssyncset.done $0x0  }
0xa1: {  	s30 =	simm.s32 $0x2F80;
	[sflag:s0] =	ssyncadd.s32 $0xFFFFF000  }
0xa2: {  	[spmem:s2] =	stream.indirect.scatter.add.f32 [tilespmem:s29], [sflag:$0xF], $0x20, s30, s21, $0xb8;
	[tilespmem:$0x18100] =	vst v63  }
0xa3: {  	_ =	swait.ge [sflag:s6], $0x1000  }
0xa4: {  	[sflag:s6] =	ssyncset.done $0x0  }
0xa5: {  	s17 =	simm.s32 $0x900;
	[sflag:s6] =	ssyncadd.s32 $0xFFFFF000  }
0xa6: {  	[tilespmem:s22], [sflag:$0x1] =	stream.indirect.gather [spmem:s3], $0x20, s17, s21, $0xb8;
	[tilespmem:$0x18100] =	vst v63  }
0xa7: {  	_ =	swait.ge [sflag:s7], $0x1000  }
0xa8: {  	[sflag:s7] =	ssyncset.done $0x0  }
0xa9: {  	s23 =	simm.s32 $0x3000;
	[sflag:s7] =	ssyncadd.s32 $0xFFFFF000  }
0xaa: {  	[spmem:s2] =	stream.indirect.scatter.add.f32 [tilespmem:s24], [sflag:$0x10], $0x20, s23, s21, $0xb8;
	[tilespmem:$0x18100] =	vst v63  }
0xab: {  	_ =	swait.ge [sflag:s16], $0x1000  }
0xac: {  	[sflag:s16] =	ssyncset.done $0x0  }
0xad: {  	s24 =	simm.s32 $0x980;
	[sflag:s16] =	ssyncadd.s32 $0xFFFFF000  }
0xae: {  	[tilespmem:s25], [sflag:$0x2] =	stream.indirect.gather [spmem:s3], $0x20, s24, s21, $0xb8;
	[tilespmem:$0x18100] =	vst v63  }
0xaf: {  	_ =	swait.ge [sflag:s8], $0x1000  }
0xb0: {  	[sflag:s8] =	ssyncset.done $0x0  }
0xb1: {  	s29 =	simm.s32 $0x3080;
	[sflag:s8] =	ssyncadd.s32 $0xFFFFF000  }
0xb2: {  	[spmem:s2] =	stream.indirect.scatter.add.f32 [tilespmem:s31], [sflag:$0x11], $0x20, s29, s21, $0xb8;
	[tilespmem:$0x18100] =	vst v63  }
0xb3: {  	_ =	swait.ge [sflag:s9], $0x1000  }
0xb4: {  	[sflag:s9] =	ssyncset.done $0x0  }
0xb5: {  	s30 =	simm.s32 $0xA00;
	[sflag:s9] =	ssyncadd.s32 $0xFFFFF000  }
0xb6: {  	[tilespmem:s28], [sflag:$0x3] =	stream.indirect.gather [spmem:s3], $0x20, s30, s21, $0xb8;
	[tilespmem:$0x18100] =	vst v63  }
0xb7: {  	_ =	swait.ge [sflag:s10], $0x1000  }
0xb8: {  	[sflag:s10] =	ssyncset.done $0x0  }
0xb9: {  	s31 =	simm.s32 $0x3100;
	[sflag:s10] =	ssyncadd.s32 $0xFFFFF000  }
0xba: {  	[spmem:s2] =	stream.indirect.scatter.add.f32 [tilespmem:s1], [sflag:$0x12], $0x20, s31, s21, $0xb8;
	[tilespmem:$0x18100] =	vst v63  }
0xbb: {  	_ =	swait.ge [sflag:s11], $0x1000  }
0xbc: {  	[sflag:s11] =	ssyncset.done $0x0  }
0xbd: {  	s13 =	simm.s32 $0x1200;
	s22 =	simm.s32 $0xA80;
	[sflag:s11] =	ssyncadd.s32 $0xFFFFF000  }
.LBB2_2:
0xbe: {  	s28 =	simm.s32 $0x8100  }
0xbf: {  	[tilespmem:s28], [sflag:$0x4] =	stream.indirect.gather [spmem:s3], $0x20, s22, s21, $0xb8;
	[tilespmem:$0x18100] =	vst v63  }
0xc0: {  	s1 =	simm.s32 $0x1;
	s22 =	smov.u32 s13  }
0xc1: {  	p0 =	sne.s32 s13, $0x6C00;
	s13 =	sadd.s32 $0x1200, s13;
	_ =	swait.ge [sflag:s1], $0x1000  }
0xc2: {  	s22 =	sshra.s32 s22, $0x2;
	[sflag:s1] =	ssyncset.done $0x0  }
0xc3: {  	s25 =	simm.s32 $0x5100;
	s23 =	sadd.s32 $0x2D00, s22;
	[sflag:s1] =	ssyncadd.s32 $0xFFFFF000  }
0xc4: {  	[spmem:s2] =	stream.indirect.scatter.add.f32 [tilespmem:s25], [sflag:$0xA], $0x20, s23, s21, $0xb8;
	[tilespmem:$0x18100] =	vst v63  }
0xc5: {  	_ =	swait.ge [sflag:s12], $0x1000  }
0xc6: {  	[sflag:s12] =	ssyncset.done $0x0  }
0xc7: {  	s29 =	simm.s32 $0x9100;
	s23 =	sadd.s32 $0x680, s22;
	[sflag:s12] =	ssyncadd.s32 $0xFFFFF000  }
0xc8: {  	[tilespmem:s29], [sflag:$0x5] =	stream.indirect.gather [spmem:s3], $0x20, s23, s21, $0xb8;
	[tilespmem:$0x18100] =	vst v63  }
0xc9: {  	_ =	swait.ge [sflag:s18], $0x1000  }
0xca: {  	[sflag:s18] =	ssyncset.done $0x0  }
0xcb: {  	s30 =	simm.s32 $0x6100;
	s23 =	sadd.s32 $0x2D80, s22;
	[sflag:s18] =	ssyncadd.s32 $0xFFFFF000  }
0xcc: {  	[spmem:s2] =	stream.indirect.scatter.add.f32 [tilespmem:s30], [sflag:$0xB], $0x20, s23, s21, $0xb8;
	[tilespmem:$0x18100] =	vst v63  }
0xcd: {  	_ =	swait.ge [sflag:s14], $0x1000  }
0xce: {  	[sflag:s14] =	ssyncset.done $0x0  }
0xcf: {  	s24 =	simm.s32 $0xA100;
	s23 =	sadd.s32 $0x700, s22;
	[sflag:s14] =	ssyncadd.s32 $0xFFFFF000  }
0xd0: {  	[tilespmem:s24], [sflag:$0x6] =	stream.indirect.gather [spmem:s3], $0x20, s23, s21, $0xb8;
	[tilespmem:$0x18100] =	vst v63  }
0xd1: {  	_ =	swait.ge [sflag:s19], $0x1000  }
0xd2: {  	[sflag:s19] =	ssyncset.done $0x0  }
0xd3: {  	s1 =	simm.s32 $0x7100;
	s23 =	sadd.s32 $0x2E00, s22;
	[sflag:s19] =	ssyncadd.s32 $0xFFFFF000  }
0xd4: {  	[spmem:s2] =	stream.indirect.scatter.add.f32 [tilespmem:s1], [sflag:$0xC], $0x20, s23, s21, $0xb8;
	[tilespmem:$0x18100] =	vst v63  }
0xd5: {  	_ =	swait.ge [sflag:s15], $0x1000  }
0xd6: {  	[sflag:s15] =	ssyncset.done $0x0  }
0xd7: {  	s31 =	simm.s32 $0xB100;
	s23 =	sadd.s32 $0x780, s22;
	[sflag:s15] =	ssyncadd.s32 $0xFFFFF000  }
0xd8: {  	[tilespmem:s31], [sflag:$0x7] =	stream.indirect.gather [spmem:s3], $0x20, s23, s21, $0xb8;
	[tilespmem:$0x18100] =	vst v63  }
0xd9: {  	_ =	swait.ge [sflag:s20], $0x1000  }
0xda: {  	[sflag:s20] =	ssyncset.done $0x0  }
0xdb: {  	s23 =	sadd.s32 $0x2E80, s22;
	[sflag:s20] =	ssyncadd.s32 $0xFFFFF000  }
0xdc: {  	[spmem:s2] =	stream.indirect.scatter.add.f32 [tilespmem:s28], [sflag:$0xD], $0x20, s23, s21, $0xb8;
	[tilespmem:$0x18100] =	vst v63  }
0xdd: {  	_ =	swait.ge [sflag:s5], $0x1000  }
0xde: {  	[sflag:s5] =	ssyncset.done $0x0  }
0xdf: {  	s17 =	simm.s32 $0xC100;
	s23 =	sadd.s32 $0x800, s22;
	[sflag:s5] =	ssyncadd.s32 $0xFFFFF000  }
0xe0: {  	[tilespmem:s17], [sflag:$0x8] =	stream.indirect.gather [spmem:s3], $0x20, s23, s21, $0xb8;
	[tilespmem:$0x18100] =	vst v63  }
0xe1: {  	_ =	swait.ge [sflag:s26], $0x1000  }
0xe2: {  	[sflag:s26] =	ssyncset.done $0x0  }
0xe3: {  	s23 =	sadd.s32 $0x2F00, s22;
	[sflag:s26] =	ssyncadd.s32 $0xFFFFF000  }
0xe4: {  	[spmem:s2] =	stream.indirect.scatter.add.f32 [tilespmem:s29], [sflag:$0xE], $0x20, s23, s21, $0xb8;
	[tilespmem:$0x18100] =	vst v63  }
0xe5: {  	_ =	swait.ge [sflag:s4], $0x1000  }
0xe6: {  	[sflag:s4] =	ssyncset.done $0x0  }
0xe7: {  	s23 =	sadd.s32 $0x880, s22;
	s29 =	simm.s32 $0xD100;
	[sflag:s4] =	ssyncadd.s32 $0xFFFFF000  }
0xe8: {  	[tilespmem:s29], [sflag:$0x9] =	stream.indirect.gather [spmem:s3], $0x20, s23, s21, $0xb8;
	[tilespmem:$0x18100] =	vst v63  }
0xe9: {  	_ =	swait.ge [sflag:s0], $0x1000  }
0xea: {  	[sflag:s0] =	ssyncset.done $0x0  }
0xeb: {  	s23 =	sadd.s32 $0x2F80, s22;
	[sflag:s0] =	ssyncadd.s32 $0xFFFFF000  }
0xec: {  	[spmem:s2] =	stream.indirect.scatter.add.f32 [tilespmem:s24], [sflag:$0xF], $0x20, s23, s21, $0xb8;
	[tilespmem:$0x18100] =	vst v63  }
0xed: {  	_ =	swait.ge [sflag:s6], $0x1000  }
0xee: {  	[sflag:s6] =	ssyncset.done $0x0  }
0xef: {  	s28 =	simm.s32 $0x5100;
	s23 =	sadd.s32 $0x900, s22;
	[sflag:s6] =	ssyncadd.s32 $0xFFFFF000  }
0xf0: {  	[tilespmem:s25], [sflag:$0x1] =	stream.indirect.gather [spmem:s3], $0x20, s23, s21, $0xb8;
	[tilespmem:$0x18100] =	vst v63  }
0xf1: {  	_ =	swait.ge [sflag:s7], $0x1000  }
0xf2: {  	[sflag:s7] =	ssyncset.done $0x0  }
0xf3: {  	s23 =	sadd.s32 $0x3000, s22;
	[sflag:s7] =	ssyncadd.s32 $0xFFFFF000  }
0xf4: {  	[spmem:s2] =	stream.indirect.scatter.add.f32 [tilespmem:s31], [sflag:$0x10], $0x20, s23, s21, $0xb8;
	[tilespmem:$0x18100] =	vst v63  }
0xf5: {  	_ =	swait.ge [sflag:s16], $0x1000  }
0xf6: {  	[sflag:s16] =	ssyncset.done $0x0  }
0xf7: {  	s25 =	simm.s32 $0x6100;
	s23 =	sadd.s32 $0x980, s22;
	[sflag:s16] =	ssyncadd.s32 $0xFFFFF000  }
0xf8: {  	[tilespmem:s30], [sflag:$0x2] =	stream.indirect.gather [spmem:s3], $0x20, s23, s21, $0xb8;
	[tilespmem:$0x18100] =	vst v63  }
0xf9: {  	_ =	swait.ge [sflag:s8], $0x1000  }
0xfa: {  	[sflag:s8] =	ssyncset.done $0x0  }
0xfb: {  	s23 =	sadd.s32 $0x3080, s22;
	[sflag:s8] =	ssyncadd.s32 $0xFFFFF000  }
0xfc: {  	[spmem:s2] =	stream.indirect.scatter.add.f32 [tilespmem:s17], [sflag:$0x11], $0x20, s23, s21, $0xb8;
	[tilespmem:$0x18100] =	vst v63  }
0xfd: {  	_ =	swait.ge [sflag:s9], $0x1000  }
0xfe: {  	[sflag:s9] =	ssyncset.done $0x0  }
0xff: {  	s30 =	simm.s32 $0x7100;
	s23 =	sadd.s32 $0xA00, s22;
	[sflag:s9] =	ssyncadd.s32 $0xFFFFF000  }
0x100: {  	[tilespmem:s1], [sflag:$0x3] =	stream.indirect.gather [spmem:s3], $0x20, s23, s21, $0xb8;
	[tilespmem:$0x18100] =	vst v63  }
0x101: {  	_ =	swait.ge [sflag:s10], $0x1000  }
0x102: {  	[sflag:s10] =	ssyncset.done $0x0  }
.Ltmp0:
0x103: {  	s23 =	sadd.s32 $0x3100, s22;
	[sflag:s10] =	ssyncadd.s32 $0xFFFFF000;
	(pc) =	sbr.rel @p0 .LBB2_2-.Ltmp0, $4  }
0x104: {  	[spmem:s2] =	stream.indirect.scatter.add.f32 [tilespmem:s29], [sflag:$0x12], $0x20, s23, s21, $0xb8;
	[tilespmem:$0x18100] =	vst v63  }
0x105: {  	_ =	swait.ge [sflag:s11], $0x1000  }
0x106: {  	[sflag:s11] =	ssyncset.done $0x0  }
0x107: {  	s22 =	sadd.s32 $0xA80, s22;
	[sflag:s11] =	ssyncadd.s32 $0xFFFFF000  }
0x108: {  	s1 =	simm.s32 $0x8100;
	s13 =	simm.s32 $0x1  }
0x109: {  	[tilespmem:s1], [sflag:$0x4] =	stream.indirect.gather [spmem:s3], $0x20, s22, s21, $0xb8;
	[tilespmem:$0x18100] =	vst v63  }
0x10a: {  	_ =	swait.ge [sflag:s13], $0x1000  }
0x10b: {  	[sflag:s13] =	ssyncset.done $0x0  }
0x10c: {  	s23 =	simm.s32 $0x4C80;
	[sflag:s13] =	ssyncadd.s32 $0xFFFFF000  }
0x10d: {  	[spmem:s2] =	stream.indirect.scatter.add.f32 [tilespmem:s28], [sflag:$0xA], $0x20, s23, s21, $0xb8;
	[tilespmem:$0x18100] =	vst v63  }
0x10e: {  	_ =	swait.ge [sflag:s12], $0x1000  }
0x10f: {  	[sflag:s12] =	ssyncset.done $0x0  }
0x110: {  	s17 =	simm.s32 $0x2600;
	s13 =	simm.s32 $0x9100;
	[sflag:s12] =	ssyncadd.s32 $0xFFFFF000  }
0x111: {  	[tilespmem:s13], [sflag:$0x5] =	stream.indirect.gather [spmem:s3], $0x20, s17, s21, $0xb8;
	[tilespmem:$0x18100] =	vst v63  }
0x112: {  	_ =	swait.ge [sflag:s18], $0x1000  }
0x113: {  	[sflag:s18] =	ssyncset.done $0x0  }
0x114: {  	s24 =	simm.s32 $0x4D00;
	[sflag:s18] =	ssyncadd.s32 $0xFFFFF000  }
0x115: {  	[spmem:s2] =	stream.indirect.scatter.add.f32 [tilespmem:s25], [sflag:$0xB], $0x20, s24, s21, $0xb8;
	[tilespmem:$0x18100] =	vst v63  }
0x116: {  	_ =	swait.ge [sflag:s14], $0x1000  }
0x117: {  	[sflag:s14] =	ssyncset.done $0x0  }
0x118: {  	s22 =	simm.s32 $0xA100;
	s28 =	simm.s32 $0x2680;
	[sflag:s14] =	ssyncadd.s32 $0xFFFFF000  }
0x119: {  	[tilespmem:s22], [sflag:$0x6] =	stream.indirect.gather [spmem:s3], $0x20, s28, s21, $0xb8;
	[tilespmem:$0x18100] =	vst v63  }
0x11a: {  	_ =	swait.ge [sflag:s19], $0x1000  }
0x11b: {  	[sflag:s19] =	ssyncset.done $0x0  }
0x11c: {  	s29 =	simm.s32 $0x4D80;
	[sflag:s19] =	ssyncadd.s32 $0xFFFFF000  }
0x11d: {  	[spmem:s2] =	stream.indirect.scatter.add.f32 [tilespmem:s30], [sflag:$0xC], $0x20, s29, s21, $0xb8;
	[tilespmem:$0x18100] =	vst v63  }
0x11e: {  	_ =	swait.ge [sflag:s15], $0x1000  }
0x11f: {  	[sflag:s15] =	ssyncset.done $0x0  }
0x120: {  	s23 =	simm.s32 $0xB100;
	s30 =	simm.s32 $0x2700;
	[sflag:s15] =	ssyncadd.s32 $0xFFFFF000  }
0x121: {  	[tilespmem:s23], [sflag:$0x7] =	stream.indirect.gather [spmem:s3], $0x20, s30, s21, $0xb8;
	[tilespmem:$0x18100] =	vst v63  }
0x122: {  	_ =	swait.ge [sflag:s20], $0x1000  }
0x123: {  	[sflag:s20] =	ssyncset.done $0x0  }
0x124: {  	s31 =	simm.s32 $0x4E00;
	[sflag:s20] =	ssyncadd.s32 $0xFFFFF000  }
0x125: {  	[spmem:s2] =	stream.indirect.scatter.add.f32 [tilespmem:s1], [sflag:$0xD], $0x20, s31, s21, $0xb8;
	[tilespmem:$0x18100] =	vst v63  }
0x126: {  	_ =	swait.ge [sflag:s5], $0x1000  }
0x127: {  	[sflag:s5] =	ssyncset.done $0x0  }
0x128: {  	s24 =	simm.s32 $0xC100;
	s25 =	simm.s32 $0x2780;
	[sflag:s5] =	ssyncadd.s32 $0xFFFFF000  }
0x129: {  	[tilespmem:s24], [sflag:$0x8] =	stream.indirect.gather [spmem:s3], $0x20, s25, s21, $0xb8;
	[tilespmem:$0x18100] =	vst v63  }
0x12a: {  	_ =	swait.ge [sflag:s26], $0x1000  }
0x12b: {  	[sflag:s26] =	ssyncset.done $0x0  }
0x12c: {  	s28 =	simm.s32 $0x4E80;
	[sflag:s26] =	ssyncadd.s32 $0xFFFFF000  }
0x12d: {  	[spmem:s2] =	stream.indirect.scatter.add.f32 [tilespmem:s13], [sflag:$0xE], $0x20, s28, s21, $0xb8;
	[tilespmem:$0x18100] =	vst v63  }
0x12e: {  	_ =	swait.ge [sflag:s4], $0x1000  }
0x12f: {  	[sflag:s4] =	ssyncset.done $0x0  }
0x130: {  	s29 =	simm.s32 $0xD100;
	s30 =	simm.s32 $0x2800;
	[sflag:s4] =	ssyncadd.s32 $0xFFFFF000  }
0x131: {  	[tilespmem:s29], [sflag:$0x9] =	stream.indirect.gather [spmem:s3], $0x20, s30, s21, $0xb8;
	[tilespmem:$0x18100] =	vst v63  }
0x132: {  	_ =	swait.ge [sflag:s0], $0x1000  }
0x133: {  	[sflag:s0] =	ssyncset.done $0x0  }
0x134: {  	s31 =	simm.s32 $0x4F00;
	[sflag:s0] =	ssyncadd.s32 $0xFFFFF000  }
0x135: {  	[spmem:s2] =	stream.indirect.scatter.add.f32 [tilespmem:s22], [sflag:$0xF], $0x20, s31, s21, $0xb8;
	[tilespmem:$0x18100] =	vst v63  }
0x136: {  	_ =	swait.ge [sflag:s7], $0x1000  }
0x137: {  	[sflag:s7] =	ssyncset.done $0x0  }
0x138: {  	s22 =	simm.s32 $0x4F80;
	[sflag:s7] =	ssyncadd.s32 $0xFFFFF000  }
0x139: {  	[spmem:s2] =	stream.indirect.scatter.add.f32 [tilespmem:s23], [sflag:$0x10], $0x20, s22, s21, $0xb8;
	[tilespmem:$0x18100] =	vst v63  }
0x13a: {  	_ =	swait.ge [sflag:s8], $0x1000  }
0x13b: {  	[sflag:s8] =	ssyncset.done $0x0  }
0x13c: {  	s23 =	simm.s32 $0x5000;
	[sflag:s8] =	ssyncadd.s32 $0xFFFFF000  }
0x13d: {  	[spmem:s2] =	stream.indirect.scatter.add.f32 [tilespmem:s24], [sflag:$0x11], $0x20, s23, s21, $0xb8;
	[tilespmem:$0x18100] =	vst v63  }
0x13e: {  	_ =	swait.ge [sflag:s10], $0x1000  }
0x13f: {  	[sflag:s10] =	ssyncset.done $0x0  }
0x140: {  	s24 =	simm.s32 $0x5080;
	[sflag:s10] =	ssyncadd.s32 $0xFFFFF000  }
0x141: {  	[spmem:s2] =	stream.indirect.scatter.add.f32 [tilespmem:s29], [sflag:$0x12], $0x20, s24, s21, $0xb8;
	[tilespmem:$0x18100] =	vst v63  }
0x142: {  	_ =	swait.ge [sflag:s6], $0x1000  }
0x143: {  	[sflag:s6] =	ssyncset.done $0x0  }
0x144: {  	[sflag:s6] =	ssyncadd.s32 $0xFFFFF000  }
0x145: {  	_ =	swait.ge [sflag:s16], $0x1000  }
0x146: {  	[sflag:s16] =	ssyncset.done $0x0  }
0x147: {  	[sflag:s16] =	ssyncadd.s32 $0xFFFFF000  }
0x148: {  	_ =	swait.ge [sflag:s9], $0x1000  }
0x149: {  	[sflag:s9] =	ssyncset.done $0x0  }
0x14a: {  	[sflag:s9] =	ssyncadd.s32 $0xFFFFF000  }
0x14b: {  	_ =	swait.ge [sflag:s11], $0x1000  }
0x14c: {  	[sflag:s11] =	ssyncset.done $0x0  }
0x14d: {  	[sflag:s11] =	ssyncadd.s32 $0xFFFFF000  }
0x14e: {  	_ =	swait.ge [sflag:s12], $0x1000  }
0x14f: {  	[sflag:s12] =	ssyncset.done $0x0  }
0x150: {  	[sflag:s12] =	ssyncadd.s32 $0xFFFFF000  }
0x151: {  	_ =	swait.ge [sflag:s14], $0x1000  }
0x152: {  	[sflag:s14] =	ssyncset.done $0x0  }
0x153: {  	[sflag:s14] =	ssyncadd.s32 $0xFFFFF000  }
0x154: {  	_ =	swait.ge [sflag:s15], $0x1000  }
0x155: {  	[sflag:s15] =	ssyncset.done $0x0  }
0x156: {  	[sflag:s15] =	ssyncadd.s32 $0xFFFFF000  }
0x157: {  	_ =	swait.ge [sflag:s5], $0x1000  }
0x158: {  	[sflag:s5] =	ssyncset.done $0x0  }
0x159: {  	[sflag:s5] =	ssyncadd.s32 $0xFFFFF000  }
0x15a: {  	_ =	swait.ge [sflag:s4], $0x1000  }
0x15b: {  	[sflag:s4] =	ssyncset.done $0x0  }
0x15c: {  	[sflag:s4] =	ssyncadd.s32 $0xFFFFF000  }
0x15d: {  	[bflag:$0x0] =	sbarrier.arrive $0xFFFF  }
0x15e: {  	s25 =	rddreg [dreg:$0x4]  }
0x15f: {  	s28 =	rddreg [dreg:$0xa]  }
0x160: {  	s29 =	simm.s32 $0x13;
	s23 =	rddreg [dreg:$0xc];
	s13 =	sor.u32 $0x1C13, s25  }
0x161: {  	[hbm:s28], [sflag:s13] =	dma.local [spmem:s23], $0xA00  }
0x162: {  	_ =	swait.ge [sflag:s29], $0xA00  }
0x163: {  	s30 =	rddreg [dreg:$0xf]  }
0x164: {  	s31 =	rddreg [dreg:$0xb];
	s17 =	sadd.s32 $0x1, s30  }
0x165: {  	p0 =	sne.s32 s17, s31  }
.Ltmp1:
0x166: {  	_ = 	snop;
	(pc) =	sbr.rel @p0 .LBB2_1-.Ltmp1, $3  }
0x167: {  	_ =	sdelay $0x1  }
0x168: {  	[sflag:s29] =	ssyncset.done $0x0  }
0x169: {  	[sflag:s29] =	ssyncadd.s32 $0xFFFFF600  }
0x16a: {  	_ =	sfence.sel $0x180000  }
0x16b: {  	[bflag:$0x0] =	sbarrier.arrive $0xFFFF  }
0x16c: {  	_ =	strace $0x90000050  }
0x16d: {  	s0 =	stileid.u32;
	[bflag:$0x2] =	sbarrier.arrive $0xFFFF  }
0x16e: {  	p0 =	sne.s32 s0, $0x0;
	s0 =	rddreg [dreg:$0x3]  }
0x16f: {  	s0 =	sadd.s32 @!p0 $0x100000, s0  }
0x170: {  	[sflag:s0] =	ssyncadd.tile.s32 @!p0 $0x1;
	_ =	shalt  }
.Lfunc_end2:
_tile_overlayer_lowered:
.L_overlay_start_2:
0x171: {  	(tag) =	ssettag $0x2  }
0x172: {  	s0 =	rddreg [dreg:$0x0];
	s2 =	stileid.u32  }
0x173: {  	s1 =	rddreg [dreg:$0x1];
	p0 =	sne.s32 s2, $0x0  }
0x174: {  	s3 =	rddreg [dreg:$0x2];
	[bflag:$0x3] =	sbarrier.arrive $0xFFFF;
	s2 =	simm.s32 @!p0 $0x1C13  }
0x175: {  	[timem:s3], [sflag:s2] =	dma.local @!p0 [hbm:s0], s1  }
0x176: {  	s0 =	simm.s32 @!p0 $0x13  }
0x177: {  	_ =	swait.ge @!p0 [sflag:s0], s1  }
0x178: {  	s1 =	ssub.s32 @!p0 $0x0, s1;
	[sflag:s0] =	ssyncset.done @!p0 $0x0  }
0x179: {  	[sflag:s0] =	ssyncadd.s32 @!p0 s1  }
0x17a: {  	[bflag:$0x3] =	sbarrier.arrive $0xFFFF  }
0x17b: {  	_ =	shalt  }

</sc_bundles>
